<compile_context>
chip_gen: v7x
topology: tpu7x:2x2x1
jax: 0.10.2.dev20260603
libtpu: 0.0.44.dev20260713+nightly
codegen_flags: <defaults>
</compile_context>

<pallas_src>
import functools

import jax
import jax.numpy as jnp
from jax import lax
from jax.experimental import pallas as pl
from jax.experimental.pallas import tpu as pltpu
from jax.experimental.pallas import tpu_sc as plsc

N = 10000
E = 320000
P = 30000
IN_CH = 9
LATENT = 128
K = 512
LEVELS = 3
COMMIT = 0.25

NC = 2
NS = 16
NW = NC * NS
SEGSZ = 8192
E_PAD = 327680
NSEG = E_PAD // SEGSZ
NSEG_PAD = 64
LISTCAP = SEGSZ + 128
NPW = 320
N_ACC = NPW * NW

PPAD = 30720
PW = PPAD // NW

BLK = 1000
GRID = N // BLK

_SC_MESH = dict(core_axis_name="c", subcore_axis_name="s")



def _route_body(src_hbm, dst_hbm, lsrc, ldst, counts,
                srcb, dstb, csrc, cdst, cntb):
    cid = lax.axis_index("c")
    sid = lax.axis_index("s")
    wid = cid * NS + sid
    lo = wid * NPW
    hi = lo + NPW
    zvec = jnp.zeros((16,), jnp.int32)

    def seg_body(seg, carry):
        pltpu.sync_copy(src_hbm.at[pl.ds(seg * SEGSZ, SEGSZ)], srcb)
        pltpu.sync_copy(dst_hbm.at[pl.ds(seg * SEGSZ, SEGSZ)], dstb)

        def grp(g, cnt):
            dvec = dstb[pl.ds(g * 16, 16)]
            svec = srcb[pl.ds(g * 16, 16)]
            mask = (dvec >= lo) & (dvec < hi)
            plsc.store_compressed(csrc.at[pl.ds(cnt, 16)], svec, mask=mask)
            plsc.store_compressed(cdst.at[pl.ds(cnt, 16)], dvec, mask=mask)
            return cnt + plsc.all_reduce_population_count(mask)[0]

        cnt = lax.fori_loop(0, SEGSZ // 16, grp, jnp.int32(0))
        for i in range(8):
            csrc[pl.ds(cnt + 16 * i, 16)] = zvec
        lane0 = lax.broadcasted_iota(jnp.int32, (16,), 0) == 0
        plsc.store_compressed(cntb.at[pl.ds(seg, 16)],
                              jnp.zeros((16,), jnp.int32) + cnt, mask=lane0)
        pltpu.sync_copy(csrc.at[pl.ds(0, SEGSZ)], lsrc.at[wid, seg])
        pltpu.sync_copy(cdst.at[pl.ds(0, SEGSZ)], ldst.at[wid, seg])
        return carry

    lax.fori_loop(0, NSEG, seg_body, 0)
    pltpu.sync_copy(cntb, counts.at[wid])


_route = pl.kernel(
    _route_body,
    out_type=[
        jax.ShapeDtypeStruct((NW, NSEG, SEGSZ), jnp.int32),
        jax.ShapeDtypeStruct((NW, NSEG, SEGSZ), jnp.int32),
        jax.ShapeDtypeStruct((NW, NSEG_PAD), jnp.int32),
    ],
    mesh=plsc.VectorSubcoreMesh(**_SC_MESH),
    scratch_types=[
        pltpu.VMEM((SEGSZ,), jnp.int32),
        pltpu.VMEM((SEGSZ,), jnp.int32),
        pltpu.VMEM((LISTCAP,), jnp.int32),
        pltpu.VMEM((LISTCAP,), jnp.int32),
        pltpu.VMEM((NSEG_PAD,), jnp.int32),
    ],
    compiler_params=pltpu.CompilerParams(needs_layout_passes=False),
)



def _make_addpass(D):
    def body(table, lsrc, ldst, counts, zeros, out,
             csrc, cdst, cntb, rows, acc):
        cid = lax.axis_index("c")
        sid = lax.axis_index("s")
        wid = cid * NS + sid
        lo = wid * NPW
        pltpu.sync_copy(zeros, acc)
        pltpu.sync_copy(counts.at[wid], cntb)

        def seg_body(seg, carry):
            c = cntb[pl.ds(seg, 16)][0]

            @pl.when(c > 0)
            def _():
                @pl.when(c <= 2048)
                def _():
                    pltpu.sync_copy(lsrc.at[wid, seg, pl.ds(0, 2048)],
                                    csrc.at[pl.ds(0, 2048)])
                    pltpu.sync_copy(ldst.at[wid, seg, pl.ds(0, 2048)],
                                    cdst.at[pl.ds(0, 2048)])

                @pl.when(c > 2048)
                def _():
                    pltpu.sync_copy(lsrc.at[wid, seg], csrc.at[pl.ds(0, SEGSZ)])
                    pltpu.sync_copy(ldst.at[wid, seg], cdst.at[pl.ds(0, SEGSZ)])

                nsub = (c + 127) >> 7

                def sub(k, carry2):
                    pltpu.sync_copy(table.at[csrc.at[pl.ds(k * 128, 128)]],
                                    rows)
                    m = jnp.minimum(c - k * 128, 128)

                    def edge(e, carry3):
                        dl = cdst[pl.ds(k * 128 + e, 16)][0] - lo
                        for kk in range(D // 16):
                            sl = pl.ds(kk * 16, 16)
                            acc[dl, sl] = acc[dl, sl] + rows[e, sl]
                        return carry3

                    lax.fori_loop(0, m, edge, 0)
                    return carry2

                lax.fori_loop(0, nsub, sub, 0)

            return carry

        lax.fori_loop(0, NSEG, seg_body, 0)
        pltpu.sync_copy(acc, out.at[pl.ds(wid * NPW, NPW)])

    return pl.kernel(
        body,
        out_type=jax.ShapeDtypeStruct((N_ACC, D), jnp.float32),
        mesh=plsc.VectorSubcoreMesh(**_SC_MESH),
        scratch_types=[
            pltpu.VMEM((SEGSZ + 16,), jnp.int32),
            pltpu.VMEM((SEGSZ + 16,), jnp.int32),
            pltpu.VMEM((NSEG_PAD,), jnp.int32),
            pltpu.VMEM((128, D), jnp.float32),
            pltpu.VMEM((NPW, D), jnp.float32),
        ],
        compiler_params=pltpu.CompilerParams(use_tc_tiling_on_sc=False,
                                             needs_layout_passes=False),
    )


_addpass16 = _make_addpass(16)
_addpass128 = _make_addpass(128)



def _cons_body(recon_flat, fa, fb, out, rbuf, fabuf, fbbuf, accbuf):
    cid = lax.axis_index("c")
    sid = lax.axis_index("s")
    wid = cid * NS + sid
    pltpu.sync_copy(recon_flat, rbuf)
    pltpu.sync_copy(fa.at[pl.ds(wid * PW, PW)], fabuf)
    pltpu.sync_copy(fb.at[pl.ds(wid * PW, PW)], fbbuf)

    def step(i, acc):
        ia = fabuf[pl.ds(i * 16, 16)]
        ib = fbbuf[pl.ds(i * 16, 16)]
        for k in range(3):
            va = plsc.load_gather(rbuf, [ia + k])
            vb = plsc.load_gather(rbuf, [ib + k])
            dv = va - vb
            acc = acc + dv * dv
        return acc

    acc = lax.fori_loop(0, PW // 16, step, jnp.zeros((16,), jnp.float32))
    accbuf[...] = acc
    pltpu.sync_copy(accbuf, out.at[wid])


_cons = pl.kernel(
    _cons_body,
    out_type=jax.ShapeDtypeStruct((NW, 16), jnp.float32),
    mesh=plsc.VectorSubcoreMesh(**_SC_MESH),
    scratch_types=[
        pltpu.VMEM((N * IN_CH,), jnp.float32),
        pltpu.VMEM((PW,), jnp.int32),
        pltpu.VMEM((PW,), jnp.int32),
        pltpu.VMEM((16,), jnp.float32),
    ],
    compiler_params=pltpu.CompilerParams(needs_layout_passes=False),
)



def _layer1_body(x_ref, a_ref, w_ref, b_ref, h_ref, deg_ref):
    agg = a_ref[...]
    deg = jnp.clip(agg[:, 9:10], 1.0, None)
    xin = x_ref[...] + agg[:, 0:9] / deg
    h = jnp.dot(xin, w_ref[...], preferred_element_type=jnp.float32) + b_ref[...]
    h_ref[...] = jnp.maximum(h, 0.0)
    deg_ref[...] = deg


def _tc_layer1(x, agg, W1, b1):
    return pl.pallas_call(
        _layer1_body,
        grid=(GRID,),
        in_specs=[
            pl.BlockSpec((BLK, IN_CH), lambda i: (i, 0)),
            pl.BlockSpec((BLK, 16), lambda i: (i, 0)),
            pl.BlockSpec((IN_CH, LATENT), lambda i: (0, 0)),
            pl.BlockSpec((1, LATENT), lambda i: (0, 0)),
        ],
        out_specs=[
            pl.BlockSpec((BLK, LATENT), lambda i: (i, 0)),
            pl.BlockSpec((BLK, 1), lambda i: (i, 0)),
        ],
        out_shape=[
            jax.ShapeDtypeStruct((N, LATENT), jnp.float32),
            jax.ShapeDtypeStruct((N, 1), jnp.float32),
        ],
    )(x, agg, W1, b1.reshape(1, LATENT))


def _layer2_body(h_ref, a_ref, deg_ref, w_ref, b_ref, ze_ref):
    ze_ref[...] = (jnp.dot(h_ref[...] + a_ref[...] / deg_ref[...], w_ref[...],
                           preferred_element_type=jnp.float32) + b_ref[...])


def _tc_layer2(h, agg, deg, W2, b2):
    return pl.pallas_call(
        _layer2_body,
        grid=(GRID,),
        in_specs=[
            pl.BlockSpec((BLK, LATENT), lambda i: (i, 0)),
            pl.BlockSpec((BLK, LATENT), lambda i: (i, 0)),
            pl.BlockSpec((BLK, 1), lambda i: (i, 0)),
            pl.BlockSpec((LATENT, LATENT), lambda i: (0, 0)),
            pl.BlockSpec((1, LATENT), lambda i: (0, 0)),
        ],
        out_specs=pl.BlockSpec((BLK, LATENT), lambda i: (i, 0)),
        out_shape=jax.ShapeDtypeStruct((N, LATENT), jnp.float32),
    )(h, agg, deg, W2, b2.reshape(1, LATENT))


def _vq_body(z_ref, cb_ref, zq_ref, idx_ref, loss_ref):
    pid = pl.program_id(0)
    z = z_ref[...]
    iota = lax.broadcasted_iota(jnp.int32, (BLK, K), 1)
    r = z
    quant = jnp.zeros_like(z)
    lsum = jnp.float32(0.0)
    idxs = []
    for l in range(LEVELS):
        cbl = cb_ref[l]
        cbh = cbl.astype(jnp.bfloat16).astype(jnp.float32)
        cbm = (cbl - cbh).astype(jnp.bfloat16).astype(jnp.float32)
        cblo = cbl - cbh - cbm
        cb2 = jnp.sum(cbl * cbl, axis=1)
        r2 = jnp.sum(r * r, axis=1, keepdims=True)
        d = (r2 - 2.0 * lax.dot_general(r, cbl, (((1,), (1,)), ((), ())),
                                        preferred_element_type=jnp.float32)
             + cb2[None, :])
        m = jnp.min(d, axis=1, keepdims=True)
        idx = jnp.min(jnp.where(d == m, iota, K), axis=1)
        oh = (iota == idx[:, None]).astype(jnp.float32)
        q = (jnp.dot(oh, cbh, preferred_element_type=jnp.float32)
             + jnp.dot(oh, cbm, preferred_element_type=jnp.float32)
             + jnp.dot(oh, cblo, preferred_element_type=jnp.float32))
        diff = r - q
        lsum = lsum + jnp.sum(diff * diff)
        quant = quant + q
        r = diff
        idxs.append(idx)
    zq_ref[...] = z + (quant - z)
    idx_ref[...] = jnp.stack(idxs, axis=1)
    prev = jnp.where(pid == 0, jnp.zeros((1, 1), jnp.float32), loss_ref[...])
    tot = prev + lsum
    loss_ref[...] = jnp.where(pid == GRID - 1,
                              tot * ((1.0 + COMMIT) / (N * LATENT)), tot)


def _tc_vq(z_e, codebooks):
    return pl.pallas_call(
        _vq_body,
        grid=(GRID,),
        in_specs=[
            pl.BlockSpec((BLK, LATENT), lambda i: (i, 0)),
            pl.BlockSpec((LEVELS, K, LATENT), lambda i: (0, 0, 0)),
        ],
        out_specs=[
            pl.BlockSpec((BLK, LATENT), lambda i: (i, 0)),
            pl.BlockSpec((BLK, LEVELS), lambda i: (i, 0)),
            pl.BlockSpec((1, 1), lambda i: (0, 0)),
        ],
        out_shape=[
            jax.ShapeDtypeStruct((N, LATENT), jnp.float32),
            jax.ShapeDtypeStruct((N, LEVELS), jnp.int32),
            jax.ShapeDtypeStruct((1, 1), jnp.float32),
        ],
    )(z_e, codebooks)


def _layer3_body(zq_ref, a_ref, deg_ref, w3_ref, b3_ref, w4_ref, r4_ref):
    h2 = (jnp.dot(zq_ref[...] + a_ref[...] / deg_ref[...], w3_ref[...],
                  preferred_element_type=jnp.float32) + b3_ref[...])
    h2 = jnp.maximum(h2, 0.0)
    r4_ref[...] = jnp.dot(h2, w4_ref[...], preferred_element_type=jnp.float32)


def _tc_layer3(z_q, agg, deg, W3, b3, W4pad):
    return pl.pallas_call(
        _layer3_body,
        grid=(GRID,),
        in_specs=[
            pl.BlockSpec((BLK, LATENT), lambda i: (i, 0)),
            pl.BlockSpec((BLK, LATENT), lambda i: (i, 0)),
            pl.BlockSpec((BLK, 1), lambda i: (i, 0)),
            pl.BlockSpec((LATENT, LATENT), lambda i: (0, 0)),
            pl.BlockSpec((1, LATENT), lambda i: (0, 0)),
            pl.BlockSpec((LATENT, 16), lambda i: (0, 0)),
        ],
        out_specs=pl.BlockSpec((BLK, 16), lambda i: (i, 0)),
        out_shape=jax.ShapeDtypeStruct((N, 16), jnp.float32),
    )(z_q, agg, deg, W3, b3.reshape(1, LATENT), W4pad)


def _final_body(r4_ref, a_ref, deg_ref, b4_ref, y0_ref, y1_ref, y2_ref,
                recon_ref, rl_ref):
    pid = pl.program_id(0)
    rec = r4_ref[...] + a_ref[...] / deg_ref[...] + b4_ref[...]
    recon_ref[...] = rec[:, 0:9]
    s0 = jnp.sum(jnp.abs(rec - y0_ref[...]), axis=1, keepdims=True)
    s1 = jnp.sum(jnp.abs(rec - y1_ref[...]), axis=1, keepdims=True)
    s2 = jnp.sum(jnp.abs(rec - y2_ref[...]), axis=1, keepdims=True)
    mn = jnp.minimum(jnp.minimum(s0, s1), s2)
    part = jnp.sum(mn)
    prev = jnp.where(pid == 0, jnp.zeros((1, 1), jnp.float32), rl_ref[...])
    tot = prev + part
    rl_ref[...] = jnp.where(pid == GRID - 1, tot / (9.0 * N), tot)


def _tc_final(r4, agg, deg, b4pad, y0, y1, y2):
    return pl.pallas_call(
        _final_body,
        grid=(GRID,),
        in_specs=[
            pl.BlockSpec((BLK, 16), lambda i: (i, 0)),
            pl.BlockSpec((BLK, 16), lambda i: (i, 0)),
            pl.BlockSpec((BLK, 1), lambda i: (i, 0)),
            pl.BlockSpec((1, 16), lambda i: (0, 0)),
            pl.BlockSpec((BLK, 16), lambda i: (i, 0)),
            pl.BlockSpec((BLK, 16), lambda i: (i, 0)),
            pl.BlockSpec((BLK, 16), lambda i: (i, 0)),
        ],
        out_specs=[
            pl.BlockSpec((BLK, IN_CH), lambda i: (i, 0)),
            pl.BlockSpec((1, 1), lambda i: (0, 0)),
        ],
        out_shape=[
            jax.ShapeDtypeStruct((N, IN_CH), jnp.float32),
            jax.ShapeDtypeStruct((1, 1), jnp.float32),
        ],
    )(r4, agg, deg, b4pad, y0, y1, y2)


def _scalars_body(rl_ref, vq_ref, cp_ref, cons_ref, tot_ref):
    c = jnp.sum(cp_ref[...], keepdims=True).reshape(1, 1) / (3.0 * P)
    cons_ref[...] = c
    tot_ref[...] = rl_ref[...] + vq_ref[...] + 0.3 * c


def _tc_scalars(rl, vq, cons_parts):
    return pl.pallas_call(
        _scalars_body,
        out_shape=[
            jax.ShapeDtypeStruct((1, 1), jnp.float32),
            jax.ShapeDtypeStruct((1, 1), jnp.float32),
        ],
    )(rl, vq, cons_parts)



def kernel(x, edge_index, y, sv_tri_a, sv_local_a, sv_tri_b, sv_local_b,
           W1, b1, W2, b2, W3, b3, W4, b4, codebooks):
    pad = E_PAD - E
    src_flat = jnp.concatenate([edge_index[0], jnp.zeros((pad,), jnp.int32)])
    dst_flat = jnp.concatenate(
        [edge_index[1], jnp.full((pad,), 2 ** 30, jnp.int32)])

    lsrc, ldst, counts = _route(src_flat, dst_flat)

    xpad = jnp.concatenate(
        [x, jnp.ones((N, 1), jnp.float32), jnp.zeros((N, 6), jnp.float32)],
        axis=1)
    zeros16 = jnp.zeros((NPW, 16), jnp.float32)
    zeros128 = jnp.zeros((NPW, 128), jnp.float32)

    agg1 = _addpass16(xpad, lsrc, ldst, counts, zeros16)
    h, deg = _tc_layer1(x, agg1, W1, b1)

    agg2 = _addpass128(h, lsrc, ldst, counts, zeros128)
    z_e = _tc_layer2(h, agg2, deg, W2, b2)
    z_q, indices, vq11 = _tc_vq(z_e, codebooks)

    agg3 = _addpass128(z_q, lsrc, ldst, counts, zeros128)
    W4pad = jnp.pad(W4, ((0, 0), (0, 16 - IN_CH)))
    r4 = _tc_layer3(z_q, agg3, deg, W3, b3, W4pad)

    agg4 = _addpass16(r4, lsrc, ldst, counts, zeros16)
    b4pad = jnp.pad(b4, (0, 16 - IN_CH)).reshape(1, 16)
    y3 = y.reshape(-1, 3, 3)
    y0 = jnp.pad(y, ((0, 0), (0, 16 - IN_CH)))
    y1 = jnp.pad(y3[:, jnp.array([1, 2, 0]), :].reshape(N, IN_CH),
                 ((0, 0), (0, 16 - IN_CH)))
    y2 = jnp.pad(y3[:, jnp.array([2, 0, 1]), :].reshape(N, IN_CH),
                 ((0, 0), (0, 16 - IN_CH)))
    recon, rl11 = _tc_final(r4, agg4, deg, b4pad, y0, y1, y2)

    fa = sv_tri_a * IN_CH + sv_local_a * 3
    fb = sv_tri_b * IN_CH + sv_local_b * 3
    fa = jnp.pad(fa, (0, PPAD - P))
    fb = jnp.pad(fb, (0, PPAD - P))
    cons_parts = _cons(recon.reshape(-1), fa, fb)

    cons11, tot11 = _tc_scalars(rl11, vq11, cons_parts)

    return (recon, rl11.reshape(()), vq11.reshape(()), cons11.reshape(()),
            tot11.reshape(()), indices, z_e, z_q)

# --- scband reference (transcript-rebuilt; emitter-appended) ---
"""Pipeline reference for scband-mesh-vqvae-29377576305408 (READ-ONLY COPY).

The authoritative reference and input builder live on the scoring server;
editing this copy changes nothing except your own understanding.
"""

import jax, jax.numpy as jnp
import numpy as np

N = 10000
E = 320000
P = 30000
IN_CH = 9
LATENT = 128
K = 512
LEVELS = 3
COMMIT = 0.25


def setup_inputs(seed: int = 0) -> dict:
    key = jax.random.key(seed)
    ks = jax.random.split(key, 16)
    x = jax.random.normal(ks[0], (N, IN_CH), dtype=jnp.float32)
    edge_index = jax.random.randint(ks[1], (2, E), 0, N, dtype=jnp.int32)
    y = jax.random.normal(ks[2], (N, IN_CH), dtype=jnp.float32)
    sv_tri_a = jax.random.randint(ks[3], (P,), 0, N, dtype=jnp.int32)
    sv_local_a = jax.random.randint(ks[4], (P,), 0, 3, dtype=jnp.int32)
    sv_tri_b = jax.random.randint(ks[5], (P,), 0, N, dtype=jnp.int32)
    sv_local_b = jax.random.randint(ks[6], (P,), 0, 3, dtype=jnp.int32)
    s = 0.05
    W1 = jax.random.normal(ks[7], (IN_CH, LATENT), dtype=jnp.float32) * s
    b1 = jnp.zeros((LATENT,), dtype=jnp.float32)
    W2 = jax.random.normal(ks[8], (LATENT, LATENT), dtype=jnp.float32) * s
    b2 = jnp.zeros((LATENT,), dtype=jnp.float32)
    W3 = jax.random.normal(ks[9], (LATENT, LATENT), dtype=jnp.float32) * s
    b3 = jnp.zeros((LATENT,), dtype=jnp.float32)
    W4 = jax.random.normal(ks[10], (LATENT, IN_CH), dtype=jnp.float32) * s
    b4 = jnp.zeros((IN_CH,), dtype=jnp.float32)
    codebooks = jax.random.normal(ks[11], (LEVELS, K, LATENT), dtype=jnp.float32) * s
    return {
        'x': x, 'edge_index': edge_index, 'y': y,
        'sv_tri_a': sv_tri_a, 'sv_local_a': sv_local_a,
        'sv_tri_b': sv_tri_b, 'sv_local_b': sv_local_b,
        'W1': W1, 'b1': b1, 'W2': W2, 'b2': b2,
        'W3': W3, 'b3': b3, 'W4': W4, 'b4': b4,
        'codebooks': codebooks,
    }


def _gcn(x, src, dst, W, b):
    msg = jnp.take(x, src, axis=0)
    agg = jax.ops.segment_sum(msg, dst, num_segments=N)
    deg = jax.ops.segment_sum(jnp.ones((src.shape[0],), dtype=x.dtype), dst, num_segments=N)
    agg = agg / jnp.clip(deg, 1.0, None)[:, None]
    return (x + agg) @ W + b


def _rvq(z, codebooks):
    residual = z
    quantized = jnp.zeros_like(z)
    idx_list = []
    cb_loss = 0.0
    commit_loss = 0.0
    for l in range(LEVELS):
        cb = codebooks[l]
        d = (jnp.sum(residual * residual, axis=1, keepdims=True)
             - 2.0 * residual @ cb.T
             + jnp.sum(cb * cb, axis=1)[None, :])
        idx = jnp.argmin(d, axis=1)
        q = jnp.take(cb, idx, axis=0)
        cb_loss = cb_loss + jnp.mean((jax.lax.stop_gradient(residual) - q) ** 2)
        commit_loss = commit_loss + jnp.mean((residual - jax.lax.stop_gradient(q)) ** 2)
        quantized = quantized + q
        residual = residual - jax.lax.stop_gradient(q)
        idx_list.append(idx)
    z_q = z + jax.lax.stop_gradient(quantized - z)
    vq_loss = cb_loss + COMMIT * commit_loss
    return z_q, vq_loss, jnp.stack(idx_list, axis=1)


def reference(x, edge_index, y, sv_tri_a, sv_local_a, sv_tri_b, sv_local_b,
              W1, b1, W2, b2, W3, b3, W4, b4, codebooks):
    src = edge_index[0]
    dst = edge_index[1]
    # encoder
    h = jax.nn.relu(_gcn(x, src, dst, W1, b1))
    z_e = _gcn(h, src, dst, W2, b2)
    # residual VQ (warmup_epochs=0 so no bypass)
    z_q, vq_loss, indices = _rvq(z_e, codebooks)
    # decoder
    h2 = jax.nn.relu(_gcn(z_q, src, dst, W3, b3))
    recon = _gcn(h2, src, dst, W4, b4)
    # cyclic permutation L1 loss
    r = recon.reshape(-1, 3, 3)
    t = y.reshape(-1, 3, 3)
    perm0 = jnp.mean(jnp.abs(r - t), axis=(1, 2))
    perm1 = jnp.mean(jnp.abs(r - t[:, jnp.array([1, 2, 0]), :]), axis=(1, 2))
    perm2 = jnp.mean(jnp.abs(r - t[:, jnp.array([2, 0, 1]), :]), axis=(1, 2))
    recon_loss = jnp.mean(jnp.min(jnp.stack([perm0, perm1, perm2], axis=1), axis=1))
    # vertex consistency loss
    coords_a = r[sv_tri_a, sv_local_a]
    coords_b = r[sv_tri_b, sv_local_b]
    cons_loss = jnp.mean((coords_a - coords_b) ** 2)
    total_loss = recon_loss + vq_loss + 0.3 * cons_loss
    return (recon, recon_loss, vq_loss, cons_loss, total_loss, indices, z_e, z_q)

if __name__ == "__main__":
    import jax
    _d = setup_inputs()
    print(jax.jit(kernel)(*tuple(_d.values())))

</pallas_src>

<mosaic_0001>
#map = affine_map<(d0, d1) -> (0, 0)>
#map1 = affine_map<(d0, d1) -> (0, 0, 0)>
module attributes {stable_mosaic.version = 14 : i64} {
  func.func @body(%arg0: i32, %arg1: i32, %arg2: memref<10000x16xf32, #tpu.memory_space<hbm>>, %arg3: memref<32x40x8192xi32, #tpu.memory_space<hbm>>, %arg4: memref<32x40x8192xi32, #tpu.memory_space<hbm>>, %arg5: memref<32x64xi32, #tpu.memory_space<hbm>>, %arg6: memref<320x16xf32, #tpu.memory_space<hbm>>, %arg7: memref<10240x16xf32, #tpu.memory_space<hbm>>, %arg8: memref<8208xi32, #tpu.memory_space<vmem>>, %arg9: memref<8208xi32, #tpu.memory_space<vmem>>, %arg10: memref<64xi32, #tpu.memory_space<vmem>>, %arg11: memref<128x16xf32, #tpu.memory_space<vmem>>, %arg12: memref<320x16xf32, #tpu.memory_space<vmem>>) attributes {dimension_semantics = [#tpu.dimension_semantics<core_parallel>, #tpu.dimension_semantics<subcore_parallel>], iteration_bounds = array<i64: 2, 16>, scalar_prefetch = 0 : i64, scratch_operands = 5 : i64, tpu.core_type = #tpu.core_type<sc_vector_subcore>, window_params = [{transform_indices = #map}, {transform_indices = #map1}, {transform_indices = #map1}, {transform_indices = #map}, {transform_indices = #map}, {transform_indices = #map}]} {
    %mul3A = arith.constant 16 : i32
    %mul3A_0 = arith.muli %arg0, %mul3A : i32
    %add3A = arith.addi %mul3A_0, %arg1 : i32
    %mul3A_1 = arith.constant 320 : i32
    %mul3A_2 = arith.muli %add3A, %mul3A_1 : i32
    "tpu.region"() ({
      %run_scoped3A = tpu.sem_alloc : memref<!tpu.dma_semaphore, #tpu.memory_space<semaphore_mem>>
      tpu.enqueue_dma source(%arg6 : memref<320x16xf32, #tpu.memory_space<hbm>>) target(%arg12 : memref<320x16xf32, #tpu.memory_space<vmem>>) target_semaphore(%run_scoped3A : memref<!tpu.dma_semaphore, #tpu.memory_space<semaphore_mem>>)
      tpu.wait_dma2 semaphore(%run_scoped3A : memref<!tpu.dma_semaphore, #tpu.memory_space<semaphore_mem>>) src(%arg6 : memref<320x16xf32, #tpu.memory_space<hbm>>) dst(%arg12 : memref<320x16xf32, #tpu.memory_space<vmem>>)
      tpu.yield
    }) : () -> ()
    "tpu.region"() ({
      %run_scoped3A = tpu.sem_alloc : memref<!tpu.dma_semaphore, #tpu.memory_space<semaphore_mem>>
      %dma_start3A = arith.constant 0 : i32
      %dma_start3A_10 = tpu.memref_slice %arg5[%add3A, %dma_start3A] : memref<32x64xi32, #tpu.memory_space<hbm>> -> memref<1x64xi32, #tpu.memory_space<hbm>>
      %dma_start3A_11 = tpu.memref_squeeze %dma_start3A_10 : memref<1x64xi32, #tpu.memory_space<hbm>> -> memref<64xi32, #tpu.memory_space<hbm>>
      %dma_start3A_12 = arith.constant 0 : i32
      %dma_start3A_13 = tpu.memref_slice %arg5[%add3A, %dma_start3A_12] : memref<32x64xi32, #tpu.memory_space<hbm>> -> memref<1x64xi32, #tpu.memory_space<hbm>>
      %dma_start3A_14 = tpu.memref_squeeze %dma_start3A_13 : memref<1x64xi32, #tpu.memory_space<hbm>> -> memref<64xi32, #tpu.memory_space<hbm>>
      tpu.enqueue_dma source(%dma_start3A_14 : memref<64xi32, #tpu.memory_space<hbm>>) target(%arg10 : memref<64xi32, #tpu.memory_space<vmem>>) target_semaphore(%run_scoped3A : memref<!tpu.dma_semaphore, #tpu.memory_space<semaphore_mem>>)
      %dma_wait3A = arith.constant 0 : i32
      %dma_wait3A_15 = tpu.memref_slice %arg5[%add3A, %dma_wait3A] : memref<32x64xi32, #tpu.memory_space<hbm>> -> memref<1x64xi32, #tpu.memory_space<hbm>>
      %dma_wait3A_16 = tpu.memref_squeeze %dma_wait3A_15 : memref<1x64xi32, #tpu.memory_space<hbm>> -> memref<64xi32, #tpu.memory_space<hbm>>
      %dma_wait3A_17 = arith.constant 0 : i32
      %dma_wait3A_18 = tpu.memref_slice %arg5[%add3A, %dma_wait3A_17] : memref<32x64xi32, #tpu.memory_space<hbm>> -> memref<1x64xi32, #tpu.memory_space<hbm>>
      %dma_wait3A_19 = tpu.memref_squeeze %dma_wait3A_18 : memref<1x64xi32, #tpu.memory_space<hbm>> -> memref<64xi32, #tpu.memory_space<hbm>>
      tpu.wait_dma2 semaphore(%run_scoped3A : memref<!tpu.dma_semaphore, #tpu.memory_space<semaphore_mem>>) src(%dma_wait3A_19 : memref<64xi32, #tpu.memory_space<hbm>>) dst(%arg10 : memref<64xi32, #tpu.memory_space<vmem>>)
      tpu.yield
    }) : () -> ()
    %scan3A = arith.constant 0 : i32
    %scan3A_3 = arith.constant 0 : i32
    %scan3A_4 = arith.constant 40 : i32
    %scan3A_5 = arith.addi %scan3A_3, %scan3A_4 : i32
    %scan3A_6 = arith.constant 1 : i32
    scf.for %scan3A_10 = %scan3A_3 to %scan3A_5 step %scan3A_6  : i32 {
      %get3A = arith.index_cast %scan3A_10 : i32 to index
      %get3A_11 = tpu.vector_load %arg10[%get3A] {strides = array<i32>} : memref<64xi32, #tpu.memory_space<vmem>>, vector<16xi32>,
      %slice3A = vector.extract_strided_slice %get3A_11 {offsets = [0], sizes = [1], strides = [1]} : vector<16xi32> to vector<1xi32>
      %squeeze3A = vector.extract %slice3A[0] : i32 from vector<1xi32>
      %gt3A = arith.constant 0 : i32
      %gt3A_12 = arith.cmpi sgt, %squeeze3A, %gt3A : i32
      %convert_element_type3A = arith.extui %gt3A_12 : i1 to i32
      %cond3A = arith.constant 0 : i32
      %cond3A_13 = arith.cmpi ne, %convert_element_type3A, %cond3A : i32
      scf.if %cond3A_13 {
        %le3A = arith.constant 2048 : i32
        %le3A_14 = arith.cmpi sle, %squeeze3A, %le3A : i32
        %convert_element_type3A_15 = arith.extui %le3A_14 : i1 to i32
        %cond3A_16 = arith.constant 0 : i32
        %cond3A_17 = arith.cmpi ne, %convert_element_type3A_15, %cond3A_16 : i32
        scf.if %cond3A_17 {
          "tpu.region"() ({
            %run_scoped3A = tpu.sem_alloc : memref<!tpu.dma_semaphore, #tpu.memory_space<semaphore_mem>>
            %dma_start3A = arith.constant 0 : i32
            %dma_start3A_35 = tpu.memref_slice %arg8[%dma_start3A] : memref<8208xi32, #tpu.memory_space<vmem>> -> memref<2048xi32, #tpu.memory_space<vmem>>
            %dma_start3A_36 = arith.constant 0 : i32
            %dma_start3A_37 = tpu.memref_slice %arg3[%add3A, %scan3A_10, %dma_start3A_36] : memref<32x40x8192xi32, #tpu.memory_space<hbm>> -> memref<1x1x2048xi32, #tpu.memory_space<hbm>>
            %dma_start3A_38 = tpu.memref_squeeze %dma_start3A_37 : memref<1x1x2048xi32, #tpu.memory_space<hbm>> -> memref<2048xi32, #tpu.memory_space<hbm>>
            %dma_start3A_39 = arith.constant 0 : i32
            %dma_start3A_40 = tpu.memref_slice %arg8[%dma_start3A_39] : memref<8208xi32, #tpu.memory_space<vmem>> -> memref<2048xi32, #tpu.memory_space<vmem>>
            %dma_start3A_41 = arith.constant 0 : i32
            %dma_start3A_42 = tpu.memref_slice %arg3[%add3A, %scan3A_10, %dma_start3A_41] : memref<32x40x8192xi32, #tpu.memory_space<hbm>> -> memref<1x1x2048xi32, #tpu.memory_space<hbm>>
            %dma_start3A_43 = tpu.memref_squeeze %dma_start3A_42 : memref<1x1x2048xi32, #tpu.memory_space<hbm>> -> memref<2048xi32, #tpu.memory_space<hbm>>
            tpu.enqueue_dma source(%dma_start3A_43 : memref<2048xi32, #tpu.memory_space<hbm>>) target(%dma_start3A_40 : memref<2048xi32, #tpu.memory_space<vmem>>) target_semaphore(%run_scoped3A : memref<!tpu.dma_semaphore, #tpu.memory_space<semaphore_mem>>)
            %dma_wait3A = arith.constant 0 : i32
            %dma_wait3A_44 = tpu.memref_slice %arg8[%dma_wait3A] : memref<8208xi32, #tpu.memory_space<vmem>> -> memref<2048xi32, #tpu.memory_space<vmem>>
            %dma_wait3A_45 = arith.constant 0 : i32
            %dma_wait3A_46 = tpu.memref_slice %arg3[%add3A, %scan3A_10, %dma_wait3A_45] : memref<32x40x8192xi32, #tpu.memory_space<hbm>> -> memref<1x1x2048xi32, #tpu.memory_space<hbm>>
            %dma_wait3A_47 = tpu.memref_squeeze %dma_wait3A_46 : memref<1x1x2048xi32, #tpu.memory_space<hbm>> -> memref<2048xi32, #tpu.memory_space<hbm>>
            %dma_wait3A_48 = arith.constant 0 : i32
            %dma_wait3A_49 = tpu.memref_slice %arg8[%dma_wait3A_48] : memref<8208xi32, #tpu.memory_space<vmem>> -> memref<2048xi32, #tpu.memory_space<vmem>>
            %dma_wait3A_50 = arith.constant 0 : i32
            %dma_wait3A_51 = tpu.memref_slice %arg3[%add3A, %scan3A_10, %dma_wait3A_50] : memref<32x40x8192xi32, #tpu.memory_space<hbm>> -> memref<1x1x2048xi32, #tpu.memory_space<hbm>>
            %dma_wait3A_52 = tpu.memref_squeeze %dma_wait3A_51 : memref<1x1x2048xi32, #tpu.memory_space<hbm>> -> memref<2048xi32, #tpu.memory_space<hbm>>
            tpu.wait_dma2 semaphore(%run_scoped3A : memref<!tpu.dma_semaphore, #tpu.memory_space<semaphore_mem>>) src(%dma_wait3A_52 : memref<2048xi32, #tpu.memory_space<hbm>>) dst(%dma_wait3A_49 : memref<2048xi32, #tpu.memory_space<vmem>>)
            tpu.yield
          }) : () -> ()
          "tpu.region"() ({
            %run_scoped3A = tpu.sem_alloc : memref<!tpu.dma_semaphore, #tpu.memory_space<semaphore_mem>>
            %dma_start3A = arith.constant 0 : i32
            %dma_start3A_35 = tpu.memref_slice %arg9[%dma_start3A] : memref<8208xi32, #tpu.memory_space<vmem>> -> memref<2048xi32, #tpu.memory_space<vmem>>
            %dma_start3A_36 = arith.constant 0 : i32
            %dma_start3A_37 = tpu.memref_slice %arg4[%add3A, %scan3A_10, %dma_start3A_36] : memref<32x40x8192xi32, #tpu.memory_space<hbm>> -> memref<1x1x2048xi32, #tpu.memory_space<hbm>>
            %dma_start3A_38 = tpu.memref_squeeze %dma_start3A_37 : memref<1x1x2048xi32, #tpu.memory_space<hbm>> -> memref<2048xi32, #tpu.memory_space<hbm>>
            %dma_start3A_39 = arith.constant 0 : i32
            %dma_start3A_40 = tpu.memref_slice %arg9[%dma_start3A_39] : memref<8208xi32, #tpu.memory_space<vmem>> -> memref<2048xi32, #tpu.memory_space<vmem>>
            %dma_start3A_41 = arith.constant 0 : i32
            %dma_start3A_42 = tpu.memref_slice %arg4[%add3A, %scan3A_10, %dma_start3A_41] : memref<32x40x8192xi32, #tpu.memory_space<hbm>> -> memref<1x1x2048xi32, #tpu.memory_space<hbm>>
            %dma_start3A_43 = tpu.memref_squeeze %dma_start3A_42 : memref<1x1x2048xi32, #tpu.memory_space<hbm>> -> memref<2048xi32, #tpu.memory_space<hbm>>
            tpu.enqueue_dma source(%dma_start3A_43 : memref<2048xi32, #tpu.memory_space<hbm>>) target(%dma_start3A_40 : memref<2048xi32, #tpu.memory_space<vmem>>) target_semaphore(%run_scoped3A : memref<!tpu.dma_semaphore, #tpu.memory_space<semaphore_mem>>)
            %dma_wait3A = arith.constant 0 : i32
            %dma_wait3A_44 = tpu.memref_slice %arg9[%dma_wait3A] : memref<8208xi32, #tpu.memory_space<vmem>> -> memref<2048xi32, #tpu.memory_space<vmem>>
            %dma_wait3A_45 = arith.constant 0 : i32
            %dma_wait3A_46 = tpu.memref_slice %arg4[%add3A, %scan3A_10, %dma_wait3A_45] : memref<32x40x8192xi32, #tpu.memory_space<hbm>> -> memref<1x1x2048xi32, #tpu.memory_space<hbm>>
            %dma_wait3A_47 = tpu.memref_squeeze %dma_wait3A_46 : memref<1x1x2048xi32, #tpu.memory_space<hbm>> -> memref<2048xi32, #tpu.memory_space<hbm>>
            %dma_wait3A_48 = arith.constant 0 : i32
            %dma_wait3A_49 = tpu.memref_slice %arg9[%dma_wait3A_48] : memref<8208xi32, #tpu.memory_space<vmem>> -> memref<2048xi32, #tpu.memory_space<vmem>>
            %dma_wait3A_50 = arith.constant 0 : i32
            %dma_wait3A_51 = tpu.memref_slice %arg4[%add3A, %scan3A_10, %dma_wait3A_50] : memref<32x40x8192xi32, #tpu.memory_space<hbm>> -> memref<1x1x2048xi32, #tpu.memory_space<hbm>>
            %dma_wait3A_52 = tpu.memref_squeeze %dma_wait3A_51 : memref<1x1x2048xi32, #tpu.memory_space<hbm>> -> memref<2048xi32, #tpu.memory_space<hbm>>
            tpu.wait_dma2 semaphore(%run_scoped3A : memref<!tpu.dma_semaphore, #tpu.memory_space<semaphore_mem>>) src(%dma_wait3A_52 : memref<2048xi32, #tpu.memory_space<hbm>>) dst(%dma_wait3A_49 : memref<2048xi32, #tpu.memory_space<vmem>>)
            tpu.yield
          }) : () -> ()
        } else {
        }
        %gt3A_18 = arith.constant 2048 : i32
        %gt3A_19 = arith.cmpi sgt, %squeeze3A, %gt3A_18 : i32
        %convert_element_type3A_20 = arith.extui %gt3A_19 : i1 to i32
        %cond3A_21 = arith.constant 0 : i32
        %cond3A_22 = arith.cmpi ne, %convert_element_type3A_20, %cond3A_21 : i32
        scf.if %cond3A_22 {
          "tpu.region"() ({
            %run_scoped3A = tpu.sem_alloc : memref<!tpu.dma_semaphore, #tpu.memory_space<semaphore_mem>>
            %dma_start3A = arith.constant 0 : i32
            %dma_start3A_35 = tpu.memref_slice %arg8[%dma_start3A] : memref<8208xi32, #tpu.memory_space<vmem>> -> memref<8192xi32, #tpu.memory_space<vmem>>
            %dma_start3A_36 = arith.constant 0 : i32
            %dma_start3A_37 = tpu.memref_slice %arg3[%add3A, %scan3A_10, %dma_start3A_36] : memref<32x40x8192xi32, #tpu.memory_space<hbm>> -> memref<1x1x8192xi32, #tpu.memory_space<hbm>>
            %dma_start3A_38 = tpu.memref_squeeze %dma_start3A_37 : memref<1x1x8192xi32, #tpu.memory_space<hbm>> -> memref<8192xi32, #tpu.memory_space<hbm>>
            %dma_start3A_39 = arith.constant 0 : i32
            %dma_start3A_40 = tpu.memref_slice %arg8[%dma_start3A_39] : memref<8208xi32, #tpu.memory_space<vmem>> -> memref<8192xi32, #tpu.memory_space<vmem>>
            %dma_start3A_41 = arith.constant 0 : i32
            %dma_start3A_42 = tpu.memref_slice %arg3[%add3A, %scan3A_10, %dma_start3A_41] : memref<32x40x8192xi32, #tpu.memory_space<hbm>> -> memref<1x1x8192xi32, #tpu.memory_space<hbm>>
            %dma_start3A_43 = tpu.memref_squeeze %dma_start3A_42 : memref<1x1x8192xi32, #tpu.memory_space<hbm>> -> memref<8192xi32, #tpu.memory_space<hbm>>
            tpu.enqueue_dma source(%dma_start3A_43 : memref<8192xi32, #tpu.memory_space<hbm>>) target(%dma_start3A_40 : memref<8192xi32, #tpu.memory_space<vmem>>) target_semaphore(%run_scoped3A : memref<!tpu.dma_semaphore, #tpu.memory_space<semaphore_mem>>)
            %dma_wait3A = arith.constant 0 : i32
            %dma_wait3A_44 = tpu.memref_slice %arg8[%dma_wait3A] : memref<8208xi32, #tpu.memory_space<vmem>> -> memref<8192xi32, #tpu.memory_space<vmem>>
            %dma_wait3A_45 = arith.constant 0 : i32
            %dma_wait3A_46 = tpu.memref_slice %arg3[%add3A, %scan3A_10, %dma_wait3A_45] : memref<32x40x8192xi32, #tpu.memory_space<hbm>> -> memref<1x1x8192xi32, #tpu.memory_space<hbm>>
            %dma_wait3A_47 = tpu.memref_squeeze %dma_wait3A_46 : memref<1x1x8192xi32, #tpu.memory_space<hbm>> -> memref<8192xi32, #tpu.memory_space<hbm>>
            %dma_wait3A_48 = arith.constant 0 : i32
            %dma_wait3A_49 = tpu.memref_slice %arg8[%dma_wait3A_48] : memref<8208xi32, #tpu.memory_space<vmem>> -> memref<8192xi32, #tpu.memory_space<vmem>>
            %dma_wait3A_50 = arith.constant 0 : i32
            %dma_wait3A_51 = tpu.memref_slice %arg3[%add3A, %scan3A_10, %dma_wait3A_50] : memref<32x40x8192xi32, #tpu.memory_space<hbm>> -> memref<1x1x8192xi32, #tpu.memory_space<hbm>>
            %dma_wait3A_52 = tpu.memref_squeeze %dma_wait3A_51 : memref<1x1x8192xi32, #tpu.memory_space<hbm>> -> memref<8192xi32, #tpu.memory_space<hbm>>
            tpu.wait_dma2 semaphore(%run_scoped3A : memref<!tpu.dma_semaphore, #tpu.memory_space<semaphore_mem>>) src(%dma_wait3A_52 : memref<8192xi32, #tpu.memory_space<hbm>>) dst(%dma_wait3A_49 : memref<8192xi32, #tpu.memory_space<vmem>>)
            tpu.yield
          }) : () -> ()
          "tpu.region"() ({
            %run_scoped3A = tpu.sem_alloc : memref<!tpu.dma_semaphore, #tpu.memory_space<semaphore_mem>>
            %dma_start3A = arith.constant 0 : i32
            %dma_start3A_35 = tpu.memref_slice %arg9[%dma_start3A] : memref<8208xi32, #tpu.memory_space<vmem>> -> memref<8192xi32, #tpu.memory_space<vmem>>
            %dma_start3A_36 = arith.constant 0 : i32
            %dma_start3A_37 = tpu.memref_slice %arg4[%add3A, %scan3A_10, %dma_start3A_36] : memref<32x40x8192xi32, #tpu.memory_space<hbm>> -> memref<1x1x8192xi32, #tpu.memory_space<hbm>>
            %dma_start3A_38 = tpu.memref_squeeze %dma_start3A_37 : memref<1x1x8192xi32, #tpu.memory_space<hbm>> -> memref<8192xi32, #tpu.memory_space<hbm>>
            %dma_start3A_39 = arith.constant 0 : i32
            %dma_start3A_40 = tpu.memref_slice %arg9[%dma_start3A_39] : memref<8208xi32, #tpu.memory_space<vmem>> -> memref<8192xi32, #tpu.memory_space<vmem>>
            %dma_start3A_41 = arith.constant 0 : i32
            %dma_start3A_42 = tpu.memref_slice %arg4[%add3A, %scan3A_10, %dma_start3A_41] : memref<32x40x8192xi32, #tpu.memory_space<hbm>> -> memref<1x1x8192xi32, #tpu.memory_space<hbm>>
            %dma_start3A_43 = tpu.memref_squeeze %dma_start3A_42 : memref<1x1x8192xi32, #tpu.memory_space<hbm>> -> memref<8192xi32, #tpu.memory_space<hbm>>
            tpu.enqueue_dma source(%dma_start3A_43 : memref<8192xi32, #tpu.memory_space<hbm>>) target(%dma_start3A_40 : memref<8192xi32, #tpu.memory_space<vmem>>) target_semaphore(%run_scoped3A : memref<!tpu.dma_semaphore, #tpu.memory_space<semaphore_mem>>)
            %dma_wait3A = arith.constant 0 : i32
            %dma_wait3A_44 = tpu.memref_slice %arg9[%dma_wait3A] : memref<8208xi32, #tpu.memory_space<vmem>> -> memref<8192xi32, #tpu.memory_space<vmem>>
            %dma_wait3A_45 = arith.constant 0 : i32
            %dma_wait3A_46 = tpu.memref_slice %arg4[%add3A, %scan3A_10, %dma_wait3A_45] : memref<32x40x8192xi32, #tpu.memory_space<hbm>> -> memref<1x1x8192xi32, #tpu.memory_space<hbm>>
            %dma_wait3A_47 = tpu.memref_squeeze %dma_wait3A_46 : memref<1x1x8192xi32, #tpu.memory_space<hbm>> -> memref<8192xi32, #tpu.memory_space<hbm>>
            %dma_wait3A_48 = arith.constant 0 : i32
            %dma_wait3A_49 = tpu.memref_slice %arg9[%dma_wait3A_48] : memref<8208xi32, #tpu.memory_space<vmem>> -> memref<8192xi32, #tpu.memory_space<vmem>>
            %dma_wait3A_50 = arith.constant 0 : i32
            %dma_wait3A_51 = tpu.memref_slice %arg4[%add3A, %scan3A_10, %dma_wait3A_50] : memref<32x40x8192xi32, #tpu.memory_space<hbm>> -> memref<1x1x8192xi32, #tpu.memory_space<hbm>>
            %dma_wait3A_52 = tpu.memref_squeeze %dma_wait3A_51 : memref<1x1x8192xi32, #tpu.memory_space<hbm>> -> memref<8192xi32, #tpu.memory_space<hbm>>
            tpu.wait_dma2 semaphore(%run_scoped3A : memref<!tpu.dma_semaphore, #tpu.memory_space<semaphore_mem>>) src(%dma_wait3A_52 : memref<8192xi32, #tpu.memory_space<hbm>>) dst(%dma_wait3A_49 : memref<8192xi32, #tpu.memory_space<vmem>>)
            tpu.yield
          }) : () -> ()
        } else {
        }
        %add3A_23 = arith.constant 127 : i32
        %add3A_24 = arith.addi %squeeze3A, %add3A_23 : i32
        %shift_right_arithmetic3A = arith.constant 7 : i32
        %shift_right_arithmetic3A_25 = arith.shrsi %add3A_24, %shift_right_arithmetic3A : i32
        %while3A = arith.constant 0 : i32
        %while3A_26 = arith.constant 0 : i32
        %while3A_27 = arith.subi %shift_right_arithmetic3A_25, %while3A_26 : i32
        %while3A_28 = arith.addi %while3A_26, %while3A_27 : i32
        %while3A_29 = arith.constant 1 : i32
        %while3A_30 = arith.divsi %while3A_27, %while3A_29 : i32
        %while3A_31 = arith.muli %while3A_30, %while3A_29 : i32
        %while3A_32 = arith.addi %while3A_26, %while3A_31 : i32
        %while3A_33 = arith.constant 1 : i32
        scf.for %while3A_35 = %while3A_26 to %while3A_32 step %while3A_33  : i32 {
          %mul3A_36 = arith.constant 128 : i32
          %mul3A_37 = arith.muli %while3A_35, %mul3A_36 : i32
          "tpu.region"() ({
            %run_scoped3A = tpu.sem_alloc : memref<!tpu.dma_semaphore, #tpu.memory_space<semaphore_mem>>
            %dma_start3A = tpu.memref_slice %arg8[%mul3A_37] : memref<8208xi32, #tpu.memory_space<vmem>> -> memref<128xi32, #tpu.memory_space<vmem>>
            %dma_start3A_51 = arith.constant 0 : i32
            %dma_start3A_52 = arith.constant 0 : i32
            %dma_start3A_53 = tpu.memref_slice %arg2[%dma_start3A_51, %dma_start3A_52] : memref<10000x16xf32, #tpu.memory_space<hbm>> -> memref<10000x16xf32, #tpu.memory_space<hbm>>
            tpu.enqueue_indirect_dma source(%dma_start3A_53 : memref<10000x16xf32, #tpu.memory_space<hbm>>) target(%arg11 : memref<128x16xf32, #tpu.memory_space<vmem>>) offsets(%dma_start3A : memref<128xi32, #tpu.memory_space<vmem>>) semaphore(%run_scoped3A : memref<!tpu.dma_semaphore, #tpu.memory_space<semaphore_mem>>)
            %dma_wait3A = tpu.memref_slice %arg8[%mul3A_37] : memref<8208xi32, #tpu.memory_space<vmem>> -> memref<128xi32, #tpu.memory_space<vmem>>
            %dma_wait3A_54 = arith.constant 0 : i32
            %dma_wait3A_55 = arith.constant 0 : i32
            %dma_wait3A_56 = tpu.memref_slice %arg2[%dma_wait3A_54, %dma_wait3A_55] : memref<10000x16xf32, #tpu.memory_space<hbm>> -> memref<10000x16xf32, #tpu.memory_space<hbm>>
            tpu.wait_indirect_dma semaphore(%run_scoped3A : memref<!tpu.dma_semaphore, #tpu.memory_space<semaphore_mem>>) src(%dma_wait3A_56 : memref<10000x16xf32, #tpu.memory_space<hbm>>) dst(%arg11 : memref<128x16xf32, #tpu.memory_space<vmem>>)
            tpu.yield
          }) : () -> ()
          %mul3A_38 = arith.constant 128 : i32
          %mul3A_39 = arith.muli %while3A_35, %mul3A_38 : i32
          %sub3A = arith.subi %squeeze3A, %mul3A_39 : i32
          %min3A = arith.constant 128 : i32
          %min3A_40 = arith.minsi %sub3A, %min3A : i32
          %while3A_41 = arith.constant 0 : i32
          %while3A_42 = arith.constant 0 : i32
          %while3A_43 = arith.subi %min3A_40, %while3A_42 : i32
          %while3A_44 = arith.addi %while3A_42, %while3A_43 : i32
          %while3A_45 = arith.constant 1 : i32
          %while3A_46 = arith.divsi %while3A_43, %while3A_45 : i32
          %while3A_47 = arith.muli %while3A_46, %while3A_45 : i32
          %while3A_48 = arith.addi %while3A_42, %while3A_47 : i32
          %while3A_49 = arith.constant 1 : i32
          scf.for %while3A_51 = %while3A_42 to %while3A_48 step %while3A_49  : i32 {
            %mul3A_52 = arith.constant 128 : i32
            %mul3A_53 = arith.muli %while3A_35, %mul3A_52 : i32
            %add3A_54 = arith.addi %mul3A_53, %while3A_51 : i32
            %get3A_55 = arith.index_cast %add3A_54 : i32 to index
            %get3A_56 = tpu.vector_load %arg9[%get3A_55] {strides = array<i32>} : memref<8208xi32, #tpu.memory_space<vmem>>, vector<16xi32>,
            %slice3A_57 = vector.extract_strided_slice %get3A_56 {offsets = [0], sizes = [1], strides = [1]} : vector<16xi32> to vector<1xi32>
            %squeeze3A_58 = vector.extract %slice3A_57[0] : i32 from vector<1xi32>
            %sub3A_59 = arith.subi %squeeze3A_58, %mul3A_2 : i32
            %get3A_60 = arith.index_cast %sub3A_59 : i32 to index
            %get3A_61 = arith.constant 0 : index
            %get3A_62 = tpu.vector_load %arg12[%get3A_60, %get3A_61] {strides = array<i32>} : memref<320x16xf32, #tpu.memory_space<vmem>>, vector<16xf32>,
            %get3A_63 = arith.index_cast %while3A_51 : i32 to index
            %get3A_64 = arith.constant 0 : index
            %get3A_65 = tpu.vector_load %arg11[%get3A_63, %get3A_64] {strides = array<i32>} : memref<128x16xf32, #tpu.memory_space<vmem>>, vector<16xf32>,
            %add3A_66 = arith.addf %get3A_62, %get3A_65 : vector<16xf32>
            %swap3A = arith.index_cast %sub3A_59 : i32 to index
            %swap3A_67 = arith.constant 0 : index
            %swap3A_68 = tpu.vector_load %arg12[%swap3A, %swap3A_67] {strides = array<i32>} : memref<320x16xf32, #tpu.memory_space<vmem>>, vector<16xf32>,
            tpu.vector_store %arg12[%swap3A, %swap3A_67], %add3A_66 {strides = array<i32>} : memref<320x16xf32, #tpu.memory_space<vmem>>, vector<16xf32>,
          }
          %while3A_50 = arith.constant 1 : i32
          scf.for %while3A_51 = %while3A_48 to %while3A_44 step %while3A_50  : i32 {
            %mul3A_52 = arith.constant 128 : i32
            %mul3A_53 = arith.muli %while3A_35, %mul3A_52 : i32
            %add3A_54 = arith.addi %mul3A_53, %while3A_51 : i32
            %get3A_55 = arith.index_cast %add3A_54 : i32 to index
            %get3A_56 = tpu.vector_load %arg9[%get3A_55] {strides = array<i32>} : memref<8208xi32, #tpu.memory_space<vmem>>, vector<16xi32>,
            %slice3A_57 = vector.extract_strided_slice %get3A_56 {offsets = [0], sizes = [1], strides = [1]} : vector<16xi32> to vector<1xi32>
            %squeeze3A_58 = vector.extract %slice3A_57[0] : i32 from vector<1xi32>
            %sub3A_59 = arith.subi %squeeze3A_58, %mul3A_2 : i32
            %get3A_60 = arith.index_cast %sub3A_59 : i32 to index
            %get3A_61 = arith.constant 0 : index
            %get3A_62 = tpu.vector_load %arg12[%get3A_60, %get3A_61] {strides = array<i32>} : memref<320x16xf32, #tpu.memory_space<vmem>>, vector<16xf32>,
            %get3A_63 = arith.index_cast %while3A_51 : i32 to index
            %get3A_64 = arith.constant 0 : index
            %get3A_65 = tpu.vector_load %arg11[%get3A_63, %get3A_64] {strides = array<i32>} : memref<128x16xf32, #tpu.memory_space<vmem>>, vector<16xf32>,
            %add3A_66 = arith.addf %get3A_62, %get3A_65 : vector<16xf32>
            %swap3A = arith.index_cast %sub3A_59 : i32 to index
            %swap3A_67 = arith.constant 0 : index
            %swap3A_68 = tpu.vector_load %arg12[%swap3A, %swap3A_67] {strides = array<i32>} : memref<320x16xf32, #tpu.memory_space<vmem>>, vector<16xf32>,
            tpu.vector_store %arg12[%swap3A, %swap3A_67], %add3A_66 {strides = array<i32>} : memref<320x16xf32, #tpu.memory_space<vmem>>, vector<16xf32>,
          }
        }
        %while3A_34 = arith.constant 1 : i32
        scf.for %while3A_35 = %while3A_32 to %while3A_28 step %while3A_34  : i32 {
          %mul3A_36 = arith.constant 128 : i32
          %mul3A_37 = arith.muli %while3A_35, %mul3A_36 : i32
          "tpu.region"() ({
            %run_scoped3A = tpu.sem_alloc : memref<!tpu.dma_semaphore, #tpu.memory_space<semaphore_mem>>
            %dma_start3A = tpu.memref_slice %arg8[%mul3A_37] : memref<8208xi32, #tpu.memory_space<vmem>> -> memref<128xi32, #tpu.memory_space<vmem>>
            %dma_start3A_51 = arith.constant 0 : i32
            %dma_start3A_52 = arith.constant 0 : i32
            %dma_start3A_53 = tpu.memref_slice %arg2[%dma_start3A_51, %dma_start3A_52] : memref<10000x16xf32, #tpu.memory_space<hbm>> -> memref<10000x16xf32, #tpu.memory_space<hbm>>
            tpu.enqueue_indirect_dma source(%dma_start3A_53 : memref<10000x16xf32, #tpu.memory_space<hbm>>) target(%arg11 : memref<128x16xf32, #tpu.memory_space<vmem>>) offsets(%dma_start3A : memref<128xi32, #tpu.memory_space<vmem>>) semaphore(%run_scoped3A : memref<!tpu.dma_semaphore, #tpu.memory_space<semaphore_mem>>)
            %dma_wait3A = tpu.memref_slice %arg8[%mul3A_37] : memref<8208xi32, #tpu.memory_space<vmem>> -> memref<128xi32, #tpu.memory_space<vmem>>
            %dma_wait3A_54 = arith.constant 0 : i32
            %dma_wait3A_55 = arith.constant 0 : i32
            %dma_wait3A_56 = tpu.memref_slice %arg2[%dma_wait3A_54, %dma_wait3A_55] : memref<10000x16xf32, #tpu.memory_space<hbm>> -> memref<10000x16xf32, #tpu.memory_space<hbm>>
            tpu.wait_indirect_dma semaphore(%run_scoped3A : memref<!tpu.dma_semaphore, #tpu.memory_space<semaphore_mem>>) src(%dma_wait3A_56 : memref<10000x16xf32, #tpu.memory_space<hbm>>) dst(%arg11 : memref<128x16xf32, #tpu.memory_space<vmem>>)
            tpu.yield
          }) : () -> ()
          %mul3A_38 = arith.constant 128 : i32
          %mul3A_39 = arith.muli %while3A_35, %mul3A_38 : i32
          %sub3A = arith.subi %squeeze3A, %mul3A_39 : i32
          %min3A = arith.constant 128 : i32
          %min3A_40 = arith.minsi %sub3A, %min3A : i32
          %while3A_41 = arith.constant 0 : i32
          %while3A_42 = arith.constant 0 : i32
          %while3A_43 = arith.subi %min3A_40, %while3A_42 : i32
          %while3A_44 = arith.addi %while3A_42, %while3A_43 : i32
          %while3A_45 = arith.constant 1 : i32
          %while3A_46 = arith.divsi %while3A_43, %while3A_45 : i32
          %while3A_47 = arith.muli %while3A_46, %while3A_45 : i32
          %while3A_48 = arith.addi %while3A_42, %while3A_47 : i32
          %while3A_49 = arith.constant 1 : i32
          scf.for %while3A_51 = %while3A_42 to %while3A_48 step %while3A_49  : i32 {
            %mul3A_52 = arith.constant 128 : i32
            %mul3A_53 = arith.muli %while3A_35, %mul3A_52 : i32
            %add3A_54 = arith.addi %mul3A_53, %while3A_51 : i32
            %get3A_55 = arith.index_cast %add3A_54 : i32 to index
            %get3A_56 = tpu.vector_load %arg9[%get3A_55] {strides = array<i32>} : memref<8208xi32, #tpu.memory_space<vmem>>, vector<16xi32>,
            %slice3A_57 = vector.extract_strided_slice %get3A_56 {offsets = [0], sizes = [1], strides = [1]} : vector<16xi32> to vector<1xi32>
            %squeeze3A_58 = vector.extract %slice3A_57[0] : i32 from vector<1xi32>
            %sub3A_59 = arith.subi %squeeze3A_58, %mul3A_2 : i32
            %get3A_60 = arith.index_cast %sub3A_59 : i32 to index
            %get3A_61 = arith.constant 0 : index
            %get3A_62 = tpu.vector_load %arg12[%get3A_60, %get3A_61] {strides = array<i32>} : memref<320x16xf32, #tpu.memory_space<vmem>>, vector<16xf32>,
            %get3A_63 = arith.index_cast %while3A_51 : i32 to index
            %get3A_64 = arith.constant 0 : index
            %get3A_65 = tpu.vector_load %arg11[%get3A_63, %get3A_64] {strides = array<i32>} : memref<128x16xf32, #tpu.memory_space<vmem>>, vector<16xf32>,
            %add3A_66 = arith.addf %get3A_62, %get3A_65 : vector<16xf32>
            %swap3A = arith.index_cast %sub3A_59 : i32 to index
            %swap3A_67 = arith.constant 0 : index
            %swap3A_68 = tpu.vector_load %arg12[%swap3A, %swap3A_67] {strides = array<i32>} : memref<320x16xf32, #tpu.memory_space<vmem>>, vector<16xf32>,
            tpu.vector_store %arg12[%swap3A, %swap3A_67], %add3A_66 {strides = array<i32>} : memref<320x16xf32, #tpu.memory_space<vmem>>, vector<16xf32>,
          }
          %while3A_50 = arith.constant 1 : i32
          scf.for %while3A_51 = %while3A_48 to %while3A_44 step %while3A_50  : i32 {
            %mul3A_52 = arith.constant 128 : i32
            %mul3A_53 = arith.muli %while3A_35, %mul3A_52 : i32
            %add3A_54 = arith.addi %mul3A_53, %while3A_51 : i32
            %get3A_55 = arith.index_cast %add3A_54 : i32 to index
            %get3A_56 = tpu.vector_load %arg9[%get3A_55] {strides = array<i32>} : memref<8208xi32, #tpu.memory_space<vmem>>, vector<16xi32>,
            %slice3A_57 = vector.extract_strided_slice %get3A_56 {offsets = [0], sizes = [1], strides = [1]} : vector<16xi32> to vector<1xi32>
            %squeeze3A_58 = vector.extract %slice3A_57[0] : i32 from vector<1xi32>
            %sub3A_59 = arith.subi %squeeze3A_58, %mul3A_2 : i32
            %get3A_60 = arith.index_cast %sub3A_59 : i32 to index
            %get3A_61 = arith.constant 0 : index
            %get3A_62 = tpu.vector_load %arg12[%get3A_60, %get3A_61] {strides = array<i32>} : memref<320x16xf32, #tpu.memory_space<vmem>>, vector<16xf32>,
            %get3A_63 = arith.index_cast %while3A_51 : i32 to index
            %get3A_64 = arith.constant 0 : index
            %get3A_65 = tpu.vector_load %arg11[%get3A_63, %get3A_64] {strides = array<i32>} : memref<128x16xf32, #tpu.memory_space<vmem>>, vector<16xf32>,
            %add3A_66 = arith.addf %get3A_62, %get3A_65 : vector<16xf32>
            %swap3A = arith.index_cast %sub3A_59 : i32 to index
            %swap3A_67 = arith.constant 0 : index
            %swap3A_68 = tpu.vector_load %arg12[%swap3A, %swap3A_67] {strides = array<i32>} : memref<320x16xf32, #tpu.memory_space<vmem>>, vector<16xf32>,
            tpu.vector_store %arg12[%swap3A, %swap3A_67], %add3A_66 {strides = array<i32>} : memref<320x16xf32, #tpu.memory_space<vmem>>, vector<16xf32>,
          }
        }
      } else {
      }
    }
    %scan3A_7 = arith.constant 40 : i32
    %mul3A_8 = arith.constant 320 : i32
    %mul3A_9 = arith.muli %add3A, %mul3A_8 : i32
    "tpu.region"() ({
      %run_scoped3A = tpu.sem_alloc : memref<!tpu.dma_semaphore, #tpu.memory_space<semaphore_mem>>
      %dma_start3A = arith.constant 0 : i32
      %dma_start3A_10 = tpu.memref_slice %arg7[%mul3A_9, %dma_start3A] : memref<10240x16xf32, #tpu.memory_space<hbm>> -> memref<320x16xf32, #tpu.memory_space<hbm>>
      %dma_start3A_11 = arith.constant 0 : i32
      %dma_start3A_12 = tpu.memref_slice %arg7[%mul3A_9, %dma_start3A_11] : memref<10240x16xf32, #tpu.memory_space<hbm>> -> memref<320x16xf32, #tpu.memory_space<hbm>>
      tpu.enqueue_dma source(%arg12 : memref<320x16xf32, #tpu.memory_space<vmem>>) target(%dma_start3A_12 : memref<320x16xf32, #tpu.memory_space<hbm>>) target_semaphore(%run_scoped3A : memref<!tpu.dma_semaphore, #tpu.memory_space<semaphore_mem>>)
      %dma_wait3A = arith.constant 0 : i32
      %dma_wait3A_13 = tpu.memref_slice %arg7[%mul3A_9, %dma_wait3A] : memref<10240x16xf32, #tpu.memory_space<hbm>> -> memref<320x16xf32, #tpu.memory_space<hbm>>
      %dma_wait3A_14 = arith.constant 0 : i32
      %dma_wait3A_15 = tpu.memref_slice %arg7[%mul3A_9, %dma_wait3A_14] : memref<10240x16xf32, #tpu.memory_space<hbm>> -> memref<320x16xf32, #tpu.memory_space<hbm>>
      tpu.wait_dma2 semaphore(%run_scoped3A : memref<!tpu.dma_semaphore, #tpu.memory_space<semaphore_mem>>) src(%arg12 : memref<320x16xf32, #tpu.memory_space<vmem>>) dst(%dma_wait3A_15 : memref<320x16xf32, #tpu.memory_space<hbm>>)
      tpu.yield
    }) : () -> ()
    return
  }
}

#map = affine_map<(d0, d1) -> (0)>
#map1 = affine_map<(d0, d1) -> (0, 0, 0)>
#map2 = affine_map<(d0, d1) -> (0, 0)>
module attributes {stable_mosaic.version = 14 : i64} {
  func.func @_route_body(%arg0: i32, %arg1: i32, %arg2: memref<327680xi32, #tpu.memory_space<hbm>>, %arg3: memref<327680xi32, #tpu.memory_space<hbm>>, %arg4: memref<32x40x8192xi32, #tpu.memory_space<hbm>>, %arg5: memref<32x40x8192xi32, #tpu.memory_space<hbm>>, %arg6: memref<32x64xi32, #tpu.memory_space<hbm>>, %arg7: memref<8192xi32, #tpu.memory_space<vmem>>, %arg8: memref<8192xi32, #tpu.memory_space<vmem>>, %arg9: memref<8320xi32, #tpu.memory_space<vmem>>, %arg10: memref<8320xi32, #tpu.memory_space<vmem>>, %arg11: memref<64xi32, #tpu.memory_space<vmem>>) attributes {dimension_semantics = [#tpu.dimension_semantics<core_parallel>, #tpu.dimension_semantics<subcore_parallel>], iteration_bounds = array<i64: 2, 16>, scalar_prefetch = 0 : i64, scratch_operands = 5 : i64, tpu.core_type = #tpu.core_type<sc_vector_subcore>, window_params = [{transform_indices = #map}, {transform_indices = #map}, {transform_indices = #map1}, {transform_indices = #map1}, {transform_indices = #map2}]} {
    %mul3A = arith.constant 16 : i32
    %mul3A_0 = arith.muli %arg0, %mul3A : i32
    %add3A = arith.addi %mul3A_0, %arg1 : i32
    %mul3A_1 = arith.constant 320 : i32
    %mul3A_2 = arith.muli %add3A, %mul3A_1 : i32
    %add3A_3 = arith.constant 320 : i32
    %add3A_4 = arith.addi %mul3A_2, %add3A_3 : i32
    %broadcast_in_dim3A = arith.constant 0 : i32
    %broadcast_in_dim3A_5 = vector.broadcast %broadcast_in_dim3A : i32 to vector<16xi32>
    %scan3A = arith.constant 0 : i32
    %scan3A_6 = arith.constant 0 : i32
    %scan3A_7 = arith.constant 40 : i32
    %scan3A_8 = arith.addi %scan3A_6, %scan3A_7 : i32
    %scan3A_9 = arith.constant 1 : i32
    scf.for %scan3A_11 = %scan3A_6 to %scan3A_8 step %scan3A_9  : i32 {
      %mul3A_12 = arith.constant 8192 : i32
      %mul3A_13 = arith.muli %scan3A_11, %mul3A_12 : i32
      "tpu.region"() ({
        %run_scoped3A = tpu.sem_alloc : memref<!tpu.dma_semaphore, #tpu.memory_space<semaphore_mem>>
        %dma_start3A = tpu.memref_slice %arg2[%mul3A_13] : memref<327680xi32, #tpu.memory_space<hbm>> -> memref<8192xi32, #tpu.memory_space<hbm>>
        %dma_start3A_62 = tpu.memref_slice %arg2[%mul3A_13] : memref<327680xi32, #tpu.memory_space<hbm>> -> memref<8192xi32, #tpu.memory_space<hbm>>
        tpu.enqueue_dma source(%dma_start3A_62 : memref<8192xi32, #tpu.memory_space<hbm>>) target(%arg7 : memref<8192xi32, #tpu.memory_space<vmem>>) target_semaphore(%run_scoped3A : memref<!tpu.dma_semaphore, #tpu.memory_space<semaphore_mem>>)
        %dma_wait3A = tpu.memref_slice %arg2[%mul3A_13] : memref<327680xi32, #tpu.memory_space<hbm>> -> memref<8192xi32, #tpu.memory_space<hbm>>
        %dma_wait3A_63 = tpu.memref_slice %arg2[%mul3A_13] : memref<327680xi32, #tpu.memory_space<hbm>> -> memref<8192xi32, #tpu.memory_space<hbm>>
        tpu.wait_dma2 semaphore(%run_scoped3A : memref<!tpu.dma_semaphore, #tpu.memory_space<semaphore_mem>>) src(%dma_wait3A_63 : memref<8192xi32, #tpu.memory_space<hbm>>) dst(%arg7 : memref<8192xi32, #tpu.memory_space<vmem>>)
        tpu.yield
      }) : () -> ()
      %mul3A_14 = arith.constant 8192 : i32
      %mul3A_15 = arith.muli %scan3A_11, %mul3A_14 : i32
      "tpu.region"() ({
        %run_scoped3A = tpu.sem_alloc : memref<!tpu.dma_semaphore, #tpu.memory_space<semaphore_mem>>
        %dma_start3A = tpu.memref_slice %arg3[%mul3A_15] : memref<327680xi32, #tpu.memory_space<hbm>> -> memref<8192xi32, #tpu.memory_space<hbm>>
        %dma_start3A_62 = tpu.memref_slice %arg3[%mul3A_15] : memref<327680xi32, #tpu.memory_space<hbm>> -> memref<8192xi32, #tpu.memory_space<hbm>>
        tpu.enqueue_dma source(%dma_start3A_62 : memref<8192xi32, #tpu.memory_space<hbm>>) target(%arg8 : memref<8192xi32, #tpu.memory_space<vmem>>) target_semaphore(%run_scoped3A : memref<!tpu.dma_semaphore, #tpu.memory_space<semaphore_mem>>)
        %dma_wait3A = tpu.memref_slice %arg3[%mul3A_15] : memref<327680xi32, #tpu.memory_space<hbm>> -> memref<8192xi32, #tpu.memory_space<hbm>>
        %dma_wait3A_63 = tpu.memref_slice %arg3[%mul3A_15] : memref<327680xi32, #tpu.memory_space<hbm>> -> memref<8192xi32, #tpu.memory_space<hbm>>
        tpu.wait_dma2 semaphore(%run_scoped3A : memref<!tpu.dma_semaphore, #tpu.memory_space<semaphore_mem>>) src(%dma_wait3A_63 : memref<8192xi32, #tpu.memory_space<hbm>>) dst(%arg8 : memref<8192xi32, #tpu.memory_space<vmem>>)
        tpu.yield
      }) : () -> ()
      %scan3A_16 = arith.constant 0 : i32
      %scan3A_17 = arith.constant 0 : i32
      %scan3A_18 = arith.constant 512 : i32
      %scan3A_19 = arith.addi %scan3A_17, %scan3A_18 : i32
      %scan3A_20 = arith.constant 1 : i32
      %scan3A_21 = scf.for %scan3A_62 = %scan3A_17 to %scan3A_19 step %scan3A_20 iter_args(%scan3A_63 = %scan3A_16) -> (i32)  : i32 {
        %mul3A_64 = arith.constant 16 : i32
        %mul3A_65 = arith.muli %scan3A_62, %mul3A_64 : i32
        %get3A = arith.index_cast %mul3A_65 : i32 to index
        %get3A_66 = tpu.vector_load %arg8[%get3A] {strides = array<i32>} : memref<8192xi32, #tpu.memory_space<vmem>>, vector<16xi32>,
        %mul3A_67 = arith.constant 16 : i32
        %mul3A_68 = arith.muli %scan3A_62, %mul3A_67 : i32
        %get3A_69 = arith.index_cast %mul3A_68 : i32 to index
        %get3A_70 = tpu.vector_load %arg7[%get3A_69] {strides = array<i32>} : memref<8192xi32, #tpu.memory_space<vmem>>, vector<16xi32>,
        %ge3A = vector.broadcast %mul3A_2 : i32 to vector<16xi32>
        %ge3A_71 = arith.cmpi sge, %get3A_66, %ge3A : vector<16xi32>
        %lt3A = vector.broadcast %add3A_4 : i32 to vector<16xi32>
        %lt3A_72 = arith.cmpi slt, %get3A_66, %lt3A : vector<16xi32>
        %and3A = arith.andi %ge3A_71, %lt3A_72 : vector<16xi1>
        %swap3A_73 = arith.index_cast %scan3A_63 : i32 to index
        %swap3A_74 = tpu.vector_load %arg9[%swap3A_73] masked %and3A {strides = array<i32>} : memref<8320xi32, #tpu.memory_space<vmem>>, vector<16xi32>, vector<16xi1>
        tpu.vector_store %arg9[%swap3A_73], %get3A_70 masked %and3A {strides = array<i32>} : memref<8320xi32, #tpu.memory_space<vmem>>, vector<16xi32>, vector<16xi1>
        %swap3A_75 = arith.index_cast %scan3A_63 : i32 to index
        %swap3A_76 = tpu.vector_load %arg10[%swap3A_75] masked %and3A {strides = array<i32>} : memref<8320xi32, #tpu.memory_space<vmem>>, vector<16xi32>, vector<16xi1>
        tpu.vector_store %arg10[%swap3A_75], %get3A_66 masked %and3A {strides = array<i32>} : memref<8320xi32, #tpu.memory_space<vmem>>, vector<16xi32>, vector<16xi1>
        %all_reduce_population_count3A = tpu.all_reduce %and3A {dim = 0 : i64, kind = #tpu.reduction_kind<sum>} : vector<16xi1> -> vector<16xi32>
        %slice3A = vector.extract_strided_slice %all_reduce_population_count3A {offsets = [0], sizes = [1], strides = [1]} : vector<16xi32> to vector<1xi32>
        %squeeze3A = vector.extract %slice3A[0] : i32 from vector<1xi32>
        %add3A_77 = arith.addi %scan3A_63, %squeeze3A : i32
        scf.yield %add3A_77 : i32
      }
      %scan3A_22 = arith.constant 512 : i32
      %add3A_23 = arith.constant 0 : i32
      %add3A_24 = arith.addi %scan3A_21, %add3A_23 : i32
      %swap3A = arith.index_cast %add3A_24 : i32 to index
      %swap3A_25 = tpu.vector_load %arg9[%swap3A] {strides = array<i32>} : memref<8320xi32, #tpu.memory_space<vmem>>, vector<16xi32>,
      tpu.vector_store %arg9[%swap3A], %broadcast_in_dim3A_5 {strides = array<i32>} : memref<8320xi32, #tpu.memory_space<vmem>>, vector<16xi32>,
      %add3A_26 = arith.constant 16 : i32
      %add3A_27 = arith.addi %scan3A_21, %add3A_26 : i32
      %swap3A_28 = arith.index_cast %add3A_27 : i32 to index
      %swap3A_29 = tpu.vector_load %arg9[%swap3A_28] {strides = array<i32>} : memref<8320xi32, #tpu.memory_space<vmem>>, vector<16xi32>,
      tpu.vector_store %arg9[%swap3A_28], %broadcast_in_dim3A_5 {strides = array<i32>} : memref<8320xi32, #tpu.memory_space<vmem>>, vector<16xi32>,
      %add3A_30 = arith.constant 32 : i32
      %add3A_31 = arith.addi %scan3A_21, %add3A_30 : i32
      %swap3A_32 = arith.index_cast %add3A_31 : i32 to index
      %swap3A_33 = tpu.vector_load %arg9[%swap3A_32] {strides = array<i32>} : memref<8320xi32, #tpu.memory_space<vmem>>, vector<16xi32>,
      tpu.vector_store %arg9[%swap3A_32], %broadcast_in_dim3A_5 {strides = array<i32>} : memref<8320xi32, #tpu.memory_space<vmem>>, vector<16xi32>,
      %add3A_34 = arith.constant 48 : i32
      %add3A_35 = arith.addi %scan3A_21, %add3A_34 : i32
      %swap3A_36 = arith.index_cast %add3A_35 : i32 to index
      %swap3A_37 = tpu.vector_load %arg9[%swap3A_36] {strides = array<i32>} : memref<8320xi32, #tpu.memory_space<vmem>>, vector<16xi32>,
      tpu.vector_store %arg9[%swap3A_36], %broadcast_in_dim3A_5 {strides = array<i32>} : memref<8320xi32, #tpu.memory_space<vmem>>, vector<16xi32>,
      %add3A_38 = arith.constant 64 : i32
      %add3A_39 = arith.addi %scan3A_21, %add3A_38 : i32
      %swap3A_40 = arith.index_cast %add3A_39 : i32 to index
      %swap3A_41 = tpu.vector_load %arg9[%swap3A_40] {strides = array<i32>} : memref<8320xi32, #tpu.memory_space<vmem>>, vector<16xi32>,
      tpu.vector_store %arg9[%swap3A_40], %broadcast_in_dim3A_5 {strides = array<i32>} : memref<8320xi32, #tpu.memory_space<vmem>>, vector<16xi32>,
      %add3A_42 = arith.constant 80 : i32
      %add3A_43 = arith.addi %scan3A_21, %add3A_42 : i32
      %swap3A_44 = arith.index_cast %add3A_43 : i32 to index
      %swap3A_45 = tpu.vector_load %arg9[%swap3A_44] {strides = array<i32>} : memref<8320xi32, #tpu.memory_space<vmem>>, vector<16xi32>,
      tpu.vector_store %arg9[%swap3A_44], %broadcast_in_dim3A_5 {strides = array<i32>} : memref<8320xi32, #tpu.memory_space<vmem>>, vector<16xi32>,
      %add3A_46 = arith.constant 96 : i32
      %add3A_47 = arith.addi %scan3A_21, %add3A_46 : i32
      %swap3A_48 = arith.index_cast %add3A_47 : i32 to index
      %swap3A_49 = tpu.vector_load %arg9[%swap3A_48] {strides = array<i32>} : memref<8320xi32, #tpu.memory_space<vmem>>, vector<16xi32>,
      tpu.vector_store %arg9[%swap3A_48], %broadcast_in_dim3A_5 {strides = array<i32>} : memref<8320xi32, #tpu.memory_space<vmem>>, vector<16xi32>,
      %add3A_50 = arith.constant 112 : i32
      %add3A_51 = arith.addi %scan3A_21, %add3A_50 : i32
      %swap3A_52 = arith.index_cast %add3A_51 : i32 to index
      %swap3A_53 = tpu.vector_load %arg9[%swap3A_52] {strides = array<i32>} : memref<8320xi32, #tpu.memory_space<vmem>>, vector<16xi32>,
      tpu.vector_store %arg9[%swap3A_52], %broadcast_in_dim3A_5 {strides = array<i32>} : memref<8320xi32, #tpu.memory_space<vmem>>, vector<16xi32>,
      %iota3A = tpu.iota {dimensions = array<i32: 0>} : vector<16xi32>
      %eq3A = arith.constant 0 : i32
      %eq3A_54 = vector.broadcast %eq3A : i32 to vector<16xi32>
      %eq3A_55 = arith.cmpi eq, %iota3A, %eq3A_54 : vector<16xi32>
      %broadcast_in_dim3A_56 = arith.constant 0 : i32
      %broadcast_in_dim3A_57 = vector.broadcast %broadcast_in_dim3A_56 : i32 to vector<16xi32>
      %add3A_58 = vector.broadcast %scan3A_21 : i32 to vector<16xi32>
      %add3A_59 = arith.addi %broadcast_in_dim3A_57, %add3A_58 : vector<16xi32>
      %swap3A_60 = arith.index_cast %scan3A_11 : i32 to index
      %swap3A_61 = tpu.vector_load %arg11[%swap3A_60] masked %eq3A_55 {strides = array<i32>} : memref<64xi32, #tpu.memory_space<vmem>>, vector<16xi32>, vector<16xi1>
      tpu.vector_store %arg11[%swap3A_60], %add3A_59 masked %eq3A_55 {strides = array<i32>} : memref<64xi32, #tpu.memory_space<vmem>>, vector<16xi32>, vector<16xi1>
      "tpu.region"() ({
        %run_scoped3A = tpu.sem_alloc : memref<!tpu.dma_semaphore, #tpu.memory_space<semaphore_mem>>
        %dma_start3A = arith.constant 0 : i32
        %dma_start3A_62 = tpu.memref_slice %arg9[%dma_start3A] : memref<8320xi32, #tpu.memory_space<vmem>> -> memref<8192xi32, #tpu.memory_space<vmem>>
        %dma_start3A_63 = arith.constant 0 : i32
        %dma_start3A_64 = tpu.memref_slice %arg4[%add3A, %scan3A_11, %dma_start3A_63] : memref<32x40x8192xi32, #tpu.memory_space<hbm>> -> memref<1x1x8192xi32, #tpu.memory_space<hbm>>
        %dma_start3A_65 = tpu.memref_squeeze %dma_start3A_64 : memref<1x1x8192xi32, #tpu.memory_space<hbm>> -> memref<8192xi32, #tpu.memory_space<hbm>>
        %dma_start3A_66 = arith.constant 0 : i32
        %dma_start3A_67 = tpu.memref_slice %arg4[%add3A, %scan3A_11, %dma_start3A_66] : memref<32x40x8192xi32, #tpu.memory_space<hbm>> -> memref<1x1x8192xi32, #tpu.memory_space<hbm>>
        %dma_start3A_68 = tpu.memref_squeeze %dma_start3A_67 : memref<1x1x8192xi32, #tpu.memory_space<hbm>> -> memref<8192xi32, #tpu.memory_space<hbm>>
        %dma_start3A_69 = arith.constant 0 : i32
        %dma_start3A_70 = tpu.memref_slice %arg9[%dma_start3A_69] : memref<8320xi32, #tpu.memory_space<vmem>> -> memref<8192xi32, #tpu.memory_space<vmem>>
        tpu.enqueue_dma source(%dma_start3A_70 : memref<8192xi32, #tpu.memory_space<vmem>>) target(%dma_start3A_68 : memref<8192xi32, #tpu.memory_space<hbm>>) target_semaphore(%run_scoped3A : memref<!tpu.dma_semaphore, #tpu.memory_space<semaphore_mem>>)
        %dma_wait3A = arith.constant 0 : i32
        %dma_wait3A_71 = tpu.memref_slice %arg9[%dma_wait3A] : memref<8320xi32, #tpu.memory_space<vmem>> -> memref<8192xi32, #tpu.memory_space<vmem>>
        %dma_wait3A_72 = arith.constant 0 : i32
        %dma_wait3A_73 = tpu.memref_slice %arg4[%add3A, %scan3A_11, %dma_wait3A_72] : memref<32x40x8192xi32, #tpu.memory_space<hbm>> -> memref<1x1x8192xi32, #tpu.memory_space<hbm>>
        %dma_wait3A_74 = tpu.memref_squeeze %dma_wait3A_73 : memref<1x1x8192xi32, #tpu.memory_space<hbm>> -> memref<8192xi32, #tpu.memory_space<hbm>>
        %dma_wait3A_75 = arith.constant 0 : i32
        %dma_wait3A_76 = tpu.memref_slice %arg4[%add3A, %scan3A_11, %dma_wait3A_75] : memref<32x40x8192xi32, #tpu.memory_space<hbm>> -> memref<1x1x8192xi32, #tpu.memory_space<hbm>>
        %dma_wait3A_77 = tpu.memref_squeeze %dma_wait3A_76 : memref<1x1x8192xi32, #tpu.memory_space<hbm>> -> memref<8192xi32, #tpu.memory_space<hbm>>
        %dma_wait3A_78 = arith.constant 0 : i32
        %dma_wait3A_79 = tpu.memref_slice %arg9[%dma_wait3A_78] : memref<8320xi32, #tpu.memory_space<vmem>> -> memref<8192xi32, #tpu.memory_space<vmem>>
        tpu.wait_dma2 semaphore(%run_scoped3A : memref<!tpu.dma_semaphore, #tpu.memory_space<semaphore_mem>>) src(%dma_wait3A_79 : memref<8192xi32, #tpu.memory_space<vmem>>) dst(%dma_wait3A_77 : memref<8192xi32, #tpu.memory_space<hbm>>)
        tpu.yield
      }) : () -> ()
      "tpu.region"() ({
        %run_scoped3A = tpu.sem_alloc : memref<!tpu.dma_semaphore, #tpu.memory_space<semaphore_mem>>
        %dma_start3A = arith.constant 0 : i32
        %dma_start3A_62 = tpu.memref_slice %arg10[%dma_start3A] : memref<8320xi32, #tpu.memory_space<vmem>> -> memref<8192xi32, #tpu.memory_space<vmem>>
        %dma_start3A_63 = arith.constant 0 : i32
        %dma_start3A_64 = tpu.memref_slice %arg5[%add3A, %scan3A_11, %dma_start3A_63] : memref<32x40x8192xi32, #tpu.memory_space<hbm>> -> memref<1x1x8192xi32, #tpu.memory_space<hbm>>
        %dma_start3A_65 = tpu.memref_squeeze %dma_start3A_64 : memref<1x1x8192xi32, #tpu.memory_space<hbm>> -> memref<8192xi32, #tpu.memory_space<hbm>>
        %dma_start3A_66 = arith.constant 0 : i32
        %dma_start3A_67 = tpu.memref_slice %arg5[%add3A, %scan3A_11, %dma_start3A_66] : memref<32x40x8192xi32, #tpu.memory_space<hbm>> -> memref<1x1x8192xi32, #tpu.memory_space<hbm>>
        %dma_start3A_68 = tpu.memref_squeeze %dma_start3A_67 : memref<1x1x8192xi32, #tpu.memory_space<hbm>> -> memref<8192xi32, #tpu.memory_space<hbm>>
        %dma_start3A_69 = arith.constant 0 : i32
        %dma_start3A_70 = tpu.memref_slice %arg10[%dma_start3A_69] : memref<8320xi32, #tpu.memory_space<vmem>> -> memref<8192xi32, #tpu.memory_space<vmem>>
        tpu.enqueue_dma source(%dma_start3A_70 : memref<8192xi32, #tpu.memory_space<vmem>>) target(%dma_start3A_68 : memref<8192xi32, #tpu.memory_space<hbm>>) target_semaphore(%run_scoped3A : memref<!tpu.dma_semaphore, #tpu.memory_space<semaphore_mem>>)
        %dma_wait3A = arith.constant 0 : i32
        %dma_wait3A_71 = tpu.memref_slice %arg10[%dma_wait3A] : memref<8320xi32, #tpu.memory_space<vmem>> -> memref<8192xi32, #tpu.memory_space<vmem>>
        %dma_wait3A_72 = arith.constant 0 : i32
        %dma_wait3A_73 = tpu.memref_slice %arg5[%add3A, %scan3A_11, %dma_wait3A_72] : memref<32x40x8192xi32, #tpu.memory_space<hbm>> -> memref<1x1x8192xi32, #tpu.memory_space<hbm>>
        %dma_wait3A_74 = tpu.memref_squeeze %dma_wait3A_73 : memref<1x1x8192xi32, #tpu.memory_space<hbm>> -> memref<8192xi32, #tpu.memory_space<hbm>>
        %dma_wait3A_75 = arith.constant 0 : i32
        %dma_wait3A_76 = tpu.memref_slice %arg5[%add3A, %scan3A_11, %dma_wait3A_75] : memref<32x40x8192xi32, #tpu.memory_space<hbm>> -> memref<1x1x8192xi32, #tpu.memory_space<hbm>>
        %dma_wait3A_77 = tpu.memref_squeeze %dma_wait3A_76 : memref<1x1x8192xi32, #tpu.memory_space<hbm>> -> memref<8192xi32, #tpu.memory_space<hbm>>
        %dma_wait3A_78 = arith.constant 0 : i32
        %dma_wait3A_79 = tpu.memref_slice %arg10[%dma_wait3A_78] : memref<8320xi32, #tpu.memory_space<vmem>> -> memref<8192xi32, #tpu.memory_space<vmem>>
        tpu.wait_dma2 semaphore(%run_scoped3A : memref<!tpu.dma_semaphore, #tpu.memory_space<semaphore_mem>>) src(%dma_wait3A_79 : memref<8192xi32, #tpu.memory_space<vmem>>) dst(%dma_wait3A_77 : memref<8192xi32, #tpu.memory_space<hbm>>)
        tpu.yield
      }) : () -> ()
    }
    %scan3A_10 = arith.constant 40 : i32
    "tpu.region"() ({
      %run_scoped3A = tpu.sem_alloc : memref<!tpu.dma_semaphore, #tpu.memory_space<semaphore_mem>>
      %dma_start3A = arith.constant 0 : i32
      %dma_start3A_11 = tpu.memref_slice %arg6[%add3A, %dma_start3A] : memref<32x64xi32, #tpu.memory_space<hbm>> -> memref<1x64xi32, #tpu.memory_space<hbm>>
      %dma_start3A_12 = tpu.memref_squeeze %dma_start3A_11 : memref<1x64xi32, #tpu.memory_space<hbm>> -> memref<64xi32, #tpu.memory_space<hbm>>
      %dma_start3A_13 = arith.constant 0 : i32
      %dma_start3A_14 = tpu.memref_slice %arg6[%add3A, %dma_start3A_13] : memref<32x64xi32, #tpu.memory_space<hbm>> -> memref<1x64xi32, #tpu.memory_space<hbm>>
      %dma_start3A_15 = tpu.memref_squeeze %dma_start3A_14 : memref<1x64xi32, #tpu.memory_space<hbm>> -> memref<64xi32, #tpu.memory_space<hbm>>
      tpu.enqueue_dma source(%arg11 : memref<64xi32, #tpu.memory_space<vmem>>) target(%dma_start3A_15 : memref<64xi32, #tpu.memory_space<hbm>>) target_semaphore(%run_scoped3A : memref<!tpu.dma_semaphore, #tpu.memory_space<semaphore_mem>>)
      %dma_wait3A = arith.constant 0 : i32
      %dma_wait3A_16 = tpu.memref_slice %arg6[%add3A, %dma_wait3A] : memref<32x64xi32, #tpu.memory_space<hbm>> -> memref<1x64xi32, #tpu.memory_space<hbm>>
      %dma_wait3A_17 = tpu.memref_squeeze %dma_wait3A_16 : memref<1x64xi32, #tpu.memory_space<hbm>> -> memref<64xi32, #tpu.memory_space<hbm>>
      %dma_wait3A_18 = arith.constant 0 : i32
      %dma_wait3A_19 = tpu.memref_slice %arg6[%add3A, %dma_wait3A_18] : memref<32x64xi32, #tpu.memory_space<hbm>> -> memref<1x64xi32, #tpu.memory_space<hbm>>
      %dma_wait3A_20 = tpu.memref_squeeze %dma_wait3A_19 : memref<1x64xi32, #tpu.memory_space<hbm>> -> memref<64xi32, #tpu.memory_space<hbm>>
      tpu.wait_dma2 semaphore(%run_scoped3A : memref<!tpu.dma_semaphore, #tpu.memory_space<semaphore_mem>>) src(%arg11 : memref<64xi32, #tpu.memory_space<vmem>>) dst(%dma_wait3A_20 : memref<64xi32, #tpu.memory_space<hbm>>)
      tpu.yield
    }) : () -> ()
    return
  }
}

#map = affine_map<(d0, d1) -> (0, 0)>
#map1 = affine_map<(d0, d1) -> (0, 0, 0)>
module attributes {stable_mosaic.version = 14 : i64} {
  func.func @body(%arg0: i32, %arg1: i32, %arg2: memref<10000x128xf32, #tpu.memory_space<hbm>>, %arg3: memref<32x40x8192xi32, #tpu.memory_space<hbm>>, %arg4: memref<32x40x8192xi32, #tpu.memory_space<hbm>>, %arg5: memref<32x64xi32, #tpu.memory_space<hbm>>, %arg6: memref<320x128xf32, #tpu.memory_space<hbm>>, %arg7: memref<10240x128xf32, #tpu.memory_space<hbm>>, %arg8: memref<8208xi32, #tpu.memory_space<vmem>>, %arg9: memref<8208xi32, #tpu.memory_space<vmem>>, %arg10: memref<64xi32, #tpu.memory_space<vmem>>, %arg11: memref<128x128xf32, #tpu.memory_space<vmem>>, %arg12: memref<320x128xf32, #tpu.memory_space<vmem>>) attributes {dimension_semantics = [#tpu.dimension_semantics<core_parallel>, #tpu.dimension_semantics<subcore_parallel>], iteration_bounds = array<i64: 2, 16>, scalar_prefetch = 0 : i64, scratch_operands = 5 : i64, tpu.core_type = #tpu.core_type<sc_vector_subcore>, window_params = [{transform_indices = #map}, {transform_indices = #map1}, {transform_indices = #map1}, {transform_indices = #map}, {transform_indices = #map}, {transform_indices = #map}]} {
    %mul3A = arith.constant 16 : i32
    %mul3A_0 = arith.muli %arg0, %mul3A : i32
    %add3A = arith.addi %mul3A_0, %arg1 : i32
    %mul3A_1 = arith.constant 320 : i32
    %mul3A_2 = arith.muli %add3A, %mul3A_1 : i32
    "tpu.region"() ({
      %run_scoped3A = tpu.sem_alloc : memref<!tpu.dma_semaphore, #tpu.memory_space<semaphore_mem>>
      tpu.enqueue_dma source(%arg6 : memref<320x128xf32, #tpu.memory_space<hbm>>) target(%arg12 : memref<320x128xf32, #tpu.memory_space<vmem>>) target_semaphore(%run_scoped3A : memref<!tpu.dma_semaphore, #tpu.memory_space<semaphore_mem>>)
      tpu.wait_dma2 semaphore(%run_scoped3A : memref<!tpu.dma_semaphore, #tpu.memory_space<semaphore_mem>>) src(%arg6 : memref<320x128xf32, #tpu.memory_space<hbm>>) dst(%arg12 : memref<320x128xf32, #tpu.memory_space<vmem>>)
      tpu.yield
    }) : () -> ()
    "tpu.region"() ({
      %run_scoped3A = tpu.sem_alloc : memref<!tpu.dma_semaphore, #tpu.memory_space<semaphore_mem>>
      %dma_start3A = arith.constant 0 : i32
      %dma_start3A_10 = tpu.memref_slice %arg5[%add3A, %dma_start3A] : memref<32x64xi32, #tpu.memory_space<hbm>> -> memref<1x64xi32, #tpu.memory_space<hbm>>
      %dma_start3A_11 = tpu.memref_squeeze %dma_start3A_10 : memref<1x64xi32, #tpu.memory_space<hbm>> -> memref<64xi32, #tpu.memory_space<hbm>>
      %dma_start3A_12 = arith.constant 0 : i32
      %dma_start3A_13 = tpu.memref_slice %arg5[%add3A, %dma_start3A_12] : memref<32x64xi32, #tpu.memory_space<hbm>> -> memref<1x64xi32, #tpu.memory_space<hbm>>
      %dma_start3A_14 = tpu.memref_squeeze %dma_start3A_13 : memref<1x64xi32, #tpu.memory_space<hbm>> -> memref<64xi32, #tpu.memory_space<hbm>>
      tpu.enqueue_dma source(%dma_start3A_14 : memref<64xi32, #tpu.memory_space<hbm>>) target(%arg10 : memref<64xi32, #tpu.memory_space<vmem>>) target_semaphore(%run_scoped3A : memref<!tpu.dma_semaphore, #tpu.memory_space<semaphore_mem>>)
      %dma_wait3A = arith.constant 0 : i32
      %dma_wait3A_15 = tpu.memref_slice %arg5[%add3A, %dma_wait3A] : memref<32x64xi32, #tpu.memory_space<hbm>> -> memref<1x64xi32, #tpu.memory_space<hbm>>
      %dma_wait3A_16 = tpu.memref_squeeze %dma_wait3A_15 : memref<1x64xi32, #tpu.memory_space<hbm>> -> memref<64xi32, #tpu.memory_space<hbm>>
      %dma_wait3A_17 = arith.constant 0 : i32
      %dma_wait3A_18 = tpu.memref_slice %arg5[%add3A, %dma_wait3A_17] : memref<32x64xi32, #tpu.memory_space<hbm>> -> memref<1x64xi32, #tpu.memory_space<hbm>>
      %dma_wait3A_19 = tpu.memref_squeeze %dma_wait3A_18 : memref<1x64xi32, #tpu.memory_space<hbm>> -> memref<64xi32, #tpu.memory_space<hbm>>
      tpu.wait_dma2 semaphore(%run_scoped3A : memref<!tpu.dma_semaphore, #tpu.memory_space<semaphore_mem>>) src(%dma_wait3A_19 : memref<64xi32, #tpu.memory_space<hbm>>) dst(%arg10 : memref<64xi32, #tpu.memory_space<vmem>>)
      tpu.yield
    }) : () -> ()
    %scan3A = arith.constant 0 : i32
    %scan3A_3 = arith.constant 0 : i32
    %scan3A_4 = arith.constant 40 : i32
    %scan3A_5 = arith.addi %scan3A_3, %scan3A_4 : i32
    %scan3A_6 = arith.constant 1 : i32
    scf.for %scan3A_10 = %scan3A_3 to %scan3A_5 step %scan3A_6  : i32 {
      %get3A = arith.index_cast %scan3A_10 : i32 to index
      %get3A_11 = tpu.vector_load %arg10[%get3A] {strides = array<i32>} : memref<64xi32, #tpu.memory_space<vmem>>, vector<16xi32>,
      %slice3A = vector.extract_strided_slice %get3A_11 {offsets = [0], sizes = [1], strides = [1]} : vector<16xi32> to vector<1xi32>
      %squeeze3A = vector.extract %slice3A[0] : i32 from vector<1xi32>
      %gt3A = arith.constant 0 : i32
      %gt3A_12 = arith.cmpi sgt, %squeeze3A, %gt3A : i32
      %convert_element_type3A = arith.extui %gt3A_12 : i1 to i32
      %cond3A = arith.constant 0 : i32
      %cond3A_13 = arith.cmpi ne, %convert_element_type3A, %cond3A : i32
      scf.if %cond3A_13 {
        %le3A = arith.constant 2048 : i32
        %le3A_14 = arith.cmpi sle, %squeeze3A, %le3A : i32
        %convert_element_type3A_15 = arith.extui %le3A_14 : i1 to i32
        %cond3A_16 = arith.constant 0 : i32
        %cond3A_17 = arith.cmpi ne, %convert_element_type3A_15, %cond3A_16 : i32
        scf.if %cond3A_17 {
          "tpu.region"() ({
            %run_scoped3A = tpu.sem_alloc : memref<!tpu.dma_semaphore, #tpu.memory_space<semaphore_mem>>
            %dma_start3A = arith.constant 0 : i32
            %dma_start3A_35 = tpu.memref_slice %arg8[%dma_start3A] : memref<8208xi32, #tpu.memory_space<vmem>> -> memref<2048xi32, #tpu.memory_space<vmem>>
            %dma_start3A_36 = arith.constant 0 : i32
            %dma_start3A_37 = tpu.memref_slice %arg3[%add3A, %scan3A_10, %dma_start3A_36] : memref<32x40x8192xi32, #tpu.memory_space<hbm>> -> memref<1x1x2048xi32, #tpu.memory_space<hbm>>
            %dma_start3A_38 = tpu.memref_squeeze %dma_start3A_37 : memref<1x1x2048xi32, #tpu.memory_space<hbm>> -> memref<2048xi32, #tpu.memory_space<hbm>>
            %dma_start3A_39 = arith.constant 0 : i32
            %dma_start3A_40 = tpu.memref_slice %arg8[%dma_start3A_39] : memref<8208xi32, #tpu.memory_space<vmem>> -> memref<2048xi32, #tpu.memory_space<vmem>>
            %dma_start3A_41 = arith.constant 0 : i32
            %dma_start3A_42 = tpu.memref_slice %arg3[%add3A, %scan3A_10, %dma_start3A_41] : memref<32x40x8192xi32, #tpu.memory_space<hbm>> -> memref<1x1x2048xi32, #tpu.memory_space<hbm>>
            %dma_start3A_43 = tpu.memref_squeeze %dma_start3A_42 : memref<1x1x2048xi32, #tpu.memory_space<hbm>> -> memref<2048xi32, #tpu.memory_space<hbm>>
            tpu.enqueue_dma source(%dma_start3A_43 : memref<2048xi32, #tpu.memory_space<hbm>>) target(%dma_start3A_40 : memref<2048xi32, #tpu.memory_space<vmem>>) target_semaphore(%run_scoped3A : memref<!tpu.dma_semaphore, #tpu.memory_space<semaphore_mem>>)
            %dma_wait3A = arith.constant 0 : i32
            %dma_wait3A_44 = tpu.memref_slice %arg8[%dma_wait3A] : memref<8208xi32, #tpu.memory_space<vmem>> -> memref<2048xi32, #tpu.memory_space<vmem>>
            %dma_wait3A_45 = arith.constant 0 : i32
            %dma_wait3A_46 = tpu.memref_slice %arg3[%add3A, %scan3A_10, %dma_wait3A_45] : memref<32x40x8192xi32, #tpu.memory_space<hbm>> -> memref<1x1x2048xi32, #tpu.memory_space<hbm>>
            %dma_wait3A_47 = tpu.memref_squeeze %dma_wait3A_46 : memref<1x1x2048xi32, #tpu.memory_space<hbm>> -> memref<2048xi32, #tpu.memory_space<hbm>>
            %dma_wait3A_48 = arith.constant 0 : i32
            %dma_wait3A_49 = tpu.memref_slice %arg8[%dma_wait3A_48] : memref<8208xi32, #tpu.memory_space<vmem>> -> memref<2048xi32, #tpu.memory_space<vmem>>
            %dma_wait3A_50 = arith.constant 0 : i32
            %dma_wait3A_51 = tpu.memref_slice %arg3[%add3A, %scan3A_10, %dma_wait3A_50] : memref<32x40x8192xi32, #tpu.memory_space<hbm>> -> memref<1x1x2048xi32, #tpu.memory_space<hbm>>
            %dma_wait3A_52 = tpu.memref_squeeze %dma_wait3A_51 : memref<1x1x2048xi32, #tpu.memory_space<hbm>> -> memref<2048xi32, #tpu.memory_space<hbm>>
            tpu.wait_dma2 semaphore(%run_scoped3A : memref<!tpu.dma_semaphore, #tpu.memory_space<semaphore_mem>>) src(%dma_wait3A_52 : memref<2048xi32, #tpu.memory_space<hbm>>) dst(%dma_wait3A_49 : memref<2048xi32, #tpu.memory_space<vmem>>)
            tpu.yield
          }) : () -> ()
          "tpu.region"() ({
            %run_scoped3A = tpu.sem_alloc : memref<!tpu.dma_semaphore, #tpu.memory_space<semaphore_mem>>
            %dma_start3A = arith.constant 0 : i32
            %dma_start3A_35 = tpu.memref_slice %arg9[%dma_start3A] : memref<8208xi32, #tpu.memory_space<vmem>> -> memref<2048xi32, #tpu.memory_space<vmem>>
            %dma_start3A_36 = arith.constant 0 : i32
            %dma_start3A_37 = tpu.memref_slice %arg4[%add3A, %scan3A_10, %dma_start3A_36] : memref<32x40x8192xi32, #tpu.memory_space<hbm>> -> memref<1x1x2048xi32, #tpu.memory_space<hbm>>
            %dma_start3A_38 = tpu.memref_squeeze %dma_start3A_37 : memref<1x1x2048xi32, #tpu.memory_space<hbm>> -> memref<2048xi32, #tpu.memory_space<hbm>>
            %dma_start3A_39 = arith.constant 0 : i32
            %dma_start3A_40 = tpu.memref_slice %arg9[%dma_start3A_39] : memref<8208xi32, #tpu.memory_space<vmem>> -> memref<2048xi32, #tpu.memory_space<vmem>>
            %dma_start3A_41 = arith.constant 0 : i32
            %dma_start3A_42 = tpu.memref_slice %arg4[%add3A, %scan3A_10, %dma_start3A_41] : memref<32x40x8192xi32, #tpu.memory_space<hbm>> -> memref<1x1x2048xi32, #tpu.memory_space<hbm>>
            %dma_start3A_43 = tpu.memref_squeeze %dma_start3A_42 : memref<1x1x2048xi32, #tpu.memory_space<hbm>> -> memref<2048xi32, #tpu.memory_space<hbm>>
            tpu.enqueue_dma source(%dma_start3A_43 : memref<2048xi32, #tpu.memory_space<hbm>>) target(%dma_start3A_40 : memref<2048xi32, #tpu.memory_space<vmem>>) target_semaphore(%run_scoped3A : memref<!tpu.dma_semaphore, #tpu.memory_space<semaphore_mem>>)
            %dma_wait3A = arith.constant 0 : i32
            %dma_wait3A_44 = tpu.memref_slice %arg9[%dma_wait3A] : memref<8208xi32, #tpu.memory_space<vmem>> -> memref<2048xi32, #tpu.memory_space<vmem>>
            %dma_wait3A_45 = arith.constant 0 : i32
            %dma_wait3A_46 = tpu.memref_slice %arg4[%add3A, %scan3A_10, %dma_wait3A_45] : memref<32x40x8192xi32, #tpu.memory_space<hbm>> -> memref<1x1x2048xi32, #tpu.memory_space<hbm>>
            %dma_wait3A_47 = tpu.memref_squeeze %dma_wait3A_46 : memref<1x1x2048xi32, #tpu.memory_space<hbm>> -> memref<2048xi32, #tpu.memory_space<hbm>>
            %dma_wait3A_48 = arith.constant 0 : i32
            %dma_wait3A_49 = tpu.memref_slice %arg9[%dma_wait3A_48] : memref<8208xi32, #tpu.memory_space<vmem>> -> memref<2048xi32, #tpu.memory_space<vmem>>
            %dma_wait3A_50 = arith.constant 0 : i32
            %dma_wait3A_51 = tpu.memref_slice %arg4[%add3A, %scan3A_10, %dma_wait3A_50] : memref<32x40x8192xi32, #tpu.memory_space<hbm>> -> memref<1x1x2048xi32, #tpu.memory_space<hbm>>
            %dma_wait3A_52 = tpu.memref_squeeze %dma_wait3A_51 : memref<1x1x2048xi32, #tpu.memory_space<hbm>> -> memref<2048xi32, #tpu.memory_space<hbm>>
            tpu.wait_dma2 semaphore(%run_scoped3A : memref<!tpu.dma_semaphore, #tpu.memory_space<semaphore_mem>>) src(%dma_wait3A_52 : memref<2048xi32, #tpu.memory_space<hbm>>) dst(%dma_wait3A_49 : memref<2048xi32, #tpu.memory_space<vmem>>)
            tpu.yield
          }) : () -> ()
        } else {
        }
        %gt3A_18 = arith.constant 2048 : i32
        %gt3A_19 = arith.cmpi sgt, %squeeze3A, %gt3A_18 : i32
        %convert_element_type3A_20 = arith.extui %gt3A_19 : i1 to i32
        %cond3A_21 = arith.constant 0 : i32
        %cond3A_22 = arith.cmpi ne, %convert_element_type3A_20, %cond3A_21 : i32
        scf.if %cond3A_22 {
          "tpu.region"() ({
            %run_scoped3A = tpu.sem_alloc : memref<!tpu.dma_semaphore, #tpu.memory_space<semaphore_mem>>
            %dma_start3A = arith.constant 0 : i32
            %dma_start3A_35 = tpu.memref_slice %arg8[%dma_start3A] : memref<8208xi32, #tpu.memory_space<vmem>> -> memref<8192xi32, #tpu.memory_space<vmem>>
            %dma_start3A_36 = arith.constant 0 : i32
            %dma_start3A_37 = tpu.memref_slice %arg3[%add3A, %scan3A_10, %dma_start3A_36] : memref<32x40x8192xi32, #tpu.memory_space<hbm>> -> memref<1x1x8192xi32, #tpu.memory_space<hbm>>
            %dma_start3A_38 = tpu.memref_squeeze %dma_start3A_37 : memref<1x1x8192xi32, #tpu.memory_space<hbm>> -> memref<8192xi32, #tpu.memory_space<hbm>>
            %dma_start3A_39 = arith.constant 0 : i32
            %dma_start3A_40 = tpu.memref_slice %arg8[%dma_start3A_39] : memref<8208xi32, #tpu.memory_space<vmem>> -> memref<8192xi32, #tpu.memory_space<vmem>>
            %dma_start3A_41 = arith.constant 0 : i32
            %dma_start3A_42 = tpu.memref_slice %arg3[%add3A, %scan3A_10, %dma_start3A_41] : memref<32x40x8192xi32, #tpu.memory_space<hbm>> -> memref<1x1x8192xi32, #tpu.memory_space<hbm>>
            %dma_start3A_43 = tpu.memref_squeeze %dma_start3A_42 : memref<1x1x8192xi32, #tpu.memory_space<hbm>> -> memref<8192xi32, #tpu.memory_space<hbm>>
            tpu.enqueue_dma source(%dma_start3A_43 : memref<8192xi32, #tpu.memory_space<hbm>>) target(%dma_start3A_40 : memref<8192xi32, #tpu.memory_space<vmem>>) target_semaphore(%run_scoped3A : memref<!tpu.dma_semaphore, #tpu.memory_space<semaphore_mem>>)
            %dma_wait3A = arith.constant 0 : i32
            %dma_wait3A_44 = tpu.memref_slice %arg8[%dma_wait3A] : memref<8208xi32, #tpu.memory_space<vmem>> -> memref<8192xi32, #tpu.memory_space<vmem>>
            %dma_wait3A_45 = arith.constant 0 : i32
            %dma_wait3A_46 = tpu.memref_slice %arg3[%add3A, %scan3A_10, %dma_wait3A_45] : memref<32x40x8192xi32, #tpu.memory_space<hbm>> -> memref<1x1x8192xi32, #tpu.memory_space<hbm>>
            %dma_wait3A_47 = tpu.memref_squeeze %dma_wait3A_46 : memref<1x1x8192xi32, #tpu.memory_space<hbm>> -> memref<8192xi32, #tpu.memory_space<hbm>>
            %dma_wait3A_48 = arith.constant 0 : i32
            %dma_wait3A_49 = tpu.memref_slice %arg8[%dma_wait3A_48] : memref<8208xi32, #tpu.memory_space<vmem>> -> memref<8192xi32, #tpu.memory_space<vmem>>
            %dma_wait3A_50 = arith.constant 0 : i32
            %dma_wait3A_51 = tpu.memref_slice %arg3[%add3A, %scan3A_10, %dma_wait3A_50] : memref<32x40x8192xi32, #tpu.memory_space<hbm>> -> memref<1x1x8192xi32, #tpu.memory_space<hbm>>
            %dma_wait3A_52 = tpu.memref_squeeze %dma_wait3A_51 : memref<1x1x8192xi32, #tpu.memory_space<hbm>> -> memref<8192xi32, #tpu.memory_space<hbm>>
            tpu.wait_dma2 semaphore(%run_scoped3A : memref<!tpu.dma_semaphore, #tpu.memory_space<semaphore_mem>>) src(%dma_wait3A_52 : memref<8192xi32, #tpu.memory_space<hbm>>) dst(%dma_wait3A_49 : memref<8192xi32, #tpu.memory_space<vmem>>)
            tpu.yield
          }) : () -> ()
          "tpu.region"() ({
            %run_scoped3A = tpu.sem_alloc : memref<!tpu.dma_semaphore, #tpu.memory_space<semaphore_mem>>
            %dma_start3A = arith.constant 0 : i32
            %dma_start3A_35 = tpu.memref_slice %arg9[%dma_start3A] : memref<8208xi32, #tpu.memory_space<vmem>> -> memref<8192xi32, #tpu.memory_space<vmem>>
            %dma_start3A_36 = arith.constant 0 : i32
            %dma_start3A_37 = tpu.memref_slice %arg4[%add3A, %scan3A_10, %dma_start3A_36] : memref<32x40x8192xi32, #tpu.memory_space<hbm>> -> memref<1x1x8192xi32, #tpu.memory_space<hbm>>
            %dma_start3A_38 = tpu.memref_squeeze %dma_start3A_37 : memref<1x1x8192xi32, #tpu.memory_space<hbm>> -> memref<8192xi32, #tpu.memory_space<hbm>>
            %dma_start3A_39 = arith.constant 0 : i32
            %dma_start3A_40 = tpu.memref_slice %arg9[%dma_start3A_39] : memref<8208xi32, #tpu.memory_space<vmem>> -> memref<8192xi32, #tpu.memory_space<vmem>>
            %dma_start3A_41 = arith.constant 0 : i32
            %dma_start3A_42 = tpu.memref_slice %arg4[%add3A, %scan3A_10, %dma_start3A_41] : memref<32x40x8192xi32, #tpu.memory_space<hbm>> -> memref<1x1x8192xi32, #tpu.memory_space<hbm>>
            %dma_start3A_43 = tpu.memref_squeeze %dma_start3A_42 : memref<1x1x8192xi32, #tpu.memory_space<hbm>> -> memref<8192xi32, #tpu.memory_space<hbm>>
            tpu.enqueue_dma source(%dma_start3A_43 : memref<8192xi32, #tpu.memory_space<hbm>>) target(%dma_start3A_40 : memref<8192xi32, #tpu.memory_space<vmem>>) target_semaphore(%run_scoped3A : memref<!tpu.dma_semaphore, #tpu.memory_space<semaphore_mem>>)
            %dma_wait3A = arith.constant 0 : i32
            %dma_wait3A_44 = tpu.memref_slice %arg9[%dma_wait3A] : memref<8208xi32, #tpu.memory_space<vmem>> -> memref<8192xi32, #tpu.memory_space<vmem>>
            %dma_wait3A_45 = arith.constant 0 : i32
            %dma_wait3A_46 = tpu.memref_slice %arg4[%add3A, %scan3A_10, %dma_wait3A_45] : memref<32x40x8192xi32, #tpu.memory_space<hbm>> -> memref<1x1x8192xi32, #tpu.memory_space<hbm>>
            %dma_wait3A_47 = tpu.memref_squeeze %dma_wait3A_46 : memref<1x1x8192xi32, #tpu.memory_space<hbm>> -> memref<8192xi32, #tpu.memory_space<hbm>>
            %dma_wait3A_48 = arith.constant 0 : i32
            %dma_wait3A_49 = tpu.memref_slice %arg9[%dma_wait3A_48] : memref<8208xi32, #tpu.memory_space<vmem>> -> memref<8192xi32, #tpu.memory_space<vmem>>
            %dma_wait3A_50 = arith.constant 0 : i32
            %dma_wait3A_51 = tpu.memref_slice %arg4[%add3A, %scan3A_10, %dma_wait3A_50] : memref<32x40x8192xi32, #tpu.memory_space<hbm>> -> memref<1x1x8192xi32, #tpu.memory_space<hbm>>
            %dma_wait3A_52 = tpu.memref_squeeze %dma_wait3A_51 : memref<1x1x8192xi32, #tpu.memory_space<hbm>> -> memref<8192xi32, #tpu.memory_space<hbm>>
            tpu.wait_dma2 semaphore(%run_scoped3A : memref<!tpu.dma_semaphore, #tpu.memory_space<semaphore_mem>>) src(%dma_wait3A_52 : memref<8192xi32, #tpu.memory_space<hbm>>) dst(%dma_wait3A_49 : memref<8192xi32, #tpu.memory_space<vmem>>)
            tpu.yield
          }) : () -> ()
        } else {
        }
        %add3A_23 = arith.constant 127 : i32
        %add3A_24 = arith.addi %squeeze3A, %add3A_23 : i32
        %shift_right_arithmetic3A = arith.constant 7 : i32
        %shift_right_arithmetic3A_25 = arith.shrsi %add3A_24, %shift_right_arithmetic3A : i32
        %while3A = arith.constant 0 : i32
        %while3A_26 = arith.constant 0 : i32
        %while3A_27 = arith.subi %shift_right_arithmetic3A_25, %while3A_26 : i32
        %while3A_28 = arith.addi %while3A_26, %while3A_27 : i32
        %while3A_29 = arith.constant 1 : i32
        %while3A_30 = arith.divsi %while3A_27, %while3A_29 : i32
        %while3A_31 = arith.muli %while3A_30, %while3A_29 : i32
        %while3A_32 = arith.addi %while3A_26, %while3A_31 : i32
        %while3A_33 = arith.constant 1 : i32
        scf.for %while3A_35 = %while3A_26 to %while3A_32 step %while3A_33  : i32 {
          %mul3A_36 = arith.constant 128 : i32
          %mul3A_37 = arith.muli %while3A_35, %mul3A_36 : i32
          "tpu.region"() ({
            %run_scoped3A = tpu.sem_alloc : memref<!tpu.dma_semaphore, #tpu.memory_space<semaphore_mem>>
            %dma_start3A = tpu.memref_slice %arg8[%mul3A_37] : memref<8208xi32, #tpu.memory_space<vmem>> -> memref<128xi32, #tpu.memory_space<vmem>>
            %dma_start3A_51 = arith.constant 0 : i32
            %dma_start3A_52 = arith.constant 0 : i32
            %dma_start3A_53 = tpu.memref_slice %arg2[%dma_start3A_51, %dma_start3A_52] : memref<10000x128xf32, #tpu.memory_space<hbm>> -> memref<10000x128xf32, #tpu.memory_space<hbm>>
            tpu.enqueue_indirect_dma source(%dma_start3A_53 : memref<10000x128xf32, #tpu.memory_space<hbm>>) target(%arg11 : memref<128x128xf32, #tpu.memory_space<vmem>>) offsets(%dma_start3A : memref<128xi32, #tpu.memory_space<vmem>>) semaphore(%run_scoped3A : memref<!tpu.dma_semaphore, #tpu.memory_space<semaphore_mem>>)
            %dma_wait3A = tpu.memref_slice %arg8[%mul3A_37] : memref<8208xi32, #tpu.memory_space<vmem>> -> memref<128xi32, #tpu.memory_space<vmem>>
            %dma_wait3A_54 = arith.constant 0 : i32
            %dma_wait3A_55 = arith.constant 0 : i32
            %dma_wait3A_56 = tpu.memref_slice %arg2[%dma_wait3A_54, %dma_wait3A_55] : memref<10000x128xf32, #tpu.memory_space<hbm>> -> memref<10000x128xf32, #tpu.memory_space<hbm>>
            tpu.wait_indirect_dma semaphore(%run_scoped3A : memref<!tpu.dma_semaphore, #tpu.memory_space<semaphore_mem>>) src(%dma_wait3A_56 : memref<10000x128xf32, #tpu.memory_space<hbm>>) dst(%arg11 : memref<128x128xf32, #tpu.memory_space<vmem>>)
            tpu.yield
          }) : () -> ()
          %mul3A_38 = arith.constant 128 : i32
          %mul3A_39 = arith.muli %while3A_35, %mul3A_38 : i32
          %sub3A = arith.subi %squeeze3A, %mul3A_39 : i32
          %min3A = arith.constant 128 : i32
          %min3A_40 = arith.minsi %sub3A, %min3A : i32
          %while3A_41 = arith.constant 0 : i32
          %while3A_42 = arith.constant 0 : i32
          %while3A_43 = arith.subi %min3A_40, %while3A_42 : i32
          %while3A_44 = arith.addi %while3A_42, %while3A_43 : i32
          %while3A_45 = arith.constant 1 : i32
          %while3A_46 = arith.divsi %while3A_43, %while3A_45 : i32
          %while3A_47 = arith.muli %while3A_46, %while3A_45 : i32
          %while3A_48 = arith.addi %while3A_42, %while3A_47 : i32
          %while3A_49 = arith.constant 1 : i32
          scf.for %while3A_51 = %while3A_42 to %while3A_48 step %while3A_49  : i32 {
            %mul3A_52 = arith.constant 128 : i32
            %mul3A_53 = arith.muli %while3A_35, %mul3A_52 : i32
            %add3A_54 = arith.addi %mul3A_53, %while3A_51 : i32
            %get3A_55 = arith.index_cast %add3A_54 : i32 to index
            %get3A_56 = tpu.vector_load %arg9[%get3A_55] {strides = array<i32>} : memref<8208xi32, #tpu.memory_space<vmem>>, vector<16xi32>,
            %slice3A_57 = vector.extract_strided_slice %get3A_56 {offsets = [0], sizes = [1], strides = [1]} : vector<16xi32> to vector<1xi32>
            %squeeze3A_58 = vector.extract %slice3A_57[0] : i32 from vector<1xi32>
            %sub3A_59 = arith.subi %squeeze3A_58, %mul3A_2 : i32
            %get3A_60 = arith.index_cast %sub3A_59 : i32 to index
            %get3A_61 = arith.constant 0 : index
            %get3A_62 = tpu.vector_load %arg12[%get3A_60, %get3A_61] {strides = array<i32>} : memref<320x128xf32, #tpu.memory_space<vmem>>, vector<16xf32>,
            %get3A_63 = arith.index_cast %while3A_51 : i32 to index
            %get3A_64 = arith.constant 0 : index
            %get3A_65 = tpu.vector_load %arg11[%get3A_63, %get3A_64] {strides = array<i32>} : memref<128x128xf32, #tpu.memory_space<vmem>>, vector<16xf32>,
            %add3A_66 = arith.addf %get3A_62, %get3A_65 : vector<16xf32>
            %swap3A = arith.index_cast %sub3A_59 : i32 to index
            %swap3A_67 = arith.constant 0 : index
            %swap3A_68 = tpu.vector_load %arg12[%swap3A, %swap3A_67] {strides = array<i32>} : memref<320x128xf32, #tpu.memory_space<vmem>>, vector<16xf32>,
            tpu.vector_store %arg12[%swap3A, %swap3A_67], %add3A_66 {strides = array<i32>} : memref<320x128xf32, #tpu.memory_space<vmem>>, vector<16xf32>,
            %get3A_69 = arith.index_cast %sub3A_59 : i32 to index
            %get3A_70 = arith.constant 16 : index
            %get3A_71 = tpu.vector_load %arg12[%get3A_69, %get3A_70] {strides = array<i32>} : memref<320x128xf32, #tpu.memory_space<vmem>>, vector<16xf32>,
            %get3A_72 = arith.index_cast %while3A_51 : i32 to index
            %get3A_73 = arith.constant 16 : index
            %get3A_74 = tpu.vector_load %arg11[%get3A_72, %get3A_73] {strides = array<i32>} : memref<128x128xf32, #tpu.memory_space<vmem>>, vector<16xf32>,
            %add3A_75 = arith.addf %get3A_71, %get3A_74 : vector<16xf32>
            %swap3A_76 = arith.index_cast %sub3A_59 : i32 to index
            %swap3A_77 = arith.constant 16 : index
            %swap3A_78 = tpu.vector_load %arg12[%swap3A_76, %swap3A_77] {strides = array<i32>} : memref<320x128xf32, #tpu.memory_space<vmem>>, vector<16xf32>,
            tpu.vector_store %arg12[%swap3A_76, %swap3A_77], %add3A_75 {strides = array<i32>} : memref<320x128xf32, #tpu.memory_space<vmem>>, vector<16xf32>,
            %get3A_79 = arith.index_cast %sub3A_59 : i32 to index
            %get3A_80 = arith.constant 32 : index
            %get3A_81 = tpu.vector_load %arg12[%get3A_79, %get3A_80] {strides = array<i32>} : memref<320x128xf32, #tpu.memory_space<vmem>>, vector<16xf32>,
            %get3A_82 = arith.index_cast %while3A_51 : i32 to index
            %get3A_83 = arith.constant 32 : index
            %get3A_84 = tpu.vector_load %arg11[%get3A_82, %get3A_83] {strides = array<i32>} : memref<128x128xf32, #tpu.memory_space<vmem>>, vector<16xf32>,
            %add3A_85 = arith.addf %get3A_81, %get3A_84 : vector<16xf32>
            %swap3A_86 = arith.index_cast %sub3A_59 : i32 to index
            %swap3A_87 = arith.constant 32 : index
            %swap3A_88 = tpu.vector_load %arg12[%swap3A_86, %swap3A_87] {strides = array<i32>} : memref<320x128xf32, #tpu.memory_space<vmem>>, vector<16xf32>,
            tpu.vector_store %arg12[%swap3A_86, %swap3A_87], %add3A_85 {strides = array<i32>} : memref<320x128xf32, #tpu.memory_space<vmem>>, vector<16xf32>,
            %get3A_89 = arith.index_cast %sub3A_59 : i32 to index
            %get3A_90 = arith.constant 48 : index
            %get3A_91 = tpu.vector_load %arg12[%get3A_89, %get3A_90] {strides = array<i32>} : memref<320x128xf32, #tpu.memory_space<vmem>>, vector<16xf32>,
            %get3A_92 = arith.index_cast %while3A_51 : i32 to index
            %get3A_93 = arith.constant 48 : index
            %get3A_94 = tpu.vector_load %arg11[%get3A_92, %get3A_93] {strides = array<i32>} : memref<128x128xf32, #tpu.memory_space<vmem>>, vector<16xf32>,
            %add3A_95 = arith.addf %get3A_91, %get3A_94 : vector<16xf32>
            %swap3A_96 = arith.index_cast %sub3A_59 : i32 to index
            %swap3A_97 = arith.constant 48 : index
            %swap3A_98 = tpu.vector_load %arg12[%swap3A_96, %swap3A_97] {strides = array<i32>} : memref<320x128xf32, #tpu.memory_space<vmem>>, vector<16xf32>,
            tpu.vector_store %arg12[%swap3A_96, %swap3A_97], %add3A_95 {strides = array<i32>} : memref<320x128xf32, #tpu.memory_space<vmem>>, vector<16xf32>,
            %get3A_99 = arith.index_cast %sub3A_59 : i32 to index
            %get3A_100 = arith.constant 64 : index
            %get3A_101 = tpu.vector_load %arg12[%get3A_99, %get3A_100] {strides = array<i32>} : memref<320x128xf32, #tpu.memory_space<vmem>>, vector<16xf32>,
            %get3A_102 = arith.index_cast %while3A_51 : i32 to index
            %get3A_103 = arith.constant 64 : index
            %get3A_104 = tpu.vector_load %arg11[%get3A_102, %get3A_103] {strides = array<i32>} : memref<128x128xf32, #tpu.memory_space<vmem>>, vector<16xf32>,
            %add3A_105 = arith.addf %get3A_101, %get3A_104 : vector<16xf32>
            %swap3A_106 = arith.index_cast %sub3A_59 : i32 to index
            %swap3A_107 = arith.constant 64 : index
            %swap3A_108 = tpu.vector_load %arg12[%swap3A_106, %swap3A_107] {strides = array<i32>} : memref<320x128xf32, #tpu.memory_space<vmem>>, vector<16xf32>,
            tpu.vector_store %arg12[%swap3A_106, %swap3A_107], %add3A_105 {strides = array<i32>} : memref<320x128xf32, #tpu.memory_space<vmem>>, vector<16xf32>,
            %get3A_109 = arith.index_cast %sub3A_59 : i32 to index
            %get3A_110 = arith.constant 80 : index
            %get3A_111 = tpu.vector_load %arg12[%get3A_109, %get3A_110] {strides = array<i32>} : memref<320x128xf32, #tpu.memory_space<vmem>>, vector<16xf32>,
            %get3A_112 = arith.index_cast %while3A_51 : i32 to index
            %get3A_113 = arith.constant 80 : index
            %get3A_114 = tpu.vector_load %arg11[%get3A_112, %get3A_113] {strides = array<i32>} : memref<128x128xf32, #tpu.memory_space<vmem>>, vector<16xf32>,
            %add3A_115 = arith.addf %get3A_111, %get3A_114 : vector<16xf32>
            %swap3A_116 = arith.index_cast %sub3A_59 : i32 to index
            %swap3A_117 = arith.constant 80 : index
            %swap3A_118 = tpu.vector_load %arg12[%swap3A_116, %swap3A_117] {strides = array<i32>} : memref<320x128xf32, #tpu.memory_space<vmem>>, vector<16xf32>,
            tpu.vector_store %arg12[%swap3A_116, %swap3A_117], %add3A_115 {strides = array<i32>} : memref<320x128xf32, #tpu.memory_space<vmem>>, vector<16xf32>,
            %get3A_119 = arith.index_cast %sub3A_59 : i32 to index
            %get3A_120 = arith.constant 96 : index
            %get3A_121 = tpu.vector_load %arg12[%get3A_119, %get3A_120] {strides = array<i32>} : memref<320x128xf32, #tpu.memory_space<vmem>>, vector<16xf32>,
            %get3A_122 = arith.index_cast %while3A_51 : i32 to index
            %get3A_123 = arith.constant 96 : index
            %get3A_124 = tpu.vector_load %arg11[%get3A_122, %get3A_123] {strides = array<i32>} : memref<128x128xf32, #tpu.memory_space<vmem>>, vector<16xf32>,
            %add3A_125 = arith.addf %get3A_121, %get3A_124 : vector<16xf32>
            %swap3A_126 = arith.index_cast %sub3A_59 : i32 to index
            %swap3A_127 = arith.constant 96 : index
            %swap3A_128 = tpu.vector_load %arg12[%swap3A_126, %swap3A_127] {strides = array<i32>} : memref<320x128xf32, #tpu.memory_space<vmem>>, vector<16xf32>,
            tpu.vector_store %arg12[%swap3A_126, %swap3A_127], %add3A_125 {strides = array<i32>} : memref<320x128xf32, #tpu.memory_space<vmem>>, vector<16xf32>,
            %get3A_129 = arith.index_cast %sub3A_59 : i32 to index
            %get3A_130 = arith.constant 112 : index
            %get3A_131 = tpu.vector_load %arg12[%get3A_129, %get3A_130] {strides = array<i32>} : memref<320x128xf32, #tpu.memory_space<vmem>>, vector<16xf32>,
            %get3A_132 = arith.index_cast %while3A_51 : i32 to index
            %get3A_133 = arith.constant 112 : index
            %get3A_134 = tpu.vector_load %arg11[%get3A_132, %get3A_133] {strides = array<i32>} : memref<128x128xf32, #tpu.memory_space<vmem>>, vector<16xf32>,
            %add3A_135 = arith.addf %get3A_131, %get3A_134 : vector<16xf32>
            %swap3A_136 = arith.index_cast %sub3A_59 : i32 to index
            %swap3A_137 = arith.constant 112 : index
            %swap3A_138 = tpu.vector_load %arg12[%swap3A_136, %swap3A_137] {strides = array<i32>} : memref<320x128xf32, #tpu.memory_space<vmem>>, vector<16xf32>,
            tpu.vector_store %arg12[%swap3A_136, %swap3A_137], %add3A_135 {strides = array<i32>} : memref<320x128xf32, #tpu.memory_space<vmem>>, vector<16xf32>,
          }
          %while3A_50 = arith.constant 1 : i32
          scf.for %while3A_51 = %while3A_48 to %while3A_44 step %while3A_50  : i32 {
            %mul3A_52 = arith.constant 128 : i32
            %mul3A_53 = arith.muli %while3A_35, %mul3A_52 : i32
            %add3A_54 = arith.addi %mul3A_53, %while3A_51 : i32
            %get3A_55 = arith.index_cast %add3A_54 : i32 to index
            %get3A_56 = tpu.vector_load %arg9[%get3A_55] {strides = array<i32>} : memref<8208xi32, #tpu.memory_space<vmem>>, vector<16xi32>,
            %slice3A_57 = vector.extract_strided_slice %get3A_56 {offsets = [0], sizes = [1], strides = [1]} : vector<16xi32> to vector<1xi32>
            %squeeze3A_58 = vector.extract %slice3A_57[0] : i32 from vector<1xi32>
            %sub3A_59 = arith.subi %squeeze3A_58, %mul3A_2 : i32
            %get3A_60 = arith.index_cast %sub3A_59 : i32 to index
            %get3A_61 = arith.constant 0 : index
            %get3A_62 = tpu.vector_load %arg12[%get3A_60, %get3A_61] {strides = array<i32>} : memref<320x128xf32, #tpu.memory_space<vmem>>, vector<16xf32>,
            %get3A_63 = arith.index_cast %while3A_51 : i32 to index
            %get3A_64 = arith.constant 0 : index
            %get3A_65 = tpu.vector_load %arg11[%get3A_63, %get3A_64] {strides = array<i32>} : memref<128x128xf32, #tpu.memory_space<vmem>>, vector<16xf32>,
            %add3A_66 = arith.addf %get3A_62, %get3A_65 : vector<16xf32>
            %swap3A = arith.index_cast %sub3A_59 : i32 to index
            %swap3A_67 = arith.constant 0 : index
            %swap3A_68 = tpu.vector_load %arg12[%swap3A, %swap3A_67] {strides = array<i32>} : memref<320x128xf32, #tpu.memory_space<vmem>>, vector<16xf32>,
            tpu.vector_store %arg12[%swap3A, %swap3A_67], %add3A_66 {strides = array<i32>} : memref<320x128xf32, #tpu.memory_space<vmem>>, vector<16xf32>,
            %get3A_69 = arith.index_cast %sub3A_59 : i32 to index
            %get3A_70 = arith.constant 16 : index
            %get3A_71 = tpu.vector_load %arg12[%get3A_69, %get3A_70] {strides = array<i32>} : memref<320x128xf32, #tpu.memory_space<vmem>>, vector<16xf32>,
            %get3A_72 = arith.index_cast %while3A_51 : i32 to index
            %get3A_73 = arith.constant 16 : index
            %get3A_74 = tpu.vector_load %arg11[%get3A_72, %get3A_73] {strides = array<i32>} : memref<128x128xf32, #tpu.memory_space<vmem>>, vector<16xf32>,
            %add3A_75 = arith.addf %get3A_71, %get3A_74 : vector<16xf32>
            %swap3A_76 = arith.index_cast %sub3A_59 : i32 to index
            %swap3A_77 = arith.constant 16 : index
            %swap3A_78 = tpu.vector_load %arg12[%swap3A_76, %swap3A_77] {strides = array<i32>} : memref<320x128xf32, #tpu.memory_space<vmem>>, vector<16xf32>,
            tpu.vector_store %arg12[%swap3A_76, %swap3A_77], %add3A_75 {strides = array<i32>} : memref<320x128xf32, #tpu.memory_space<vmem>>, vector<16xf32>,
            %get3A_79 = arith.index_cast %sub3A_59 : i32 to index
            %get3A_80 = arith.constant 32 : index
            %get3A_81 = tpu.vector_load %arg12[%get3A_79, %get3A_80] {strides = array<i32>} : memref<320x128xf32, #tpu.memory_space<vmem>>, vector<16xf32>,
            %get3A_82 = arith.index_cast %while3A_51 : i32 to index
            %get3A_83 = arith.constant 32 : index
            %get3A_84 = tpu.vector_load %arg11[%get3A_82, %get3A_83] {strides = array<i32>} : memref<128x128xf32, #tpu.memory_space<vmem>>, vector<16xf32>,
            %add3A_85 = arith.addf %get3A_81, %get3A_84 : vector<16xf32>
            %swap3A_86 = arith.index_cast %sub3A_59 : i32 to index
            %swap3A_87 = arith.constant 32 : index
            %swap3A_88 = tpu.vector_load %arg12[%swap3A_86, %swap3A_87] {strides = array<i32>} : memref<320x128xf32, #tpu.memory_space<vmem>>, vector<16xf32>,
            tpu.vector_store %arg12[%swap3A_86, %swap3A_87], %add3A_85 {strides = array<i32>} : memref<320x128xf32, #tpu.memory_space<vmem>>, vector<16xf32>,
            %get3A_89 = arith.index_cast %sub3A_59 : i32 to index
            %get3A_90 = arith.constant 48 : index
            %get3A_91 = tpu.vector_load %arg12[%get3A_89, %get3A_90] {strides = array<i32>} : memref<320x128xf32, #tpu.memory_space<vmem>>, vector<16xf32>,
            %get3A_92 = arith.index_cast %while3A_51 : i32 to index
            %get3A_93 = arith.constant 48 : index
            %get3A_94 = tpu.vector_load %arg11[%get3A_92, %get3A_93] {strides = array<i32>} : memref<128x128xf32, #tpu.memory_space<vmem>>, vector<16xf32>,
            %add3A_95 = arith.addf %get3A_91, %get3A_94 : vector<16xf32>
            %swap3A_96 = arith.index_cast %sub3A_59 : i32 to index
            %swap3A_97 = arith.constant 48 : index
            %swap3A_98 = tpu.vector_load %arg12[%swap3A_96, %swap3A_97] {strides = array<i32>} : memref<320x128xf32, #tpu.memory_space<vmem>>, vector<16xf32>,
            tpu.vector_store %arg12[%swap3A_96, %swap3A_97], %add3A_95 {strides = array<i32>} : memref<320x128xf32, #tpu.memory_space<vmem>>, vector<16xf32>,
            %get3A_99 = arith.index_cast %sub3A_59 : i32 to index
            %get3A_100 = arith.constant 64 : index
            %get3A_101 = tpu.vector_load %arg12[%get3A_99, %get3A_100] {strides = array<i32>} : memref<320x128xf32, #tpu.memory_space<vmem>>, vector<16xf32>,
            %get3A_102 = arith.index_cast %while3A_51 : i32 to index
            %get3A_103 = arith.constant 64 : index
            %get3A_104 = tpu.vector_load %arg11[%get3A_102, %get3A_103] {strides = array<i32>} : memref<128x128xf32, #tpu.memory_space<vmem>>, vector<16xf32>,
            %add3A_105 = arith.addf %get3A_101, %get3A_104 : vector<16xf32>
            %swap3A_106 = arith.index_cast %sub3A_59 : i32 to index
            %swap3A_107 = arith.constant 64 : index
            %swap3A_108 = tpu.vector_load %arg12[%swap3A_106, %swap3A_107] {strides = array<i32>} : memref<320x128xf32, #tpu.memory_space<vmem>>, vector<16xf32>,
            tpu.vector_store %arg12[%swap3A_106, %swap3A_107], %add3A_105 {strides = array<i32>} : memref<320x128xf32, #tpu.memory_space<vmem>>, vector<16xf32>,
            %get3A_109 = arith.index_cast %sub3A_59 : i32 to index
            %get3A_110 = arith.constant 80 : index
            %get3A_111 = tpu.vector_load %arg12[%get3A_109, %get3A_110] {strides = array<i32>} : memref<320x128xf32, #tpu.memory_space<vmem>>, vector<16xf32>,
            %get3A_112 = arith.index_cast %while3A_51 : i32 to index
            %get3A_113 = arith.constant 80 : index
            %get3A_114 = tpu.vector_load %arg11[%get3A_112, %get3A_113] {strides = array<i32>} : memref<128x128xf32, #tpu.memory_space<vmem>>, vector<16xf32>,
            %add3A_115 = arith.addf %get3A_111, %get3A_114 : vector<16xf32>
            %swap3A_116 = arith.index_cast %sub3A_59 : i32 to index
            %swap3A_117 = arith.constant 80 : index
            %swap3A_118 = tpu.vector_load %arg12[%swap3A_116, %swap3A_117] {strides = array<i32>} : memref<320x128xf32, #tpu.memory_space<vmem>>, vector<16xf32>,
            tpu.vector_store %arg12[%swap3A_116, %swap3A_117], %add3A_115 {strides = array<i32>} : memref<320x128xf32, #tpu.memory_space<vmem>>, vector<16xf32>,
            %get3A_119 = arith.index_cast %sub3A_59 : i32 to index
            %get3A_120 = arith.constant 96 : index
            %get3A_121 = tpu.vector_load %arg12[%get3A_119, %get3A_120] {strides = array<i32>} : memref<320x128xf32, #tpu.memory_space<vmem>>, vector<16xf32>,
            %get3A_122 = arith.index_cast %while3A_51 : i32 to index
            %get3A_123 = arith.constant 96 : index
            %get3A_124 = tpu.vector_load %arg11[%get3A_122, %get3A_123] {strides = array<i32>} : memref<128x128xf32, #tpu.memory_space<vmem>>, vector<16xf32>,
            %add3A_125 = arith.addf %get3A_121, %get3A_124 : vector<16xf32>
            %swap3A_126 = arith.index_cast %sub3A_59 : i32 to index
            %swap3A_127 = arith.constant 96 : index
            %swap3A_128 = tpu.vector_load %arg12[%swap3A_126, %swap3A_127] {strides = array<i32>} : memref<320x128xf32, #tpu.memory_space<vmem>>, vector<16xf32>,
            tpu.vector_store %arg12[%swap3A_126, %swap3A_127], %add3A_125 {strides = array<i32>} : memref<320x128xf32, #tpu.memory_space<vmem>>, vector<16xf32>,
            %get3A_129 = arith.index_cast %sub3A_59 : i32 to index
            %get3A_130 = arith.constant 112 : index
            %get3A_131 = tpu.vector_load %arg12[%get3A_129, %get3A_130] {strides = array<i32>} : memref<320x128xf32, #tpu.memory_space<vmem>>, vector<16xf32>,
            %get3A_132 = arith.index_cast %while3A_51 : i32 to index
            %get3A_133 = arith.constant 112 : index
            %get3A_134 = tpu.vector_load %arg11[%get3A_132, %get3A_133] {strides = array<i32>} : memref<128x128xf32, #tpu.memory_space<vmem>>, vector<16xf32>,
            %add3A_135 = arith.addf %get3A_131, %get3A_134 : vector<16xf32>
            %swap3A_136 = arith.index_cast %sub3A_59 : i32 to index
            %swap3A_137 = arith.constant 112 : index
            %swap3A_138 = tpu.vector_load %arg12[%swap3A_136, %swap3A_137] {strides = array<i32>} : memref<320x128xf32, #tpu.memory_space<vmem>>, vector<16xf32>,
            tpu.vector_store %arg12[%swap3A_136, %swap3A_137], %add3A_135 {strides = array<i32>} : memref<320x128xf32, #tpu.memory_space<vmem>>, vector<16xf32>,
          }
        }
        %while3A_34 = arith.constant 1 : i32
        scf.for %while3A_35 = %while3A_32 to %while3A_28 step %while3A_34  : i32 {
          %mul3A_36 = arith.constant 128 : i32
          %mul3A_37 = arith.muli %while3A_35, %mul3A_36 : i32
          "tpu.region"() ({
            %run_scoped3A = tpu.sem_alloc : memref<!tpu.dma_semaphore, #tpu.memory_space<semaphore_mem>>
            %dma_start3A = tpu.memref_slice %arg8[%mul3A_37] : memref<8208xi32, #tpu.memory_space<vmem>> -> memref<128xi32, #tpu.memory_space<vmem>>
            %dma_start3A_51 = arith.constant 0 : i32
            %dma_start3A_52 = arith.constant 0 : i32
            %dma_start3A_53 = tpu.memref_slice %arg2[%dma_start3A_51, %dma_start3A_52] : memref<10000x128xf32, #tpu.memory_space<hbm>> -> memref<10000x128xf32, #tpu.memory_space<hbm>>
            tpu.enqueue_indirect_dma source(%dma_start3A_53 : memref<10000x128xf32, #tpu.memory_space<hbm>>) target(%arg11 : memref<128x128xf32, #tpu.memory_space<vmem>>) offsets(%dma_start3A : memref<128xi32, #tpu.memory_space<vmem>>) semaphore(%run_scoped3A : memref<!tpu.dma_semaphore, #tpu.memory_space<semaphore_mem>>)
            %dma_wait3A = tpu.memref_slice %arg8[%mul3A_37] : memref<8208xi32, #tpu.memory_space<vmem>> -> memref<128xi32, #tpu.memory_space<vmem>>
            %dma_wait3A_54 = arith.constant 0 : i32
            %dma_wait3A_55 = arith.constant 0 : i32
            %dma_wait3A_56 = tpu.memref_slice %arg2[%dma_wait3A_54, %dma_wait3A_55] : memref<10000x128xf32, #tpu.memory_space<hbm>> -> memref<10000x128xf32, #tpu.memory_space<hbm>>
            tpu.wait_indirect_dma semaphore(%run_scoped3A : memref<!tpu.dma_semaphore, #tpu.memory_space<semaphore_mem>>) src(%dma_wait3A_56 : memref<10000x128xf32, #tpu.memory_space<hbm>>) dst(%arg11 : memref<128x128xf32, #tpu.memory_space<vmem>>)
            tpu.yield
          }) : () -> ()
          %mul3A_38 = arith.constant 128 : i32
          %mul3A_39 = arith.muli %while3A_35, %mul3A_38 : i32
          %sub3A = arith.subi %squeeze3A, %mul3A_39 : i32
          %min3A = arith.constant 128 : i32
          %min3A_40 = arith.minsi %sub3A, %min3A : i32
          %while3A_41 = arith.constant 0 : i32
          %while3A_42 = arith.constant 0 : i32
          %while3A_43 = arith.subi %min3A_40, %while3A_42 : i32
          %while3A_44 = arith.addi %while3A_42, %while3A_43 : i32
          %while3A_45 = arith.constant 1 : i32
          %while3A_46 = arith.divsi %while3A_43, %while3A_45 : i32
          %while3A_47 = arith.muli %while3A_46, %while3A_45 : i32
          %while3A_48 = arith.addi %while3A_42, %while3A_47 : i32
          %while3A_49 = arith.constant 1 : i32
          scf.for %while3A_51 = %while3A_42 to %while3A_48 step %while3A_49  : i32 {
            %mul3A_52 = arith.constant 128 : i32
            %mul3A_53 = arith.muli %while3A_35, %mul3A_52 : i32
            %add3A_54 = arith.addi %mul3A_53, %while3A_51 : i32
            %get3A_55 = arith.index_cast %add3A_54 : i32 to index
            %get3A_56 = tpu.vector_load %arg9[%get3A_55] {strides = array<i32>} : memref<8208xi32, #tpu.memory_space<vmem>>, vector<16xi32>,
            %slice3A_57 = vector.extract_strided_slice %get3A_56 {offsets = [0], sizes = [1], strides = [1]} : vector<16xi32> to vector<1xi32>
            %squeeze3A_58 = vector.extract %slice3A_57[0] : i32 from vector<1xi32>
            %sub3A_59 = arith.subi %squeeze3A_58, %mul3A_2 : i32
            %get3A_60 = arith.index_cast %sub3A_59 : i32 to index
            %get3A_61 = arith.constant 0 : index
            %get3A_62 = tpu.vector_load %arg12[%get3A_60, %get3A_61] {strides = array<i32>} : memref<320x128xf32, #tpu.memory_space<vmem>>, vector<16xf32>,
            %get3A_63 = arith.index_cast %while3A_51 : i32 to index
            %get3A_64 = arith.constant 0 : index
            %get3A_65 = tpu.vector_load %arg11[%get3A_63, %get3A_64] {strides = array<i32>} : memref<128x128xf32, #tpu.memory_space<vmem>>, vector<16xf32>,
            %add3A_66 = arith.addf %get3A_62, %get3A_65 : vector<16xf32>
            %swap3A = arith.index_cast %sub3A_59 : i32 to index
            %swap3A_67 = arith.constant 0 : index
            %swap3A_68 = tpu.vector_load %arg12[%swap3A, %swap3A_67] {strides = array<i32>} : memref<320x128xf32, #tpu.memory_space<vmem>>, vector<16xf32>,
            tpu.vector_store %arg12[%swap3A, %swap3A_67], %add3A_66 {strides = array<i32>} : memref<320x128xf32, #tpu.memory_space<vmem>>, vector<16xf32>,
            %get3A_69 = arith.index_cast %sub3A_59 : i32 to index
            %get3A_70 = arith.constant 16 : index
            %get3A_71 = tpu.vector_load %arg12[%get3A_69, %get3A_70] {strides = array<i32>} : memref<320x128xf32, #tpu.memory_space<vmem>>, vector<16xf32>,
            %get3A_72 = arith.index_cast %while3A_51 : i32 to index
            %get3A_73 = arith.constant 16 : index
            %get3A_74 = tpu.vector_load %arg11[%get3A_72, %get3A_73] {strides = array<i32>} : memref<128x128xf32, #tpu.memory_space<vmem>>, vector<16xf32>,
            %add3A_75 = arith.addf %get3A_71, %get3A_74 : vector<16xf32>
            %swap3A_76 = arith.index_cast %sub3A_59 : i32 to index
            %swap3A_77 = arith.constant 16 : index
            %swap3A_78 = tpu.vector_load %arg12[%swap3A_76, %swap3A_77] {strides = array<i32>} : memref<320x128xf32, #tpu.memory_space<vmem>>, vector<16xf32>,
            tpu.vector_store %arg12[%swap3A_76, %swap3A_77], %add3A_75 {strides = array<i32>} : memref<320x128xf32, #tpu.memory_space<vmem>>, vector<16xf32>,
            %get3A_79 = arith.index_cast %sub3A_59 : i32 to index
            %get3A_80 = arith.constant 32 : index
            %get3A_81 = tpu.vector_load %arg12[%get3A_79, %get3A_80] {strides = array<i32>} : memref<320x128xf32, #tpu.memory_space<vmem>>, vector<16xf32>,
            %get3A_82 = arith.index_cast %while3A_51 : i32 to index
            %get3A_83 = arith.constant 32 : index
            %get3A_84 = tpu.vector_load %arg11[%get3A_82, %get3A_83] {strides = array<i32>} : memref<128x128xf32, #tpu.memory_space<vmem>>, vector<16xf32>,
            %add3A_85 = arith.addf %get3A_81, %get3A_84 : vector<16xf32>
            %swap3A_86 = arith.index_cast %sub3A_59 : i32 to index
            %swap3A_87 = arith.constant 32 : index
            %swap3A_88 = tpu.vector_load %arg12[%swap3A_86, %swap3A_87] {strides = array<i32>} : memref<320x128xf32, #tpu.memory_space<vmem>>, vector<16xf32>,
            tpu.vector_store %arg12[%swap3A_86, %swap3A_87], %add3A_85 {strides = array<i32>} : memref<320x128xf32, #tpu.memory_space<vmem>>, vector<16xf32>,
            %get3A_89 = arith.index_cast %sub3A_59 : i32 to index
            %get3A_90 = arith.constant 48 : index
            %get3A_91 = tpu.vector_load %arg12[%get3A_89, %get3A_90] {strides = array<i32>} : memref<320x128xf32, #tpu.memory_space<vmem>>, vector<16xf32>,
            %get3A_92 = arith.index_cast %while3A_51 : i32 to index
            %get3A_93 = arith.constant 48 : index
            %get3A_94 = tpu.vector_load %arg11[%get3A_92, %get3A_93] {strides = array<i32>} : memref<128x128xf32, #tpu.memory_space<vmem>>, vector<16xf32>,
            %add3A_95 = arith.addf %get3A_91, %get3A_94 : vector<16xf32>
            %swap3A_96 = arith.index_cast %sub3A_59 : i32 to index
            %swap3A_97 = arith.constant 48 : index
            %swap3A_98 = tpu.vector_load %arg12[%swap3A_96, %swap3A_97] {strides = array<i32>} : memref<320x128xf32, #tpu.memory_space<vmem>>, vector<16xf32>,
            tpu.vector_store %arg12[%swap3A_96, %swap3A_97], %add3A_95 {strides = array<i32>} : memref<320x128xf32, #tpu.memory_space<vmem>>, vector<16xf32>,
            %get3A_99 = arith.index_cast %sub3A_59 : i32 to index
            %get3A_100 = arith.constant 64 : index
            %get3A_101 = tpu.vector_load %arg12[%get3A_99, %get3A_100] {strides = array<i32>} : memref<320x128xf32, #tpu.memory_space<vmem>>, vector<16xf32>,
            %get3A_102 = arith.index_cast %while3A_51 : i32 to index
            %get3A_103 = arith.constant 64 : index
            %get3A_104 = tpu.vector_load %arg11[%get3A_102, %get3A_103] {strides = array<i32>} : memref<128x128xf32, #tpu.memory_space<vmem>>, vector<16xf32>,
            %add3A_105 = arith.addf %get3A_101, %get3A_104 : vector<16xf32>
            %swap3A_106 = arith.index_cast %sub3A_59 : i32 to index
            %swap3A_107 = arith.constant 64 : index
            %swap3A_108 = tpu.vector_load %arg12[%swap3A_106, %swap3A_107] {strides = array<i32>} : memref<320x128xf32, #tpu.memory_space<vmem>>, vector<16xf32>,
            tpu.vector_store %arg12[%swap3A_106, %swap3A_107], %add3A_105 {strides = array<i32>} : memref<320x128xf32, #tpu.memory_space<vmem>>, vector<16xf32>,
            %get3A_109 = arith.index_cast %sub3A_59 : i32 to index
            %get3A_110 = arith.constant 80 : index
            %get3A_111 = tpu.vector_load %arg12[%get3A_109, %get3A_110] {strides = array<i32>} : memref<320x128xf32, #tpu.memory_space<vmem>>, vector<16xf32>,
            %get3A_112 = arith.index_cast %while3A_51 : i32 to index
            %get3A_113 = arith.constant 80 : index
            %get3A_114 = tpu.vector_load %arg11[%get3A_112, %get3A_113] {strides = array<i32>} : memref<128x128xf32, #tpu.memory_space<vmem>>, vector<16xf32>,
            %add3A_115 = arith.addf %get3A_111, %get3A_114 : vector<16xf32>
            %swap3A_116 = arith.index_cast %sub3A_59 : i32 to index
            %swap3A_117 = arith.constant 80 : index
            %swap3A_118 = tpu.vector_load %arg12[%swap3A_116, %swap3A_117] {strides = array<i32>} : memref<320x128xf32, #tpu.memory_space<vmem>>, vector<16xf32>,
            tpu.vector_store %arg12[%swap3A_116, %swap3A_117], %add3A_115 {strides = array<i32>} : memref<320x128xf32, #tpu.memory_space<vmem>>, vector<16xf32>,
            %get3A_119 = arith.index_cast %sub3A_59 : i32 to index
            %get3A_120 = arith.constant 96 : index
            %get3A_121 = tpu.vector_load %arg12[%get3A_119, %get3A_120] {strides = array<i32>} : memref<320x128xf32, #tpu.memory_space<vmem>>, vector<16xf32>,
            %get3A_122 = arith.index_cast %while3A_51 : i32 to index
            %get3A_123 = arith.constant 96 : index
            %get3A_124 = tpu.vector_load %arg11[%get3A_122, %get3A_123] {strides = array<i32>} : memref<128x128xf32, #tpu.memory_space<vmem>>, vector<16xf32>,
            %add3A_125 = arith.addf %get3A_121, %get3A_124 : vector<16xf32>
            %swap3A_126 = arith.index_cast %sub3A_59 : i32 to index
            %swap3A_127 = arith.constant 96 : index
            %swap3A_128 = tpu.vector_load %arg12[%swap3A_126, %swap3A_127] {strides = array<i32>} : memref<320x128xf32, #tpu.memory_space<vmem>>, vector<16xf32>,
            tpu.vector_store %arg12[%swap3A_126, %swap3A_127], %add3A_125 {strides = array<i32>} : memref<320x128xf32, #tpu.memory_space<vmem>>, vector<16xf32>,
            %get3A_129 = arith.index_cast %sub3A_59 : i32 to index
            %get3A_130 = arith.constant 112 : index
            %get3A_131 = tpu.vector_load %arg12[%get3A_129, %get3A_130] {strides = array<i32>} : memref<320x128xf32, #tpu.memory_space<vmem>>, vector<16xf32>,
            %get3A_132 = arith.index_cast %while3A_51 : i32 to index
            %get3A_133 = arith.constant 112 : index
            %get3A_134 = tpu.vector_load %arg11[%get3A_132, %get3A_133] {strides = array<i32>} : memref<128x128xf32, #tpu.memory_space<vmem>>, vector<16xf32>,
            %add3A_135 = arith.addf %get3A_131, %get3A_134 : vector<16xf32>
            %swap3A_136 = arith.index_cast %sub3A_59 : i32 to index
            %swap3A_137 = arith.constant 112 : index
            %swap3A_138 = tpu.vector_load %arg12[%swap3A_136, %swap3A_137] {strides = array<i32>} : memref<320x128xf32, #tpu.memory_space<vmem>>, vector<16xf32>,
            tpu.vector_store %arg12[%swap3A_136, %swap3A_137], %add3A_135 {strides = array<i32>} : memref<320x128xf32, #tpu.memory_space<vmem>>, vector<16xf32>,
          }
          %while3A_50 = arith.constant 1 : i32
          scf.for %while3A_51 = %while3A_48 to %while3A_44 step %while3A_50  : i32 {
            %mul3A_52 = arith.constant 128 : i32
            %mul3A_53 = arith.muli %while3A_35, %mul3A_52 : i32
            %add3A_54 = arith.addi %mul3A_53, %while3A_51 : i32
            %get3A_55 = arith.index_cast %add3A_54 : i32 to index
            %get3A_56 = tpu.vector_load %arg9[%get3A_55] {strides = array<i32>} : memref<8208xi32, #tpu.memory_space<vmem>>, vector<16xi32>,
            %slice3A_57 = vector.extract_strided_slice %get3A_56 {offsets = [0], sizes = [1], strides = [1]} : vector<16xi32> to vector<1xi32>
            %squeeze3A_58 = vector.extract %slice3A_57[0] : i32 from vector<1xi32>
            %sub3A_59 = arith.subi %squeeze3A_58, %mul3A_2 : i32
            %get3A_60 = arith.index_cast %sub3A_59 : i32 to index
            %get3A_61 = arith.constant 0 : index
            %get3A_62 = tpu.vector_load %arg12[%get3A_60, %get3A_61] {strides = array<i32>} : memref<320x128xf32, #tpu.memory_space<vmem>>, vector<16xf32>,
            %get3A_63 = arith.index_cast %while3A_51 : i32 to index
            %get3A_64 = arith.constant 0 : index
            %get3A_65 = tpu.vector_load %arg11[%get3A_63, %get3A_64] {strides = array<i32>} : memref<128x128xf32, #tpu.memory_space<vmem>>, vector<16xf32>,
            %add3A_66 = arith.addf %get3A_62, %get3A_65 : vector<16xf32>
            %swap3A = arith.index_cast %sub3A_59 : i32 to index
            %swap3A_67 = arith.constant 0 : index
            %swap3A_68 = tpu.vector_load %arg12[%swap3A, %swap3A_67] {strides = array<i32>} : memref<320x128xf32, #tpu.memory_space<vmem>>, vector<16xf32>,
            tpu.vector_store %arg12[%swap3A, %swap3A_67], %add3A_66 {strides = array<i32>} : memref<320x128xf32, #tpu.memory_space<vmem>>, vector<16xf32>,
            %get3A_69 = arith.index_cast %sub3A_59 : i32 to index
            %get3A_70 = arith.constant 16 : index
            %get3A_71 = tpu.vector_load %arg12[%get3A_69, %get3A_70] {strides = array<i32>} : memref<320x128xf32, #tpu.memory_space<vmem>>, vector<16xf32>,
            %get3A_72 = arith.index_cast %while3A_51 : i32 to index
            %get3A_73 = arith.constant 16 : index
            %get3A_74 = tpu.vector_load %arg11[%get3A_72, %get3A_73] {strides = array<i32>} : memref<128x128xf32, #tpu.memory_space<vmem>>, vector<16xf32>,
            %add3A_75 = arith.addf %get3A_71, %get3A_74 : vector<16xf32>
            %swap3A_76 = arith.index_cast %sub3A_59 : i32 to index
            %swap3A_77 = arith.constant 16 : index
            %swap3A_78 = tpu.vector_load %arg12[%swap3A_76, %swap3A_77] {strides = array<i32>} : memref<320x128xf32, #tpu.memory_space<vmem>>, vector<16xf32>,
            tpu.vector_store %arg12[%swap3A_76, %swap3A_77], %add3A_75 {strides = array<i32>} : memref<320x128xf32, #tpu.memory_space<vmem>>, vector<16xf32>,
            %get3A_79 = arith.index_cast %sub3A_59 : i32 to index
            %get3A_80 = arith.constant 32 : index
            %get3A_81 = tpu.vector_load %arg12[%get3A_79, %get3A_80] {strides = array<i32>} : memref<320x128xf32, #tpu.memory_space<vmem>>, vector<16xf32>,
            %get3A_82 = arith.index_cast %while3A_51 : i32 to index
            %get3A_83 = arith.constant 32 : index
            %get3A_84 = tpu.vector_load %arg11[%get3A_82, %get3A_83] {strides = array<i32>} : memref<128x128xf32, #tpu.memory_space<vmem>>, vector<16xf32>,
            %add3A_85 = arith.addf %get3A_81, %get3A_84 : vector<16xf32>
            %swap3A_86 = arith.index_cast %sub3A_59 : i32 to index
            %swap3A_87 = arith.constant 32 : index
            %swap3A_88 = tpu.vector_load %arg12[%swap3A_86, %swap3A_87] {strides = array<i32>} : memref<320x128xf32, #tpu.memory_space<vmem>>, vector<16xf32>,
            tpu.vector_store %arg12[%swap3A_86, %swap3A_87], %add3A_85 {strides = array<i32>} : memref<320x128xf32, #tpu.memory_space<vmem>>, vector<16xf32>,
            %get3A_89 = arith.index_cast %sub3A_59 : i32 to index
            %get3A_90 = arith.constant 48 : index
            %get3A_91 = tpu.vector_load %arg12[%get3A_89, %get3A_90] {strides = array<i32>} : memref<320x128xf32, #tpu.memory_space<vmem>>, vector<16xf32>,
            %get3A_92 = arith.index_cast %while3A_51 : i32 to index
            %get3A_93 = arith.constant 48 : index
            %get3A_94 = tpu.vector_load %arg11[%get3A_92, %get3A_93] {strides = array<i32>} : memref<128x128xf32, #tpu.memory_space<vmem>>, vector<16xf32>,
            %add3A_95 = arith.addf %get3A_91, %get3A_94 : vector<16xf32>
            %swap3A_96 = arith.index_cast %sub3A_59 : i32 to index
            %swap3A_97 = arith.constant 48 : index
            %swap3A_98 = tpu.vector_load %arg12[%swap3A_96, %swap3A_97] {strides = array<i32>} : memref<320x128xf32, #tpu.memory_space<vmem>>, vector<16xf32>,
            tpu.vector_store %arg12[%swap3A_96, %swap3A_97], %add3A_95 {strides = array<i32>} : memref<320x128xf32, #tpu.memory_space<vmem>>, vector<16xf32>,
            %get3A_99 = arith.index_cast %sub3A_59 : i32 to index
            %get3A_100 = arith.constant 64 : index
            %get3A_101 = tpu.vector_load %arg12[%get3A_99, %get3A_100] {strides = array<i32>} : memref<320x128xf32, #tpu.memory_space<vmem>>, vector<16xf32>,
            %get3A_102 = arith.index_cast %while3A_51 : i32 to index
            %get3A_103 = arith.constant 64 : index
            %get3A_104 = tpu.vector_load %arg11[%get3A_102, %get3A_103] {strides = array<i32>} : memref<128x128xf32, #tpu.memory_space<vmem>>, vector<16xf32>,
            %add3A_105 = arith.addf %get3A_101, %get3A_104 : vector<16xf32>
            %swap3A_106 = arith.index_cast %sub3A_59 : i32 to index
            %swap3A_107 = arith.constant 64 : index
            %swap3A_108 = tpu.vector_load %arg12[%swap3A_106, %swap3A_107] {strides = array<i32>} : memref<320x128xf32, #tpu.memory_space<vmem>>, vector<16xf32>,
            tpu.vector_store %arg12[%swap3A_106, %swap3A_107], %add3A_105 {strides = array<i32>} : memref<320x128xf32, #tpu.memory_space<vmem>>, vector<16xf32>,
            %get3A_109 = arith.index_cast %sub3A_59 : i32 to index
            %get3A_110 = arith.constant 80 : index
            %get3A_111 = tpu.vector_load %arg12[%get3A_109, %get3A_110] {strides = array<i32>} : memref<320x128xf32, #tpu.memory_space<vmem>>, vector<16xf32>,
            %get3A_112 = arith.index_cast %while3A_51 : i32 to index
            %get3A_113 = arith.constant 80 : index
            %get3A_114 = tpu.vector_load %arg11[%get3A_112, %get3A_113] {strides = array<i32>} : memref<128x128xf32, #tpu.memory_space<vmem>>, vector<16xf32>,
            %add3A_115 = arith.addf %get3A_111, %get3A_114 : vector<16xf32>
            %swap3A_116 = arith.index_cast %sub3A_59 : i32 to index
            %swap3A_117 = arith.constant 80 : index
            %swap3A_118 = tpu.vector_load %arg12[%swap3A_116, %swap3A_117] {strides = array<i32>} : memref<320x128xf32, #tpu.memory_space<vmem>>, vector<16xf32>,
            tpu.vector_store %arg12[%swap3A_116, %swap3A_117], %add3A_115 {strides = array<i32>} : memref<320x128xf32, #tpu.memory_space<vmem>>, vector<16xf32>,
            %get3A_119 = arith.index_cast %sub3A_59 : i32 to index
            %get3A_120 = arith.constant 96 : index
            %get3A_121 = tpu.vector_load %arg12[%get3A_119, %get3A_120] {strides = array<i32>} : memref<320x128xf32, #tpu.memory_space<vmem>>, vector<16xf32>,
            %get3A_122 = arith.index_cast %while3A_51 : i32 to index
            %get3A_123 = arith.constant 96 : index
            %get3A_124 = tpu.vector_load %arg11[%get3A_122, %get3A_123] {strides = array<i32>} : memref<128x128xf32, #tpu.memory_space<vmem>>, vector<16xf32>,
            %add3A_125 = arith.addf %get3A_121, %get3A_124 : vector<16xf32>
            %swap3A_126 = arith.index_cast %sub3A_59 : i32 to index
            %swap3A_127 = arith.constant 96 : index
            %swap3A_128 = tpu.vector_load %arg12[%swap3A_126, %swap3A_127] {strides = array<i32>} : memref<320x128xf32, #tpu.memory_space<vmem>>, vector<16xf32>,
            tpu.vector_store %arg12[%swap3A_126, %swap3A_127], %add3A_125 {strides = array<i32>} : memref<320x128xf32, #tpu.memory_space<vmem>>, vector<16xf32>,
            %get3A_129 = arith.index_cast %sub3A_59 : i32 to index
            %get3A_130 = arith.constant 112 : index
            %get3A_131 = tpu.vector_load %arg12[%get3A_129, %get3A_130] {strides = array<i32>} : memref<320x128xf32, #tpu.memory_space<vmem>>, vector<16xf32>,
            %get3A_132 = arith.index_cast %while3A_51 : i32 to index
            %get3A_133 = arith.constant 112 : index
            %get3A_134 = tpu.vector_load %arg11[%get3A_132, %get3A_133] {strides = array<i32>} : memref<128x128xf32, #tpu.memory_space<vmem>>, vector<16xf32>,
            %add3A_135 = arith.addf %get3A_131, %get3A_134 : vector<16xf32>
            %swap3A_136 = arith.index_cast %sub3A_59 : i32 to index
            %swap3A_137 = arith.constant 112 : index
            %swap3A_138 = tpu.vector_load %arg12[%swap3A_136, %swap3A_137] {strides = array<i32>} : memref<320x128xf32, #tpu.memory_space<vmem>>, vector<16xf32>,
            tpu.vector_store %arg12[%swap3A_136, %swap3A_137], %add3A_135 {strides = array<i32>} : memref<320x128xf32, #tpu.memory_space<vmem>>, vector<16xf32>,
          }
        }
      } else {
      }
    }
    %scan3A_7 = arith.constant 40 : i32
    %mul3A_8 = arith.constant 320 : i32
    %mul3A_9 = arith.muli %add3A, %mul3A_8 : i32
    "tpu.region"() ({
      %run_scoped3A = tpu.sem_alloc : memref<!tpu.dma_semaphore, #tpu.memory_space<semaphore_mem>>
      %dma_start3A = arith.constant 0 : i32
      %dma_start3A_10 = tpu.memref_slice %arg7[%mul3A_9, %dma_start3A] : memref<10240x128xf32, #tpu.memory_space<hbm>> -> memref<320x128xf32, #tpu.memory_space<hbm>>
      %dma_start3A_11 = arith.constant 0 : i32
      %dma_start3A_12 = tpu.memref_slice %arg7[%mul3A_9, %dma_start3A_11] : memref<10240x128xf32, #tpu.memory_space<hbm>> -> memref<320x128xf32, #tpu.memory_space<hbm>>
      tpu.enqueue_dma source(%arg12 : memref<320x128xf32, #tpu.memory_space<vmem>>) target(%dma_start3A_12 : memref<320x128xf32, #tpu.memory_space<hbm>>) target_semaphore(%run_scoped3A : memref<!tpu.dma_semaphore, #tpu.memory_space<semaphore_mem>>)
      %dma_wait3A = arith.constant 0 : i32
      %dma_wait3A_13 = tpu.memref_slice %arg7[%mul3A_9, %dma_wait3A] : memref<10240x128xf32, #tpu.memory_space<hbm>> -> memref<320x128xf32, #tpu.memory_space<hbm>>
      %dma_wait3A_14 = arith.constant 0 : i32
      %dma_wait3A_15 = tpu.memref_slice %arg7[%mul3A_9, %dma_wait3A_14] : memref<10240x128xf32, #tpu.memory_space<hbm>> -> memref<320x128xf32, #tpu.memory_space<hbm>>
      tpu.wait_dma2 semaphore(%run_scoped3A : memref<!tpu.dma_semaphore, #tpu.memory_space<semaphore_mem>>) src(%arg12 : memref<320x128xf32, #tpu.memory_space<vmem>>) dst(%dma_wait3A_15 : memref<320x128xf32, #tpu.memory_space<hbm>>)
      tpu.yield
    }) : () -> ()
    return
  }
}

#map = affine_map<(d0, d1) -> (0, 0)>
#map1 = affine_map<(d0, d1) -> (0, 0, 0)>
module attributes {stable_mosaic.version = 14 : i64} {
  func.func @body(%arg0: i32, %arg1: i32, %arg2: memref<10000x128xf32, #tpu.memory_space<hbm>>, %arg3: memref<32x40x8192xi32, #tpu.memory_space<hbm>>, %arg4: memref<32x40x8192xi32, #tpu.memory_space<hbm>>, %arg5: memref<32x64xi32, #tpu.memory_space<hbm>>, %arg6: memref<320x128xf32, #tpu.memory_space<hbm>>, %arg7: memref<10240x128xf32, #tpu.memory_space<hbm>>, %arg8: memref<8208xi32, #tpu.memory_space<vmem>>, %arg9: memref<8208xi32, #tpu.memory_space<vmem>>, %arg10: memref<64xi32, #tpu.memory_space<vmem>>, %arg11: memref<128x128xf32, #tpu.memory_space<vmem>>, %arg12: memref<320x128xf32, #tpu.memory_space<vmem>>) attributes {dimension_semantics = [#tpu.dimension_semantics<core_parallel>, #tpu.dimension_semantics<subcore_parallel>], iteration_bounds = array<i64: 2, 16>, scalar_prefetch = 0 : i64, scratch_operands = 5 : i64, tpu.core_type = #tpu.core_type<sc_vector_subcore>, window_params = [{transform_indices = #map}, {transform_indices = #map1}, {transform_indices = #map1}, {transform_indices = #map}, {transform_indices = #map}, {transform_indices = #map}]} {
    %mul3A = arith.constant 16 : i32
    %mul3A_0 = arith.muli %arg0, %mul3A : i32
    %add3A = arith.addi %mul3A_0, %arg1 : i32
    %mul3A_1 = arith.constant 320 : i32
    %mul3A_2 = arith.muli %add3A, %mul3A_1 : i32
    "tpu.region"() ({
      %run_scoped3A = tpu.sem_alloc : memref<!tpu.dma_semaphore, #tpu.memory_space<semaphore_mem>>
      tpu.enqueue_dma source(%arg6 : memref<320x128xf32, #tpu.memory_space<hbm>>) target(%arg12 : memref<320x128xf32, #tpu.memory_space<vmem>>) target_semaphore(%run_scoped3A : memref<!tpu.dma_semaphore, #tpu.memory_space<semaphore_mem>>)
      tpu.wait_dma2 semaphore(%run_scoped3A : memref<!tpu.dma_semaphore, #tpu.memory_space<semaphore_mem>>) src(%arg6 : memref<320x128xf32, #tpu.memory_space<hbm>>) dst(%arg12 : memref<320x128xf32, #tpu.memory_space<vmem>>)
      tpu.yield
    }) : () -> ()
    "tpu.region"() ({
      %run_scoped3A = tpu.sem_alloc : memref<!tpu.dma_semaphore, #tpu.memory_space<semaphore_mem>>
      %dma_start3A = arith.constant 0 : i32
      %dma_start3A_10 = tpu.memref_slice %arg5[%add3A, %dma_start3A] : memref<32x64xi32, #tpu.memory_space<hbm>> -> memref<1x64xi32, #tpu.memory_space<hbm>>
      %dma_start3A_11 = tpu.memref_squeeze %dma_start3A_10 : memref<1x64xi32, #tpu.memory_space<hbm>> -> memref<64xi32, #tpu.memory_space<hbm>>
      %dma_start3A_12 = arith.constant 0 : i32
      %dma_start3A_13 = tpu.memref_slice %arg5[%add3A, %dma_start3A_12] : memref<32x64xi32, #tpu.memory_space<hbm>> -> memref<1x64xi32, #tpu.memory_space<hbm>>
      %dma_start3A_14 = tpu.memref_squeeze %dma_start3A_13 : memref<1x64xi32, #tpu.memory_space<hbm>> -> memref<64xi32, #tpu.memory_space<hbm>>
      tpu.enqueue_dma source(%dma_start3A_14 : memref<64xi32, #tpu.memory_space<hbm>>) target(%arg10 : memref<64xi32, #tpu.memory_space<vmem>>) target_semaphore(%run_scoped3A : memref<!tpu.dma_semaphore, #tpu.memory_space<semaphore_mem>>)
      %dma_wait3A = arith.constant 0 : i32
      %dma_wait3A_15 = tpu.memref_slice %arg5[%add3A, %dma_wait3A] : memref<32x64xi32, #tpu.memory_space<hbm>> -> memref<1x64xi32, #tpu.memory_space<hbm>>
      %dma_wait3A_16 = tpu.memref_squeeze %dma_wait3A_15 : memref<1x64xi32, #tpu.memory_space<hbm>> -> memref<64xi32, #tpu.memory_space<hbm>>
      %dma_wait3A_17 = arith.constant 0 : i32
      %dma_wait3A_18 = tpu.memref_slice %arg5[%add3A, %dma_wait3A_17] : memref<32x64xi32, #tpu.memory_space<hbm>> -> memref<1x64xi32, #tpu.memory_space<hbm>>
      %dma_wait3A_19 = tpu.memref_squeeze %dma_wait3A_18 : memref<1x64xi32, #tpu.memory_space<hbm>> -> memref<64xi32, #tpu.memory_space<hbm>>
      tpu.wait_dma2 semaphore(%run_scoped3A : memref<!tpu.dma_semaphore, #tpu.memory_space<semaphore_mem>>) src(%dma_wait3A_19 : memref<64xi32, #tpu.memory_space<hbm>>) dst(%arg10 : memref<64xi32, #tpu.memory_space<vmem>>)
      tpu.yield
    }) : () -> ()
    %scan3A = arith.constant 0 : i32
    %scan3A_3 = arith.constant 0 : i32
    %scan3A_4 = arith.constant 40 : i32
    %scan3A_5 = arith.addi %scan3A_3, %scan3A_4 : i32
    %scan3A_6 = arith.constant 1 : i32
    scf.for %scan3A_10 = %scan3A_3 to %scan3A_5 step %scan3A_6  : i32 {
      %get3A = arith.index_cast %scan3A_10 : i32 to index
      %get3A_11 = tpu.vector_load %arg10[%get3A] {strides = array<i32>} : memref<64xi32, #tpu.memory_space<vmem>>, vector<16xi32>,
      %slice3A = vector.extract_strided_slice %get3A_11 {offsets = [0], sizes = [1], strides = [1]} : vector<16xi32> to vector<1xi32>
      %squeeze3A = vector.extract %slice3A[0] : i32 from vector<1xi32>
      %gt3A = arith.constant 0 : i32
      %gt3A_12 = arith.cmpi sgt, %squeeze3A, %gt3A : i32
      %convert_element_type3A = arith.extui %gt3A_12 : i1 to i32
      %cond3A = arith.constant 0 : i32
      %cond3A_13 = arith.cmpi ne, %convert_element_type3A, %cond3A : i32
      scf.if %cond3A_13 {
        %le3A = arith.constant 2048 : i32
        %le3A_14 = arith.cmpi sle, %squeeze3A, %le3A : i32
        %convert_element_type3A_15 = arith.extui %le3A_14 : i1 to i32
        %cond3A_16 = arith.constant 0 : i32
        %cond3A_17 = arith.cmpi ne, %convert_element_type3A_15, %cond3A_16 : i32
        scf.if %cond3A_17 {
          "tpu.region"() ({
            %run_scoped3A = tpu.sem_alloc : memref<!tpu.dma_semaphore, #tpu.memory_space<semaphore_mem>>
            %dma_start3A = arith.constant 0 : i32
            %dma_start3A_35 = tpu.memref_slice %arg8[%dma_start3A] : memref<8208xi32, #tpu.memory_space<vmem>> -> memref<2048xi32, #tpu.memory_space<vmem>>
            %dma_start3A_36 = arith.constant 0 : i32
            %dma_start3A_37 = tpu.memref_slice %arg3[%add3A, %scan3A_10, %dma_start3A_36] : memref<32x40x8192xi32, #tpu.memory_space<hbm>> -> memref<1x1x2048xi32, #tpu.memory_space<hbm>>
            %dma_start3A_38 = tpu.memref_squeeze %dma_start3A_37 : memref<1x1x2048xi32, #tpu.memory_space<hbm>> -> memref<2048xi32, #tpu.memory_space<hbm>>
            %dma_start3A_39 = arith.constant 0 : i32
            %dma_start3A_40 = tpu.memref_slice %arg8[%dma_start3A_39] : memref<8208xi32, #tpu.memory_space<vmem>> -> memref<2048xi32, #tpu.memory_space<vmem>>
            %dma_start3A_41 = arith.constant 0 : i32
            %dma_start3A_42 = tpu.memref_slice %arg3[%add3A, %scan3A_10, %dma_start3A_41] : memref<32x40x8192xi32, #tpu.memory_space<hbm>> -> memref<1x1x2048xi32, #tpu.memory_space<hbm>>
            %dma_start3A_43 = tpu.memref_squeeze %dma_start3A_42 : memref<1x1x2048xi32, #tpu.memory_space<hbm>> -> memref<2048xi32, #tpu.memory_space<hbm>>
            tpu.enqueue_dma source(%dma_start3A_43 : memref<2048xi32, #tpu.memory_space<hbm>>) target(%dma_start3A_40 : memref<2048xi32, #tpu.memory_space<vmem>>) target_semaphore(%run_scoped3A : memref<!tpu.dma_semaphore, #tpu.memory_space<semaphore_mem>>)
            %dma_wait3A = arith.constant 0 : i32
            %dma_wait3A_44 = tpu.memref_slice %arg8[%dma_wait3A] : memref<8208xi32, #tpu.memory_space<vmem>> -> memref<2048xi32, #tpu.memory_space<vmem>>
            %dma_wait3A_45 = arith.constant 0 : i32
            %dma_wait3A_46 = tpu.memref_slice %arg3[%add3A, %scan3A_10, %dma_wait3A_45] : memref<32x40x8192xi32, #tpu.memory_space<hbm>> -> memref<1x1x2048xi32, #tpu.memory_space<hbm>>
            %dma_wait3A_47 = tpu.memref_squeeze %dma_wait3A_46 : memref<1x1x2048xi32, #tpu.memory_space<hbm>> -> memref<2048xi32, #tpu.memory_space<hbm>>
            %dma_wait3A_48 = arith.constant 0 : i32
            %dma_wait3A_49 = tpu.memref_slice %arg8[%dma_wait3A_48] : memref<8208xi32, #tpu.memory_space<vmem>> -> memref<2048xi32, #tpu.memory_space<vmem>>
            %dma_wait3A_50 = arith.constant 0 : i32
            %dma_wait3A_51 = tpu.memref_slice %arg3[%add3A, %scan3A_10, %dma_wait3A_50] : memref<32x40x8192xi32, #tpu.memory_space<hbm>> -> memref<1x1x2048xi32, #tpu.memory_space<hbm>>
            %dma_wait3A_52 = tpu.memref_squeeze %dma_wait3A_51 : memref<1x1x2048xi32, #tpu.memory_space<hbm>> -> memref<2048xi32, #tpu.memory_space<hbm>>
            tpu.wait_dma2 semaphore(%run_scoped3A : memref<!tpu.dma_semaphore, #tpu.memory_space<semaphore_mem>>) src(%dma_wait3A_52 : memref<2048xi32, #tpu.memory_space<hbm>>) dst(%dma_wait3A_49 : memref<2048xi32, #tpu.memory_space<vmem>>)
            tpu.yield
          }) : () -> ()
          "tpu.region"() ({
            %run_scoped3A = tpu.sem_alloc : memref<!tpu.dma_semaphore, #tpu.memory_space<semaphore_mem>>
            %dma_start3A = arith.constant 0 : i32
            %dma_start3A_35 = tpu.memref_slice %arg9[%dma_start3A] : memref<8208xi32, #tpu.memory_space<vmem>> -> memref<2048xi32, #tpu.memory_space<vmem>>
            %dma_start3A_36 = arith.constant 0 : i32
            %dma_start3A_37 = tpu.memref_slice %arg4[%add3A, %scan3A_10, %dma_start3A_36] : memref<32x40x8192xi32, #tpu.memory_space<hbm>> -> memref<1x1x2048xi32, #tpu.memory_space<hbm>>
            %dma_start3A_38 = tpu.memref_squeeze %dma_start3A_37 : memref<1x1x2048xi32, #tpu.memory_space<hbm>> -> memref<2048xi32, #tpu.memory_space<hbm>>
            %dma_start3A_39 = arith.constant 0 : i32
            %dma_start3A_40 = tpu.memref_slice %arg9[%dma_start3A_39] : memref<8208xi32, #tpu.memory_space<vmem>> -> memref<2048xi32, #tpu.memory_space<vmem>>
            %dma_start3A_41 = arith.constant 0 : i32
            %dma_start3A_42 = tpu.memref_slice %arg4[%add3A, %scan3A_10, %dma_start3A_41] : memref<32x40x8192xi32, #tpu.memory_space<hbm>> -> memref<1x1x2048xi32, #tpu.memory_space<hbm>>
            %dma_start3A_43 = tpu.memref_squeeze %dma_start3A_42 : memref<1x1x2048xi32, #tpu.memory_space<hbm>> -> memref<2048xi32, #tpu.memory_space<hbm>>
            tpu.enqueue_dma source(%dma_start3A_43 : memref<2048xi32, #tpu.memory_space<hbm>>) target(%dma_start3A_40 : memref<2048xi32, #tpu.memory_space<vmem>>) target_semaphore(%run_scoped3A : memref<!tpu.dma_semaphore, #tpu.memory_space<semaphore_mem>>)
            %dma_wait3A = arith.constant 0 : i32
            %dma_wait3A_44 = tpu.memref_slice %arg9[%dma_wait3A] : memref<8208xi32, #tpu.memory_space<vmem>> -> memref<2048xi32, #tpu.memory_space<vmem>>
            %dma_wait3A_45 = arith.constant 0 : i32
            %dma_wait3A_46 = tpu.memref_slice %arg4[%add3A, %scan3A_10, %dma_wait3A_45] : memref<32x40x8192xi32, #tpu.memory_space<hbm>> -> memref<1x1x2048xi32, #tpu.memory_space<hbm>>
            %dma_wait3A_47 = tpu.memref_squeeze %dma_wait3A_46 : memref<1x1x2048xi32, #tpu.memory_space<hbm>> -> memref<2048xi32, #tpu.memory_space<hbm>>
            %dma_wait3A_48 = arith.constant 0 : i32
            %dma_wait3A_49 = tpu.memref_slice %arg9[%dma_wait3A_48] : memref<8208xi32, #tpu.memory_space<vmem>> -> memref<2048xi32, #tpu.memory_space<vmem>>
            %dma_wait3A_50 = arith.constant 0 : i32
            %dma_wait3A_51 = tpu.memref_slice %arg4[%add3A, %scan3A_10, %dma_wait3A_50] : memref<32x40x8192xi32, #tpu.memory_space<hbm>> -> memref<1x1x2048xi32, #tpu.memory_space<hbm>>
            %dma_wait3A_52 = tpu.memref_squeeze %dma_wait3A_51 : memref<1x1x2048xi32, #tpu.memory_space<hbm>> -> memref<2048xi32, #tpu.memory_space<hbm>>
            tpu.wait_dma2 semaphore(%run_scoped3A : memref<!tpu.dma_semaphore, #tpu.memory_space<semaphore_mem>>) src(%dma_wait3A_52 : memref<2048xi32, #tpu.memory_space<hbm>>) dst(%dma_wait3A_49 : memref<2048xi32, #tpu.memory_space<vmem>>)
            tpu.yield
          }) : () -> ()
        } else {
        }
        %gt3A_18 = arith.constant 2048 : i32
        %gt3A_19 = arith.cmpi sgt, %squeeze3A, %gt3A_18 : i32
        %convert_element_type3A_20 = arith.extui %gt3A_19 : i1 to i32
        %cond3A_21 = arith.constant 0 : i32
        %cond3A_22 = arith.cmpi ne, %convert_element_type3A_20, %cond3A_21 : i32
        scf.if %cond3A_22 {
          "tpu.region"() ({
            %run_scoped3A = tpu.sem_alloc : memref<!tpu.dma_semaphore, #tpu.memory_space<semaphore_mem>>
            %dma_start3A = arith.constant 0 : i32
            %dma_start3A_35 = tpu.memref_slice %arg8[%dma_start3A] : memref<8208xi32, #tpu.memory_space<vmem>> -> memref<8192xi32, #tpu.memory_space<vmem>>
            %dma_start3A_36 = arith.constant 0 : i32
            %dma_start3A_37 = tpu.memref_slice %arg3[%add3A, %scan3A_10, %dma_start3A_36] : memref<32x40x8192xi32, #tpu.memory_space<hbm>> -> memref<1x1x8192xi32, #tpu.memory_space<hbm>>
            %dma_start3A_38 = tpu.memref_squeeze %dma_start3A_37 : memref<1x1x8192xi32, #tpu.memory_space<hbm>> -> memref<8192xi32, #tpu.memory_space<hbm>>
            %dma_start3A_39 = arith.constant 0 : i32
            %dma_start3A_40 = tpu.memref_slice %arg8[%dma_start3A_39] : memref<8208xi32, #tpu.memory_space<vmem>> -> memref<8192xi32, #tpu.memory_space<vmem>>
            %dma_start3A_41 = arith.constant 0 : i32
            %dma_start3A_42 = tpu.memref_slice %arg3[%add3A, %scan3A_10, %dma_start3A_41] : memref<32x40x8192xi32, #tpu.memory_space<hbm>> -> memref<1x1x8192xi32, #tpu.memory_space<hbm>>
            %dma_start3A_43 = tpu.memref_squeeze %dma_start3A_42 : memref<1x1x8192xi32, #tpu.memory_space<hbm>> -> memref<8192xi32, #tpu.memory_space<hbm>>
            tpu.enqueue_dma source(%dma_start3A_43 : memref<8192xi32, #tpu.memory_space<hbm>>) target(%dma_start3A_40 : memref<8192xi32, #tpu.memory_space<vmem>>) target_semaphore(%run_scoped3A : memref<!tpu.dma_semaphore, #tpu.memory_space<semaphore_mem>>)
            %dma_wait3A = arith.constant 0 : i32
            %dma_wait3A_44 = tpu.memref_slice %arg8[%dma_wait3A] : memref<8208xi32, #tpu.memory_space<vmem>> -> memref<8192xi32, #tpu.memory_space<vmem>>
            %dma_wait3A_45 = arith.constant 0 : i32
            %dma_wait3A_46 = tpu.memref_slice %arg3[%add3A, %scan3A_10, %dma_wait3A_45] : memref<32x40x8192xi32, #tpu.memory_space<hbm>> -> memref<1x1x8192xi32, #tpu.memory_space<hbm>>
            %dma_wait3A_47 = tpu.memref_squeeze %dma_wait3A_46 : memref<1x1x8192xi32, #tpu.memory_space<hbm>> -> memref<8192xi32, #tpu.memory_space<hbm>>
            %dma_wait3A_48 = arith.constant 0 : i32
            %dma_wait3A_49 = tpu.memref_slice %arg8[%dma_wait3A_48] : memref<8208xi32, #tpu.memory_space<vmem>> -> memref<8192xi32, #tpu.memory_space<vmem>>
            %dma_wait3A_50 = arith.constant 0 : i32
            %dma_wait3A_51 = tpu.memref_slice %arg3[%add3A, %scan3A_10, %dma_wait3A_50] : memref<32x40x8192xi32, #tpu.memory_space<hbm>> -> memref<1x1x8192xi32, #tpu.memory_space<hbm>>
            %dma_wait3A_52 = tpu.memref_squeeze %dma_wait3A_51 : memref<1x1x8192xi32, #tpu.memory_space<hbm>> -> memref<8192xi32, #tpu.memory_space<hbm>>
            tpu.wait_dma2 semaphore(%run_scoped3A : memref<!tpu.dma_semaphore, #tpu.memory_space<semaphore_mem>>) src(%dma_wait3A_52 : memref<8192xi32, #tpu.memory_space<hbm>>) dst(%dma_wait3A_49 : memref<8192xi32, #tpu.memory_space<vmem>>)
            tpu.yield
          }) : () -> ()
          "tpu.region"() ({
            %run_scoped3A = tpu.sem_alloc : memref<!tpu.dma_semaphore, #tpu.memory_space<semaphore_mem>>
            %dma_start3A = arith.constant 0 : i32
            %dma_start3A_35 = tpu.memref_slice %arg9[%dma_start3A] : memref<8208xi32, #tpu.memory_space<vmem>> -> memref<8192xi32, #tpu.memory_space<vmem>>
            %dma_start3A_36 = arith.constant 0 : i32
            %dma_start3A_37 = tpu.memref_slice %arg4[%add3A, %scan3A_10, %dma_start3A_36] : memref<32x40x8192xi32, #tpu.memory_space<hbm>> -> memref<1x1x8192xi32, #tpu.memory_space<hbm>>
            %dma_start3A_38 = tpu.memref_squeeze %dma_start3A_37 : memref<1x1x8192xi32, #tpu.memory_space<hbm>> -> memref<8192xi32, #tpu.memory_space<hbm>>
            %dma_start3A_39 = arith.constant 0 : i32
            %dma_start3A_40 = tpu.memref_slice %arg9[%dma_start3A_39] : memref<8208xi32, #tpu.memory_space<vmem>> -> memref<8192xi32, #tpu.memory_space<vmem>>
            %dma_start3A_41 = arith.constant 0 : i32
            %dma_start3A_42 = tpu.memref_slice %arg4[%add3A, %scan3A_10, %dma_start3A_41] : memref<32x40x8192xi32, #tpu.memory_space<hbm>> -> memref<1x1x8192xi32, #tpu.memory_space<hbm>>
            %dma_start3A_43 = tpu.memref_squeeze %dma_start3A_42 : memref<1x1x8192xi32, #tpu.memory_space<hbm>> -> memref<8192xi32, #tpu.memory_space<hbm>>
            tpu.enqueue_dma source(%dma_start3A_43 : memref<8192xi32, #tpu.memory_space<hbm>>) target(%dma_start3A_40 : memref<8192xi32, #tpu.memory_space<vmem>>) target_semaphore(%run_scoped3A : memref<!tpu.dma_semaphore, #tpu.memory_space<semaphore_mem>>)
            %dma_wait3A = arith.constant 0 : i32
            %dma_wait3A_44 = tpu.memref_slice %arg9[%dma_wait3A] : memref<8208xi32, #tpu.memory_space<vmem>> -> memref<8192xi32, #tpu.memory_space<vmem>>
            %dma_wait3A_45 = arith.constant 0 : i32
            %dma_wait3A_46 = tpu.memref_slice %arg4[%add3A, %scan3A_10, %dma_wait3A_45] : memref<32x40x8192xi32, #tpu.memory_space<hbm>> -> memref<1x1x8192xi32, #tpu.memory_space<hbm>>
            %dma_wait3A_47 = tpu.memref_squeeze %dma_wait3A_46 : memref<1x1x8192xi32, #tpu.memory_space<hbm>> -> memref<8192xi32, #tpu.memory_space<hbm>>
            %dma_wait3A_48 = arith.constant 0 : i32
            %dma_wait3A_49 = tpu.memref_slice %arg9[%dma_wait3A_48] : memref<8208xi32, #tpu.memory_space<vmem>> -> memref<8192xi32, #tpu.memory_space<vmem>>
            %dma_wait3A_50 = arith.constant 0 : i32
            %dma_wait3A_51 = tpu.memref_slice %arg4[%add3A, %scan3A_10, %dma_wait3A_50] : memref<32x40x8192xi32, #tpu.memory_space<hbm>> -> memref<1x1x8192xi32, #tpu.memory_space<hbm>>
            %dma_wait3A_52 = tpu.memref_squeeze %dma_wait3A_51 : memref<1x1x8192xi32, #tpu.memory_space<hbm>> -> memref<8192xi32, #tpu.memory_space<hbm>>
            tpu.wait_dma2 semaphore(%run_scoped3A : memref<!tpu.dma_semaphore, #tpu.memory_space<semaphore_mem>>) src(%dma_wait3A_52 : memref<8192xi32, #tpu.memory_space<hbm>>) dst(%dma_wait3A_49 : memref<8192xi32, #tpu.memory_space<vmem>>)
            tpu.yield
          }) : () -> ()
        } else {
        }
        %add3A_23 = arith.constant 127 : i32
        %add3A_24 = arith.addi %squeeze3A, %add3A_23 : i32
        %shift_right_arithmetic3A = arith.constant 7 : i32
        %shift_right_arithmetic3A_25 = arith.shrsi %add3A_24, %shift_right_arithmetic3A : i32
        %while3A = arith.constant 0 : i32
        %while3A_26 = arith.constant 0 : i32
        %while3A_27 = arith.subi %shift_right_arithmetic3A_25, %while3A_26 : i32
        %while3A_28 = arith.addi %while3A_26, %while3A_27 : i32
        %while3A_29 = arith.constant 1 : i32
        %while3A_30 = arith.divsi %while3A_27, %while3A_29 : i32
        %while3A_31 = arith.muli %while3A_30, %while3A_29 : i32
        %while3A_32 = arith.addi %while3A_26, %while3A_31 : i32
        %while3A_33 = arith.constant 1 : i32
        scf.for %while3A_35 = %while3A_26 to %while3A_32 step %while3A_33  : i32 {
          %mul3A_36 = arith.constant 128 : i32
          %mul3A_37 = arith.muli %while3A_35, %mul3A_36 : i32
          "tpu.region"() ({
            %run_scoped3A = tpu.sem_alloc : memref<!tpu.dma_semaphore, #tpu.memory_space<semaphore_mem>>
            %dma_start3A = tpu.memref_slice %arg8[%mul3A_37] : memref<8208xi32, #tpu.memory_space<vmem>> -> memref<128xi32, #tpu.memory_space<vmem>>
            %dma_start3A_51 = arith.constant 0 : i32
            %dma_start3A_52 = arith.constant 0 : i32
            %dma_start3A_53 = tpu.memref_slice %arg2[%dma_start3A_51, %dma_start3A_52] : memref<10000x128xf32, #tpu.memory_space<hbm>> -> memref<10000x128xf32, #tpu.memory_space<hbm>>
            tpu.enqueue_indirect_dma source(%dma_start3A_53 : memref<10000x128xf32, #tpu.memory_space<hbm>>) target(%arg11 : memref<128x128xf32, #tpu.memory_space<vmem>>) offsets(%dma_start3A : memref<128xi32, #tpu.memory_space<vmem>>) semaphore(%run_scoped3A : memref<!tpu.dma_semaphore, #tpu.memory_space<semaphore_mem>>)
            %dma_wait3A = tpu.memref_slice %arg8[%mul3A_37] : memref<8208xi32, #tpu.memory_space<vmem>> -> memref<128xi32, #tpu.memory_space<vmem>>
            %dma_wait3A_54 = arith.constant 0 : i32
            %dma_wait3A_55 = arith.constant 0 : i32
            %dma_wait3A_56 = tpu.memref_slice %arg2[%dma_wait3A_54, %dma_wait3A_55] : memref<10000x128xf32, #tpu.memory_space<hbm>> -> memref<10000x128xf32, #tpu.memory_space<hbm>>
            tpu.wait_indirect_dma semaphore(%run_scoped3A : memref<!tpu.dma_semaphore, #tpu.memory_space<semaphore_mem>>) src(%dma_wait3A_56 : memref<10000x128xf32, #tpu.memory_space<hbm>>) dst(%arg11 : memref<128x128xf32, #tpu.memory_space<vmem>>)
            tpu.yield
          }) : () -> ()
          %mul3A_38 = arith.constant 128 : i32
          %mul3A_39 = arith.muli %while3A_35, %mul3A_38 : i32
          %sub3A = arith.subi %squeeze3A, %mul3A_39 : i32
          %min3A = arith.constant 128 : i32
          %min3A_40 = arith.minsi %sub3A, %min3A : i32
          %while3A_41 = arith.constant 0 : i32
          %while3A_42 = arith.constant 0 : i32
          %while3A_43 = arith.subi %min3A_40, %while3A_42 : i32
          %while3A_44 = arith.addi %while3A_42, %while3A_43 : i32
          %while3A_45 = arith.constant 1 : i32
          %while3A_46 = arith.divsi %while3A_43, %while3A_45 : i32
          %while3A_47 = arith.muli %while3A_46, %while3A_45 : i32
          %while3A_48 = arith.addi %while3A_42, %while3A_47 : i32
          %while3A_49 = arith.constant 1 : i32
          scf.for %while3A_51 = %while3A_42 to %while3A_48 step %while3A_49  : i32 {
            %mul3A_52 = arith.constant 128 : i32
            %mul3A_53 = arith.muli %while3A_35, %mul3A_52 : i32
            %add3A_54 = arith.addi %mul3A_53, %while3A_51 : i32
            %get3A_55 = arith.index_cast %add3A_54 : i32 to index
            %get3A_56 = tpu.vector_load %arg9[%get3A_55] {strides = array<i32>} : memref<8208xi32, #tpu.memory_space<vmem>>, vector<16xi32>,
            %slice3A_57 = vector.extract_strided_slice %get3A_56 {offsets = [0], sizes = [1], strides = [1]} : vector<16xi32> to vector<1xi32>
            %squeeze3A_58 = vector.extract %slice3A_57[0] : i32 from vector<1xi32>
            %sub3A_59 = arith.subi %squeeze3A_58, %mul3A_2 : i32
            %get3A_60 = arith.index_cast %sub3A_59 : i32 to index
            %get3A_61 = arith.constant 0 : index
            %get3A_62 = tpu.vector_load %arg12[%get3A_60, %get3A_61] {strides = array<i32>} : memref<320x128xf32, #tpu.memory_space<vmem>>, vector<16xf32>,
            %get3A_63 = arith.index_cast %while3A_51 : i32 to index
            %get3A_64 = arith.constant 0 : index
            %get3A_65 = tpu.vector_load %arg11[%get3A_63, %get3A_64] {strides = array<i32>} : memref<128x128xf32, #tpu.memory_space<vmem>>, vector<16xf32>,
            %add3A_66 = arith.addf %get3A_62, %get3A_65 : vector<16xf32>
            %swap3A = arith.index_cast %sub3A_59 : i32 to index
            %swap3A_67 = arith.constant 0 : index
            %swap3A_68 = tpu.vector_load %arg12[%swap3A, %swap3A_67] {strides = array<i32>} : memref<320x128xf32, #tpu.memory_space<vmem>>, vector<16xf32>,
            tpu.vector_store %arg12[%swap3A, %swap3A_67], %add3A_66 {strides = array<i32>} : memref<320x128xf32, #tpu.memory_space<vmem>>, vector<16xf32>,
            %get3A_69 = arith.index_cast %sub3A_59 : i32 to index
            %get3A_70 = arith.constant 16 : index
            %get3A_71 = tpu.vector_load %arg12[%get3A_69, %get3A_70] {strides = array<i32>} : memref<320x128xf32, #tpu.memory_space<vmem>>, vector<16xf32>,
            %get3A_72 = arith.index_cast %while3A_51 : i32 to index
            %get3A_73 = arith.constant 16 : index
            %get3A_74 = tpu.vector_load %arg11[%get3A_72, %get3A_73] {strides = array<i32>} : memref<128x128xf32, #tpu.memory_space<vmem>>, vector<16xf32>,
            %add3A_75 = arith.addf %get3A_71, %get3A_74 : vector<16xf32>
            %swap3A_76 = arith.index_cast %sub3A_59 : i32 to index
            %swap3A_77 = arith.constant 16 : index
            %swap3A_78 = tpu.vector_load %arg12[%swap3A_76, %swap3A_77] {strides = array<i32>} : memref<320x128xf32, #tpu.memory_space<vmem>>, vector<16xf32>,
            tpu.vector_store %arg12[%swap3A_76, %swap3A_77], %add3A_75 {strides = array<i32>} : memref<320x128xf32, #tpu.memory_space<vmem>>, vector<16xf32>,
            %get3A_79 = arith.index_cast %sub3A_59 : i32 to index
            %get3A_80 = arith.constant 32 : index
            %get3A_81 = tpu.vector_load %arg12[%get3A_79, %get3A_80] {strides = array<i32>} : memref<320x128xf32, #tpu.memory_space<vmem>>, vector<16xf32>,
            %get3A_82 = arith.index_cast %while3A_51 : i32 to index
            %get3A_83 = arith.constant 32 : index
            %get3A_84 = tpu.vector_load %arg11[%get3A_82, %get3A_83] {strides = array<i32>} : memref<128x128xf32, #tpu.memory_space<vmem>>, vector<16xf32>,
            %add3A_85 = arith.addf %get3A_81, %get3A_84 : vector<16xf32>
            %swap3A_86 = arith.index_cast %sub3A_59 : i32 to index
            %swap3A_87 = arith.constant 32 : index
            %swap3A_88 = tpu.vector_load %arg12[%swap3A_86, %swap3A_87] {strides = array<i32>} : memref<320x128xf32, #tpu.memory_space<vmem>>, vector<16xf32>,
            tpu.vector_store %arg12[%swap3A_86, %swap3A_87], %add3A_85 {strides = array<i32>} : memref<320x128xf32, #tpu.memory_space<vmem>>, vector<16xf32>,
            %get3A_89 = arith.index_cast %sub3A_59 : i32 to index
            %get3A_90 = arith.constant 48 : index
            %get3A_91 = tpu.vector_load %arg12[%get3A_89, %get3A_90] {strides = array<i32>} : memref<320x128xf32, #tpu.memory_space<vmem>>, vector<16xf32>,
            %get3A_92 = arith.index_cast %while3A_51 : i32 to index
            %get3A_93 = arith.constant 48 : index
            %get3A_94 = tpu.vector_load %arg11[%get3A_92, %get3A_93] {strides = array<i32>} : memref<128x128xf32, #tpu.memory_space<vmem>>, vector<16xf32>,
            %add3A_95 = arith.addf %get3A_91, %get3A_94 : vector<16xf32>
            %swap3A_96 = arith.index_cast %sub3A_59 : i32 to index
            %swap3A_97 = arith.constant 48 : index
            %swap3A_98 = tpu.vector_load %arg12[%swap3A_96, %swap3A_97] {strides = array<i32>} : memref<320x128xf32, #tpu.memory_space<vmem>>, vector<16xf32>,
            tpu.vector_store %arg12[%swap3A_96, %swap3A_97], %add3A_95 {strides = array<i32>} : memref<320x128xf32, #tpu.memory_space<vmem>>, vector<16xf32>,
            %get3A_99 = arith.index_cast %sub3A_59 : i32 to index
            %get3A_100 = arith.constant 64 : index
            %get3A_101 = tpu.vector_load %arg12[%get3A_99, %get3A_100] {strides = array<i32>} : memref<320x128xf32, #tpu.memory_space<vmem>>, vector<16xf32>,
            %get3A_102 = arith.index_cast %while3A_51 : i32 to index
            %get3A_103 = arith.constant 64 : index
            %get3A_104 = tpu.vector_load %arg11[%get3A_102, %get3A_103] {strides = array<i32>} : memref<128x128xf32, #tpu.memory_space<vmem>>, vector<16xf32>,
            %add3A_105 = arith.addf %get3A_101, %get3A_104 : vector<16xf32>
            %swap3A_106 = arith.index_cast %sub3A_59 : i32 to index
            %swap3A_107 = arith.constant 64 : index
            %swap3A_108 = tpu.vector_load %arg12[%swap3A_106, %swap3A_107] {strides = array<i32>} : memref<320x128xf32, #tpu.memory_space<vmem>>, vector<16xf32>,
            tpu.vector_store %arg12[%swap3A_106, %swap3A_107], %add3A_105 {strides = array<i32>} : memref<320x128xf32, #tpu.memory_space<vmem>>, vector<16xf32>,
            %get3A_109 = arith.index_cast %sub3A_59 : i32 to index
            %get3A_110 = arith.constant 80 : index
            %get3A_111 = tpu.vector_load %arg12[%get3A_109, %get3A_110] {strides = array<i32>} : memref<320x128xf32, #tpu.memory_space<vmem>>, vector<16xf32>,
            %get3A_112 = arith.index_cast %while3A_51 : i32 to index
            %get3A_113 = arith.constant 80 : index
            %get3A_114 = tpu.vector_load %arg11[%get3A_112, %get3A_113] {strides = array<i32>} : memref<128x128xf32, #tpu.memory_space<vmem>>, vector<16xf32>,
            %add3A_115 = arith.addf %get3A_111, %get3A_114 : vector<16xf32>
            %swap3A_116 = arith.index_cast %sub3A_59 : i32 to index
            %swap3A_117 = arith.constant 80 : index
            %swap3A_118 = tpu.vector_load %arg12[%swap3A_116, %swap3A_117] {strides = array<i32>} : memref<320x128xf32, #tpu.memory_space<vmem>>, vector<16xf32>,
            tpu.vector_store %arg12[%swap3A_116, %swap3A_117], %add3A_115 {strides = array<i32>} : memref<320x128xf32, #tpu.memory_space<vmem>>, vector<16xf32>,
            %get3A_119 = arith.index_cast %sub3A_59 : i32 to index
            %get3A_120 = arith.constant 96 : index
            %get3A_121 = tpu.vector_load %arg12[%get3A_119, %get3A_120] {strides = array<i32>} : memref<320x128xf32, #tpu.memory_space<vmem>>, vector<16xf32>,
            %get3A_122 = arith.index_cast %while3A_51 : i32 to index
            %get3A_123 = arith.constant 96 : index
            %get3A_124 = tpu.vector_load %arg11[%get3A_122, %get3A_123] {strides = array<i32>} : memref<128x128xf32, #tpu.memory_space<vmem>>, vector<16xf32>,
            %add3A_125 = arith.addf %get3A_121, %get3A_124 : vector<16xf32>
            %swap3A_126 = arith.index_cast %sub3A_59 : i32 to index
            %swap3A_127 = arith.constant 96 : index
            %swap3A_128 = tpu.vector_load %arg12[%swap3A_126, %swap3A_127] {strides = array<i32>} : memref<320x128xf32, #tpu.memory_space<vmem>>, vector<16xf32>,
            tpu.vector_store %arg12[%swap3A_126, %swap3A_127], %add3A_125 {strides = array<i32>} : memref<320x128xf32, #tpu.memory_space<vmem>>, vector<16xf32>,
            %get3A_129 = arith.index_cast %sub3A_59 : i32 to index
            %get3A_130 = arith.constant 112 : index
            %get3A_131 = tpu.vector_load %arg12[%get3A_129, %get3A_130] {strides = array<i32>} : memref<320x128xf32, #tpu.memory_space<vmem>>, vector<16xf32>,
            %get3A_132 = arith.index_cast %while3A_51 : i32 to index
            %get3A_133 = arith.constant 112 : index
            %get3A_134 = tpu.vector_load %arg11[%get3A_132, %get3A_133] {strides = array<i32>} : memref<128x128xf32, #tpu.memory_space<vmem>>, vector<16xf32>,
            %add3A_135 = arith.addf %get3A_131, %get3A_134 : vector<16xf32>
            %swap3A_136 = arith.index_cast %sub3A_59 : i32 to index
            %swap3A_137 = arith.constant 112 : index
            %swap3A_138 = tpu.vector_load %arg12[%swap3A_136, %swap3A_137] {strides = array<i32>} : memref<320x128xf32, #tpu.memory_space<vmem>>, vector<16xf32>,
            tpu.vector_store %arg12[%swap3A_136, %swap3A_137], %add3A_135 {strides = array<i32>} : memref<320x128xf32, #tpu.memory_space<vmem>>, vector<16xf32>,
          }
          %while3A_50 = arith.constant 1 : i32
          scf.for %while3A_51 = %while3A_48 to %while3A_44 step %while3A_50  : i32 {
            %mul3A_52 = arith.constant 128 : i32
            %mul3A_53 = arith.muli %while3A_35, %mul3A_52 : i32
            %add3A_54 = arith.addi %mul3A_53, %while3A_51 : i32
            %get3A_55 = arith.index_cast %add3A_54 : i32 to index
            %get3A_56 = tpu.vector_load %arg9[%get3A_55] {strides = array<i32>} : memref<8208xi32, #tpu.memory_space<vmem>>, vector<16xi32>,
            %slice3A_57 = vector.extract_strided_slice %get3A_56 {offsets = [0], sizes = [1], strides = [1]} : vector<16xi32> to vector<1xi32>
            %squeeze3A_58 = vector.extract %slice3A_57[0] : i32 from vector<1xi32>
            %sub3A_59 = arith.subi %squeeze3A_58, %mul3A_2 : i32
            %get3A_60 = arith.index_cast %sub3A_59 : i32 to index
            %get3A_61 = arith.constant 0 : index
            %get3A_62 = tpu.vector_load %arg12[%get3A_60, %get3A_61] {strides = array<i32>} : memref<320x128xf32, #tpu.memory_space<vmem>>, vector<16xf32>,
            %get3A_63 = arith.index_cast %while3A_51 : i32 to index
            %get3A_64 = arith.constant 0 : index
            %get3A_65 = tpu.vector_load %arg11[%get3A_63, %get3A_64] {strides = array<i32>} : memref<128x128xf32, #tpu.memory_space<vmem>>, vector<16xf32>,
            %add3A_66 = arith.addf %get3A_62, %get3A_65 : vector<16xf32>
            %swap3A = arith.index_cast %sub3A_59 : i32 to index
            %swap3A_67 = arith.constant 0 : index
            %swap3A_68 = tpu.vector_load %arg12[%swap3A, %swap3A_67] {strides = array<i32>} : memref<320x128xf32, #tpu.memory_space<vmem>>, vector<16xf32>,
            tpu.vector_store %arg12[%swap3A, %swap3A_67], %add3A_66 {strides = array<i32>} : memref<320x128xf32, #tpu.memory_space<vmem>>, vector<16xf32>,
            %get3A_69 = arith.index_cast %sub3A_59 : i32 to index
            %get3A_70 = arith.constant 16 : index
            %get3A_71 = tpu.vector_load %arg12[%get3A_69, %get3A_70] {strides = array<i32>} : memref<320x128xf32, #tpu.memory_space<vmem>>, vector<16xf32>,
            %get3A_72 = arith.index_cast %while3A_51 : i32 to index
            %get3A_73 = arith.constant 16 : index
            %get3A_74 = tpu.vector_load %arg11[%get3A_72, %get3A_73] {strides = array<i32>} : memref<128x128xf32, #tpu.memory_space<vmem>>, vector<16xf32>,
            %add3A_75 = arith.addf %get3A_71, %get3A_74 : vector<16xf32>
            %swap3A_76 = arith.index_cast %sub3A_59 : i32 to index
            %swap3A_77 = arith.constant 16 : index
            %swap3A_78 = tpu.vector_load %arg12[%swap3A_76, %swap3A_77] {strides = array<i32>} : memref<320x128xf32, #tpu.memory_space<vmem>>, vector<16xf32>,
            tpu.vector_store %arg12[%swap3A_76, %swap3A_77], %add3A_75 {strides = array<i32>} : memref<320x128xf32, #tpu.memory_space<vmem>>, vector<16xf32>,
            %get3A_79 = arith.index_cast %sub3A_59 : i32 to index
            %get3A_80 = arith.constant 32 : index
            %get3A_81 = tpu.vector_load %arg12[%get3A_79, %get3A_80] {strides = array<i32>} : memref<320x128xf32, #tpu.memory_space<vmem>>, vector<16xf32>,
            %get3A_82 = arith.index_cast %while3A_51 : i32 to index
            %get3A_83 = arith.constant 32 : index
            %get3A_84 = tpu.vector_load %arg11[%get3A_82, %get3A_83] {strides = array<i32>} : memref<128x128xf32, #tpu.memory_space<vmem>>, vector<16xf32>,
            %add3A_85 = arith.addf %get3A_81, %get3A_84 : vector<16xf32>
            %swap3A_86 = arith.index_cast %sub3A_59 : i32 to index
            %swap3A_87 = arith.constant 32 : index
            %swap3A_88 = tpu.vector_load %arg12[%swap3A_86, %swap3A_87] {strides = array<i32>} : memref<320x128xf32, #tpu.memory_space<vmem>>, vector<16xf32>,
            tpu.vector_store %arg12[%swap3A_86, %swap3A_87], %add3A_85 {strides = array<i32>} : memref<320x128xf32, #tpu.memory_space<vmem>>, vector<16xf32>,
            %get3A_89 = arith.index_cast %sub3A_59 : i32 to index
            %get3A_90 = arith.constant 48 : index
            %get3A_91 = tpu.vector_load %arg12[%get3A_89, %get3A_90] {strides = array<i32>} : memref<320x128xf32, #tpu.memory_space<vmem>>, vector<16xf32>,
            %get3A_92 = arith.index_cast %while3A_51 : i32 to index
            %get3A_93 = arith.constant 48 : index
            %get3A_94 = tpu.vector_load %arg11[%get3A_92, %get3A_93] {strides = array<i32>} : memref<128x128xf32, #tpu.memory_space<vmem>>, vector<16xf32>,
            %add3A_95 = arith.addf %get3A_91, %get3A_94 : vector<16xf32>
            %swap3A_96 = arith.index_cast %sub3A_59 : i32 to index
            %swap3A_97 = arith.constant 48 : index
            %swap3A_98 = tpu.vector_load %arg12[%swap3A_96, %swap3A_97] {strides = array<i32>} : memref<320x128xf32, #tpu.memory_space<vmem>>, vector<16xf32>,
            tpu.vector_store %arg12[%swap3A_96, %swap3A_97], %add3A_95 {strides = array<i32>} : memref<320x128xf32, #tpu.memory_space<vmem>>, vector<16xf32>,
            %get3A_99 = arith.index_cast %sub3A_59 : i32 to index
            %get3A_100 = arith.constant 64 : index
            %get3A_101 = tpu.vector_load %arg12[%get3A_99, %get3A_100] {strides = array<i32>} : memref<320x128xf32, #tpu.memory_space<vmem>>, vector<16xf32>,
            %get3A_102 = arith.index_cast %while3A_51 : i32 to index
            %get3A_103 = arith.constant 64 : index
            %get3A_104 = tpu.vector_load %arg11[%get3A_102, %get3A_103] {strides = array<i32>} : memref<128x128xf32, #tpu.memory_space<vmem>>, vector<16xf32>,
            %add3A_105 = arith.addf %get3A_101, %get3A_104 : vector<16xf32>
            %swap3A_106 = arith.index_cast %sub3A_59 : i32 to index
            %swap3A_107 = arith.constant 64 : index
            %swap3A_108 = tpu.vector_load %arg12[%swap3A_106, %swap3A_107] {strides = array<i32>} : memref<320x128xf32, #tpu.memory_space<vmem>>, vector<16xf32>,
            tpu.vector_store %arg12[%swap3A_106, %swap3A_107], %add3A_105 {strides = array<i32>} : memref<320x128xf32, #tpu.memory_space<vmem>>, vector<16xf32>,
            %get3A_109 = arith.index_cast %sub3A_59 : i32 to index
            %get3A_110 = arith.constant 80 : index
            %get3A_111 = tpu.vector_load %arg12[%get3A_109, %get3A_110] {strides = array<i32>} : memref<320x128xf32, #tpu.memory_space<vmem>>, vector<16xf32>,
            %get3A_112 = arith.index_cast %while3A_51 : i32 to index
            %get3A_113 = arith.constant 80 : index
            %get3A_114 = tpu.vector_load %arg11[%get3A_112, %get3A_113] {strides = array<i32>} : memref<128x128xf32, #tpu.memory_space<vmem>>, vector<16xf32>,
            %add3A_115 = arith.addf %get3A_111, %get3A_114 : vector<16xf32>
            %swap3A_116 = arith.index_cast %sub3A_59 : i32 to index
            %swap3A_117 = arith.constant 80 : index
            %swap3A_118 = tpu.vector_load %arg12[%swap3A_116, %swap3A_117] {strides = array<i32>} : memref<320x128xf32, #tpu.memory_space<vmem>>, vector<16xf32>,
            tpu.vector_store %arg12[%swap3A_116, %swap3A_117], %add3A_115 {strides = array<i32>} : memref<320x128xf32, #tpu.memory_space<vmem>>, vector<16xf32>,
            %get3A_119 = arith.index_cast %sub3A_59 : i32 to index
            %get3A_120 = arith.constant 96 : index
            %get3A_121 = tpu.vector_load %arg12[%get3A_119, %get3A_120] {strides = array<i32>} : memref<320x128xf32, #tpu.memory_space<vmem>>, vector<16xf32>,
            %get3A_122 = arith.index_cast %while3A_51 : i32 to index
            %get3A_123 = arith.constant 96 : index
            %get3A_124 = tpu.vector_load %arg11[%get3A_122, %get3A_123] {strides = array<i32>} : memref<128x128xf32, #tpu.memory_space<vmem>>, vector<16xf32>,
            %add3A_125 = arith.addf %get3A_121, %get3A_124 : vector<16xf32>
            %swap3A_126 = arith.index_cast %sub3A_59 : i32 to index
            %swap3A_127 = arith.constant 96 : index
            %swap3A_128 = tpu.vector_load %arg12[%swap3A_126, %swap3A_127] {strides = array<i32>} : memref<320x128xf32, #tpu.memory_space<vmem>>, vector<16xf32>,
            tpu.vector_store %arg12[%swap3A_126, %swap3A_127], %add3A_125 {strides = array<i32>} : memref<320x128xf32, #tpu.memory_space<vmem>>, vector<16xf32>,
            %get3A_129 = arith.index_cast %sub3A_59 : i32 to index
            %get3A_130 = arith.constant 112 : index
            %get3A_131 = tpu.vector_load %arg12[%get3A_129, %get3A_130] {strides = array<i32>} : memref<320x128xf32, #tpu.memory_space<vmem>>, vector<16xf32>,
            %get3A_132 = arith.index_cast %while3A_51 : i32 to index
            %get3A_133 = arith.constant 112 : index
            %get3A_134 = tpu.vector_load %arg11[%get3A_132, %get3A_133] {strides = array<i32>} : memref<128x128xf32, #tpu.memory_space<vmem>>, vector<16xf32>,
            %add3A_135 = arith.addf %get3A_131, %get3A_134 : vector<16xf32>
            %swap3A_136 = arith.index_cast %sub3A_59 : i32 to index
            %swap3A_137 = arith.constant 112 : index
            %swap3A_138 = tpu.vector_load %arg12[%swap3A_136, %swap3A_137] {strides = array<i32>} : memref<320x128xf32, #tpu.memory_space<vmem>>, vector<16xf32>,
            tpu.vector_store %arg12[%swap3A_136, %swap3A_137], %add3A_135 {strides = array<i32>} : memref<320x128xf32, #tpu.memory_space<vmem>>, vector<16xf32>,
          }
        }
        %while3A_34 = arith.constant 1 : i32
        scf.for %while3A_35 = %while3A_32 to %while3A_28 step %while3A_34  : i32 {
          %mul3A_36 = arith.constant 128 : i32
          %mul3A_37 = arith.muli %while3A_35, %mul3A_36 : i32
          "tpu.region"() ({
            %run_scoped3A = tpu.sem_alloc : memref<!tpu.dma_semaphore, #tpu.memory_space<semaphore_mem>>
            %dma_start3A = tpu.memref_slice %arg8[%mul3A_37] : memref<8208xi32, #tpu.memory_space<vmem>> -> memref<128xi32, #tpu.memory_space<vmem>>
            %dma_start3A_51 = arith.constant 0 : i32
            %dma_start3A_52 = arith.constant 0 : i32
            %dma_start3A_53 = tpu.memref_slice %arg2[%dma_start3A_51, %dma_start3A_52] : memref<10000x128xf32, #tpu.memory_space<hbm>> -> memref<10000x128xf32, #tpu.memory_space<hbm>>
            tpu.enqueue_indirect_dma source(%dma_start3A_53 : memref<10000x128xf32, #tpu.memory_space<hbm>>) target(%arg11 : memref<128x128xf32, #tpu.memory_space<vmem>>) offsets(%dma_start3A : memref<128xi32, #tpu.memory_space<vmem>>) semaphore(%run_scoped3A : memref<!tpu.dma_semaphore, #tpu.memory_space<semaphore_mem>>)
            %dma_wait3A = tpu.memref_slice %arg8[%mul3A_37] : memref<8208xi32, #tpu.memory_space<vmem>> -> memref<128xi32, #tpu.memory_space<vmem>>
            %dma_wait3A_54 = arith.constant 0 : i32
            %dma_wait3A_55 = arith.constant 0 : i32
            %dma_wait3A_56 = tpu.memref_slice %arg2[%dma_wait3A_54, %dma_wait3A_55] : memref<10000x128xf32, #tpu.memory_space<hbm>> -> memref<10000x128xf32, #tpu.memory_space<hbm>>
            tpu.wait_indirect_dma semaphore(%run_scoped3A : memref<!tpu.dma_semaphore, #tpu.memory_space<semaphore_mem>>) src(%dma_wait3A_56 : memref<10000x128xf32, #tpu.memory_space<hbm>>) dst(%arg11 : memref<128x128xf32, #tpu.memory_space<vmem>>)
            tpu.yield
          }) : () -> ()
          %mul3A_38 = arith.constant 128 : i32
          %mul3A_39 = arith.muli %while3A_35, %mul3A_38 : i32
          %sub3A = arith.subi %squeeze3A, %mul3A_39 : i32
          %min3A = arith.constant 128 : i32
          %min3A_40 = arith.minsi %sub3A, %min3A : i32
          %while3A_41 = arith.constant 0 : i32
          %while3A_42 = arith.constant 0 : i32
          %while3A_43 = arith.subi %min3A_40, %while3A_42 : i32
          %while3A_44 = arith.addi %while3A_42, %while3A_43 : i32
          %while3A_45 = arith.constant 1 : i32
          %while3A_46 = arith.divsi %while3A_43, %while3A_45 : i32
          %while3A_47 = arith.muli %while3A_46, %while3A_45 : i32
          %while3A_48 = arith.addi %while3A_42, %while3A_47 : i32
          %while3A_49 = arith.constant 1 : i32
          scf.for %while3A_51 = %while3A_42 to %while3A_48 step %while3A_49  : i32 {
            %mul3A_52 = arith.constant 128 : i32
            %mul3A_53 = arith.muli %while3A_35, %mul3A_52 : i32
            %add3A_54 = arith.addi %mul3A_53, %while3A_51 : i32
            %get3A_55 = arith.index_cast %add3A_54 : i32 to index
            %get3A_56 = tpu.vector_load %arg9[%get3A_55] {strides = array<i32>} : memref<8208xi32, #tpu.memory_space<vmem>>, vector<16xi32>,
            %slice3A_57 = vector.extract_strided_slice %get3A_56 {offsets = [0], sizes = [1], strides = [1]} : vector<16xi32> to vector<1xi32>
            %squeeze3A_58 = vector.extract %slice3A_57[0] : i32 from vector<1xi32>
            %sub3A_59 = arith.subi %squeeze3A_58, %mul3A_2 : i32
            %get3A_60 = arith.index_cast %sub3A_59 : i32 to index
            %get3A_61 = arith.constant 0 : index
            %get3A_62 = tpu.vector_load %arg12[%get3A_60, %get3A_61] {strides = array<i32>} : memref<320x128xf32, #tpu.memory_space<vmem>>, vector<16xf32>,
            %get3A_63 = arith.index_cast %while3A_51 : i32 to index
            %get3A_64 = arith.constant 0 : index
            %get3A_65 = tpu.vector_load %arg11[%get3A_63, %get3A_64] {strides = array<i32>} : memref<128x128xf32, #tpu.memory_space<vmem>>, vector<16xf32>,
            %add3A_66 = arith.addf %get3A_62, %get3A_65 : vector<16xf32>
            %swap3A = arith.index_cast %sub3A_59 : i32 to index
            %swap3A_67 = arith.constant 0 : index
            %swap3A_68 = tpu.vector_load %arg12[%swap3A, %swap3A_67] {strides = array<i32>} : memref<320x128xf32, #tpu.memory_space<vmem>>, vector<16xf32>,
            tpu.vector_store %arg12[%swap3A, %swap3A_67], %add3A_66 {strides = array<i32>} : memref<320x128xf32, #tpu.memory_space<vmem>>, vector<16xf32>,
            %get3A_69 = arith.index_cast %sub3A_59 : i32 to index
            %get3A_70 = arith.constant 16 : index
            %get3A_71 = tpu.vector_load %arg12[%get3A_69, %get3A_70] {strides = array<i32>} : memref<320x128xf32, #tpu.memory_space<vmem>>, vector<16xf32>,
            %get3A_72 = arith.index_cast %while3A_51 : i32 to index
            %get3A_73 = arith.constant 16 : index
            %get3A_74 = tpu.vector_load %arg11[%get3A_72, %get3A_73] {strides = array<i32>} : memref<128x128xf32, #tpu.memory_space<vmem>>, vector<16xf32>,
            %add3A_75 = arith.addf %get3A_71, %get3A_74 : vector<16xf32>
            %swap3A_76 = arith.index_cast %sub3A_59 : i32 to index
            %swap3A_77 = arith.constant 16 : index
            %swap3A_78 = tpu.vector_load %arg12[%swap3A_76, %swap3A_77] {strides = array<i32>} : memref<320x128xf32, #tpu.memory_space<vmem>>, vector<16xf32>,
            tpu.vector_store %arg12[%swap3A_76, %swap3A_77], %add3A_75 {strides = array<i32>} : memref<320x128xf32, #tpu.memory_space<vmem>>, vector<16xf32>,
            %get3A_79 = arith.index_cast %sub3A_59 : i32 to index
            %get3A_80 = arith.constant 32 : index
            %get3A_81 = tpu.vector_load %arg12[%get3A_79, %get3A_80] {strides = array<i32>} : memref<320x128xf32, #tpu.memory_space<vmem>>, vector<16xf32>,
            %get3A_82 = arith.index_cast %while3A_51 : i32 to index
            %get3A_83 = arith.constant 32 : index
            %get3A_84 = tpu.vector_load %arg11[%get3A_82, %get3A_83] {strides = array<i32>} : memref<128x128xf32, #tpu.memory_space<vmem>>, vector<16xf32>,
            %add3A_85 = arith.addf %get3A_81, %get3A_84 : vector<16xf32>
            %swap3A_86 = arith.index_cast %sub3A_59 : i32 to index
            %swap3A_87 = arith.constant 32 : index
            %swap3A_88 = tpu.vector_load %arg12[%swap3A_86, %swap3A_87] {strides = array<i32>} : memref<320x128xf32, #tpu.memory_space<vmem>>, vector<16xf32>,
            tpu.vector_store %arg12[%swap3A_86, %swap3A_87], %add3A_85 {strides = array<i32>} : memref<320x128xf32, #tpu.memory_space<vmem>>, vector<16xf32>,
            %get3A_89 = arith.index_cast %sub3A_59 : i32 to index
            %get3A_90 = arith.constant 48 : index
            %get3A_91 = tpu.vector_load %arg12[%get3A_89, %get3A_90] {strides = array<i32>} : memref<320x128xf32, #tpu.memory_space<vmem>>, vector<16xf32>,
            %get3A_92 = arith.index_cast %while3A_51 : i32 to index
            %get3A_93 = arith.constant 48 : index
            %get3A_94 = tpu.vector_load %arg11[%get3A_92, %get3A_93] {strides = array<i32>} : memref<128x128xf32, #tpu.memory_space<vmem>>, vector<16xf32>,
            %add3A_95 = arith.addf %get3A_91, %get3A_94 : vector<16xf32>
            %swap3A_96 = arith.index_cast %sub3A_59 : i32 to index
            %swap3A_97 = arith.constant 48 : index
            %swap3A_98 = tpu.vector_load %arg12[%swap3A_96, %swap3A_97] {strides = array<i32>} : memref<320x128xf32, #tpu.memory_space<vmem>>, vector<16xf32>,
            tpu.vector_store %arg12[%swap3A_96, %swap3A_97], %add3A_95 {strides = array<i32>} : memref<320x128xf32, #tpu.memory_space<vmem>>, vector<16xf32>,
            %get3A_99 = arith.index_cast %sub3A_59 : i32 to index
            %get3A_100 = arith.constant 64 : index
            %get3A_101 = tpu.vector_load %arg12[%get3A_99, %get3A_100] {strides = array<i32>} : memref<320x128xf32, #tpu.memory_space<vmem>>, vector<16xf32>,
            %get3A_102 = arith.index_cast %while3A_51 : i32 to index
            %get3A_103 = arith.constant 64 : index
            %get3A_104 = tpu.vector_load %arg11[%get3A_102, %get3A_103] {strides = array<i32>} : memref<128x128xf32, #tpu.memory_space<vmem>>, vector<16xf32>,
            %add3A_105 = arith.addf %get3A_101, %get3A_104 : vector<16xf32>
            %swap3A_106 = arith.index_cast %sub3A_59 : i32 to index
            %swap3A_107 = arith.constant 64 : index
            %swap3A_108 = tpu.vector_load %arg12[%swap3A_106, %swap3A_107] {strides = array<i32>} : memref<320x128xf32, #tpu.memory_space<vmem>>, vector<16xf32>,
            tpu.vector_store %arg12[%swap3A_106, %swap3A_107], %add3A_105 {strides = array<i32>} : memref<320x128xf32, #tpu.memory_space<vmem>>, vector<16xf32>,
            %get3A_109 = arith.index_cast %sub3A_59 : i32 to index
            %get3A_110 = arith.constant 80 : index
            %get3A_111 = tpu.vector_load %arg12[%get3A_109, %get3A_110] {strides = array<i32>} : memref<320x128xf32, #tpu.memory_space<vmem>>, vector<16xf32>,
            %get3A_112 = arith.index_cast %while3A_51 : i32 to index
            %get3A_113 = arith.constant 80 : index
            %get3A_114 = tpu.vector_load %arg11[%get3A_112, %get3A_113] {strides = array<i32>} : memref<128x128xf32, #tpu.memory_space<vmem>>, vector<16xf32>,
            %add3A_115 = arith.addf %get3A_111, %get3A_114 : vector<16xf32>
            %swap3A_116 = arith.index_cast %sub3A_59 : i32 to index
            %swap3A_117 = arith.constant 80 : index
            %swap3A_118 = tpu.vector_load %arg12[%swap3A_116, %swap3A_117] {strides = array<i32>} : memref<320x128xf32, #tpu.memory_space<vmem>>, vector<16xf32>,
            tpu.vector_store %arg12[%swap3A_116, %swap3A_117], %add3A_115 {strides = array<i32>} : memref<320x128xf32, #tpu.memory_space<vmem>>, vector<16xf32>,
            %get3A_119 = arith.index_cast %sub3A_59 : i32 to index
            %get3A_120 = arith.constant 96 : index
            %get3A_121 = tpu.vector_load %arg12[%get3A_119, %get3A_120] {strides = array<i32>} : memref<320x128xf32, #tpu.memory_space<vmem>>, vector<16xf32>,
            %get3A_122 = arith.index_cast %while3A_51 : i32 to index
            %get3A_123 = arith.constant 96 : index
            %get3A_124 = tpu.vector_load %arg11[%get3A_122, %get3A_123] {strides = array<i32>} : memref<128x128xf32, #tpu.memory_space<vmem>>, vector<16xf32>,
            %add3A_125 = arith.addf %get3A_121, %get3A_124 : vector<16xf32>
            %swap3A_126 = arith.index_cast %sub3A_59 : i32 to index
            %swap3A_127 = arith.constant 96 : index
            %swap3A_128 = tpu.vector_load %arg12[%swap3A_126, %swap3A_127] {strides = array<i32>} : memref<320x128xf32, #tpu.memory_space<vmem>>, vector<16xf32>,
            tpu.vector_store %arg12[%swap3A_126, %swap3A_127], %add3A_125 {strides = array<i32>} : memref<320x128xf32, #tpu.memory_space<vmem>>, vector<16xf32>,
            %get3A_129 = arith.index_cast %sub3A_59 : i32 to index
            %get3A_130 = arith.constant 112 : index
            %get3A_131 = tpu.vector_load %arg12[%get3A_129, %get3A_130] {strides = array<i32>} : memref<320x128xf32, #tpu.memory_space<vmem>>, vector<16xf32>,
            %get3A_132 = arith.index_cast %while3A_51 : i32 to index
            %get3A_133 = arith.constant 112 : index
            %get3A_134 = tpu.vector_load %arg11[%get3A_132, %get3A_133] {strides = array<i32>} : memref<128x128xf32, #tpu.memory_space<vmem>>, vector<16xf32>,
            %add3A_135 = arith.addf %get3A_131, %get3A_134 : vector<16xf32>
            %swap3A_136 = arith.index_cast %sub3A_59 : i32 to index
            %swap3A_137 = arith.constant 112 : index
            %swap3A_138 = tpu.vector_load %arg12[%swap3A_136, %swap3A_137] {strides = array<i32>} : memref<320x128xf32, #tpu.memory_space<vmem>>, vector<16xf32>,
            tpu.vector_store %arg12[%swap3A_136, %swap3A_137], %add3A_135 {strides = array<i32>} : memref<320x128xf32, #tpu.memory_space<vmem>>, vector<16xf32>,
          }
          %while3A_50 = arith.constant 1 : i32
          scf.for %while3A_51 = %while3A_48 to %while3A_44 step %while3A_50  : i32 {
            %mul3A_52 = arith.constant 128 : i32
            %mul3A_53 = arith.muli %while3A_35, %mul3A_52 : i32
            %add3A_54 = arith.addi %mul3A_53, %while3A_51 : i32
            %get3A_55 = arith.index_cast %add3A_54 : i32 to index
            %get3A_56 = tpu.vector_load %arg9[%get3A_55] {strides = array<i32>} : memref<8208xi32, #tpu.memory_space<vmem>>, vector<16xi32>,
            %slice3A_57 = vector.extract_strided_slice %get3A_56 {offsets = [0], sizes = [1], strides = [1]} : vector<16xi32> to vector<1xi32>
            %squeeze3A_58 = vector.extract %slice3A_57[0] : i32 from vector<1xi32>
            %sub3A_59 = arith.subi %squeeze3A_58, %mul3A_2 : i32
            %get3A_60 = arith.index_cast %sub3A_59 : i32 to index
            %get3A_61 = arith.constant 0 : index
            %get3A_62 = tpu.vector_load %arg12[%get3A_60, %get3A_61] {strides = array<i32>} : memref<320x128xf32, #tpu.memory_space<vmem>>, vector<16xf32>,
            %get3A_63 = arith.index_cast %while3A_51 : i32 to index
            %get3A_64 = arith.constant 0 : index
            %get3A_65 = tpu.vector_load %arg11[%get3A_63, %get3A_64] {strides = array<i32>} : memref<128x128xf32, #tpu.memory_space<vmem>>, vector<16xf32>,
            %add3A_66 = arith.addf %get3A_62, %get3A_65 : vector<16xf32>
            %swap3A = arith.index_cast %sub3A_59 : i32 to index
            %swap3A_67 = arith.constant 0 : index
            %swap3A_68 = tpu.vector_load %arg12[%swap3A, %swap3A_67] {strides = array<i32>} : memref<320x128xf32, #tpu.memory_space<vmem>>, vector<16xf32>,
            tpu.vector_store %arg12[%swap3A, %swap3A_67], %add3A_66 {strides = array<i32>} : memref<320x128xf32, #tpu.memory_space<vmem>>, vector<16xf32>,
            %get3A_69 = arith.index_cast %sub3A_59 : i32 to index
            %get3A_70 = arith.constant 16 : index
            %get3A_71 = tpu.vector_load %arg12[%get3A_69, %get3A_70] {strides = array<i32>} : memref<320x128xf32, #tpu.memory_space<vmem>>, vector<16xf32>,
            %get3A_72 = arith.index_cast %while3A_51 : i32 to index
            %get3A_73 = arith.constant 16 : index
            %get3A_74 = tpu.vector_load %arg11[%get3A_72, %get3A_73] {strides = array<i32>} : memref<128x128xf32, #tpu.memory_space<vmem>>, vector<16xf32>,
            %add3A_75 = arith.addf %get3A_71, %get3A_74 : vector<16xf32>
            %swap3A_76 = arith.index_cast %sub3A_59 : i32 to index
            %swap3A_77 = arith.constant 16 : index
            %swap3A_78 = tpu.vector_load %arg12[%swap3A_76, %swap3A_77] {strides = array<i32>} : memref<320x128xf32, #tpu.memory_space<vmem>>, vector<16xf32>,
            tpu.vector_store %arg12[%swap3A_76, %swap3A_77], %add3A_75 {strides = array<i32>} : memref<320x128xf32, #tpu.memory_space<vmem>>, vector<16xf32>,
            %get3A_79 = arith.index_cast %sub3A_59 : i32 to index
            %get3A_80 = arith.constant 32 : index
            %get3A_81 = tpu.vector_load %arg12[%get3A_79, %get3A_80] {strides = array<i32>} : memref<320x128xf32, #tpu.memory_space<vmem>>, vector<16xf32>,
            %get3A_82 = arith.index_cast %while3A_51 : i32 to index
            %get3A_83 = arith.constant 32 : index
            %get3A_84 = tpu.vector_load %arg11[%get3A_82, %get3A_83] {strides = array<i32>} : memref<128x128xf32, #tpu.memory_space<vmem>>, vector<16xf32>,
            %add3A_85 = arith.addf %get3A_81, %get3A_84 : vector<16xf32>
            %swap3A_86 = arith.index_cast %sub3A_59 : i32 to index
            %swap3A_87 = arith.constant 32 : index
            %swap3A_88 = tpu.vector_load %arg12[%swap3A_86, %swap3A_87] {strides = array<i32>} : memref<320x128xf32, #tpu.memory_space<vmem>>, vector<16xf32>,
            tpu.vector_store %arg12[%swap3A_86, %swap3A_87], %add3A_85 {strides = array<i32>} : memref<320x128xf32, #tpu.memory_space<vmem>>, vector<16xf32>,
            %get3A_89 = arith.index_cast %sub3A_59 : i32 to index
            %get3A_90 = arith.constant 48 : index
            %get3A_91 = tpu.vector_load %arg12[%get3A_89, %get3A_90] {strides = array<i32>} : memref<320x128xf32, #tpu.memory_space<vmem>>, vector<16xf32>,
            %get3A_92 = arith.index_cast %while3A_51 : i32 to index
            %get3A_93 = arith.constant 48 : index
            %get3A_94 = tpu.vector_load %arg11[%get3A_92, %get3A_93] {strides = array<i32>} : memref<128x128xf32, #tpu.memory_space<vmem>>, vector<16xf32>,
            %add3A_95 = arith.addf %get3A_91, %get3A_94 : vector<16xf32>
            %swap3A_96 = arith.index_cast %sub3A_59 : i32 to index
            %swap3A_97 = arith.constant 48 : index
            %swap3A_98 = tpu.vector_load %arg12[%swap3A_96, %swap3A_97] {strides = array<i32>} : memref<320x128xf32, #tpu.memory_space<vmem>>, vector<16xf32>,
            tpu.vector_store %arg12[%swap3A_96, %swap3A_97], %add3A_95 {strides = array<i32>} : memref<320x128xf32, #tpu.memory_space<vmem>>, vector<16xf32>,
            %get3A_99 = arith.index_cast %sub3A_59 : i32 to index
            %get3A_100 = arith.constant 64 : index
            %get3A_101 = tpu.vector_load %arg12[%get3A_99, %get3A_100] {strides = array<i32>} : memref<320x128xf32, #tpu.memory_space<vmem>>, vector<16xf32>,
            %get3A_102 = arith.index_cast %while3A_51 : i32 to index
            %get3A_103 = arith.constant 64 : index
            %get3A_104 = tpu.vector_load %arg11[%get3A_102, %get3A_103] {strides = array<i32>} : memref<128x128xf32, #tpu.memory_space<vmem>>, vector<16xf32>,
            %add3A_105 = arith.addf %get3A_101, %get3A_104 : vector<16xf32>
            %swap3A_106 = arith.index_cast %sub3A_59 : i32 to index
            %swap3A_107 = arith.constant 64 : index
            %swap3A_108 = tpu.vector_load %arg12[%swap3A_106, %swap3A_107] {strides = array<i32>} : memref<320x128xf32, #tpu.memory_space<vmem>>, vector<16xf32>,
            tpu.vector_store %arg12[%swap3A_106, %swap3A_107], %add3A_105 {strides = array<i32>} : memref<320x128xf32, #tpu.memory_space<vmem>>, vector<16xf32>,
            %get3A_109 = arith.index_cast %sub3A_59 : i32 to index
            %get3A_110 = arith.constant 80 : index
            %get3A_111 = tpu.vector_load %arg12[%get3A_109, %get3A_110] {strides = array<i32>} : memref<320x128xf32, #tpu.memory_space<vmem>>, vector<16xf32>,
            %get3A_112 = arith.index_cast %while3A_51 : i32 to index
            %get3A_113 = arith.constant 80 : index
            %get3A_114 = tpu.vector_load %arg11[%get3A_112, %get3A_113] {strides = array<i32>} : memref<128x128xf32, #tpu.memory_space<vmem>>, vector<16xf32>,
            %add3A_115 = arith.addf %get3A_111, %get3A_114 : vector<16xf32>
            %swap3A_116 = arith.index_cast %sub3A_59 : i32 to index
            %swap3A_117 = arith.constant 80 : index
            %swap3A_118 = tpu.vector_load %arg12[%swap3A_116, %swap3A_117] {strides = array<i32>} : memref<320x128xf32, #tpu.memory_space<vmem>>, vector<16xf32>,
            tpu.vector_store %arg12[%swap3A_116, %swap3A_117], %add3A_115 {strides = array<i32>} : memref<320x128xf32, #tpu.memory_space<vmem>>, vector<16xf32>,
            %get3A_119 = arith.index_cast %sub3A_59 : i32 to index
            %get3A_120 = arith.constant 96 : index
            %get3A_121 = tpu.vector_load %arg12[%get3A_119, %get3A_120] {strides = array<i32>} : memref<320x128xf32, #tpu.memory_space<vmem>>, vector<16xf32>,
            %get3A_122 = arith.index_cast %while3A_51 : i32 to index
            %get3A_123 = arith.constant 96 : index
            %get3A_124 = tpu.vector_load %arg11[%get3A_122, %get3A_123] {strides = array<i32>} : memref<128x128xf32, #tpu.memory_space<vmem>>, vector<16xf32>,
            %add3A_125 = arith.addf %get3A_121, %get3A_124 : vector<16xf32>
            %swap3A_126 = arith.index_cast %sub3A_59 : i32 to index
            %swap3A_127 = arith.constant 96 : index
            %swap3A_128 = tpu.vector_load %arg12[%swap3A_126, %swap3A_127] {strides = array<i32>} : memref<320x128xf32, #tpu.memory_space<vmem>>, vector<16xf32>,
            tpu.vector_store %arg12[%swap3A_126, %swap3A_127], %add3A_125 {strides = array<i32>} : memref<320x128xf32, #tpu.memory_space<vmem>>, vector<16xf32>,
            %get3A_129 = arith.index_cast %sub3A_59 : i32 to index
            %get3A_130 = arith.constant 112 : index
            %get3A_131 = tpu.vector_load %arg12[%get3A_129, %get3A_130] {strides = array<i32>} : memref<320x128xf32, #tpu.memory_space<vmem>>, vector<16xf32>,
            %get3A_132 = arith.index_cast %while3A_51 : i32 to index
            %get3A_133 = arith.constant 112 : index
            %get3A_134 = tpu.vector_load %arg11[%get3A_132, %get3A_133] {strides = array<i32>} : memref<128x128xf32, #tpu.memory_space<vmem>>, vector<16xf32>,
            %add3A_135 = arith.addf %get3A_131, %get3A_134 : vector<16xf32>
            %swap3A_136 = arith.index_cast %sub3A_59 : i32 to index
            %swap3A_137 = arith.constant 112 : index
            %swap3A_138 = tpu.vector_load %arg12[%swap3A_136, %swap3A_137] {strides = array<i32>} : memref<320x128xf32, #tpu.memory_space<vmem>>, vector<16xf32>,
            tpu.vector_store %arg12[%swap3A_136, %swap3A_137], %add3A_135 {strides = array<i32>} : memref<320x128xf32, #tpu.memory_space<vmem>>, vector<16xf32>,
          }
        }
      } else {
      }
    }
    %scan3A_7 = arith.constant 40 : i32
    %mul3A_8 = arith.constant 320 : i32
    %mul3A_9 = arith.muli %add3A, %mul3A_8 : i32
    "tpu.region"() ({
      %run_scoped3A = tpu.sem_alloc : memref<!tpu.dma_semaphore, #tpu.memory_space<semaphore_mem>>
      %dma_start3A = arith.constant 0 : i32
      %dma_start3A_10 = tpu.memref_slice %arg7[%mul3A_9, %dma_start3A] : memref<10240x128xf32, #tpu.memory_space<hbm>> -> memref<320x128xf32, #tpu.memory_space<hbm>>
      %dma_start3A_11 = arith.constant 0 : i32
      %dma_start3A_12 = tpu.memref_slice %arg7[%mul3A_9, %dma_start3A_11] : memref<10240x128xf32, #tpu.memory_space<hbm>> -> memref<320x128xf32, #tpu.memory_space<hbm>>
      tpu.enqueue_dma source(%arg12 : memref<320x128xf32, #tpu.memory_space<vmem>>) target(%dma_start3A_12 : memref<320x128xf32, #tpu.memory_space<hbm>>) target_semaphore(%run_scoped3A : memref<!tpu.dma_semaphore, #tpu.memory_space<semaphore_mem>>)
      %dma_wait3A = arith.constant 0 : i32
      %dma_wait3A_13 = tpu.memref_slice %arg7[%mul3A_9, %dma_wait3A] : memref<10240x128xf32, #tpu.memory_space<hbm>> -> memref<320x128xf32, #tpu.memory_space<hbm>>
      %dma_wait3A_14 = arith.constant 0 : i32
      %dma_wait3A_15 = tpu.memref_slice %arg7[%mul3A_9, %dma_wait3A_14] : memref<10240x128xf32, #tpu.memory_space<hbm>> -> memref<320x128xf32, #tpu.memory_space<hbm>>
      tpu.wait_dma2 semaphore(%run_scoped3A : memref<!tpu.dma_semaphore, #tpu.memory_space<semaphore_mem>>) src(%arg12 : memref<320x128xf32, #tpu.memory_space<vmem>>) dst(%dma_wait3A_15 : memref<320x128xf32, #tpu.memory_space<hbm>>)
      tpu.yield
    }) : () -> ()
    return
  }
}

#map = affine_map<(d0, d1) -> (0, 0)>
#map1 = affine_map<(d0, d1) -> (0, 0, 0)>
module attributes {stable_mosaic.version = 14 : i64} {
  func.func @body(%arg0: i32, %arg1: i32, %arg2: memref<10000x16xf32, #tpu.memory_space<hbm>>, %arg3: memref<32x40x8192xi32, #tpu.memory_space<hbm>>, %arg4: memref<32x40x8192xi32, #tpu.memory_space<hbm>>, %arg5: memref<32x64xi32, #tpu.memory_space<hbm>>, %arg6: memref<320x16xf32, #tpu.memory_space<hbm>>, %arg7: memref<10240x16xf32, #tpu.memory_space<hbm>>, %arg8: memref<8208xi32, #tpu.memory_space<vmem>>, %arg9: memref<8208xi32, #tpu.memory_space<vmem>>, %arg10: memref<64xi32, #tpu.memory_space<vmem>>, %arg11: memref<128x16xf32, #tpu.memory_space<vmem>>, %arg12: memref<320x16xf32, #tpu.memory_space<vmem>>) attributes {dimension_semantics = [#tpu.dimension_semantics<core_parallel>, #tpu.dimension_semantics<subcore_parallel>], iteration_bounds = array<i64: 2, 16>, scalar_prefetch = 0 : i64, scratch_operands = 5 : i64, tpu.core_type = #tpu.core_type<sc_vector_subcore>, window_params = [{transform_indices = #map}, {transform_indices = #map1}, {transform_indices = #map1}, {transform_indices = #map}, {transform_indices = #map}, {transform_indices = #map}]} {
    %mul3A = arith.constant 16 : i32
    %mul3A_0 = arith.muli %arg0, %mul3A : i32
    %add3A = arith.addi %mul3A_0, %arg1 : i32
    %mul3A_1 = arith.constant 320 : i32
    %mul3A_2 = arith.muli %add3A, %mul3A_1 : i32
    "tpu.region"() ({
      %run_scoped3A = tpu.sem_alloc : memref<!tpu.dma_semaphore, #tpu.memory_space<semaphore_mem>>
      tpu.enqueue_dma source(%arg6 : memref<320x16xf32, #tpu.memory_space<hbm>>) target(%arg12 : memref<320x16xf32, #tpu.memory_space<vmem>>) target_semaphore(%run_scoped3A : memref<!tpu.dma_semaphore, #tpu.memory_space<semaphore_mem>>)
      tpu.wait_dma2 semaphore(%run_scoped3A : memref<!tpu.dma_semaphore, #tpu.memory_space<semaphore_mem>>) src(%arg6 : memref<320x16xf32, #tpu.memory_space<hbm>>) dst(%arg12 : memref<320x16xf32, #tpu.memory_space<vmem>>)
      tpu.yield
    }) : () -> ()
    "tpu.region"() ({
      %run_scoped3A = tpu.sem_alloc : memref<!tpu.dma_semaphore, #tpu.memory_space<semaphore_mem>>
      %dma_start3A = arith.constant 0 : i32
      %dma_start3A_10 = tpu.memref_slice %arg5[%add3A, %dma_start3A] : memref<32x64xi32, #tpu.memory_space<hbm>> -> memref<1x64xi32, #tpu.memory_space<hbm>>
      %dma_start3A_11 = tpu.memref_squeeze %dma_start3A_10 : memref<1x64xi32, #tpu.memory_space<hbm>> -> memref<64xi32, #tpu.memory_space<hbm>>
      %dma_start3A_12 = arith.constant 0 : i32
      %dma_start3A_13 = tpu.memref_slice %arg5[%add3A, %dma_start3A_12] : memref<32x64xi32, #tpu.memory_space<hbm>> -> memref<1x64xi32, #tpu.memory_space<hbm>>
      %dma_start3A_14 = tpu.memref_squeeze %dma_start3A_13 : memref<1x64xi32, #tpu.memory_space<hbm>> -> memref<64xi32, #tpu.memory_space<hbm>>
      tpu.enqueue_dma source(%dma_start3A_14 : memref<64xi32, #tpu.memory_space<hbm>>) target(%arg10 : memref<64xi32, #tpu.memory_space<vmem>>) target_semaphore(%run_scoped3A : memref<!tpu.dma_semaphore, #tpu.memory_space<semaphore_mem>>)
      %dma_wait3A = arith.constant 0 : i32
      %dma_wait3A_15 = tpu.memref_slice %arg5[%add3A, %dma_wait3A] : memref<32x64xi32, #tpu.memory_space<hbm>> -> memref<1x64xi32, #tpu.memory_space<hbm>>
      %dma_wait3A_16 = tpu.memref_squeeze %dma_wait3A_15 : memref<1x64xi32, #tpu.memory_space<hbm>> -> memref<64xi32, #tpu.memory_space<hbm>>
      %dma_wait3A_17 = arith.constant 0 : i32
      %dma_wait3A_18 = tpu.memref_slice %arg5[%add3A, %dma_wait3A_17] : memref<32x64xi32, #tpu.memory_space<hbm>> -> memref<1x64xi32, #tpu.memory_space<hbm>>
      %dma_wait3A_19 = tpu.memref_squeeze %dma_wait3A_18 : memref<1x64xi32, #tpu.memory_space<hbm>> -> memref<64xi32, #tpu.memory_space<hbm>>
      tpu.wait_dma2 semaphore(%run_scoped3A : memref<!tpu.dma_semaphore, #tpu.memory_space<semaphore_mem>>) src(%dma_wait3A_19 : memref<64xi32, #tpu.memory_space<hbm>>) dst(%arg10 : memref<64xi32, #tpu.memory_space<vmem>>)
      tpu.yield
    }) : () -> ()
    %scan3A = arith.constant 0 : i32
    %scan3A_3 = arith.constant 0 : i32
    %scan3A_4 = arith.constant 40 : i32
    %scan3A_5 = arith.addi %scan3A_3, %scan3A_4 : i32
    %scan3A_6 = arith.constant 1 : i32
    scf.for %scan3A_10 = %scan3A_3 to %scan3A_5 step %scan3A_6  : i32 {
      %get3A = arith.index_cast %scan3A_10 : i32 to index
      %get3A_11 = tpu.vector_load %arg10[%get3A] {strides = array<i32>} : memref<64xi32, #tpu.memory_space<vmem>>, vector<16xi32>,
      %slice3A = vector.extract_strided_slice %get3A_11 {offsets = [0], sizes = [1], strides = [1]} : vector<16xi32> to vector<1xi32>
      %squeeze3A = vector.extract %slice3A[0] : i32 from vector<1xi32>
      %gt3A = arith.constant 0 : i32
      %gt3A_12 = arith.cmpi sgt, %squeeze3A, %gt3A : i32
      %convert_element_type3A = arith.extui %gt3A_12 : i1 to i32
      %cond3A = arith.constant 0 : i32
      %cond3A_13 = arith.cmpi ne, %convert_element_type3A, %cond3A : i32
      scf.if %cond3A_13 {
        %le3A = arith.constant 2048 : i32
        %le3A_14 = arith.cmpi sle, %squeeze3A, %le3A : i32
        %convert_element_type3A_15 = arith.extui %le3A_14 : i1 to i32
        %cond3A_16 = arith.constant 0 : i32
        %cond3A_17 = arith.cmpi ne, %convert_element_type3A_15, %cond3A_16 : i32
        scf.if %cond3A_17 {
          "tpu.region"() ({
            %run_scoped3A = tpu.sem_alloc : memref<!tpu.dma_semaphore, #tpu.memory_space<semaphore_mem>>
            %dma_start3A = arith.constant 0 : i32
            %dma_start3A_35 = tpu.memref_slice %arg8[%dma_start3A] : memref<8208xi32, #tpu.memory_space<vmem>> -> memref<2048xi32, #tpu.memory_space<vmem>>
            %dma_start3A_36 = arith.constant 0 : i32
            %dma_start3A_37 = tpu.memref_slice %arg3[%add3A, %scan3A_10, %dma_start3A_36] : memref<32x40x8192xi32, #tpu.memory_space<hbm>> -> memref<1x1x2048xi32, #tpu.memory_space<hbm>>
            %dma_start3A_38 = tpu.memref_squeeze %dma_start3A_37 : memref<1x1x2048xi32, #tpu.memory_space<hbm>> -> memref<2048xi32, #tpu.memory_space<hbm>>
            %dma_start3A_39 = arith.constant 0 : i32
            %dma_start3A_40 = tpu.memref_slice %arg8[%dma_start3A_39] : memref<8208xi32, #tpu.memory_space<vmem>> -> memref<2048xi32, #tpu.memory_space<vmem>>
            %dma_start3A_41 = arith.constant 0 : i32
            %dma_start3A_42 = tpu.memref_slice %arg3[%add3A, %scan3A_10, %dma_start3A_41] : memref<32x40x8192xi32, #tpu.memory_space<hbm>> -> memref<1x1x2048xi32, #tpu.memory_space<hbm>>
            %dma_start3A_43 = tpu.memref_squeeze %dma_start3A_42 : memref<1x1x2048xi32, #tpu.memory_space<hbm>> -> memref<2048xi32, #tpu.memory_space<hbm>>
            tpu.enqueue_dma source(%dma_start3A_43 : memref<2048xi32, #tpu.memory_space<hbm>>) target(%dma_start3A_40 : memref<2048xi32, #tpu.memory_space<vmem>>) target_semaphore(%run_scoped3A : memref<!tpu.dma_semaphore, #tpu.memory_space<semaphore_mem>>)
            %dma_wait3A = arith.constant 0 : i32
            %dma_wait3A_44 = tpu.memref_slice %arg8[%dma_wait3A] : memref<8208xi32, #tpu.memory_space<vmem>> -> memref<2048xi32, #tpu.memory_space<vmem>>
            %dma_wait3A_45 = arith.constant 0 : i32
            %dma_wait3A_46 = tpu.memref_slice %arg3[%add3A, %scan3A_10, %dma_wait3A_45] : memref<32x40x8192xi32, #tpu.memory_space<hbm>> -> memref<1x1x2048xi32, #tpu.memory_space<hbm>>
            %dma_wait3A_47 = tpu.memref_squeeze %dma_wait3A_46 : memref<1x1x2048xi32, #tpu.memory_space<hbm>> -> memref<2048xi32, #tpu.memory_space<hbm>>
            %dma_wait3A_48 = arith.constant 0 : i32
            %dma_wait3A_49 = tpu.memref_slice %arg8[%dma_wait3A_48] : memref<8208xi32, #tpu.memory_space<vmem>> -> memref<2048xi32, #tpu.memory_space<vmem>>
            %dma_wait3A_50 = arith.constant 0 : i32
            %dma_wait3A_51 = tpu.memref_slice %arg3[%add3A, %scan3A_10, %dma_wait3A_50] : memref<32x40x8192xi32, #tpu.memory_space<hbm>> -> memref<1x1x2048xi32, #tpu.memory_space<hbm>>
            %dma_wait3A_52 = tpu.memref_squeeze %dma_wait3A_51 : memref<1x1x2048xi32, #tpu.memory_space<hbm>> -> memref<2048xi32, #tpu.memory_space<hbm>>
            tpu.wait_dma2 semaphore(%run_scoped3A : memref<!tpu.dma_semaphore, #tpu.memory_space<semaphore_mem>>) src(%dma_wait3A_52 : memref<2048xi32, #tpu.memory_space<hbm>>) dst(%dma_wait3A_49 : memref<2048xi32, #tpu.memory_space<vmem>>)
            tpu.yield
          }) : () -> ()
          "tpu.region"() ({
            %run_scoped3A = tpu.sem_alloc : memref<!tpu.dma_semaphore, #tpu.memory_space<semaphore_mem>>
            %dma_start3A = arith.constant 0 : i32
            %dma_start3A_35 = tpu.memref_slice %arg9[%dma_start3A] : memref<8208xi32, #tpu.memory_space<vmem>> -> memref<2048xi32, #tpu.memory_space<vmem>>
            %dma_start3A_36 = arith.constant 0 : i32
            %dma_start3A_37 = tpu.memref_slice %arg4[%add3A, %scan3A_10, %dma_start3A_36] : memref<32x40x8192xi32, #tpu.memory_space<hbm>> -> memref<1x1x2048xi32, #tpu.memory_space<hbm>>
            %dma_start3A_38 = tpu.memref_squeeze %dma_start3A_37 : memref<1x1x2048xi32, #tpu.memory_space<hbm>> -> memref<2048xi32, #tpu.memory_space<hbm>>
            %dma_start3A_39 = arith.constant 0 : i32
            %dma_start3A_40 = tpu.memref_slice %arg9[%dma_start3A_39] : memref<8208xi32, #tpu.memory_space<vmem>> -> memref<2048xi32, #tpu.memory_space<vmem>>
            %dma_start3A_41 = arith.constant 0 : i32
            %dma_start3A_42 = tpu.memref_slice %arg4[%add3A, %scan3A_10, %dma_start3A_41] : memref<32x40x8192xi32, #tpu.memory_space<hbm>> -> memref<1x1x2048xi32, #tpu.memory_space<hbm>>
            %dma_start3A_43 = tpu.memref_squeeze %dma_start3A_42 : memref<1x1x2048xi32, #tpu.memory_space<hbm>> -> memref<2048xi32, #tpu.memory_space<hbm>>
            tpu.enqueue_dma source(%dma_start3A_43 : memref<2048xi32, #tpu.memory_space<hbm>>) target(%dma_start3A_40 : memref<2048xi32, #tpu.memory_space<vmem>>) target_semaphore(%run_scoped3A : memref<!tpu.dma_semaphore, #tpu.memory_space<semaphore_mem>>)
            %dma_wait3A = arith.constant 0 : i32
            %dma_wait3A_44 = tpu.memref_slice %arg9[%dma_wait3A] : memref<8208xi32, #tpu.memory_space<vmem>> -> memref<2048xi32, #tpu.memory_space<vmem>>
            %dma_wait3A_45 = arith.constant 0 : i32
            %dma_wait3A_46 = tpu.memref_slice %arg4[%add3A, %scan3A_10, %dma_wait3A_45] : memref<32x40x8192xi32, #tpu.memory_space<hbm>> -> memref<1x1x2048xi32, #tpu.memory_space<hbm>>
            %dma_wait3A_47 = tpu.memref_squeeze %dma_wait3A_46 : memref<1x1x2048xi32, #tpu.memory_space<hbm>> -> memref<2048xi32, #tpu.memory_space<hbm>>
            %dma_wait3A_48 = arith.constant 0 : i32
            %dma_wait3A_49 = tpu.memref_slice %arg9[%dma_wait3A_48] : memref<8208xi32, #tpu.memory_space<vmem>> -> memref<2048xi32, #tpu.memory_space<vmem>>
            %dma_wait3A_50 = arith.constant 0 : i32
            %dma_wait3A_51 = tpu.memref_slice %arg4[%add3A, %scan3A_10, %dma_wait3A_50] : memref<32x40x8192xi32, #tpu.memory_space<hbm>> -> memref<1x1x2048xi32, #tpu.memory_space<hbm>>
            %dma_wait3A_52 = tpu.memref_squeeze %dma_wait3A_51 : memref<1x1x2048xi32, #tpu.memory_space<hbm>> -> memref<2048xi32, #tpu.memory_space<hbm>>
            tpu.wait_dma2 semaphore(%run_scoped3A : memref<!tpu.dma_semaphore, #tpu.memory_space<semaphore_mem>>) src(%dma_wait3A_52 : memref<2048xi32, #tpu.memory_space<hbm>>) dst(%dma_wait3A_49 : memref<2048xi32, #tpu.memory_space<vmem>>)
            tpu.yield
          }) : () -> ()
        } else {
        }
        %gt3A_18 = arith.constant 2048 : i32
        %gt3A_19 = arith.cmpi sgt, %squeeze3A, %gt3A_18 : i32
        %convert_element_type3A_20 = arith.extui %gt3A_19 : i1 to i32
        %cond3A_21 = arith.constant 0 : i32
        %cond3A_22 = arith.cmpi ne, %convert_element_type3A_20, %cond3A_21 : i32
        scf.if %cond3A_22 {
          "tpu.region"() ({
            %run_scoped3A = tpu.sem_alloc : memref<!tpu.dma_semaphore, #tpu.memory_space<semaphore_mem>>
            %dma_start3A = arith.constant 0 : i32
            %dma_start3A_35 = tpu.memref_slice %arg8[%dma_start3A] : memref<8208xi32, #tpu.memory_space<vmem>> -> memref<8192xi32, #tpu.memory_space<vmem>>
            %dma_start3A_36 = arith.constant 0 : i32
            %dma_start3A_37 = tpu.memref_slice %arg3[%add3A, %scan3A_10, %dma_start3A_36] : memref<32x40x8192xi32, #tpu.memory_space<hbm>> -> memref<1x1x8192xi32, #tpu.memory_space<hbm>>
            %dma_start3A_38 = tpu.memref_squeeze %dma_start3A_37 : memref<1x1x8192xi32, #tpu.memory_space<hbm>> -> memref<8192xi32, #tpu.memory_space<hbm>>
            %dma_start3A_39 = arith.constant 0 : i32
            %dma_start3A_40 = tpu.memref_slice %arg8[%dma_start3A_39] : memref<8208xi32, #tpu.memory_space<vmem>> -> memref<8192xi32, #tpu.memory_space<vmem>>
            %dma_start3A_41 = arith.constant 0 : i32
            %dma_start3A_42 = tpu.memref_slice %arg3[%add3A, %scan3A_10, %dma_start3A_41] : memref<32x40x8192xi32, #tpu.memory_space<hbm>> -> memref<1x1x8192xi32, #tpu.memory_space<hbm>>
            %dma_start3A_43 = tpu.memref_squeeze %dma_start3A_42 : memref<1x1x8192xi32, #tpu.memory_space<hbm>> -> memref<8192xi32, #tpu.memory_space<hbm>>
            tpu.enqueue_dma source(%dma_start3A_43 : memref<8192xi32, #tpu.memory_space<hbm>>) target(%dma_start3A_40 : memref<8192xi32, #tpu.memory_space<vmem>>) target_semaphore(%run_scoped3A : memref<!tpu.dma_semaphore, #tpu.memory_space<semaphore_mem>>)
            %dma_wait3A = arith.constant 0 : i32
            %dma_wait3A_44 = tpu.memref_slice %arg8[%dma_wait3A] : memref<8208xi32, #tpu.memory_space<vmem>> -> memref<8192xi32, #tpu.memory_space<vmem>>
            %dma_wait3A_45 = arith.constant 0 : i32
            %dma_wait3A_46 = tpu.memref_slice %arg3[%add3A, %scan3A_10, %dma_wait3A_45] : memref<32x40x8192xi32, #tpu.memory_space<hbm>> -> memref<1x1x8192xi32, #tpu.memory_space<hbm>>
            %dma_wait3A_47 = tpu.memref_squeeze %dma_wait3A_46 : memref<1x1x8192xi32, #tpu.memory_space<hbm>> -> memref<8192xi32, #tpu.memory_space<hbm>>
            %dma_wait3A_48 = arith.constant 0 : i32
            %dma_wait3A_49 = tpu.memref_slice %arg8[%dma_wait3A_48] : memref<8208xi32, #tpu.memory_space<vmem>> -> memref<8192xi32, #tpu.memory_space<vmem>>
            %dma_wait3A_50 = arith.constant 0 : i32
            %dma_wait3A_51 = tpu.memref_slice %arg3[%add3A, %scan3A_10, %dma_wait3A_50] : memref<32x40x8192xi32, #tpu.memory_space<hbm>> -> memref<1x1x8192xi32, #tpu.memory_space<hbm>>
            %dma_wait3A_52 = tpu.memref_squeeze %dma_wait3A_51 : memref<1x1x8192xi32, #tpu.memory_space<hbm>> -> memref<8192xi32, #tpu.memory_space<hbm>>
            tpu.wait_dma2 semaphore(%run_scoped3A : memref<!tpu.dma_semaphore, #tpu.memory_space<semaphore_mem>>) src(%dma_wait3A_52 : memref<8192xi32, #tpu.memory_space<hbm>>) dst(%dma_wait3A_49 : memref<8192xi32, #tpu.memory_space<vmem>>)
            tpu.yield
          }) : () -> ()
          "tpu.region"() ({
            %run_scoped3A = tpu.sem_alloc : memref<!tpu.dma_semaphore, #tpu.memory_space<semaphore_mem>>
            %dma_start3A = arith.constant 0 : i32
            %dma_start3A_35 = tpu.memref_slice %arg9[%dma_start3A] : memref<8208xi32, #tpu.memory_space<vmem>> -> memref<8192xi32, #tpu.memory_space<vmem>>
            %dma_start3A_36 = arith.constant 0 : i32
            %dma_start3A_37 = tpu.memref_slice %arg4[%add3A, %scan3A_10, %dma_start3A_36] : memref<32x40x8192xi32, #tpu.memory_space<hbm>> -> memref<1x1x8192xi32, #tpu.memory_space<hbm>>
            %dma_start3A_38 = tpu.memref_squeeze %dma_start3A_37 : memref<1x1x8192xi32, #tpu.memory_space<hbm>> -> memref<8192xi32, #tpu.memory_space<hbm>>
            %dma_start3A_39 = arith.constant 0 : i32
            %dma_start3A_40 = tpu.memref_slice %arg9[%dma_start3A_39] : memref<8208xi32, #tpu.memory_space<vmem>> -> memref<8192xi32, #tpu.memory_space<vmem>>
            %dma_start3A_41 = arith.constant 0 : i32
            %dma_start3A_42 = tpu.memref_slice %arg4[%add3A, %scan3A_10, %dma_start3A_41] : memref<32x40x8192xi32, #tpu.memory_space<hbm>> -> memref<1x1x8192xi32, #tpu.memory_space<hbm>>
            %dma_start3A_43 = tpu.memref_squeeze %dma_start3A_42 : memref<1x1x8192xi32, #tpu.memory_space<hbm>> -> memref<8192xi32, #tpu.memory_space<hbm>>
            tpu.enqueue_dma source(%dma_start3A_43 : memref<8192xi32, #tpu.memory_space<hbm>>) target(%dma_start3A_40 : memref<8192xi32, #tpu.memory_space<vmem>>) target_semaphore(%run_scoped3A : memref<!tpu.dma_semaphore, #tpu.memory_space<semaphore_mem>>)
            %dma_wait3A = arith.constant 0 : i32
            %dma_wait3A_44 = tpu.memref_slice %arg9[%dma_wait3A] : memref<8208xi32, #tpu.memory_space<vmem>> -> memref<8192xi32, #tpu.memory_space<vmem>>
            %dma_wait3A_45 = arith.constant 0 : i32
            %dma_wait3A_46 = tpu.memref_slice %arg4[%add3A, %scan3A_10, %dma_wait3A_45] : memref<32x40x8192xi32, #tpu.memory_space<hbm>> -> memref<1x1x8192xi32, #tpu.memory_space<hbm>>
            %dma_wait3A_47 = tpu.memref_squeeze %dma_wait3A_46 : memref<1x1x8192xi32, #tpu.memory_space<hbm>> -> memref<8192xi32, #tpu.memory_space<hbm>>
            %dma_wait3A_48 = arith.constant 0 : i32
            %dma_wait3A_49 = tpu.memref_slice %arg9[%dma_wait3A_48] : memref<8208xi32, #tpu.memory_space<vmem>> -> memref<8192xi32, #tpu.memory_space<vmem>>
            %dma_wait3A_50 = arith.constant 0 : i32
            %dma_wait3A_51 = tpu.memref_slice %arg4[%add3A, %scan3A_10, %dma_wait3A_50] : memref<32x40x8192xi32, #tpu.memory_space<hbm>> -> memref<1x1x8192xi32, #tpu.memory_space<hbm>>
            %dma_wait3A_52 = tpu.memref_squeeze %dma_wait3A_51 : memref<1x1x8192xi32, #tpu.memory_space<hbm>> -> memref<8192xi32, #tpu.memory_space<hbm>>
            tpu.wait_dma2 semaphore(%run_scoped3A : memref<!tpu.dma_semaphore, #tpu.memory_space<semaphore_mem>>) src(%dma_wait3A_52 : memref<8192xi32, #tpu.memory_space<hbm>>) dst(%dma_wait3A_49 : memref<8192xi32, #tpu.memory_space<vmem>>)
            tpu.yield
          }) : () -> ()
        } else {
        }
        %add3A_23 = arith.constant 127 : i32
        %add3A_24 = arith.addi %squeeze3A, %add3A_23 : i32
        %shift_right_arithmetic3A = arith.constant 7 : i32
        %shift_right_arithmetic3A_25 = arith.shrsi %add3A_24, %shift_right_arithmetic3A : i32
        %while3A = arith.constant 0 : i32
        %while3A_26 = arith.constant 0 : i32
        %while3A_27 = arith.subi %shift_right_arithmetic3A_25, %while3A_26 : i32
        %while3A_28 = arith.addi %while3A_26, %while3A_27 : i32
        %while3A_29 = arith.constant 1 : i32
        %while3A_30 = arith.divsi %while3A_27, %while3A_29 : i32
        %while3A_31 = arith.muli %while3A_30, %while3A_29 : i32
        %while3A_32 = arith.addi %while3A_26, %while3A_31 : i32
        %while3A_33 = arith.constant 1 : i32
        scf.for %while3A_35 = %while3A_26 to %while3A_32 step %while3A_33  : i32 {
          %mul3A_36 = arith.constant 128 : i32
          %mul3A_37 = arith.muli %while3A_35, %mul3A_36 : i32
          "tpu.region"() ({
            %run_scoped3A = tpu.sem_alloc : memref<!tpu.dma_semaphore, #tpu.memory_space<semaphore_mem>>
            %dma_start3A = tpu.memref_slice %arg8[%mul3A_37] : memref<8208xi32, #tpu.memory_space<vmem>> -> memref<128xi32, #tpu.memory_space<vmem>>
            %dma_start3A_51 = arith.constant 0 : i32
            %dma_start3A_52 = arith.constant 0 : i32
            %dma_start3A_53 = tpu.memref_slice %arg2[%dma_start3A_51, %dma_start3A_52] : memref<10000x16xf32, #tpu.memory_space<hbm>> -> memref<10000x16xf32, #tpu.memory_space<hbm>>
            tpu.enqueue_indirect_dma source(%dma_start3A_53 : memref<10000x16xf32, #tpu.memory_space<hbm>>) target(%arg11 : memref<128x16xf32, #tpu.memory_space<vmem>>) offsets(%dma_start3A : memref<128xi32, #tpu.memory_space<vmem>>) semaphore(%run_scoped3A : memref<!tpu.dma_semaphore, #tpu.memory_space<semaphore_mem>>)
            %dma_wait3A = tpu.memref_slice %arg8[%mul3A_37] : memref<8208xi32, #tpu.memory_space<vmem>> -> memref<128xi32, #tpu.memory_space<vmem>>
            %dma_wait3A_54 = arith.constant 0 : i32
            %dma_wait3A_55 = arith.constant 0 : i32
            %dma_wait3A_56 = tpu.memref_slice %arg2[%dma_wait3A_54, %dma_wait3A_55] : memref<10000x16xf32, #tpu.memory_space<hbm>> -> memref<10000x16xf32, #tpu.memory_space<hbm>>
            tpu.wait_indirect_dma semaphore(%run_scoped3A : memref<!tpu.dma_semaphore, #tpu.memory_space<semaphore_mem>>) src(%dma_wait3A_56 : memref<10000x16xf32, #tpu.memory_space<hbm>>) dst(%arg11 : memref<128x16xf32, #tpu.memory_space<vmem>>)
            tpu.yield
          }) : () -> ()
          %mul3A_38 = arith.constant 128 : i32
          %mul3A_39 = arith.muli %while3A_35, %mul3A_38 : i32
          %sub3A = arith.subi %squeeze3A, %mul3A_39 : i32
          %min3A = arith.constant 128 : i32
          %min3A_40 = arith.minsi %sub3A, %min3A : i32
          %while3A_41 = arith.constant 0 : i32
          %while3A_42 = arith.constant 0 : i32
          %while3A_43 = arith.subi %min3A_40, %while3A_42 : i32
          %while3A_44 = arith.addi %while3A_42, %while3A_43 : i32
          %while3A_45 = arith.constant 1 : i32
          %while3A_46 = arith.divsi %while3A_43, %while3A_45 : i32
          %while3A_47 = arith.muli %while3A_46, %while3A_45 : i32
          %while3A_48 = arith.addi %while3A_42, %while3A_47 : i32
          %while3A_49 = arith.constant 1 : i32
          scf.for %while3A_51 = %while3A_42 to %while3A_48 step %while3A_49  : i32 {
            %mul3A_52 = arith.constant 128 : i32
            %mul3A_53 = arith.muli %while3A_35, %mul3A_52 : i32
            %add3A_54 = arith.addi %mul3A_53, %while3A_51 : i32
            %get3A_55 = arith.index_cast %add3A_54 : i32 to index
            %get3A_56 = tpu.vector_load %arg9[%get3A_55] {strides = array<i32>} : memref<8208xi32, #tpu.memory_space<vmem>>, vector<16xi32>,
            %slice3A_57 = vector.extract_strided_slice %get3A_56 {offsets = [0], sizes = [1], strides = [1]} : vector<16xi32> to vector<1xi32>
            %squeeze3A_58 = vector.extract %slice3A_57[0] : i32 from vector<1xi32>
            %sub3A_59 = arith.subi %squeeze3A_58, %mul3A_2 : i32
            %get3A_60 = arith.index_cast %sub3A_59 : i32 to index
            %get3A_61 = arith.constant 0 : index
            %get3A_62 = tpu.vector_load %arg12[%get3A_60, %get3A_61] {strides = array<i32>} : memref<320x16xf32, #tpu.memory_space<vmem>>, vector<16xf32>,
            %get3A_63 = arith.index_cast %while3A_51 : i32 to index
            %get3A_64 = arith.constant 0 : index
            %get3A_65 = tpu.vector_load %arg11[%get3A_63, %get3A_64] {strides = array<i32>} : memref<128x16xf32, #tpu.memory_space<vmem>>, vector<16xf32>,
            %add3A_66 = arith.addf %get3A_62, %get3A_65 : vector<16xf32>
            %swap3A = arith.index_cast %sub3A_59 : i32 to index
            %swap3A_67 = arith.constant 0 : index
            %swap3A_68 = tpu.vector_load %arg12[%swap3A, %swap3A_67] {strides = array<i32>} : memref<320x16xf32, #tpu.memory_space<vmem>>, vector<16xf32>,
            tpu.vector_store %arg12[%swap3A, %swap3A_67], %add3A_66 {strides = array<i32>} : memref<320x16xf32, #tpu.memory_space<vmem>>, vector<16xf32>,
          }
          %while3A_50 = arith.constant 1 : i32
          scf.for %while3A_51 = %while3A_48 to %while3A_44 step %while3A_50  : i32 {
            %mul3A_52 = arith.constant 128 : i32
            %mul3A_53 = arith.muli %while3A_35, %mul3A_52 : i32
            %add3A_54 = arith.addi %mul3A_53, %while3A_51 : i32
            %get3A_55 = arith.index_cast %add3A_54 : i32 to index
            %get3A_56 = tpu.vector_load %arg9[%get3A_55] {strides = array<i32>} : memref<8208xi32, #tpu.memory_space<vmem>>, vector<16xi32>,
            %slice3A_57 = vector.extract_strided_slice %get3A_56 {offsets = [0], sizes = [1], strides = [1]} : vector<16xi32> to vector<1xi32>
            %squeeze3A_58 = vector.extract %slice3A_57[0] : i32 from vector<1xi32>
            %sub3A_59 = arith.subi %squeeze3A_58, %mul3A_2 : i32
            %get3A_60 = arith.index_cast %sub3A_59 : i32 to index
            %get3A_61 = arith.constant 0 : index
            %get3A_62 = tpu.vector_load %arg12[%get3A_60, %get3A_61] {strides = array<i32>} : memref<320x16xf32, #tpu.memory_space<vmem>>, vector<16xf32>,
            %get3A_63 = arith.index_cast %while3A_51 : i32 to index
            %get3A_64 = arith.constant 0 : index
            %get3A_65 = tpu.vector_load %arg11[%get3A_63, %get3A_64] {strides = array<i32>} : memref<128x16xf32, #tpu.memory_space<vmem>>, vector<16xf32>,
            %add3A_66 = arith.addf %get3A_62, %get3A_65 : vector<16xf32>
            %swap3A = arith.index_cast %sub3A_59 : i32 to index
            %swap3A_67 = arith.constant 0 : index
            %swap3A_68 = tpu.vector_load %arg12[%swap3A, %swap3A_67] {strides = array<i32>} : memref<320x16xf32, #tpu.memory_space<vmem>>, vector<16xf32>,
            tpu.vector_store %arg12[%swap3A, %swap3A_67], %add3A_66 {strides = array<i32>} : memref<320x16xf32, #tpu.memory_space<vmem>>, vector<16xf32>,
          }
        }
        %while3A_34 = arith.constant 1 : i32
        scf.for %while3A_35 = %while3A_32 to %while3A_28 step %while3A_34  : i32 {
          %mul3A_36 = arith.constant 128 : i32
          %mul3A_37 = arith.muli %while3A_35, %mul3A_36 : i32
          "tpu.region"() ({
            %run_scoped3A = tpu.sem_alloc : memref<!tpu.dma_semaphore, #tpu.memory_space<semaphore_mem>>
            %dma_start3A = tpu.memref_slice %arg8[%mul3A_37] : memref<8208xi32, #tpu.memory_space<vmem>> -> memref<128xi32, #tpu.memory_space<vmem>>
            %dma_start3A_51 = arith.constant 0 : i32
            %dma_start3A_52 = arith.constant 0 : i32
            %dma_start3A_53 = tpu.memref_slice %arg2[%dma_start3A_51, %dma_start3A_52] : memref<10000x16xf32, #tpu.memory_space<hbm>> -> memref<10000x16xf32, #tpu.memory_space<hbm>>
            tpu.enqueue_indirect_dma source(%dma_start3A_53 : memref<10000x16xf32, #tpu.memory_space<hbm>>) target(%arg11 : memref<128x16xf32, #tpu.memory_space<vmem>>) offsets(%dma_start3A : memref<128xi32, #tpu.memory_space<vmem>>) semaphore(%run_scoped3A : memref<!tpu.dma_semaphore, #tpu.memory_space<semaphore_mem>>)
            %dma_wait3A = tpu.memref_slice %arg8[%mul3A_37] : memref<8208xi32, #tpu.memory_space<vmem>> -> memref<128xi32, #tpu.memory_space<vmem>>
            %dma_wait3A_54 = arith.constant 0 : i32
            %dma_wait3A_55 = arith.constant 0 : i32
            %dma_wait3A_56 = tpu.memref_slice %arg2[%dma_wait3A_54, %dma_wait3A_55] : memref<10000x16xf32, #tpu.memory_space<hbm>> -> memref<10000x16xf32, #tpu.memory_space<hbm>>
            tpu.wait_indirect_dma semaphore(%run_scoped3A : memref<!tpu.dma_semaphore, #tpu.memory_space<semaphore_mem>>) src(%dma_wait3A_56 : memref<10000x16xf32, #tpu.memory_space<hbm>>) dst(%arg11 : memref<128x16xf32, #tpu.memory_space<vmem>>)
            tpu.yield
          }) : () -> ()
          %mul3A_38 = arith.constant 128 : i32
          %mul3A_39 = arith.muli %while3A_35, %mul3A_38 : i32
          %sub3A = arith.subi %squeeze3A, %mul3A_39 : i32
          %min3A = arith.constant 128 : i32
          %min3A_40 = arith.minsi %sub3A, %min3A : i32
          %while3A_41 = arith.constant 0 : i32
          %while3A_42 = arith.constant 0 : i32
          %while3A_43 = arith.subi %min3A_40, %while3A_42 : i32
          %while3A_44 = arith.addi %while3A_42, %while3A_43 : i32
          %while3A_45 = arith.constant 1 : i32
          %while3A_46 = arith.divsi %while3A_43, %while3A_45 : i32
          %while3A_47 = arith.muli %while3A_46, %while3A_45 : i32
          %while3A_48 = arith.addi %while3A_42, %while3A_47 : i32
          %while3A_49 = arith.constant 1 : i32
          scf.for %while3A_51 = %while3A_42 to %while3A_48 step %while3A_49  : i32 {
            %mul3A_52 = arith.constant 128 : i32
            %mul3A_53 = arith.muli %while3A_35, %mul3A_52 : i32
            %add3A_54 = arith.addi %mul3A_53, %while3A_51 : i32
            %get3A_55 = arith.index_cast %add3A_54 : i32 to index
            %get3A_56 = tpu.vector_load %arg9[%get3A_55] {strides = array<i32>} : memref<8208xi32, #tpu.memory_space<vmem>>, vector<16xi32>,
            %slice3A_57 = vector.extract_strided_slice %get3A_56 {offsets = [0], sizes = [1], strides = [1]} : vector<16xi32> to vector<1xi32>
            %squeeze3A_58 = vector.extract %slice3A_57[0] : i32 from vector<1xi32>
            %sub3A_59 = arith.subi %squeeze3A_58, %mul3A_2 : i32
            %get3A_60 = arith.index_cast %sub3A_59 : i32 to index
            %get3A_61 = arith.constant 0 : index
            %get3A_62 = tpu.vector_load %arg12[%get3A_60, %get3A_61] {strides = array<i32>} : memref<320x16xf32, #tpu.memory_space<vmem>>, vector<16xf32>,
            %get3A_63 = arith.index_cast %while3A_51 : i32 to index
            %get3A_64 = arith.constant 0 : index
            %get3A_65 = tpu.vector_load %arg11[%get3A_63, %get3A_64] {strides = array<i32>} : memref<128x16xf32, #tpu.memory_space<vmem>>, vector<16xf32>,
            %add3A_66 = arith.addf %get3A_62, %get3A_65 : vector<16xf32>
            %swap3A = arith.index_cast %sub3A_59 : i32 to index
            %swap3A_67 = arith.constant 0 : index
            %swap3A_68 = tpu.vector_load %arg12[%swap3A, %swap3A_67] {strides = array<i32>} : memref<320x16xf32, #tpu.memory_space<vmem>>, vector<16xf32>,
            tpu.vector_store %arg12[%swap3A, %swap3A_67], %add3A_66 {strides = array<i32>} : memref<320x16xf32, #tpu.memory_space<vmem>>, vector<16xf32>,
          }
          %while3A_50 = arith.constant 1 : i32
          scf.for %while3A_51 = %while3A_48 to %while3A_44 step %while3A_50  : i32 {
            %mul3A_52 = arith.constant 128 : i32
            %mul3A_53 = arith.muli %while3A_35, %mul3A_52 : i32
            %add3A_54 = arith.addi %mul3A_53, %while3A_51 : i32
            %get3A_55 = arith.index_cast %add3A_54 : i32 to index
            %get3A_56 = tpu.vector_load %arg9[%get3A_55] {strides = array<i32>} : memref<8208xi32, #tpu.memory_space<vmem>>, vector<16xi32>,
            %slice3A_57 = vector.extract_strided_slice %get3A_56 {offsets = [0], sizes = [1], strides = [1]} : vector<16xi32> to vector<1xi32>
            %squeeze3A_58 = vector.extract %slice3A_57[0] : i32 from vector<1xi32>
            %sub3A_59 = arith.subi %squeeze3A_58, %mul3A_2 : i32
            %get3A_60 = arith.index_cast %sub3A_59 : i32 to index
            %get3A_61 = arith.constant 0 : index
            %get3A_62 = tpu.vector_load %arg12[%get3A_60, %get3A_61] {strides = array<i32>} : memref<320x16xf32, #tpu.memory_space<vmem>>, vector<16xf32>,
            %get3A_63 = arith.index_cast %while3A_51 : i32 to index
            %get3A_64 = arith.constant 0 : index
            %get3A_65 = tpu.vector_load %arg11[%get3A_63, %get3A_64] {strides = array<i32>} : memref<128x16xf32, #tpu.memory_space<vmem>>, vector<16xf32>,
            %add3A_66 = arith.addf %get3A_62, %get3A_65 : vector<16xf32>
            %swap3A = arith.index_cast %sub3A_59 : i32 to index
            %swap3A_67 = arith.constant 0 : index
            %swap3A_68 = tpu.vector_load %arg12[%swap3A, %swap3A_67] {strides = array<i32>} : memref<320x16xf32, #tpu.memory_space<vmem>>, vector<16xf32>,
            tpu.vector_store %arg12[%swap3A, %swap3A_67], %add3A_66 {strides = array<i32>} : memref<320x16xf32, #tpu.memory_space<vmem>>, vector<16xf32>,
          }
        }
      } else {
      }
    }
    %scan3A_7 = arith.constant 40 : i32
    %mul3A_8 = arith.constant 320 : i32
    %mul3A_9 = arith.muli %add3A, %mul3A_8 : i32
    "tpu.region"() ({
      %run_scoped3A = tpu.sem_alloc : memref<!tpu.dma_semaphore, #tpu.memory_space<semaphore_mem>>
      %dma_start3A = arith.constant 0 : i32
      %dma_start3A_10 = tpu.memref_slice %arg7[%mul3A_9, %dma_start3A] : memref<10240x16xf32, #tpu.memory_space<hbm>> -> memref<320x16xf32, #tpu.memory_space<hbm>>
      %dma_start3A_11 = arith.constant 0 : i32
      %dma_start3A_12 = tpu.memref_slice %arg7[%mul3A_9, %dma_start3A_11] : memref<10240x16xf32, #tpu.memory_space<hbm>> -> memref<320x16xf32, #tpu.memory_space<hbm>>
      tpu.enqueue_dma source(%arg12 : memref<320x16xf32, #tpu.memory_space<vmem>>) target(%dma_start3A_12 : memref<320x16xf32, #tpu.memory_space<hbm>>) target_semaphore(%run_scoped3A : memref<!tpu.dma_semaphore, #tpu.memory_space<semaphore_mem>>)
      %dma_wait3A = arith.constant 0 : i32
      %dma_wait3A_13 = tpu.memref_slice %arg7[%mul3A_9, %dma_wait3A] : memref<10240x16xf32, #tpu.memory_space<hbm>> -> memref<320x16xf32, #tpu.memory_space<hbm>>
      %dma_wait3A_14 = arith.constant 0 : i32
      %dma_wait3A_15 = tpu.memref_slice %arg7[%mul3A_9, %dma_wait3A_14] : memref<10240x16xf32, #tpu.memory_space<hbm>> -> memref<320x16xf32, #tpu.memory_space<hbm>>
      tpu.wait_dma2 semaphore(%run_scoped3A : memref<!tpu.dma_semaphore, #tpu.memory_space<semaphore_mem>>) src(%arg12 : memref<320x16xf32, #tpu.memory_space<vmem>>) dst(%dma_wait3A_15 : memref<320x16xf32, #tpu.memory_space<hbm>>)
      tpu.yield
    }) : () -> ()
    return
  }
}

#map = affine_map<(d0, d1) -> (0)>
#map1 = affine_map<(d0, d1) -> (0, 0)>
module attributes {stable_mosaic.version = 14 : i64} {
  func.func @_cons_body(%arg0: i32, %arg1: i32, %arg2: memref<90000xf32, #tpu.memory_space<hbm>>, %arg3: memref<30720xi32, #tpu.memory_space<hbm>>, %arg4: memref<30720xi32, #tpu.memory_space<hbm>>, %arg5: memref<32x16xf32, #tpu.memory_space<hbm>>, %arg6: memref<90000xf32, #tpu.memory_space<vmem>>, %arg7: memref<960xi32, #tpu.memory_space<vmem>>, %arg8: memref<960xi32, #tpu.memory_space<vmem>>, %arg9: memref<16xf32, #tpu.memory_space<vmem>>) attributes {dimension_semantics = [#tpu.dimension_semantics<core_parallel>, #tpu.dimension_semantics<subcore_parallel>], iteration_bounds = array<i64: 2, 16>, scalar_prefetch = 0 : i64, scratch_operands = 4 : i64, tpu.core_type = #tpu.core_type<sc_vector_subcore>, window_params = [{transform_indices = #map}, {transform_indices = #map}, {transform_indices = #map}, {transform_indices = #map1}]} {
    %mul3A = arith.constant 16 : i32
    %mul3A_0 = arith.muli %arg0, %mul3A : i32
    %add3A = arith.addi %mul3A_0, %arg1 : i32
    "tpu.region"() ({
      %run_scoped3A = tpu.sem_alloc : memref<!tpu.dma_semaphore, #tpu.memory_space<semaphore_mem>>
      tpu.enqueue_dma source(%arg2 : memref<90000xf32, #tpu.memory_space<hbm>>) target(%arg6 : memref<90000xf32, #tpu.memory_space<vmem>>) target_semaphore(%run_scoped3A : memref<!tpu.dma_semaphore, #tpu.memory_space<semaphore_mem>>)
      tpu.wait_dma2 semaphore(%run_scoped3A : memref<!tpu.dma_semaphore, #tpu.memory_space<semaphore_mem>>) src(%arg2 : memref<90000xf32, #tpu.memory_space<hbm>>) dst(%arg6 : memref<90000xf32, #tpu.memory_space<vmem>>)
      tpu.yield
    }) : () -> ()
    %mul3A_1 = arith.constant 960 : i32
    %mul3A_2 = arith.muli %add3A, %mul3A_1 : i32
    "tpu.region"() ({
      %run_scoped3A = tpu.sem_alloc : memref<!tpu.dma_semaphore, #tpu.memory_space<semaphore_mem>>
      %dma_start3A = tpu.memref_slice %arg3[%mul3A_2] : memref<30720xi32, #tpu.memory_space<hbm>> -> memref<960xi32, #tpu.memory_space<hbm>>
      %dma_start3A_12 = tpu.memref_slice %arg3[%mul3A_2] : memref<30720xi32, #tpu.memory_space<hbm>> -> memref<960xi32, #tpu.memory_space<hbm>>
      tpu.enqueue_dma source(%dma_start3A_12 : memref<960xi32, #tpu.memory_space<hbm>>) target(%arg7 : memref<960xi32, #tpu.memory_space<vmem>>) target_semaphore(%run_scoped3A : memref<!tpu.dma_semaphore, #tpu.memory_space<semaphore_mem>>)
      %dma_wait3A = tpu.memref_slice %arg3[%mul3A_2] : memref<30720xi32, #tpu.memory_space<hbm>> -> memref<960xi32, #tpu.memory_space<hbm>>
      %dma_wait3A_13 = tpu.memref_slice %arg3[%mul3A_2] : memref<30720xi32, #tpu.memory_space<hbm>> -> memref<960xi32, #tpu.memory_space<hbm>>
      tpu.wait_dma2 semaphore(%run_scoped3A : memref<!tpu.dma_semaphore, #tpu.memory_space<semaphore_mem>>) src(%dma_wait3A_13 : memref<960xi32, #tpu.memory_space<hbm>>) dst(%arg7 : memref<960xi32, #tpu.memory_space<vmem>>)
      tpu.yield
    }) : () -> ()
    %mul3A_3 = arith.constant 960 : i32
    %mul3A_4 = arith.muli %add3A, %mul3A_3 : i32
    "tpu.region"() ({
      %run_scoped3A = tpu.sem_alloc : memref<!tpu.dma_semaphore, #tpu.memory_space<semaphore_mem>>
      %dma_start3A = tpu.memref_slice %arg4[%mul3A_4] : memref<30720xi32, #tpu.memory_space<hbm>> -> memref<960xi32, #tpu.memory_space<hbm>>
      %dma_start3A_12 = tpu.memref_slice %arg4[%mul3A_4] : memref<30720xi32, #tpu.memory_space<hbm>> -> memref<960xi32, #tpu.memory_space<hbm>>
      tpu.enqueue_dma source(%dma_start3A_12 : memref<960xi32, #tpu.memory_space<hbm>>) target(%arg8 : memref<960xi32, #tpu.memory_space<vmem>>) target_semaphore(%run_scoped3A : memref<!tpu.dma_semaphore, #tpu.memory_space<semaphore_mem>>)
      %dma_wait3A = tpu.memref_slice %arg4[%mul3A_4] : memref<30720xi32, #tpu.memory_space<hbm>> -> memref<960xi32, #tpu.memory_space<hbm>>
      %dma_wait3A_13 = tpu.memref_slice %arg4[%mul3A_4] : memref<30720xi32, #tpu.memory_space<hbm>> -> memref<960xi32, #tpu.memory_space<hbm>>
      tpu.wait_dma2 semaphore(%run_scoped3A : memref<!tpu.dma_semaphore, #tpu.memory_space<semaphore_mem>>) src(%dma_wait3A_13 : memref<960xi32, #tpu.memory_space<hbm>>) dst(%arg8 : memref<960xi32, #tpu.memory_space<vmem>>)
      tpu.yield
    }) : () -> ()
    %broadcast_in_dim3A = arith.constant 0.000000e+00 : f32
    %broadcast_in_dim3A_5 = vector.broadcast %broadcast_in_dim3A : f32 to vector<16xf32>
    %scan3A = arith.constant 0 : i32
    %scan3A_6 = arith.constant 60 : i32
    %scan3A_7 = arith.addi %scan3A, %scan3A_6 : i32
    %scan3A_8 = arith.constant 1 : i32
    %scan3A_9 = scf.for %scan3A_12 = %scan3A to %scan3A_7 step %scan3A_8 iter_args(%scan3A_13 = %broadcast_in_dim3A_5) -> (vector<16xf32>)  : i32 {
      %mul3A_14 = arith.constant 16 : i32
      %mul3A_15 = arith.muli %scan3A_12, %mul3A_14 : i32
      %get3A = arith.index_cast %mul3A_15 : i32 to index
      %get3A_16 = tpu.vector_load %arg7[%get3A] {strides = array<i32>} : memref<960xi32, #tpu.memory_space<vmem>>, vector<16xi32>,
      %mul3A_17 = arith.constant 16 : i32
      %mul3A_18 = arith.muli %scan3A_12, %mul3A_17 : i32
      %get3A_19 = arith.index_cast %mul3A_18 : i32 to index
      %get3A_20 = tpu.vector_load %arg8[%get3A_19] {strides = array<i32>} : memref<960xi32, #tpu.memory_space<vmem>>, vector<16xi32>,
      %add3A_21 = arith.constant 0 : i32
      %add3A_22 = vector.broadcast %add3A_21 : i32 to vector<16xi32>
      %add3A_23 = arith.addi %get3A_16, %add3A_22 : vector<16xi32>
      %gather3A = tpu.vector_load_idx %arg6[%add3A_23] : memref<90000xf32, #tpu.memory_space<vmem>>[vector<16xi32>], vector<16xf32>,
      %add3A_24 = arith.constant 0 : i32
      %add3A_25 = vector.broadcast %add3A_24 : i32 to vector<16xi32>
      %add3A_26 = arith.addi %get3A_20, %add3A_25 : vector<16xi32>
      %gather3A_27 = tpu.vector_load_idx %arg6[%add3A_26] : memref<90000xf32, #tpu.memory_space<vmem>>[vector<16xi32>], vector<16xf32>,
      %sub3A = arith.subf %gather3A, %gather3A_27 : vector<16xf32>
      %mul3A_28 = arith.mulf %sub3A, %sub3A : vector<16xf32>
      %add3A_29 = arith.addf %scan3A_13, %mul3A_28 : vector<16xf32>
      %add3A_30 = arith.constant 1 : i32
      %add3A_31 = vector.broadcast %add3A_30 : i32 to vector<16xi32>
      %add3A_32 = arith.addi %get3A_16, %add3A_31 : vector<16xi32>
      %gather3A_33 = tpu.vector_load_idx %arg6[%add3A_32] : memref<90000xf32, #tpu.memory_space<vmem>>[vector<16xi32>], vector<16xf32>,
      %add3A_34 = arith.constant 1 : i32
      %add3A_35 = vector.broadcast %add3A_34 : i32 to vector<16xi32>
      %add3A_36 = arith.addi %get3A_20, %add3A_35 : vector<16xi32>
      %gather3A_37 = tpu.vector_load_idx %arg6[%add3A_36] : memref<90000xf32, #tpu.memory_space<vmem>>[vector<16xi32>], vector<16xf32>,
      %sub3A_38 = arith.subf %gather3A_33, %gather3A_37 : vector<16xf32>
      %mul3A_39 = arith.mulf %sub3A_38, %sub3A_38 : vector<16xf32>
      %add3A_40 = arith.addf %add3A_29, %mul3A_39 : vector<16xf32>
      %add3A_41 = arith.constant 2 : i32
      %add3A_42 = vector.broadcast %add3A_41 : i32 to vector<16xi32>
      %add3A_43 = arith.addi %get3A_16, %add3A_42 : vector<16xi32>
      %gather3A_44 = tpu.vector_load_idx %arg6[%add3A_43] : memref<90000xf32, #tpu.memory_space<vmem>>[vector<16xi32>], vector<16xf32>,
      %add3A_45 = arith.constant 2 : i32
      %add3A_46 = vector.broadcast %add3A_45 : i32 to vector<16xi32>
      %add3A_47 = arith.addi %get3A_20, %add3A_46 : vector<16xi32>
      %gather3A_48 = tpu.vector_load_idx %arg6[%add3A_47] : memref<90000xf32, #tpu.memory_space<vmem>>[vector<16xi32>], vector<16xf32>,
      %sub3A_49 = arith.subf %gather3A_44, %gather3A_48 : vector<16xf32>
      %mul3A_50 = arith.mulf %sub3A_49, %sub3A_49 : vector<16xf32>
      %add3A_51 = arith.addf %add3A_40, %mul3A_50 : vector<16xf32>
      scf.yield %add3A_51 : vector<16xf32>
    }
    %scan3A_10 = arith.constant 60 : i32
    %swap3A = arith.constant 0 : index
    %swap3A_11 = tpu.vector_load %arg9[%swap3A] {strides = array<i32>} : memref<16xf32, #tpu.memory_space<vmem>>, vector<16xf32>,
    tpu.vector_store %arg9[%swap3A], %scan3A_9 {strides = array<i32>} : memref<16xf32, #tpu.memory_space<vmem>>, vector<16xf32>,
    "tpu.region"() ({
      %run_scoped3A = tpu.sem_alloc : memref<!tpu.dma_semaphore, #tpu.memory_space<semaphore_mem>>
      %dma_start3A = arith.constant 0 : i32
      %dma_start3A_12 = tpu.memref_slice %arg5[%add3A, %dma_start3A] : memref<32x16xf32, #tpu.memory_space<hbm>> -> memref<1x16xf32, #tpu.memory_space<hbm>>
      %dma_start3A_13 = tpu.memref_squeeze %dma_start3A_12 : memref<1x16xf32, #tpu.memory_space<hbm>> -> memref<16xf32, #tpu.memory_space<hbm>>
      %dma_start3A_14 = arith.constant 0 : i32
      %dma_start3A_15 = tpu.memref_slice %arg5[%add3A, %dma_start3A_14] : memref<32x16xf32, #tpu.memory_space<hbm>> -> memref<1x16xf32, #tpu.memory_space<hbm>>
      %dma_start3A_16 = tpu.memref_squeeze %dma_start3A_15 : memref<1x16xf32, #tpu.memory_space<hbm>> -> memref<16xf32, #tpu.memory_space<hbm>>
      tpu.enqueue_dma source(%arg9 : memref<16xf32, #tpu.memory_space<vmem>>) target(%dma_start3A_16 : memref<16xf32, #tpu.memory_space<hbm>>) target_semaphore(%run_scoped3A : memref<!tpu.dma_semaphore, #tpu.memory_space<semaphore_mem>>)
      %dma_wait3A = arith.constant 0 : i32
      %dma_wait3A_17 = tpu.memref_slice %arg5[%add3A, %dma_wait3A] : memref<32x16xf32, #tpu.memory_space<hbm>> -> memref<1x16xf32, #tpu.memory_space<hbm>>
      %dma_wait3A_18 = tpu.memref_squeeze %dma_wait3A_17 : memref<1x16xf32, #tpu.memory_space<hbm>> -> memref<16xf32, #tpu.memory_space<hbm>>
      %dma_wait3A_19 = arith.constant 0 : i32
      %dma_wait3A_20 = tpu.memref_slice %arg5[%add3A, %dma_wait3A_19] : memref<32x16xf32, #tpu.memory_space<hbm>> -> memref<1x16xf32, #tpu.memory_space<hbm>>
      %dma_wait3A_21 = tpu.memref_squeeze %dma_wait3A_20 : memref<1x16xf32, #tpu.memory_space<hbm>> -> memref<16xf32, #tpu.memory_space<hbm>>
      tpu.wait_dma2 semaphore(%run_scoped3A : memref<!tpu.dma_semaphore, #tpu.memory_space<semaphore_mem>>) src(%arg9 : memref<16xf32, #tpu.memory_space<vmem>>) dst(%dma_wait3A_21 : memref<16xf32, #tpu.memory_space<hbm>>)
      tpu.yield
    }) : () -> ()
    return
  }
}

module attributes {stable_mosaic.version = 14 : i64} {
  func.func @_layer1_body(%arg0: i32, %arg1: memref<1000x9xf32, #tpu.memory_space<vmem>>, %arg2: memref<1000x16xf32, #tpu.memory_space<vmem>>, %arg3: memref<9x128xf32, #tpu.memory_space<vmem>>, %arg4: memref<1x128xf32, #tpu.memory_space<vmem>>, %arg5: memref<1000x128xf32, #tpu.memory_space<vmem>>, %arg6: memref<1000x1xf32, #tpu.memory_space<vmem>>) attributes {dimension_semantics = [#tpu.dimension_semantics<arbitrary>], iteration_bounds = array<i64: 10>, scalar_prefetch = 0 : i64, scratch_operands = 0 : i64, tpu.core_type = #tpu.core_type<tc>, window_params = [{transform_indices = @transform_0, window_bounds = array<i64: 1000, 9>}, {transform_indices = @transform_1, window_bounds = array<i64: 1000, 16>}, {pipeline_mode = #tpu.pipeline_mode<synchronous>, transform_indices = @transform_2, window_bounds = array<i64: 9, 128>}, {pipeline_mode = #tpu.pipeline_mode<synchronous>, transform_indices = @transform_3, window_bounds = array<i64: 1, 128>}, {transform_indices = @transform_4, window_bounds = array<i64: 1000, 128>}, {transform_indices = @transform_5, window_bounds = array<i64: 1000, 1>}]} {
    %get3A = arith.constant 0 : index
    %get3A_0 = arith.constant 0 : index
    %get3A_1 = vector.load %arg2[%get3A, %get3A_0] : memref<1000x16xf32, #tpu.memory_space<vmem>>, vector<1000x16xf32>
    %slice3A = vector.extract_strided_slice %get3A_1 {offsets = [0, 9], sizes = [1000, 1], strides = [1, 1]} : vector<1000x16xf32> to vector<1000x1xf32>
    %jit3A = arith.constant 1.000000e+00 : f32
    %max3A = vector.broadcast %jit3A : f32 to vector<1000x1xf32>
    %max3A_2 = arith.maximumf %max3A, %slice3A : vector<1000x1xf32>
    %get3A_3 = arith.constant 0 : index
    %get3A_4 = arith.constant 0 : index
    %get3A_5 = vector.load %arg1[%get3A_3, %get3A_4] : memref<1000x9xf32, #tpu.memory_space<vmem>>, vector<1000x9xf32>
    %slice3A_6 = vector.extract_strided_slice %get3A_1 {offsets = [0, 0], sizes = [1000, 9], strides = [1, 1]} : vector<1000x16xf32> to vector<1000x9xf32>
    %div3A = vector.broadcast %max3A_2 : vector<1000x1xf32> to vector<1000x9xf32>
    %div3A_7 = arith.divf %slice3A_6, %div3A : vector<1000x9xf32>
    %add3A = arith.addf %get3A_5, %div3A_7 : vector<1000x9xf32>
    %get3A_8 = arith.constant 0 : index
    %get3A_9 = arith.constant 0 : index
    %get3A_10 = vector.load %arg3[%get3A_8, %get3A_9] : memref<9x128xf32, #tpu.memory_space<vmem>>, vector<9x128xf32>
    %dot_general3A = arith.constant dense<0.000000e+00> : vector<1000x128xf32>
    %dot_general3A_11 = tpu.matmul %add3A, %get3A_10, %dot_general3A {dimension_numbers = #tpu.dot_dimension_numbers<[1], [0], [0], [1], [0, 0, 1, 1], [], []>, transpose_lhs_hint = false} : vector<1000x9xf32>, vector<9x128xf32>, vector<1000x128xf32> -> vector<1000x128xf32>
    %get3A_12 = arith.constant 0 : index
    %get3A_13 = arith.constant 0 : index
    %get3A_14 = vector.load %arg4[%get3A_12, %get3A_13] : memref<1x128xf32, #tpu.memory_space<vmem>>, vector<1x128xf32>
    %add3A_15 = vector.broadcast %get3A_14 : vector<1x128xf32> to vector<1000x128xf32>
    %add3A_16 = arith.addf %dot_general3A_11, %add3A_15 : vector<1000x128xf32>
    %max3A_17 = arith.constant 0.000000e+00 : f32
    %max3A_18 = vector.broadcast %max3A_17 : f32 to vector<1000x128xf32>
    %max3A_19 = arith.maximumf %add3A_16, %max3A_18 : vector<1000x128xf32>
    %swap3A = arith.constant 0 : index
    %swap3A_20 = arith.constant 0 : index
    %swap3A_21 = vector.load %arg5[%swap3A, %swap3A_20] : memref<1000x128xf32, #tpu.memory_space<vmem>>, vector<1000x128xf32>
    tpu.vector_store %arg5[%swap3A, %swap3A_20], %max3A_19 {strides = array<i32>} : memref<1000x128xf32, #tpu.memory_space<vmem>>, vector<1000x128xf32>,
    %swap3A_22 = arith.constant 0 : index
    %swap3A_23 = arith.constant 0 : index
    %swap3A_24 = vector.load %arg6[%swap3A_22, %swap3A_23] : memref<1000x1xf32, #tpu.memory_space<vmem>>, vector<1000x1xf32>
    tpu.vector_store %arg6[%swap3A_22, %swap3A_23], %max3A_2 {strides = array<i32>} : memref<1000x1xf32, #tpu.memory_space<vmem>>, vector<1000x1xf32>,
    return
  }
  func.func @transform_0(%arg0: i32) -> (i32, i32) {
    %c0_i32 = arith.constant 0 : i32
    %c0_i32_0 = arith.constant 0 : i32
    return %arg0, %c0_i32 : i32, i32
  }
  func.func @transform_1(%arg0: i32) -> (i32, i32) {
    %c0_i32 = arith.constant 0 : i32
    %c0_i32_0 = arith.constant 0 : i32
    return %arg0, %c0_i32 : i32, i32
  }
  func.func @transform_2(%arg0: i32) -> (i32, i32) {
    %c0_i32 = arith.constant 0 : i32
    %c0_i32_0 = arith.constant 0 : i32
    %c0_i32_1 = arith.constant 0 : i32
    return %c0_i32, %c0_i32_0 : i32, i32
  }
  func.func @transform_3(%arg0: i32) -> (i32, i32) {
    %c0_i32 = arith.constant 0 : i32
    %c0_i32_0 = arith.constant 0 : i32
    %c0_i32_1 = arith.constant 0 : i32
    return %c0_i32, %c0_i32_0 : i32, i32
  }
  func.func @transform_4(%arg0: i32) -> (i32, i32) {
    %c0_i32 = arith.constant 0 : i32
    %c0_i32_0 = arith.constant 0 : i32
    return %arg0, %c0_i32 : i32, i32
  }
  func.func @transform_5(%arg0: i32) -> (i32, i32) {
    %c0_i32 = arith.constant 0 : i32
    %c0_i32_0 = arith.constant 0 : i32
    return %arg0, %c0_i32 : i32, i32
  }
}

module attributes {stable_mosaic.version = 14 : i64} {
  func.func @_layer2_body(%arg0: i32, %arg1: memref<1000x128xf32, #tpu.memory_space<vmem>>, %arg2: memref<1000x128xf32, #tpu.memory_space<vmem>>, %arg3: memref<1000x1xf32, #tpu.memory_space<vmem>>, %arg4: memref<128x128xf32, #tpu.memory_space<vmem>>, %arg5: memref<1x128xf32, #tpu.memory_space<vmem>>, %arg6: memref<1000x128xf32, #tpu.memory_space<vmem>>) attributes {dimension_semantics = [#tpu.dimension_semantics<arbitrary>], iteration_bounds = array<i64: 10>, scalar_prefetch = 0 : i64, scratch_operands = 0 : i64, tpu.core_type = #tpu.core_type<tc>, window_params = [{transform_indices = @transform_0, window_bounds = array<i64: 1000, 128>}, {transform_indices = @transform_1, window_bounds = array<i64: 1000, 128>}, {transform_indices = @transform_2, window_bounds = array<i64: 1000, 1>}, {pipeline_mode = #tpu.pipeline_mode<synchronous>, transform_indices = @transform_3, window_bounds = array<i64: 128, 128>}, {pipeline_mode = #tpu.pipeline_mode<synchronous>, transform_indices = @transform_4, window_bounds = array<i64: 1, 128>}, {transform_indices = @transform_5, window_bounds = array<i64: 1000, 128>}]} {
    %get3A = arith.constant 0 : index
    %get3A_0 = arith.constant 0 : index
    %get3A_1 = vector.load %arg1[%get3A, %get3A_0] : memref<1000x128xf32, #tpu.memory_space<vmem>>, vector<1000x128xf32>
    %get3A_2 = arith.constant 0 : index
    %get3A_3 = arith.constant 0 : index
    %get3A_4 = vector.load %arg2[%get3A_2, %get3A_3] : memref<1000x128xf32, #tpu.memory_space<vmem>>, vector<1000x128xf32>
    %get3A_5 = arith.constant 0 : index
    %get3A_6 = arith.constant 0 : index
    %get3A_7 = vector.load %arg3[%get3A_5, %get3A_6] : memref<1000x1xf32, #tpu.memory_space<vmem>>, vector<1000x1xf32>
    %div3A = vector.broadcast %get3A_7 : vector<1000x1xf32> to vector<1000x128xf32>
    %div3A_8 = arith.divf %get3A_4, %div3A : vector<1000x128xf32>
    %add3A = arith.addf %get3A_1, %div3A_8 : vector<1000x128xf32>
    %get3A_9 = arith.constant 0 : index
    %get3A_10 = arith.constant 0 : index
    %get3A_11 = vector.load %arg4[%get3A_9, %get3A_10] : memref<128x128xf32, #tpu.memory_space<vmem>>, vector<128x128xf32>
    %dot_general3A = arith.constant dense<0.000000e+00> : vector<1000x128xf32>
    %dot_general3A_12 = tpu.matmul %add3A, %get3A_11, %dot_general3A {dimension_numbers = #tpu.dot_dimension_numbers<[1], [0], [0], [1], [0, 0, 1, 1], [], []>, transpose_lhs_hint = false} : vector<1000x128xf32>, vector<128x128xf32>, vector<1000x128xf32> -> vector<1000x128xf32>
    %get3A_13 = arith.constant 0 : index
    %get3A_14 = arith.constant 0 : index
    %get3A_15 = vector.load %arg5[%get3A_13, %get3A_14] : memref<1x128xf32, #tpu.memory_space<vmem>>, vector<1x128xf32>
    %add3A_16 = vector.broadcast %get3A_15 : vector<1x128xf32> to vector<1000x128xf32>
    %add3A_17 = arith.addf %dot_general3A_12, %add3A_16 : vector<1000x128xf32>
    %swap3A = arith.constant 0 : index
    %swap3A_18 = arith.constant 0 : index
    %swap3A_19 = vector.load %arg6[%swap3A, %swap3A_18] : memref<1000x128xf32, #tpu.memory_space<vmem>>, vector<1000x128xf32>
    tpu.vector_store %arg6[%swap3A, %swap3A_18], %add3A_17 {strides = array<i32>} : memref<1000x128xf32, #tpu.memory_space<vmem>>, vector<1000x128xf32>,
    return
  }
  func.func @transform_0(%arg0: i32) -> (i32, i32) {
    %c0_i32 = arith.constant 0 : i32
    %c0_i32_0 = arith.constant 0 : i32
    return %arg0, %c0_i32 : i32, i32
  }
  func.func @transform_1(%arg0: i32) -> (i32, i32) {
    %c0_i32 = arith.constant 0 : i32
    %c0_i32_0 = arith.constant 0 : i32
    return %arg0, %c0_i32 : i32, i32
  }
  func.func @transform_2(%arg0: i32) -> (i32, i32) {
    %c0_i32 = arith.constant 0 : i32
    %c0_i32_0 = arith.constant 0 : i32
    return %arg0, %c0_i32 : i32, i32
  }
  func.func @transform_3(%arg0: i32) -> (i32, i32) {
    %c0_i32 = arith.constant 0 : i32
    %c0_i32_0 = arith.constant 0 : i32
    %c0_i32_1 = arith.constant 0 : i32
    return %c0_i32, %c0_i32_0 : i32, i32
  }
  func.func @transform_4(%arg0: i32) -> (i32, i32) {
    %c0_i32 = arith.constant 0 : i32
    %c0_i32_0 = arith.constant 0 : i32
    %c0_i32_1 = arith.constant 0 : i32
    return %c0_i32, %c0_i32_0 : i32, i32
  }
  func.func @transform_5(%arg0: i32) -> (i32, i32) {
    %c0_i32 = arith.constant 0 : i32
    %c0_i32_0 = arith.constant 0 : i32
    return %arg0, %c0_i32 : i32, i32
  }
}

module attributes {stable_mosaic.version = 14 : i64} {
  func.func @_vq_body(%arg0: i32, %arg1: memref<1000x128xf32, #tpu.memory_space<vmem>>, %arg2: memref<3x512x128xf32, #tpu.memory_space<vmem>>, %arg3: memref<1000x128xf32, #tpu.memory_space<vmem>>, %arg4: memref<1000x3xi32, #tpu.memory_space<vmem>>, %arg5: memref<1x1xf32, #tpu.memory_space<vmem>>) attributes {dimension_semantics = [#tpu.dimension_semantics<arbitrary>], iteration_bounds = array<i64: 10>, scalar_prefetch = 0 : i64, scratch_operands = 0 : i64, tpu.core_type = #tpu.core_type<tc>, window_params = [{transform_indices = @transform_0, window_bounds = array<i64: 1000, 128>}, {pipeline_mode = #tpu.pipeline_mode<synchronous>, transform_indices = @transform_1, window_bounds = array<i64: 3, 512, 128>}, {transform_indices = @transform_2, window_bounds = array<i64: 1000, 128>}, {transform_indices = @transform_3, window_bounds = array<i64: 1000, 3>}, {pipeline_mode = #tpu.pipeline_mode<synchronous>, transform_indices = @transform_4, window_bounds = array<i64: 1, 1>}]} {
    %get3A = arith.constant 0 : index
    %get3A_0 = arith.constant 0 : index
    %get3A_1 = vector.load %arg1[%get3A, %get3A_0] : memref<1000x128xf32, #tpu.memory_space<vmem>>, vector<1000x128xf32>
    %iota3A = tpu.iota {dimensions = array<i32: 1>} : vector<1000x512xi32>
    %broadcast_in_dim3A = arith.constant 0.000000e+00 : f32
    %broadcast_in_dim3A_2 = vector.broadcast %broadcast_in_dim3A : f32 to vector<1000x128xf32>
    %get3A_3 = arith.constant 0 : index
    %get3A_4 = arith.constant 0 : index
    %get3A_5 = arith.constant 0 : index
    %get3A_6 = vector.load %arg2[%get3A_3, %get3A_4, %get3A_5] : memref<3x512x128xf32, #tpu.memory_space<vmem>>, vector<1x512x128xf32>
    %get3A_7 = vector.shape_cast %get3A_6 : vector<1x512x128xf32> to vector<512x128xf32>
    %convert_element_type3A = arith.truncf %get3A_7 : vector<512x128xf32> to vector<512x128xbf16>
    %convert_element_type3A_8 = arith.extf %convert_element_type3A : vector<512x128xbf16> to vector<512x128xf32>
    %sub3A = arith.subf %get3A_7, %convert_element_type3A_8 : vector<512x128xf32>
    %convert_element_type3A_9 = arith.truncf %sub3A : vector<512x128xf32> to vector<512x128xbf16>
    %convert_element_type3A_10 = arith.extf %convert_element_type3A_9 : vector<512x128xbf16> to vector<512x128xf32>
    %sub3A_11 = arith.subf %get3A_7, %convert_element_type3A_8 : vector<512x128xf32>
    %sub3A_12 = arith.subf %sub3A_11, %convert_element_type3A_10 : vector<512x128xf32>
    %mul3A = arith.mulf %get3A_7, %get3A_7 : vector<512x128xf32>
    %reduce_sum3A = arith.constant dense<0.000000e+00> : vector<512xf32>
    %reduce_sum3A_13 = vector.multi_reduction <add>, %mul3A, %reduce_sum3A [1] : vector<512x128xf32> to vector<512xf32>
    %mul3A_14 = arith.mulf %get3A_1, %get3A_1 : vector<1000x128xf32>
    %reduce_sum3A_15 = arith.constant dense<0.000000e+00> : vector<1000xf32>
    %reduce_sum3A_16 = vector.multi_reduction <add>, %mul3A_14, %reduce_sum3A_15 [1] : vector<1000x128xf32> to vector<1000xf32>
    %broadcast_in_dim3A_17 = vector.shape_cast %reduce_sum3A_16 : vector<1000xf32> to vector<1000x1xf32>
    %dot_general3A = arith.constant dense<0.000000e+00> : vector<1000x512xf32>
    %dot_general3A_18 = tpu.matmul %get3A_1, %get3A_7, %dot_general3A {dimension_numbers = #tpu.dot_dimension_numbers<[1], [1], [0], [0], [0, 0, 1, 0], [], []>, transpose_lhs_hint = false} : vector<1000x128xf32>, vector<512x128xf32>, vector<1000x512xf32> -> vector<1000x512xf32>
    %mul3A_19 = arith.constant 2.000000e+00 : f32
    %mul3A_20 = vector.broadcast %mul3A_19 : f32 to vector<1000x512xf32>
    %mul3A_21 = arith.mulf %mul3A_20, %dot_general3A_18 : vector<1000x512xf32>
    %sub3A_22 = vector.broadcast %broadcast_in_dim3A_17 : vector<1000x1xf32> to vector<1000x512xf32>
    %sub3A_23 = arith.subf %sub3A_22, %mul3A_21 : vector<1000x512xf32>
    %broadcast_in_dim3A_24 = vector.shape_cast %reduce_sum3A_13 : vector<512xf32> to vector<1x512xf32>
    %add3A = vector.broadcast %broadcast_in_dim3A_24 : vector<1x512xf32> to vector<1000x512xf32>
    %add3A_25 = arith.addf %sub3A_23, %add3A : vector<1000x512xf32>
    %reduce_min3A = arith.constant dense<0x7F800000> : vector<1000xf32>
    %reduce_min3A_26 = vector.multi_reduction <minimumf>, %add3A_25, %reduce_min3A [1] : vector<1000x512xf32> to vector<1000xf32>
    %broadcast_in_dim3A_27 = vector.shape_cast %reduce_min3A_26 : vector<1000xf32> to vector<1000x1xf32>
    %eq3A = vector.broadcast %broadcast_in_dim3A_27 : vector<1000x1xf32> to vector<1000x512xf32>
    %eq3A_28 = arith.cmpf oeq, %add3A_25, %eq3A : vector<1000x512xf32>
    %jit3A = arith.constant 512 : i32
    %broadcast_in_dim3A_29 = vector.broadcast %jit3A : i32 to vector<1000x512xi32>
    %select_n3A = arith.select %eq3A_28, %iota3A, %broadcast_in_dim3A_29 : vector<1000x512xi1>, vector<1000x512xi32>
    %reduce_min3A_30 = arith.constant dense<2147483647> : vector<1000xi32>
    %reduce_min3A_31 = vector.multi_reduction <minsi>, %select_n3A, %reduce_min3A_30 [1] : vector<1000x512xi32> to vector<1000xi32>
    %broadcast_in_dim3A_32 = vector.shape_cast %reduce_min3A_31 : vector<1000xi32> to vector<1000x1xi32>
    %eq3A_33 = vector.broadcast %broadcast_in_dim3A_32 : vector<1000x1xi32> to vector<1000x512xi32>
    %eq3A_34 = arith.cmpi eq, %iota3A, %eq3A_33 : vector<1000x512xi32>
    %convert_element_type3A_35 = arith.extui %eq3A_34 : vector<1000x512xi1> to vector<1000x512xi32>
    %convert_element_type3A_36 = arith.sitofp %convert_element_type3A_35 : vector<1000x512xi32> to vector<1000x512xf32>
    %dot_general3A_37 = arith.constant dense<0.000000e+00> : vector<1000x128xf32>
    %dot_general3A_38 = tpu.matmul %convert_element_type3A_36, %convert_element_type3A_8, %dot_general3A_37 {dimension_numbers = #tpu.dot_dimension_numbers<[1], [0], [0], [1], [0, 0, 1, 1], [], []>, transpose_lhs_hint = false} : vector<1000x512xf32>, vector<512x128xf32>, vector<1000x128xf32> -> vector<1000x128xf32>
    %dot_general3A_39 = arith.constant dense<0.000000e+00> : vector<1000x128xf32>
    %dot_general3A_40 = tpu.matmul %convert_element_type3A_36, %convert_element_type3A_10, %dot_general3A_39 {dimension_numbers = #tpu.dot_dimension_numbers<[1], [0], [0], [1], [0, 0, 1, 1], [], []>, transpose_lhs_hint = false} : vector<1000x512xf32>, vector<512x128xf32>, vector<1000x128xf32> -> vector<1000x128xf32>
    %add3A_41 = arith.addf %dot_general3A_38, %dot_general3A_40 : vector<1000x128xf32>
    %dot_general3A_42 = arith.constant dense<0.000000e+00> : vector<1000x128xf32>
    %dot_general3A_43 = tpu.matmul %convert_element_type3A_36, %sub3A_12, %dot_general3A_42 {dimension_numbers = #tpu.dot_dimension_numbers<[1], [0], [0], [1], [0, 0, 1, 1], [], []>, transpose_lhs_hint = false} : vector<1000x512xf32>, vector<512x128xf32>, vector<1000x128xf32> -> vector<1000x128xf32>
    %add3A_44 = arith.addf %add3A_41, %dot_general3A_43 : vector<1000x128xf32>
    %sub3A_45 = arith.subf %get3A_1, %add3A_44 : vector<1000x128xf32>
    %mul3A_46 = arith.mulf %sub3A_45, %sub3A_45 : vector<1000x128xf32>
    %reduce_sum3A_47 = vector.shape_cast %mul3A_46 : vector<1000x128xf32> to vector<1x1000x128xf32>
    %reduce_sum3A_48 = arith.constant dense<0.000000e+00> : vector<1xf32>
    %reduce_sum3A_49 = vector.multi_reduction <add>, %reduce_sum3A_47, %reduce_sum3A_48 [1, 2] : vector<1x1000x128xf32> to vector<1xf32>
    %reduce_sum3A_50 = vector.shape_cast %reduce_sum3A_49 : vector<1xf32> to vector<1x1x1xf32>
    %reduce_sum3A_51 = vector.extract %reduce_sum3A_50[0, 0, 0] : f32 from vector<1x1x1xf32>
    %add3A_52 = arith.constant 0.000000e+00 : f32
    %add3A_53 = arith.addf %add3A_52, %reduce_sum3A_51 : f32
    %add3A_54 = arith.addf %broadcast_in_dim3A_2, %add3A_44 : vector<1000x128xf32>
    %get3A_55 = arith.constant 1 : index
    %get3A_56 = arith.constant 0 : index
    %get3A_57 = arith.constant 0 : index
    %get3A_58 = vector.load %arg2[%get3A_55, %get3A_56, %get3A_57] : memref<3x512x128xf32, #tpu.memory_space<vmem>>, vector<1x512x128xf32>
    %get3A_59 = vector.shape_cast %get3A_58 : vector<1x512x128xf32> to vector<512x128xf32>
    %convert_element_type3A_60 = arith.truncf %get3A_59 : vector<512x128xf32> to vector<512x128xbf16>
    %convert_element_type3A_61 = arith.extf %convert_element_type3A_60 : vector<512x128xbf16> to vector<512x128xf32>
    %sub3A_62 = arith.subf %get3A_59, %convert_element_type3A_61 : vector<512x128xf32>
    %convert_element_type3A_63 = arith.truncf %sub3A_62 : vector<512x128xf32> to vector<512x128xbf16>
    %convert_element_type3A_64 = arith.extf %convert_element_type3A_63 : vector<512x128xbf16> to vector<512x128xf32>
    %sub3A_65 = arith.subf %get3A_59, %convert_element_type3A_61 : vector<512x128xf32>
    %sub3A_66 = arith.subf %sub3A_65, %convert_element_type3A_64 : vector<512x128xf32>
    %mul3A_67 = arith.mulf %get3A_59, %get3A_59 : vector<512x128xf32>
    %reduce_sum3A_68 = arith.constant dense<0.000000e+00> : vector<512xf32>
    %reduce_sum3A_69 = vector.multi_reduction <add>, %mul3A_67, %reduce_sum3A_68 [1] : vector<512x128xf32> to vector<512xf32>
    %mul3A_70 = arith.mulf %sub3A_45, %sub3A_45 : vector<1000x128xf32>
    %reduce_sum3A_71 = arith.constant dense<0.000000e+00> : vector<1000xf32>
    %reduce_sum3A_72 = vector.multi_reduction <add>, %mul3A_70, %reduce_sum3A_71 [1] : vector<1000x128xf32> to vector<1000xf32>
    %broadcast_in_dim3A_73 = vector.shape_cast %reduce_sum3A_72 : vector<1000xf32> to vector<1000x1xf32>
    %dot_general3A_74 = arith.constant dense<0.000000e+00> : vector<1000x512xf32>
    %dot_general3A_75 = tpu.matmul %sub3A_45, %get3A_59, %dot_general3A_74 {dimension_numbers = #tpu.dot_dimension_numbers<[1], [1], [0], [0], [0, 0, 1, 0], [], []>, transpose_lhs_hint = false} : vector<1000x128xf32>, vector<512x128xf32>, vector<1000x512xf32> -> vector<1000x512xf32>
    %mul3A_76 = arith.constant 2.000000e+00 : f32
    %mul3A_77 = vector.broadcast %mul3A_76 : f32 to vector<1000x512xf32>
    %mul3A_78 = arith.mulf %mul3A_77, %dot_general3A_75 : vector<1000x512xf32>
    %sub3A_79 = vector.broadcast %broadcast_in_dim3A_73 : vector<1000x1xf32> to vector<1000x512xf32>
    %sub3A_80 = arith.subf %sub3A_79, %mul3A_78 : vector<1000x512xf32>
    %broadcast_in_dim3A_81 = vector.shape_cast %reduce_sum3A_69 : vector<512xf32> to vector<1x512xf32>
    %add3A_82 = vector.broadcast %broadcast_in_dim3A_81 : vector<1x512xf32> to vector<1000x512xf32>
    %add3A_83 = arith.addf %sub3A_80, %add3A_82 : vector<1000x512xf32>
    %reduce_min3A_84 = arith.constant dense<0x7F800000> : vector<1000xf32>
    %reduce_min3A_85 = vector.multi_reduction <minimumf>, %add3A_83, %reduce_min3A_84 [1] : vector<1000x512xf32> to vector<1000xf32>
    %broadcast_in_dim3A_86 = vector.shape_cast %reduce_min3A_85 : vector<1000xf32> to vector<1000x1xf32>
    %eq3A_87 = vector.broadcast %broadcast_in_dim3A_86 : vector<1000x1xf32> to vector<1000x512xf32>
    %eq3A_88 = arith.cmpf oeq, %add3A_83, %eq3A_87 : vector<1000x512xf32>
    %jit3A_89 = arith.constant 512 : i32
    %broadcast_in_dim3A_90 = vector.broadcast %jit3A_89 : i32 to vector<1000x512xi32>
    %select_n3A_91 = arith.select %eq3A_88, %iota3A, %broadcast_in_dim3A_90 : vector<1000x512xi1>, vector<1000x512xi32>
    %reduce_min3A_92 = arith.constant dense<2147483647> : vector<1000xi32>
    %reduce_min3A_93 = vector.multi_reduction <minsi>, %select_n3A_91, %reduce_min3A_92 [1] : vector<1000x512xi32> to vector<1000xi32>
    %broadcast_in_dim3A_94 = vector.shape_cast %reduce_min3A_93 : vector<1000xi32> to vector<1000x1xi32>
    %eq3A_95 = vector.broadcast %broadcast_in_dim3A_94 : vector<1000x1xi32> to vector<1000x512xi32>
    %eq3A_96 = arith.cmpi eq, %iota3A, %eq3A_95 : vector<1000x512xi32>
    %convert_element_type3A_97 = arith.extui %eq3A_96 : vector<1000x512xi1> to vector<1000x512xi32>
    %convert_element_type3A_98 = arith.sitofp %convert_element_type3A_97 : vector<1000x512xi32> to vector<1000x512xf32>
    %dot_general3A_99 = arith.constant dense<0.000000e+00> : vector<1000x128xf32>
    %dot_general3A_100 = tpu.matmul %convert_element_type3A_98, %convert_element_type3A_61, %dot_general3A_99 {dimension_numbers = #tpu.dot_dimension_numbers<[1], [0], [0], [1], [0, 0, 1, 1], [], []>, transpose_lhs_hint = false} : vector<1000x512xf32>, vector<512x128xf32>, vector<1000x128xf32> -> vector<1000x128xf32>
    %dot_general3A_101 = arith.constant dense<0.000000e+00> : vector<1000x128xf32>
    %dot_general3A_102 = tpu.matmul %convert_element_type3A_98, %convert_element_type3A_64, %dot_general3A_101 {dimension_numbers = #tpu.dot_dimension_numbers<[1], [0], [0], [1], [0, 0, 1, 1], [], []>, transpose_lhs_hint = false} : vector<1000x512xf32>, vector<512x128xf32>, vector<1000x128xf32> -> vector<1000x128xf32>
    %add3A_103 = arith.addf %dot_general3A_100, %dot_general3A_102 : vector<1000x128xf32>
    %dot_general3A_104 = arith.constant dense<0.000000e+00> : vector<1000x128xf32>
    %dot_general3A_105 = tpu.matmul %convert_element_type3A_98, %sub3A_66, %dot_general3A_104 {dimension_numbers = #tpu.dot_dimension_numbers<[1], [0], [0], [1], [0, 0, 1, 1], [], []>, transpose_lhs_hint = false} : vector<1000x512xf32>, vector<512x128xf32>, vector<1000x128xf32> -> vector<1000x128xf32>
    %add3A_106 = arith.addf %add3A_103, %dot_general3A_105 : vector<1000x128xf32>
    %sub3A_107 = arith.subf %sub3A_45, %add3A_106 : vector<1000x128xf32>
    %mul3A_108 = arith.mulf %sub3A_107, %sub3A_107 : vector<1000x128xf32>
    %reduce_sum3A_109 = vector.shape_cast %mul3A_108 : vector<1000x128xf32> to vector<1x1000x128xf32>
    %reduce_sum3A_110 = arith.constant dense<0.000000e+00> : vector<1xf32>
    %reduce_sum3A_111 = vector.multi_reduction <add>, %reduce_sum3A_109, %reduce_sum3A_110 [1, 2] : vector<1x1000x128xf32> to vector<1xf32>
    %reduce_sum3A_112 = vector.shape_cast %reduce_sum3A_111 : vector<1xf32> to vector<1x1x1xf32>
    %reduce_sum3A_113 = vector.extract %reduce_sum3A_112[0, 0, 0] : f32 from vector<1x1x1xf32>
    %add3A_114 = arith.addf %add3A_53, %reduce_sum3A_113 : f32
    %add3A_115 = arith.addf %add3A_54, %add3A_106 : vector<1000x128xf32>
    %get3A_116 = arith.constant 2 : index
    %get3A_117 = arith.constant 0 : index
    %get3A_118 = arith.constant 0 : index
    %get3A_119 = vector.load %arg2[%get3A_116, %get3A_117, %get3A_118] : memref<3x512x128xf32, #tpu.memory_space<vmem>>, vector<1x512x128xf32>
    %get3A_120 = vector.shape_cast %get3A_119 : vector<1x512x128xf32> to vector<512x128xf32>
    %convert_element_type3A_121 = arith.truncf %get3A_120 : vector<512x128xf32> to vector<512x128xbf16>
    %convert_element_type3A_122 = arith.extf %convert_element_type3A_121 : vector<512x128xbf16> to vector<512x128xf32>
    %sub3A_123 = arith.subf %get3A_120, %convert_element_type3A_122 : vector<512x128xf32>
    %convert_element_type3A_124 = arith.truncf %sub3A_123 : vector<512x128xf32> to vector<512x128xbf16>
    %convert_element_type3A_125 = arith.extf %convert_element_type3A_124 : vector<512x128xbf16> to vector<512x128xf32>
    %sub3A_126 = arith.subf %get3A_120, %convert_element_type3A_122 : vector<512x128xf32>
    %sub3A_127 = arith.subf %sub3A_126, %convert_element_type3A_125 : vector<512x128xf32>
    %mul3A_128 = arith.mulf %get3A_120, %get3A_120 : vector<512x128xf32>
    %reduce_sum3A_129 = arith.constant dense<0.000000e+00> : vector<512xf32>
    %reduce_sum3A_130 = vector.multi_reduction <add>, %mul3A_128, %reduce_sum3A_129 [1] : vector<512x128xf32> to vector<512xf32>
    %mul3A_131 = arith.mulf %sub3A_107, %sub3A_107 : vector<1000x128xf32>
    %reduce_sum3A_132 = arith.constant dense<0.000000e+00> : vector<1000xf32>
    %reduce_sum3A_133 = vector.multi_reduction <add>, %mul3A_131, %reduce_sum3A_132 [1] : vector<1000x128xf32> to vector<1000xf32>
    %broadcast_in_dim3A_134 = vector.shape_cast %reduce_sum3A_133 : vector<1000xf32> to vector<1000x1xf32>
    %dot_general3A_135 = arith.constant dense<0.000000e+00> : vector<1000x512xf32>
    %dot_general3A_136 = tpu.matmul %sub3A_107, %get3A_120, %dot_general3A_135 {dimension_numbers = #tpu.dot_dimension_numbers<[1], [1], [0], [0], [0, 0, 1, 0], [], []>, transpose_lhs_hint = false} : vector<1000x128xf32>, vector<512x128xf32>, vector<1000x512xf32> -> vector<1000x512xf32>
    %mul3A_137 = arith.constant 2.000000e+00 : f32
    %mul3A_138 = vector.broadcast %mul3A_137 : f32 to vector<1000x512xf32>
    %mul3A_139 = arith.mulf %mul3A_138, %dot_general3A_136 : vector<1000x512xf32>
    %sub3A_140 = vector.broadcast %broadcast_in_dim3A_134 : vector<1000x1xf32> to vector<1000x512xf32>
    %sub3A_141 = arith.subf %sub3A_140, %mul3A_139 : vector<1000x512xf32>
    %broadcast_in_dim3A_142 = vector.shape_cast %reduce_sum3A_130 : vector<512xf32> to vector<1x512xf32>
    %add3A_143 = vector.broadcast %broadcast_in_dim3A_142 : vector<1x512xf32> to vector<1000x512xf32>
    %add3A_144 = arith.addf %sub3A_141, %add3A_143 : vector<1000x512xf32>
    %reduce_min3A_145 = arith.constant dense<0x7F800000> : vector<1000xf32>
    %reduce_min3A_146 = vector.multi_reduction <minimumf>, %add3A_144, %reduce_min3A_145 [1] : vector<1000x512xf32> to vector<1000xf32>
    %broadcast_in_dim3A_147 = vector.shape_cast %reduce_min3A_146 : vector<1000xf32> to vector<1000x1xf32>
    %eq3A_148 = vector.broadcast %broadcast_in_dim3A_147 : vector<1000x1xf32> to vector<1000x512xf32>
    %eq3A_149 = arith.cmpf oeq, %add3A_144, %eq3A_148 : vector<1000x512xf32>
    %jit3A_150 = arith.constant 512 : i32
    %broadcast_in_dim3A_151 = vector.broadcast %jit3A_150 : i32 to vector<1000x512xi32>
    %select_n3A_152 = arith.select %eq3A_149, %iota3A, %broadcast_in_dim3A_151 : vector<1000x512xi1>, vector<1000x512xi32>
    %reduce_min3A_153 = arith.constant dense<2147483647> : vector<1000xi32>
    %reduce_min3A_154 = vector.multi_reduction <minsi>, %select_n3A_152, %reduce_min3A_153 [1] : vector<1000x512xi32> to vector<1000xi32>
    %broadcast_in_dim3A_155 = vector.shape_cast %reduce_min3A_154 : vector<1000xi32> to vector<1000x1xi32>
    %eq3A_156 = vector.broadcast %broadcast_in_dim3A_155 : vector<1000x1xi32> to vector<1000x512xi32>
    %eq3A_157 = arith.cmpi eq, %iota3A, %eq3A_156 : vector<1000x512xi32>
    %convert_element_type3A_158 = arith.extui %eq3A_157 : vector<1000x512xi1> to vector<1000x512xi32>
    %convert_element_type3A_159 = arith.sitofp %convert_element_type3A_158 : vector<1000x512xi32> to vector<1000x512xf32>
    %dot_general3A_160 = arith.constant dense<0.000000e+00> : vector<1000x128xf32>
    %dot_general3A_161 = tpu.matmul %convert_element_type3A_159, %convert_element_type3A_122, %dot_general3A_160 {dimension_numbers = #tpu.dot_dimension_numbers<[1], [0], [0], [1], [0, 0, 1, 1], [], []>, transpose_lhs_hint = false} : vector<1000x512xf32>, vector<512x128xf32>, vector<1000x128xf32> -> vector<1000x128xf32>
    %dot_general3A_162 = arith.constant dense<0.000000e+00> : vector<1000x128xf32>
    %dot_general3A_163 = tpu.matmul %convert_element_type3A_159, %convert_element_type3A_125, %dot_general3A_162 {dimension_numbers = #tpu.dot_dimension_numbers<[1], [0], [0], [1], [0, 0, 1, 1], [], []>, transpose_lhs_hint = false} : vector<1000x512xf32>, vector<512x128xf32>, vector<1000x128xf32> -> vector<1000x128xf32>
    %add3A_164 = arith.addf %dot_general3A_161, %dot_general3A_163 : vector<1000x128xf32>
    %dot_general3A_165 = arith.constant dense<0.000000e+00> : vector<1000x128xf32>
    %dot_general3A_166 = tpu.matmul %convert_element_type3A_159, %sub3A_127, %dot_general3A_165 {dimension_numbers = #tpu.dot_dimension_numbers<[1], [0], [0], [1], [0, 0, 1, 1], [], []>, transpose_lhs_hint = false} : vector<1000x512xf32>, vector<512x128xf32>, vector<1000x128xf32> -> vector<1000x128xf32>
    %add3A_167 = arith.addf %add3A_164, %dot_general3A_166 : vector<1000x128xf32>
    %sub3A_168 = arith.subf %sub3A_107, %add3A_167 : vector<1000x128xf32>
    %mul3A_169 = arith.mulf %sub3A_168, %sub3A_168 : vector<1000x128xf32>
    %reduce_sum3A_170 = vector.shape_cast %mul3A_169 : vector<1000x128xf32> to vector<1x1000x128xf32>
    %reduce_sum3A_171 = arith.constant dense<0.000000e+00> : vector<1xf32>
    %reduce_sum3A_172 = vector.multi_reduction <add>, %reduce_sum3A_170, %reduce_sum3A_171 [1, 2] : vector<1x1000x128xf32> to vector<1xf32>
    %reduce_sum3A_173 = vector.shape_cast %reduce_sum3A_172 : vector<1xf32> to vector<1x1x1xf32>
    %reduce_sum3A_174 = vector.extract %reduce_sum3A_173[0, 0, 0] : f32 from vector<1x1x1xf32>
    %add3A_175 = arith.addf %add3A_114, %reduce_sum3A_174 : f32
    %add3A_176 = arith.addf %add3A_115, %add3A_167 : vector<1000x128xf32>
    %sub3A_177 = arith.subf %add3A_176, %get3A_1 : vector<1000x128xf32>
    %add3A_178 = arith.addf %get3A_1, %sub3A_177 : vector<1000x128xf32>
    %swap3A = arith.constant 0 : index
    %swap3A_179 = arith.constant 0 : index
    %swap3A_180 = vector.load %arg3[%swap3A, %swap3A_179] : memref<1000x128xf32, #tpu.memory_space<vmem>>, vector<1000x128xf32>
    tpu.vector_store %arg3[%swap3A, %swap3A_179], %add3A_178 {strides = array<i32>} : memref<1000x128xf32, #tpu.memory_space<vmem>>, vector<1000x128xf32>,
    %stack3A = vector.shape_cast %reduce_min3A_31 : vector<1000xi32> to vector<1000x1xi32>
    %stack3A_181 = vector.shape_cast %reduce_min3A_93 : vector<1000xi32> to vector<1000x1xi32>
    %stack3A_182 = vector.shape_cast %reduce_min3A_154 : vector<1000xi32> to vector<1000x1xi32>
    %stack3A_183 = tpu.concatenate %stack3A, %stack3A_181, %stack3A_182 in 1 : vector<1000x1xi32>, vector<1000x1xi32>, vector<1000x1xi32> -> vector<1000x3xi32>
    %swap3A_184 = arith.constant 0 : index
    %swap3A_185 = arith.constant 0 : index
    %swap3A_186 = vector.load %arg4[%swap3A_184, %swap3A_185] : memref<1000x3xi32, #tpu.memory_space<vmem>>, vector<1000x3xi32>
    tpu.vector_store %arg4[%swap3A_184, %swap3A_185], %stack3A_183 {strides = array<i32>} : memref<1000x3xi32, #tpu.memory_space<vmem>>, vector<1000x3xi32>,
    %eq3A_187 = arith.constant 0 : i32
    %eq3A_188 = arith.cmpi eq, %arg0, %eq3A_187 : i32
    %broadcast_in_dim3A_189 = arith.constant 0.000000e+00 : f32
    %broadcast_in_dim3A_190 = vector.broadcast %broadcast_in_dim3A_189 : f32 to vector<1x1xf32>
    %get3A_191 = arith.constant 0 : index
    %get3A_192 = arith.constant 0 : index
    %get3A_193 = vector.load %arg5[%get3A_191, %get3A_192] : memref<1x1xf32, #tpu.memory_space<vmem>>, vector<1x1xf32>
    %select_n3A_194 = arith.select %eq3A_188, %broadcast_in_dim3A_190, %get3A_193 : vector<1x1xf32>
    %add3A_195 = vector.broadcast %add3A_175 : f32 to vector<1x1xf32>
    %add3A_196 = arith.addf %select_n3A_194, %add3A_195 : vector<1x1xf32>
    %eq3A_197 = arith.constant 9 : i32
    %eq3A_198 = arith.cmpi eq, %arg0, %eq3A_197 : i32
    %mul3A_199 = arith.constant 9.76562546E-7 : f32
    %mul3A_200 = vector.broadcast %mul3A_199 : f32 to vector<1x1xf32>
    %mul3A_201 = arith.mulf %add3A_196, %mul3A_200 : vector<1x1xf32>
    %select_n3A_202 = arith.select %eq3A_198, %mul3A_201, %add3A_196 : vector<1x1xf32>
    %swap3A_203 = arith.constant 0 : index
    %swap3A_204 = arith.constant 0 : index
    %swap3A_205 = vector.load %arg5[%swap3A_203, %swap3A_204] : memref<1x1xf32, #tpu.memory_space<vmem>>, vector<1x1xf32>
    tpu.vector_store %arg5[%swap3A_203, %swap3A_204], %select_n3A_202 {strides = array<i32>} : memref<1x1xf32, #tpu.memory_space<vmem>>, vector<1x1xf32>,
    return
  }
  func.func @transform_0(%arg0: i32) -> (i32, i32) {
    %c0_i32 = arith.constant 0 : i32
    %c0_i32_0 = arith.constant 0 : i32
    return %arg0, %c0_i32 : i32, i32
  }
  func.func @transform_1(%arg0: i32) -> (i32, i32, i32) {
    %c0_i32 = arith.constant 0 : i32
    %c0_i32_0 = arith.constant 0 : i32
    %c0_i32_1 = arith.constant 0 : i32
    %c0_i32_2 = arith.constant 0 : i32
    return %c0_i32, %c0_i32_0, %c0_i32_1 : i32, i32, i32
  }
  func.func @transform_2(%arg0: i32) -> (i32, i32) {
    %c0_i32 = arith.constant 0 : i32
    %c0_i32_0 = arith.constant 0 : i32
    return %arg0, %c0_i32 : i32, i32
  }
  func.func @transform_3(%arg0: i32) -> (i32, i32) {
    %c0_i32 = arith.constant 0 : i32
    %c0_i32_0 = arith.constant 0 : i32
    return %arg0, %c0_i32 : i32, i32
  }
  func.func @transform_4(%arg0: i32) -> (i32, i32) {
    %c0_i32 = arith.constant 0 : i32
    %c0_i32_0 = arith.constant 0 : i32
    %c0_i32_1 = arith.constant 0 : i32
    return %c0_i32, %c0_i32_0 : i32, i32
  }
}

module attributes {stable_mosaic.version = 14 : i64} {
  func.func @_layer3_body(%arg0: i32, %arg1: memref<1000x128xf32, #tpu.memory_space<vmem>>, %arg2: memref<1000x128xf32, #tpu.memory_space<vmem>>, %arg3: memref<1000x1xf32, #tpu.memory_space<vmem>>, %arg4: memref<128x128xf32, #tpu.memory_space<vmem>>, %arg5: memref<1x128xf32, #tpu.memory_space<vmem>>, %arg6: memref<128x16xf32, #tpu.memory_space<vmem>>, %arg7: memref<1000x16xf32, #tpu.memory_space<vmem>>) attributes {dimension_semantics = [#tpu.dimension_semantics<arbitrary>], iteration_bounds = array<i64: 10>, scalar_prefetch = 0 : i64, scratch_operands = 0 : i64, tpu.core_type = #tpu.core_type<tc>, window_params = [{transform_indices = @transform_0, window_bounds = array<i64: 1000, 128>}, {transform_indices = @transform_1, window_bounds = array<i64: 1000, 128>}, {transform_indices = @transform_2, window_bounds = array<i64: 1000, 1>}, {pipeline_mode = #tpu.pipeline_mode<synchronous>, transform_indices = @transform_3, window_bounds = array<i64: 128, 128>}, {pipeline_mode = #tpu.pipeline_mode<synchronous>, transform_indices = @transform_4, window_bounds = array<i64: 1, 128>}, {pipeline_mode = #tpu.pipeline_mode<synchronous>, transform_indices = @transform_5, window_bounds = array<i64: 128, 16>}, {transform_indices = @transform_6, window_bounds = array<i64: 1000, 16>}]} {
    %get3A = arith.constant 0 : index
    %get3A_0 = arith.constant 0 : index
    %get3A_1 = vector.load %arg1[%get3A, %get3A_0] : memref<1000x128xf32, #tpu.memory_space<vmem>>, vector<1000x128xf32>
    %get3A_2 = arith.constant 0 : index
    %get3A_3 = arith.constant 0 : index
    %get3A_4 = vector.load %arg2[%get3A_2, %get3A_3] : memref<1000x128xf32, #tpu.memory_space<vmem>>, vector<1000x128xf32>
    %get3A_5 = arith.constant 0 : index
    %get3A_6 = arith.constant 0 : index
    %get3A_7 = vector.load %arg3[%get3A_5, %get3A_6] : memref<1000x1xf32, #tpu.memory_space<vmem>>, vector<1000x1xf32>
    %div3A = vector.broadcast %get3A_7 : vector<1000x1xf32> to vector<1000x128xf32>
    %div3A_8 = arith.divf %get3A_4, %div3A : vector<1000x128xf32>
    %add3A = arith.addf %get3A_1, %div3A_8 : vector<1000x128xf32>
    %get3A_9 = arith.constant 0 : index
    %get3A_10 = arith.constant 0 : index
    %get3A_11 = vector.load %arg4[%get3A_9, %get3A_10] : memref<128x128xf32, #tpu.memory_space<vmem>>, vector<128x128xf32>
    %dot_general3A = arith.constant dense<0.000000e+00> : vector<1000x128xf32>
    %dot_general3A_12 = tpu.matmul %add3A, %get3A_11, %dot_general3A {dimension_numbers = #tpu.dot_dimension_numbers<[1], [0], [0], [1], [0, 0, 1, 1], [], []>, transpose_lhs_hint = false} : vector<1000x128xf32>, vector<128x128xf32>, vector<1000x128xf32> -> vector<1000x128xf32>
    %get3A_13 = arith.constant 0 : index
    %get3A_14 = arith.constant 0 : index
    %get3A_15 = vector.load %arg5[%get3A_13, %get3A_14] : memref<1x128xf32, #tpu.memory_space<vmem>>, vector<1x128xf32>
    %add3A_16 = vector.broadcast %get3A_15 : vector<1x128xf32> to vector<1000x128xf32>
    %add3A_17 = arith.addf %dot_general3A_12, %add3A_16 : vector<1000x128xf32>
    %max3A = arith.constant 0.000000e+00 : f32
    %max3A_18 = vector.broadcast %max3A : f32 to vector<1000x128xf32>
    %max3A_19 = arith.maximumf %add3A_17, %max3A_18 : vector<1000x128xf32>
    %get3A_20 = arith.constant 0 : index
    %get3A_21 = arith.constant 0 : index
    %get3A_22 = vector.load %arg6[%get3A_20, %get3A_21] : memref<128x16xf32, #tpu.memory_space<vmem>>, vector<128x16xf32>
    %dot_general3A_23 = arith.constant dense<0.000000e+00> : vector<1000x16xf32>
    %dot_general3A_24 = tpu.matmul %max3A_19, %get3A_22, %dot_general3A_23 {dimension_numbers = #tpu.dot_dimension_numbers<[1], [0], [0], [1], [0, 0, 1, 1], [], []>, transpose_lhs_hint = false} : vector<1000x128xf32>, vector<128x16xf32>, vector<1000x16xf32> -> vector<1000x16xf32>
    %swap3A = arith.constant 0 : index
    %swap3A_25 = arith.constant 0 : index
    %swap3A_26 = vector.load %arg7[%swap3A, %swap3A_25] : memref<1000x16xf32, #tpu.memory_space<vmem>>, vector<1000x16xf32>
    tpu.vector_store %arg7[%swap3A, %swap3A_25], %dot_general3A_24 {strides = array<i32>} : memref<1000x16xf32, #tpu.memory_space<vmem>>, vector<1000x16xf32>,
    return
  }
  func.func @transform_0(%arg0: i32) -> (i32, i32) {
    %c0_i32 = arith.constant 0 : i32
    %c0_i32_0 = arith.constant 0 : i32
    return %arg0, %c0_i32 : i32, i32
  }
  func.func @transform_1(%arg0: i32) -> (i32, i32) {
    %c0_i32 = arith.constant 0 : i32
    %c0_i32_0 = arith.constant 0 : i32
    return %arg0, %c0_i32 : i32, i32
  }
  func.func @transform_2(%arg0: i32) -> (i32, i32) {
    %c0_i32 = arith.constant 0 : i32
    %c0_i32_0 = arith.constant 0 : i32
    return %arg0, %c0_i32 : i32, i32
  }
  func.func @transform_3(%arg0: i32) -> (i32, i32) {
    %c0_i32 = arith.constant 0 : i32
    %c0_i32_0 = arith.constant 0 : i32
    %c0_i32_1 = arith.constant 0 : i32
    return %c0_i32, %c0_i32_0 : i32, i32
  }
  func.func @transform_4(%arg0: i32) -> (i32, i32) {
    %c0_i32 = arith.constant 0 : i32
    %c0_i32_0 = arith.constant 0 : i32
    %c0_i32_1 = arith.constant 0 : i32
    return %c0_i32, %c0_i32_0 : i32, i32
  }
  func.func @transform_5(%arg0: i32) -> (i32, i32) {
    %c0_i32 = arith.constant 0 : i32
    %c0_i32_0 = arith.constant 0 : i32
    %c0_i32_1 = arith.constant 0 : i32
    return %c0_i32, %c0_i32_0 : i32, i32
  }
  func.func @transform_6(%arg0: i32) -> (i32, i32) {
    %c0_i32 = arith.constant 0 : i32
    %c0_i32_0 = arith.constant 0 : i32
    return %arg0, %c0_i32 : i32, i32
  }
}

module attributes {stable_mosaic.version = 14 : i64} {
  func.func @_final_body(%arg0: i32, %arg1: memref<1000x16xf32, #tpu.memory_space<vmem>>, %arg2: memref<1000x16xf32, #tpu.memory_space<vmem>>, %arg3: memref<1000x1xf32, #tpu.memory_space<vmem>>, %arg4: memref<1x16xf32, #tpu.memory_space<vmem>>, %arg5: memref<1000x16xf32, #tpu.memory_space<vmem>>, %arg6: memref<1000x16xf32, #tpu.memory_space<vmem>>, %arg7: memref<1000x16xf32, #tpu.memory_space<vmem>>, %arg8: memref<1000x9xf32, #tpu.memory_space<vmem>>, %arg9: memref<1x1xf32, #tpu.memory_space<vmem>>) attributes {dimension_semantics = [#tpu.dimension_semantics<arbitrary>], iteration_bounds = array<i64: 10>, scalar_prefetch = 0 : i64, scratch_operands = 0 : i64, tpu.core_type = #tpu.core_type<tc>, window_params = [{transform_indices = @transform_0, window_bounds = array<i64: 1000, 16>}, {transform_indices = @transform_1, window_bounds = array<i64: 1000, 16>}, {transform_indices = @transform_2, window_bounds = array<i64: 1000, 1>}, {pipeline_mode = #tpu.pipeline_mode<synchronous>, transform_indices = @transform_3, window_bounds = array<i64: 1, 16>}, {transform_indices = @transform_4, window_bounds = array<i64: 1000, 16>}, {transform_indices = @transform_5, window_bounds = array<i64: 1000, 16>}, {transform_indices = @transform_6, window_bounds = array<i64: 1000, 16>}, {transform_indices = @transform_7, window_bounds = array<i64: 1000, 9>}, {pipeline_mode = #tpu.pipeline_mode<synchronous>, transform_indices = @transform_8, window_bounds = array<i64: 1, 1>}]} {
    %get3A = arith.constant 0 : index
    %get3A_0 = arith.constant 0 : index
    %get3A_1 = vector.load %arg1[%get3A, %get3A_0] : memref<1000x16xf32, #tpu.memory_space<vmem>>, vector<1000x16xf32>
    %get3A_2 = arith.constant 0 : index
    %get3A_3 = arith.constant 0 : index
    %get3A_4 = vector.load %arg2[%get3A_2, %get3A_3] : memref<1000x16xf32, #tpu.memory_space<vmem>>, vector<1000x16xf32>
    %get3A_5 = arith.constant 0 : index
    %get3A_6 = arith.constant 0 : index
    %get3A_7 = vector.load %arg3[%get3A_5, %get3A_6] : memref<1000x1xf32, #tpu.memory_space<vmem>>, vector<1000x1xf32>
    %div3A = vector.broadcast %get3A_7 : vector<1000x1xf32> to vector<1000x16xf32>
    %div3A_8 = arith.divf %get3A_4, %div3A : vector<1000x16xf32>
    %add3A = arith.addf %get3A_1, %div3A_8 : vector<1000x16xf32>
    %get3A_9 = arith.constant 0 : index
    %get3A_10 = arith.constant 0 : index
    %get3A_11 = vector.load %arg4[%get3A_9, %get3A_10] : memref<1x16xf32, #tpu.memory_space<vmem>>, vector<1x16xf32>
    %add3A_12 = vector.broadcast %get3A_11 : vector<1x16xf32> to vector<1000x16xf32>
    %add3A_13 = arith.addf %add3A, %add3A_12 : vector<1000x16xf32>
    %slice3A = vector.extract_strided_slice %add3A_13 {offsets = [0, 0], sizes = [1000, 9], strides = [1, 1]} : vector<1000x16xf32> to vector<1000x9xf32>
    %swap3A = arith.constant 0 : index
    %swap3A_14 = arith.constant 0 : index
    %swap3A_15 = vector.load %arg8[%swap3A, %swap3A_14] : memref<1000x9xf32, #tpu.memory_space<vmem>>, vector<1000x9xf32>
    tpu.vector_store %arg8[%swap3A, %swap3A_14], %slice3A {strides = array<i32>} : memref<1000x9xf32, #tpu.memory_space<vmem>>, vector<1000x9xf32>,
    %get3A_16 = arith.constant 0 : index
    %get3A_17 = arith.constant 0 : index
    %get3A_18 = vector.load %arg5[%get3A_16, %get3A_17] : memref<1000x16xf32, #tpu.memory_space<vmem>>, vector<1000x16xf32>
    %sub3A = arith.subf %add3A_13, %get3A_18 : vector<1000x16xf32>
    %abs3A = math.absf %sub3A : vector<1000x16xf32>
    %reduce_sum3A = arith.constant dense<0.000000e+00> : vector<1000xf32>
    %reduce_sum3A_19 = vector.multi_reduction <add>, %abs3A, %reduce_sum3A [1] : vector<1000x16xf32> to vector<1000xf32>
    %broadcast_in_dim3A = vector.shape_cast %reduce_sum3A_19 : vector<1000xf32> to vector<1000x1xf32>
    %get3A_20 = arith.constant 0 : index
    %get3A_21 = arith.constant 0 : index
    %get3A_22 = vector.load %arg6[%get3A_20, %get3A_21] : memref<1000x16xf32, #tpu.memory_space<vmem>>, vector<1000x16xf32>
    %sub3A_23 = arith.subf %add3A_13, %get3A_22 : vector<1000x16xf32>
    %abs3A_24 = math.absf %sub3A_23 : vector<1000x16xf32>
    %reduce_sum3A_25 = arith.constant dense<0.000000e+00> : vector<1000xf32>
    %reduce_sum3A_26 = vector.multi_reduction <add>, %abs3A_24, %reduce_sum3A_25 [1] : vector<1000x16xf32> to vector<1000xf32>
    %broadcast_in_dim3A_27 = vector.shape_cast %reduce_sum3A_26 : vector<1000xf32> to vector<1000x1xf32>
    %get3A_28 = arith.constant 0 : index
    %get3A_29 = arith.constant 0 : index
    %get3A_30 = vector.load %arg7[%get3A_28, %get3A_29] : memref<1000x16xf32, #tpu.memory_space<vmem>>, vector<1000x16xf32>
    %sub3A_31 = arith.subf %add3A_13, %get3A_30 : vector<1000x16xf32>
    %abs3A_32 = math.absf %sub3A_31 : vector<1000x16xf32>
    %reduce_sum3A_33 = arith.constant dense<0.000000e+00> : vector<1000xf32>
    %reduce_sum3A_34 = vector.multi_reduction <add>, %abs3A_32, %reduce_sum3A_33 [1] : vector<1000x16xf32> to vector<1000xf32>
    %broadcast_in_dim3A_35 = vector.shape_cast %reduce_sum3A_34 : vector<1000xf32> to vector<1000x1xf32>
    %min3A = arith.minimumf %broadcast_in_dim3A, %broadcast_in_dim3A_27 : vector<1000x1xf32>
    %min3A_36 = arith.minimumf %min3A, %broadcast_in_dim3A_35 : vector<1000x1xf32>
    %reduce_sum3A_37 = vector.shape_cast %min3A_36 : vector<1000x1xf32> to vector<1x1000x1xf32>
    %reduce_sum3A_38 = arith.constant dense<0.000000e+00> : vector<1xf32>
    %reduce_sum3A_39 = vector.multi_reduction <add>, %reduce_sum3A_37, %reduce_sum3A_38 [1, 2] : vector<1x1000x1xf32> to vector<1xf32>
    %reduce_sum3A_40 = vector.shape_cast %reduce_sum3A_39 : vector<1xf32> to vector<1x1x1xf32>
    %reduce_sum3A_41 = vector.extract %reduce_sum3A_40[0, 0, 0] : f32 from vector<1x1x1xf32>
    %eq3A = arith.constant 0 : i32
    %eq3A_42 = arith.cmpi eq, %arg0, %eq3A : i32
    %broadcast_in_dim3A_43 = arith.constant 0.000000e+00 : f32
    %broadcast_in_dim3A_44 = vector.broadcast %broadcast_in_dim3A_43 : f32 to vector<1x1xf32>
    %get3A_45 = arith.constant 0 : index
    %get3A_46 = arith.constant 0 : index
    %get3A_47 = vector.load %arg9[%get3A_45, %get3A_46] : memref<1x1xf32, #tpu.memory_space<vmem>>, vector<1x1xf32>
    %select_n3A = arith.select %eq3A_42, %broadcast_in_dim3A_44, %get3A_47 : vector<1x1xf32>
    %add3A_48 = vector.broadcast %reduce_sum3A_41 : f32 to vector<1x1xf32>
    %add3A_49 = arith.addf %select_n3A, %add3A_48 : vector<1x1xf32>
    %eq3A_50 = arith.constant 9 : i32
    %eq3A_51 = arith.cmpi eq, %arg0, %eq3A_50 : i32
    %div3A_52 = arith.constant 9.000000e+04 : f32
    %div3A_53 = vector.broadcast %div3A_52 : f32 to vector<1x1xf32>
    %div3A_54 = arith.divf %add3A_49, %div3A_53 : vector<1x1xf32>
    %select_n3A_55 = arith.select %eq3A_51, %div3A_54, %add3A_49 : vector<1x1xf32>
    %swap3A_56 = arith.constant 0 : index
    %swap3A_57 = arith.constant 0 : index
    %swap3A_58 = vector.load %arg9[%swap3A_56, %swap3A_57] : memref<1x1xf32, #tpu.memory_space<vmem>>, vector<1x1xf32>
    tpu.vector_store %arg9[%swap3A_56, %swap3A_57], %select_n3A_55 {strides = array<i32>} : memref<1x1xf32, #tpu.memory_space<vmem>>, vector<1x1xf32>,
    return
  }
  func.func @transform_0(%arg0: i32) -> (i32, i32) {
    %c0_i32 = arith.constant 0 : i32
    %c0_i32_0 = arith.constant 0 : i32
    return %arg0, %c0_i32 : i32, i32
  }
  func.func @transform_1(%arg0: i32) -> (i32, i32) {
    %c0_i32 = arith.constant 0 : i32
    %c0_i32_0 = arith.constant 0 : i32
    return %arg0, %c0_i32 : i32, i32
  }
  func.func @transform_2(%arg0: i32) -> (i32, i32) {
    %c0_i32 = arith.constant 0 : i32
    %c0_i32_0 = arith.constant 0 : i32
    return %arg0, %c0_i32 : i32, i32
  }
  func.func @transform_3(%arg0: i32) -> (i32, i32) {
    %c0_i32 = arith.constant 0 : i32
    %c0_i32_0 = arith.constant 0 : i32
    %c0_i32_1 = arith.constant 0 : i32
    return %c0_i32, %c0_i32_0 : i32, i32
  }
  func.func @transform_4(%arg0: i32) -> (i32, i32) {
    %c0_i32 = arith.constant 0 : i32
    %c0_i32_0 = arith.constant 0 : i32
    return %arg0, %c0_i32 : i32, i32
  }
  func.func @transform_5(%arg0: i32) -> (i32, i32) {
    %c0_i32 = arith.constant 0 : i32
    %c0_i32_0 = arith.constant 0 : i32
    return %arg0, %c0_i32 : i32, i32
  }
  func.func @transform_6(%arg0: i32) -> (i32, i32) {
    %c0_i32 = arith.constant 0 : i32
    %c0_i32_0 = arith.constant 0 : i32
    return %arg0, %c0_i32 : i32, i32
  }
  func.func @transform_7(%arg0: i32) -> (i32, i32) {
    %c0_i32 = arith.constant 0 : i32
    %c0_i32_0 = arith.constant 0 : i32
    return %arg0, %c0_i32 : i32, i32
  }
  func.func @transform_8(%arg0: i32) -> (i32, i32) {
    %c0_i32 = arith.constant 0 : i32
    %c0_i32_0 = arith.constant 0 : i32
    %c0_i32_1 = arith.constant 0 : i32
    return %c0_i32, %c0_i32_0 : i32, i32
  }
}

module attributes {stable_mosaic.version = 14 : i64} {
  func.func @_scalars_body(%arg0: memref<1x1xf32, #tpu.memory_space<vmem>>, %arg1: memref<1x1xf32, #tpu.memory_space<vmem>>, %arg2: memref<32x16xf32, #tpu.memory_space<vmem>>, %arg3: memref<1x1xf32, #tpu.memory_space<vmem>>, %arg4: memref<1x1xf32, #tpu.memory_space<vmem>>) attributes {dimension_semantics = [], scalar_prefetch = 0 : i64, scratch_operands = 0 : i64, tpu.core_type = #tpu.core_type<tc>} {
    %get3A = arith.constant 0 : index
    %get3A_0 = arith.constant 0 : index
    %get3A_1 = vector.load %arg2[%get3A, %get3A_0] : memref<32x16xf32, #tpu.memory_space<vmem>>, vector<32x16xf32>
    %reduce_sum3A = vector.shape_cast %get3A_1 : vector<32x16xf32> to vector<1x32x16xf32>
    %reduce_sum3A_2 = arith.constant dense<0.000000e+00> : vector<1xf32>
    %reduce_sum3A_3 = vector.multi_reduction <add>, %reduce_sum3A, %reduce_sum3A_2 [1, 2] : vector<1x32x16xf32> to vector<1xf32>
    %reduce_sum3A_4 = vector.shape_cast %reduce_sum3A_3 : vector<1xf32> to vector<1x1x1xf32>
    %reduce_sum3A_5 = vector.extract %reduce_sum3A_4[0, 0, 0] : f32 from vector<1x1x1xf32>
    %broadcast_in_dim3A = vector.broadcast %reduce_sum3A_5 : f32 to vector<1x1xf32>
    %div3A = arith.constant 9.000000e+04 : f32
    %div3A_6 = vector.broadcast %div3A : f32 to vector<1x1xf32>
    %div3A_7 = arith.divf %broadcast_in_dim3A, %div3A_6 : vector<1x1xf32>
    %swap3A = arith.constant 0 : index
    %swap3A_8 = arith.constant 0 : index
    %swap3A_9 = vector.load %arg3[%swap3A, %swap3A_8] : memref<1x1xf32, #tpu.memory_space<vmem>>, vector<1x1xf32>
    tpu.vector_store %arg3[%swap3A, %swap3A_8], %div3A_7 {strides = array<i32>} : memref<1x1xf32, #tpu.memory_space<vmem>>, vector<1x1xf32>,
    %get3A_10 = arith.constant 0 : index
    %get3A_11 = arith.constant 0 : index
    %get3A_12 = vector.load %arg0[%get3A_10, %get3A_11] : memref<1x1xf32, #tpu.memory_space<vmem>>, vector<1x1xf32>
    %get3A_13 = arith.constant 0 : index
    %get3A_14 = arith.constant 0 : index
    %get3A_15 = vector.load %arg1[%get3A_13, %get3A_14] : memref<1x1xf32, #tpu.memory_space<vmem>>, vector<1x1xf32>
    %add3A = arith.addf %get3A_12, %get3A_15 : vector<1x1xf32>
    %mul3A = arith.constant 3.000000e-01 : f32
    %mul3A_16 = vector.broadcast %mul3A : f32 to vector<1x1xf32>
    %mul3A_17 = arith.mulf %mul3A_16, %div3A_7 : vector<1x1xf32>
    %add3A_18 = arith.addf %add3A, %mul3A_17 : vector<1x1xf32>
    %swap3A_19 = arith.constant 0 : index
    %swap3A_20 = arith.constant 0 : index
    %swap3A_21 = vector.load %arg4[%swap3A_19, %swap3A_20] : memref<1x1xf32, #tpu.memory_space<vmem>>, vector<1x1xf32>
    tpu.vector_store %arg4[%swap3A_19, %swap3A_20], %add3A_18 {strides = array<i32>} : memref<1x1xf32, #tpu.memory_space<vmem>>, vector<1x1xf32>,
    return
  }
}

</mosaic_0001>

<sc_bundles>
// kernel: kernel.14.cloned.1.call-start
scs
__scs_entry_jumppad:
0x0: {  	(pc) =	sbr.rel $0x88, $3  }
0x1: {  	(tag) =	ssettag $0x0;
	lr =	simm.s32 $0x1  }
0x2: {  	[smem:$0x3F91] =	sst lr;
	_ =	strace $0xD0000000  }
0x3: {  	_ = 	snop  }
0x4: {  	_ = 	snop  }
0x5: {  	_ = 	snop  }
0x6: {  	_ = 	snop  }
0x7: {  	_ = 	snop  }
__scs_overlays_trampoline_lowered:
0x8: {  	[smem:$0x3FA0] =	sst s0  }
0x9: {  	[smem:$0x3FA1] =	sst s1  }
0xa: {  	[smem:$0x3FA2] =	sst s2  }
0xb: {  	[smem:$0x3FA3] =	sst s3  }
0xc: {  	[smem:$0x3FA4] =	sst s4  }
0xd: {  	[smem:$0x3FA5] =	sst s5  }
0xe: {  	[smem:$0x3FA6] =	sst s6  }
0xf: {  	[smem:$0x3FA7] =	sst s7  }
0x10: {  	[smem:$0x3FA8] =	sst s8  }
0x11: {  	[smem:$0x3FA9] =	sst s9;
	s0 =	simm.s32 @!p0 $0x0  }
0x12: {  	s1 =	sld [smem:$0x3F8F];
	s0 =	simm.s32 @p0 $0x1  }
0x13: {  	[smem:$0x3FAA] =	sst s0;
	s0 =	simm.s32 @!p1 $0x0  }
0x14: {  	s2 =	sld [smem:$0x3F8E];
	s0 =	simm.s32 @p1 $0x1  }
0x15: {  	[smem:$0x3FAB] =	sst s0;
	s0 =	simm.s32 @!p2 $0x0  }
0x16: {  	s3 =	sld [smem:$0x3FDB];
	s0 =	simm.s32 @p2 $0x1  }
0x17: {  	s4 =	simm.s32 $0x1BF5;
	[smem:$0x3FAD] =	sst s0  }
0x18: {  	s0 =	sld [smem:$0x3F90];
	_ =	swait.ge [sflag:s4], $0x0  }
0x19: {  	s7 =	sld [smem:$0x3F91]  }
0x1a: {  	s8 =	sadd.s32 $0xFFFFE003, lr  }
0x1b: {  	s9 =	sadd.s32 $0xFFFFFEF7, lr;
	s5 =	simm.s32 $0xFFFFFFFF;
	p2 =	slt.u32 s8, $0xFFFFF086  }
0x1c: {  	p1 =	slt.u32 s9, $0xF7A;
	s5 =	simm.s32 @!p2 $0x0  }
0x1d: {  	s5 =	simm.s32 @p1 $0x1;
	p0 =	seq.s32 s7, s2  }
0x1e: {  	s7 =	smul.u32 @!p0 $0xF7A, s2;
	p2 =	seq.s32 @!p0 s5, $0x0  }
0x1f: {  	s9 =	smul.u32 $0xF7A, s1;
	s8 =	simm.s32 @!p0 $0x1BF5;
	p2 =	por !p2, p0  }
0x20: {  	[sflag:s8] =	ssyncset.s32 @!p0 $0xFFFFF086;
	s6 =	sadd.s32 @!p0 s3, s7;
	s7 =	simm.s32 @!p0 $0x108  }
0x21: {  	s3 =	sadd.s32 s3, s9;
	s6 =	sadd.s32 @!p0 $0x88, s6;
	s7 =	simm.s32 @p2 $0x1082  }
0x22: {  	[simem:s7], [sflag:s8] =	dma.local @!p0 [hbm:s6], $0xF7A  }
0x23: {  	s9 =	sor.u32 $0xD0000000, s2;
	s6 =	simm.s32 $0x108;
	_ =	swait.ge @!p0 [sflag:s8], $0x0  }
0x24: {  	s3 =	sadd.s32 $0x88, s3;
	s6 =	simm.s32 @!p1 $0x1082;
	[sflag:s4] =	ssyncset.s32 $0xFFFFF086  }
0x25: {  	[simem:s6], [sflag:s4] =	dma.local [hbm:s3], $0xF7A  }
0x26: {  	[smem:$0x3F91] =	sst s1;
	(tag) =	ssettag s2;
	_ =	strace s9  }
0x27: {  	s1 =	sld [smem:$0x3FA1]  }
0x28: {  	s2 =	sld [smem:$0x3FA2]  }
0x29: {  	s4 =	sld [smem:$0x3FA4]  }
0x2a: {  	p0 =	seq.s32 s5, $0x0;
	s5 =	sld [smem:$0x3FA5]  }
0x2b: {  	s6 =	sld [smem:$0x3FA6]  }
0x2c: {  	s7 =	sld [smem:$0x3FA7]  }
0x2d: {  	s3 =	simm.s32 $0x108;
	s8 =	sld [smem:$0x3FA8]  }
0x2e: {  	s3 =	simm.s32 @!p0 $0x1082;
	s9 =	sld [smem:$0x3FA9]  }
0x2f: {  	lr =	sadd.s32 s0, s3;
	s0 =	sld [smem:$0x3FA0]  }
0x30: {  	s3 =	sld [smem:$0x3FA3]  }
0x31: {  	[smem:$0x3FAC] =	sst s10  }
0x32: {  	s10 =	sld [smem:$0x3FAA];
	_ =	sdelay $0x3  }
0x33: {  	p0 =	seq.s32 s10, $0x1;
	s10 =	sld [smem:$0x3FAC];
	_ =	sdelay $0x3  }
0x34: {  	[smem:$0x3FAC] =	sst s10  }
0x35: {  	s10 =	sld [smem:$0x3FAB];
	_ =	sdelay $0x3  }
0x36: {  	p1 =	seq.s32 s10, $0x1;
	s10 =	sld [smem:$0x3FAC];
	_ =	sdelay $0x3  }
0x37: {  	[smem:$0x3FAC] =	sst s10  }
0x38: {  	s10 =	sld [smem:$0x3FAD]  }
0x39: {  	_ = 	snop;
	(pc) =	sbr.ind lr, $3  }
0x3a: {  	_ = 	snop  }
0x3b: {  	_ = 	snop  }
0x3c: {  	p2 =	seq.s32 s10, $0x1;
	s10 =	sld [smem:$0x3FAC]  }
0x3d: {  	_ =	shalt  }
0x3e: {  	_ =	shalt  }
0x3f: {  	_ =	shalt  }
0x40: {  	_ =	shalt  }
0x41: {  	_ =	shalt  }
0x42: {  	_ =	shalt  }
0x43: {  	_ =	shalt  }
0x44: {  	_ =	shalt  }
0x45: {  	_ =	shalt  }
0x46: {  	_ =	shalt  }
0x47: {  	_ =	shalt  }
0x48: {  	_ =	shalt  }
0x49: {  	_ =	shalt  }
0x4a: {  	_ =	shalt  }
0x4b: {  	_ =	shalt  }
0x4c: {  	_ =	shalt  }
0x4d: {  	_ =	shalt  }
0x4e: {  	_ =	shalt  }
0x4f: {  	_ =	shalt  }
0x50: {  	_ =	shalt  }
0x51: {  	_ =	shalt  }
0x52: {  	_ =	shalt  }
0x53: {  	_ =	shalt  }
0x54: {  	_ =	shalt  }
0x55: {  	_ =	shalt  }
0x56: {  	_ =	shalt  }
0x57: {  	_ =	shalt  }
0x58: {  	_ =	shalt  }
0x59: {  	_ =	shalt  }
0x5a: {  	_ =	shalt  }
0x5b: {  	_ =	shalt  }
0x5c: {  	_ =	shalt  }
0x5d: {  	_ =	shalt  }
0x5e: {  	_ =	shalt  }
0x5f: {  	_ =	shalt  }
0x60: {  	_ =	shalt  }
0x61: {  	_ =	shalt  }
0x62: {  	_ =	shalt  }
0x63: {  	_ =	shalt  }
0x64: {  	_ =	shalt  }
0x65: {  	_ =	shalt  }
0x66: {  	_ =	shalt  }
0x67: {  	_ =	shalt  }
0x68: {  	_ =	shalt  }
0x69: {  	_ =	shalt  }
0x6a: {  	_ =	shalt  }
0x6b: {  	_ =	shalt  }
0x6c: {  	_ =	shalt  }
0x6d: {  	_ =	shalt  }
0x6e: {  	_ =	shalt  }
0x6f: {  	_ =	shalt  }
0x70: {  	_ =	shalt  }
0x71: {  	_ =	shalt  }
0x72: {  	_ =	shalt  }
0x73: {  	_ =	shalt  }
0x74: {  	_ =	shalt  }
0x75: {  	_ =	shalt  }
0x76: {  	_ =	shalt  }
0x77: {  	_ =	shalt  }
0x78: {  	_ =	shalt  }
0x79: {  	_ =	shalt  }
0x7a: {  	_ =	shalt  }
0x7b: {  	_ =	shalt  }
0x7c: {  	_ =	shalt  }
0x7d: {  	_ =	shalt  }
0x7e: {  	_ =	shalt  }
0x7f: {  	_ =	shalt  }
0x80: {  	_ =	shalt  }
0x81: {  	_ =	shalt  }
0x82: {  	_ =	shalt  }
0x83: {  	_ =	shalt  }
0x84: {  	_ =	shalt  }
0x85: {  	_ =	shalt  }
0x86: {  	_ =	shalt  }
0x87: {  	_ =	shalt  }
.Lfunc_end0:
.L_simem_size_0:
called_computation.2_lowered:
.L_overlay_start_0:
0x88: {  	s2 =	sld [smem:$0x3FD9]  }
0x89: {  	s3 =	sld [smem:$0x3FFE];
	_ =	sdelay $0x1  }
0x8a: {  	s1 =	srdreg.scid  }
0x8b: {  	s0 =	sand.u32 $0x1, s1  }
0x8c: {  	s14 =	sshll.u32 s0, $0xA;
	s2 =	sadd.s32 s3, s2  }
0x8d: {  	s2 =	sadd.s32 s2, s14  }
0x8e: {  	[smem:$0x3FB8] =	sst s2  }
0x8f: {  	_ = 	snop  }
0x90: {  	s2 =	sld [smem:$0x3FD0];
	_ =	sdelay $0x2  }
0x91: {  	s15 =	simm.s32 $0xB;
	s4 =	simm.s32 $0x10  }
0x92: {  	[smem:s4], [sflag:s15] =	dma.local [hbm:s2], $0x1  }
0x93: {  	_ =	swait.eq [sflag:s15], $0x1  }
0x94: {  	s16 =	sld [smem:$0x15];
	[sflag:s15] =	ssyncset.done $0x0  }
0x95: {  	s17 =	sld [smem:$0x16];
	[sflag:s15] =	ssyncadd.s32 $0xFFFFFFFF  }
0x96: {  	s18 =	sld [smem:$0x17];
	(tm) =	ssettm $0x1  }
0x97: {  	s5 =	sld [smem:$0x3FFB];
	_ =	sdelay $0x3  }
0x98: {  	_ =	strace s5  }
0x99: {  	s5 =	sld [smem:$0x3FFC];
	_ =	sdelay $0x3  }
0x9a: {  	_ =	strace s5  }
0x9b: {  	s5 =	sld [smem:$0x3FFD];
	_ =	sdelay $0x3  }
0x9c: {  	_ =	strace s5  }
0x9d: {  	_ =	strace $0x8FFFFFFF  }
0x9e: {  	s19 =	sld [smem:$0x3FDB];
	_ =	sdelay $0x1  }
0x9f: {  	s6 =	simm.s32 $_scs_section_size  }
0xa0: {  	s7 =	simm.s32 $_size__tile_overlayer_lowered;
	s8 =	simm.s32 $_tile_overlayer_lowered  }
0xa1: {  	s22 =	simm.s32 $0x1BFF;
	s21 =	sshll.u32 s8, $0x1;
	s5 =	sadd.s32 s6, s19  }
0xa2: {  	s9 =	simm.s32 $0x0;
	s20 =	sshll.u32 s7, $0x1;
	s7 =	sadd.s32 s21, s5  }
0xa3: {  	[timem:s9], [sflag:s22] =	dma.local [hbm:s7], s20  }
0xa4: {  	_ =	swait.ge [sflag:s22], s20  }
0xa5: {  	s6 =	ssub.s32 $0x0, s20;
	[sflag:s22] =	ssyncset.done $0x0  }
0xa6: {  	[sflag:s22] =	ssyncadd.s32 s6;
	_ =	sdelay $0x1  }
0xa7: {  	s23 =	simm.s32 $0x1B8B  }
0xa8: {  	_ =	swait.ge [sflag:s23], $0x1  }
0xa9: {  	[sflag:s23] =	ssyncset.done $0x0  }
0xaa: {  	s25 =	simm.s32 $0x1B8E;
	s24 =	sld [smem:$0x3FFE];
	[sflag:s23] =	ssyncadd.s32 $0xFFFFFFFF  }
0xab: {  	s26 =	simm.s32 $execute0_lowered;
	[smem:$0x3FD2] =	sst s25  }
0xac: {  	s7 =	sshll.u32 s26, $0x1;
	_ =	strace $0x80000046;
	[dreg:$0x1] =	wrdreg $0xFFFFFFFF  }
0xad: {  	s28 =	simm.s32 $_size_execute0_lowered;
	s5 =	sadd.s32 s5, s7;
	[dreg:$0x0] =	wrdreg $0x0  }
0xae: {  	s7 =	sshll.u32 s28, $0x1;
	[dreg:$0x2] =	wrdreg s5  }
0xaf: {  	[dreg:$0x3] =	wrdreg s7  }
0xb0: {  	[dreg:$0x4] =	wrdreg $0xC0  }
0xb1: {  	_ =	task [dreg:s9], $0x5FFFF  }
0xb2: {  	[dreg:$0x1] =	wrdreg $0xFFFFFFFF  }
0xb3: {  	[dreg:$0x0] =	wrdreg $0x60  }
0xb4: {  	[dreg:$0x2] =	wrdreg s18  }
0xb5: {  	[dreg:$0x3] =	wrdreg s17  }
0xb6: {  	[dreg:$0x4] =	wrdreg s24  }
0xb7: {  	[dreg:$0x5] =	wrdreg s16  }
0xb8: {  	[dreg:$0x6] =	wrdreg $0x9  }
0xb9: {  	_ =	task.clear_ibuf [dreg:s9], $0x7FFFF;
	_ =	strace $0x90000046  }
0xba: {  	s29 =	simm.s32 $0x9;
	_ =	strace $0x80000048  }
0xbb: {  	_ =	swait.ge [sflag:s29], $0x1  }
0xbc: {  	[sflag:s29] =	ssyncadd.s32 $0xFFFFFFFF  }
0xbd: {  	_ =	strace $0x90000048  }
0xbe: {  	_ =	sfence  }
0xbf: {  	s30 =	sld [smem:$0x0];
	_ =	sdelay $0x2  }
0xc0: {  	s31 =	sshll.u32 s1, $0xD;
	s1 =	sshrl.u32 s1, $0x2  }
0xc1: {  	s3 =	sand.u32 $0x4000, s31;
	s1 =	sadd.s32 s1, s30  }
0xc2: {  	s0 =	sor.u32 s3, s0;
	s1 =	sshll.u32 s1, $0x11  }
0xc3: {  	s0 =	sor.u32 s1, s0  }
0xc4: {  	s0 =	sadd.s32 $0x8F2B, s0  }
0xc5: {  	[sflag:s0] =	ssyncadd.remote.s32 $0x1  }
0xc6: {  	_ =	sfence.sel $0xFFFF  }
0xc7: {  	[dreg:$0x0] =	wrdreg $0xFFFFFFFF;
	(pc) =	sbr.abs _section_cstart, $3  }
0xc8: {  	[dreg:$0x1] =	wrdreg $0xFFFFFFFF  }
0xc9: {  	_ =	task.clear_ibuf [dreg:s9], $0x2FFFF;
	_ =	strace $0x9FFFFFFF  }
0xca: {  	(tm) =	ssettm $0x7FFFFFFF  }
0xcb: {  	_ =	shalt  }
tec
execute0_lowered:
.L_overlay_start_1:
0x0: {  	(tag) =	ssettag $0x1  }
0x1: {  	s1 =	rddreg [dreg:$0x0]  }
0x2: {  	s2 =	rddreg [dreg:$0x1]  }
0x3: {  	s4 =	rddreg [dreg:$0x2]  }
0x4: {  	s7 =	rddreg [dreg:$0x3]  }
0x5: {  	s0 =	rddreg [dreg:$0x4];
	s3 =	simm.s32 $0x0  }
0x6: {  	s8 =	srdreg.scid;
	s13 =	simm.s32 $0x400;
	s14 =	simm.s32 $0x4000  }
0x7: {  	s17 =	simm.s32 $0x0;
	[smem:$0x7FF] =	sst s3;
	s5 =	sadd.s32 $0x146000, s4  }
0x8: {  	s6 =	sadd.s32 $0x6000, s4;
	s8 =	sand.u32 $0x1, s8;
	s4 =	stileid.u32  }
0x9: {  	_ =	strace $0x80000047;
	s9 =	ssub.s32 $0x2, s8;
	s8 =	sshll.u32 s8, $0x4  }
0xa: {  	s11 =	sshll.u32 s4, $0x4;
	s10 =	sshrl.u32 s9, $0x1;
	s8 =	sor.u32 s4, s8  }
0xb: {  	s11 =	sand.u32 $0x70, s11;
	s15 =	smul.u32 $0x140, s8;
	s12 =	sshll.u32 s8, $0x4  }
0xc: {  	s9 =	ssub.s32 s9, s10;
	s11 =	sadd.s32 s7, s11;
	s7 =	smul.u32 $0x50000, s8  }
0xd: {  	s10 =	simm.s32 $0x1;
	s31 =	sand.u32 $0x180, s12;
	s9 =	smax.u32 s9, $0x1  }
0xe: {  	s12 =	simm.s32 $0x80;
	s16 =	sadd.s32 $0x140, s15;
	s8 =	sadd.s32 s31, s11  }
0xf: {  	v2 =	vimm.s32 $0x0;
	s11 =	simm.s32 $0x2000;
	v0 =	vmov s15;
	s15 =	simm.s32 $0x6080;
	v1 =	vmov s16;
	s16 =	simm.s32 $0x8100  }
.LBB2_1:
0x10: {  	s18 =	simm.s32 $0x0  }
.LBB2_2:
0x11: {  	s20 =	sshll.u32 s18, $0xA  }
0x12: {  	s19 =	simm.s32 $0x0;
	s21 =	sadd.s32 s1, s20  }
0x13: {  	[tilespmem:s19], [sflag:$0x1] =	stream.linear.gather [hbm4b:s21+s19], $0x2000, $0x38;
	[tilespmem:$0x8180] =	vst v63  }
0x14: {  	_ =	swait.ge [sflag:s10], $0x2000  }
0x15: {  	[sflag:s10] =	ssyncset.done $0x0  }
0x16: {  	s20 =	sadd.s32 s2, s20;
	[sflag:s10] =	ssyncadd.s32 $0xFFFFE000  }
0x17: {  	[tilespmem:s11], [sflag:$0x1] =	stream.linear.gather [hbm4b:s20+s19], $0x2000, $0x38;
	[tilespmem:$0x8180] =	vst v63  }
0x18: {  	_ =	swait.ge [sflag:s10], $0x2000  }
0x19: {  	[sflag:s10] =	ssyncset.done $0x0  }
0x1a: {  	s31 =	simm.s32 $0x0;
	[sflag:s10] =	ssyncadd.s32 $0xFFFFE000  }
0x1b: {  	v3 =	vld [tilespmem:s31+$0x2000];
	_ =	sdelay $0x4  }
0x1c: {  	vm0 =	vge.s32 v3, v0;
	vm1 =	vlt.s32 v3, v1  }
0x1d: {  	vm0 =	vmand vm0, vm1  }
0x1e: {  	v5 =	vmpcnt.ones.xlane vm0;
	_ =	sdelay $0x1  }
0x1f: {  	v4 =	vld [tilespmem:s31+$0x0];
	(v2sf) =	vpush v5, $0x0;
	_ =	sdelay $0x4  }
0x20: {  	[tilespmem:s19+$0x4000] =	vst.msk vm0, v4  }
0x21: {  	s21 =	simm.s32 $0x10;
	s20 =	simm.s32 $0x80;
	[tilespmem:s19+$0x6080] =	vst.msk vm0, v3  }
.LBB2_3:
0x22: {  	p0 =	sne.s32 s20, $0x7FC0;
	v3 =	vld [tilespmem:s21+$0x2000];
	_ =	sdelay $0x4  }
0x23: {  	v4 =	vld [tilespmem:s21+$0x0];
	vm0 =	vge.s32 v3, v0;
	vm1 =	vlt.s32 v3, v1  }
0x24: {  	vm0 =	vmand vm0, vm1  }
0x25: {  	v5 =	vmpcnt.ones.xlane vm0  }
0x26: {  	s21 =	spop (v2sf)  }
0x27: {  	(v2sf) =	vpush v5, $0x0;
	s19 =	sadd.s32 s19, s21  }
0x28: {  	[tilespmem:s19+$0x4000] =	vst.msk vm0, v4  }
.Ltmp0:
0x29: {  	[tilespmem:s19+$0x6080] =	vst.msk vm0, v3;
	(pc) =	sbr.rel @p0 .LBB2_3-.Ltmp0, $2  }
0x2a: {  	_ =	sdelay $0x2  }
0x2b: {  	s21 =	sshra.s32 s20, $0x2;
	s20 =	sadd.s32 $0x40, s20  }
0x2c: {  	v3 =	vld [tilespmem:s21+$0x2000];
	_ =	sdelay $0x4  }
0x2d: {  	vm0 =	vge.s32 v3, v0;
	vm1 =	vlt.s32 v3, v1  }
0x2e: {  	vm0 =	vmand vm0, vm1  }
0x2f: {  	v4 =	vmpcnt.ones.xlane vm0;
	_ =	sdelay $0x1  }
0x30: {  	(v2sf) =	vpush v4, $0x0;
	_ =	sdelay $0x9  }
0x31: {  	v63 =	vld [tilespmem:s21+$0x0];
	_ =	sdelay $0x2  }
0x32: {  	s20 =	spop (v2sf)  }
0x33: {  	s19 =	sadd.s32 s19, s20  }
0x34: {  	[tilespmem:s19+$0x4000] =	vst.msk vm0, v63;
	s28 =	spop (v2sf)  }
0x35: {  	[tilespmem:s19+$0x6080] =	vst.msk vm0, v3;
	s19 =	sadd.s32 s19, s28  }
0x36: {  	[tilespmem:s19+$0x4000] =	vst v2  }
0x37: {  	[tilespmem:s19+$0x4010] =	vst v2  }
0x38: {  	[tilespmem:s19+$0x4020] =	vst v2  }
0x39: {  	s29 =	sshll.u32 s18, $0xD;
	[tilespmem:s19+$0x4030] =	vst v2  }
0x3a: {  	s30 =	sshll.u32 s18, $0x7;
	s20 =	sand.u32 $0x70000, s29;
	[tilespmem:s19+$0x4040] =	vst v2  }
0x3b: {  	s21 =	sand.u32 $0x380, s30;
	s20 =	sadd.s32 s7, s20;
	[tilespmem:s19+$0x4050] =	vst v2  }
0x3c: {  	s20 =	sor.u32 s21, s20;
	[tilespmem:s19+$0x4060] =	vst v2  }
0x3d: {  	s31 =	sshrl.u32 s20, $0x3;
	[tilespmem:s19+$0x4070] =	vst v2;
	v3 =	vmov s19  }
0x3e: {  	s20 =	sadd.s32 s5, s31;
	[tilespmem:s18+$0x8100] =	vst.msk $0x1, v3  }
0x3f: {  	[hbm4b:s20+s12] =	stream.strided.scatter [tilespmem:s14], [sflag:$0x1], $0x2000, s13, s12, $0x38;
	[tilespmem:$0x8180] =	vst v63  }
0x40: {  	s18 =	sadd.s32 $0x1, s18;
	_ =	swait.ge [sflag:s10], $0x2000  }
0x41: {  	p0 =	sne.s32 s18, $0x28;
	[sflag:s10] =	ssyncset.done $0x0  }
.Ltmp1:
0x42: {  	s19 =	sadd.s32 s6, s31;
	[sflag:s10] =	ssyncadd.s32 $0xFFFFE000;
	(pc) =	sbr.rel @p0 .LBB2_2-.Ltmp1, $4  }
0x43: {  	[hbm4b:s19+s12] =	stream.strided.scatter [tilespmem:s15], [sflag:$0x1], $0x2000, s13, s12, $0x38;
	[tilespmem:$0x8180] =	vst v63  }
0x44: {  	_ =	swait.ge [sflag:s10], $0x2000  }
0x45: {  	[sflag:s10] =	ssyncset.done $0x0  }
0x46: {  	[sflag:s10] =	ssyncadd.s32 $0xFFFFE000  }
0x47: {  	s17 =	sadd.s32 $0x1, s17  }
0x48: {  	p0 =	sne.s32 s17, s9  }
.Ltmp2:
0x49: {  	_ = 	snop;
	(pc) =	sbr.rel @p0 .LBB2_1-.Ltmp2, $4  }
0x4a: {  	[hbm4b:s8+s3] =	stream.linear.scatter [tilespmem:s16], [sflag:$0x1], $0x80, $0x38;
	[tilespmem:$0x8180] =	vst v63  }
0x4b: {  	_ =	swait.ge [sflag:s10], $0x80  }
0x4c: {  	[sflag:s10] =	ssyncset.done $0x0  }
0x4d: {  	[sflag:s10] =	ssyncadd.s32 $0xFFFFFF80  }
0x4e: {  	_ =	sfence.sel $0x180000  }
0x4f: {  	[bflag:$0x0] =	sbarrier.arrive $0xFFFF  }
0x50: {  	p0 =	sne.s32 s4, $0x0;
	_ =	strace $0x90000047  }
0x51: {  	s0 =	sadd.s32 @!p0 $0x100000, s0;
	[bflag:$0x2] =	sbarrier.arrive $0xFFFF  }
0x52: {  	[sflag:s0] =	ssyncadd.tile.s32 @!p0 $0x1;
	_ =	shalt  }
.Lfunc_end2:
_tile_overlayer_lowered:
.L_overlay_start_2:
0x53: {  	(tag) =	ssettag $0x2  }
0x54: {  	s0 =	rddreg [dreg:$0x0];
	s2 =	stileid.u32  }
0x55: {  	s1 =	rddreg [dreg:$0x1];
	p0 =	sne.s32 s2, $0x0  }
0x56: {  	s3 =	rddreg [dreg:$0x2];
	[bflag:$0x3] =	sbarrier.arrive $0xFFFF;
	s2 =	simm.s32 @!p0 $0x1C01  }
0x57: {  	[timem:s3], [sflag:s2] =	dma.local @!p0 [hbm:s0], s1  }
0x58: {  	s0 =	simm.s32 @!p0 $0x1  }
0x59: {  	_ =	swait.ge @!p0 [sflag:s0], s1  }
0x5a: {  	s1 =	ssub.s32 @!p0 $0x0, s1;
	[sflag:s0] =	ssyncset.done @!p0 $0x0  }
0x5b: {  	[sflag:s0] =	ssyncadd.s32 @!p0 s1  }
0x5c: {  	[bflag:$0x3] =	sbarrier.arrive $0xFFFF  }
0x5d: {  	_ =	shalt  }

// kernel: kernel.17.cloned.1.call-start
scs
__scs_entry_jumppad:
0x0: {  	(pc) =	sbr.rel $0x88, $3  }
0x1: {  	(tag) =	ssettag $0x0;
	lr =	simm.s32 $0x1  }
0x2: {  	[smem:$0x3F91] =	sst lr;
	_ =	strace $0xD0000000  }
0x3: {  	_ = 	snop  }
0x4: {  	_ = 	snop  }
0x5: {  	_ = 	snop  }
0x6: {  	_ = 	snop  }
0x7: {  	_ = 	snop  }
__scs_overlays_trampoline_lowered:
0x8: {  	[smem:$0x3FA0] =	sst s0  }
0x9: {  	[smem:$0x3FA1] =	sst s1  }
0xa: {  	[smem:$0x3FA2] =	sst s2  }
0xb: {  	[smem:$0x3FA3] =	sst s3  }
0xc: {  	[smem:$0x3FA4] =	sst s4  }
0xd: {  	[smem:$0x3FA5] =	sst s5  }
0xe: {  	[smem:$0x3FA6] =	sst s6  }
0xf: {  	[smem:$0x3FA7] =	sst s7  }
0x10: {  	[smem:$0x3FA8] =	sst s8  }
0x11: {  	[smem:$0x3FA9] =	sst s9;
	s0 =	simm.s32 @!p0 $0x0  }
0x12: {  	s1 =	sld [smem:$0x3F8F];
	s0 =	simm.s32 @p0 $0x1  }
0x13: {  	[smem:$0x3FAA] =	sst s0;
	s0 =	simm.s32 @!p1 $0x0  }
0x14: {  	s2 =	sld [smem:$0x3F8E];
	s0 =	simm.s32 @p1 $0x1  }
0x15: {  	[smem:$0x3FAB] =	sst s0;
	s0 =	simm.s32 @!p2 $0x0  }
0x16: {  	s3 =	sld [smem:$0x3FDB];
	s0 =	simm.s32 @p2 $0x1  }
0x17: {  	s4 =	simm.s32 $0x1BF5;
	[smem:$0x3FAD] =	sst s0  }
0x18: {  	s0 =	sld [smem:$0x3F90];
	_ =	swait.ge [sflag:s4], $0x0  }
0x19: {  	s7 =	sld [smem:$0x3F91]  }
0x1a: {  	s8 =	sadd.s32 $0xFFFFE003, lr  }
0x1b: {  	s9 =	sadd.s32 $0xFFFFFEF7, lr;
	s5 =	simm.s32 $0xFFFFFFFF;
	p2 =	slt.u32 s8, $0xFFFFF086  }
0x1c: {  	p1 =	slt.u32 s9, $0xF7A;
	s5 =	simm.s32 @!p2 $0x0  }
0x1d: {  	s5 =	simm.s32 @p1 $0x1;
	p0 =	seq.s32 s7, s2  }
0x1e: {  	s7 =	smul.u32 @!p0 $0xF7A, s2;
	p2 =	seq.s32 @!p0 s5, $0x0  }
0x1f: {  	s9 =	smul.u32 $0xF7A, s1;
	s8 =	simm.s32 @!p0 $0x1BF5;
	p2 =	por !p2, p0  }
0x20: {  	[sflag:s8] =	ssyncset.s32 @!p0 $0xFFFFF086;
	s6 =	sadd.s32 @!p0 s3, s7;
	s7 =	simm.s32 @!p0 $0x108  }
0x21: {  	s3 =	sadd.s32 s3, s9;
	s6 =	sadd.s32 @!p0 $0x88, s6;
	s7 =	simm.s32 @p2 $0x1082  }
0x22: {  	[simem:s7], [sflag:s8] =	dma.local @!p0 [hbm:s6], $0xF7A  }
0x23: {  	s9 =	sor.u32 $0xD0000000, s2;
	s6 =	simm.s32 $0x108;
	_ =	swait.ge @!p0 [sflag:s8], $0x0  }
0x24: {  	s3 =	sadd.s32 $0x88, s3;
	s6 =	simm.s32 @!p1 $0x1082;
	[sflag:s4] =	ssyncset.s32 $0xFFFFF086  }
0x25: {  	[simem:s6], [sflag:s4] =	dma.local [hbm:s3], $0xF7A  }
0x26: {  	[smem:$0x3F91] =	sst s1;
	(tag) =	ssettag s2;
	_ =	strace s9  }
0x27: {  	s1 =	sld [smem:$0x3FA1]  }
0x28: {  	s2 =	sld [smem:$0x3FA2]  }
0x29: {  	s4 =	sld [smem:$0x3FA4]  }
0x2a: {  	p0 =	seq.s32 s5, $0x0;
	s5 =	sld [smem:$0x3FA5]  }
0x2b: {  	s6 =	sld [smem:$0x3FA6]  }
0x2c: {  	s7 =	sld [smem:$0x3FA7]  }
0x2d: {  	s3 =	simm.s32 $0x108;
	s8 =	sld [smem:$0x3FA8]  }
0x2e: {  	s3 =	simm.s32 @!p0 $0x1082;
	s9 =	sld [smem:$0x3FA9]  }
0x2f: {  	lr =	sadd.s32 s0, s3;
	s0 =	sld [smem:$0x3FA0]  }
0x30: {  	s3 =	sld [smem:$0x3FA3]  }
0x31: {  	[smem:$0x3FAC] =	sst s10  }
0x32: {  	s10 =	sld [smem:$0x3FAA];
	_ =	sdelay $0x3  }
0x33: {  	p0 =	seq.s32 s10, $0x1;
	s10 =	sld [smem:$0x3FAC];
	_ =	sdelay $0x3  }
0x34: {  	[smem:$0x3FAC] =	sst s10  }
0x35: {  	s10 =	sld [smem:$0x3FAB];
	_ =	sdelay $0x3  }
0x36: {  	p1 =	seq.s32 s10, $0x1;
	s10 =	sld [smem:$0x3FAC];
	_ =	sdelay $0x3  }
0x37: {  	[smem:$0x3FAC] =	sst s10  }
0x38: {  	s10 =	sld [smem:$0x3FAD]  }
0x39: {  	_ = 	snop;
	(pc) =	sbr.ind lr, $3  }
0x3a: {  	_ = 	snop  }
0x3b: {  	_ = 	snop  }
0x3c: {  	p2 =	seq.s32 s10, $0x1;
	s10 =	sld [smem:$0x3FAC]  }
0x3d: {  	_ =	shalt  }
0x3e: {  	_ =	shalt  }
0x3f: {  	_ =	shalt  }
0x40: {  	_ =	shalt  }
0x41: {  	_ =	shalt  }
0x42: {  	_ =	shalt  }
0x43: {  	_ =	shalt  }
0x44: {  	_ =	shalt  }
0x45: {  	_ =	shalt  }
0x46: {  	_ =	shalt  }
0x47: {  	_ =	shalt  }
0x48: {  	_ =	shalt  }
0x49: {  	_ =	shalt  }
0x4a: {  	_ =	shalt  }
0x4b: {  	_ =	shalt  }
0x4c: {  	_ =	shalt  }
0x4d: {  	_ =	shalt  }
0x4e: {  	_ =	shalt  }
0x4f: {  	_ =	shalt  }
0x50: {  	_ =	shalt  }
0x51: {  	_ =	shalt  }
0x52: {  	_ =	shalt  }
0x53: {  	_ =	shalt  }
0x54: {  	_ =	shalt  }
0x55: {  	_ =	shalt  }
0x56: {  	_ =	shalt  }
0x57: {  	_ =	shalt  }
0x58: {  	_ =	shalt  }
0x59: {  	_ =	shalt  }
0x5a: {  	_ =	shalt  }
0x5b: {  	_ =	shalt  }
0x5c: {  	_ =	shalt  }
0x5d: {  	_ =	shalt  }
0x5e: {  	_ =	shalt  }
0x5f: {  	_ =	shalt  }
0x60: {  	_ =	shalt  }
0x61: {  	_ =	shalt  }
0x62: {  	_ =	shalt  }
0x63: {  	_ =	shalt  }
0x64: {  	_ =	shalt  }
0x65: {  	_ =	shalt  }
0x66: {  	_ =	shalt  }
0x67: {  	_ =	shalt  }
0x68: {  	_ =	shalt  }
0x69: {  	_ =	shalt  }
0x6a: {  	_ =	shalt  }
0x6b: {  	_ =	shalt  }
0x6c: {  	_ =	shalt  }
0x6d: {  	_ =	shalt  }
0x6e: {  	_ =	shalt  }
0x6f: {  	_ =	shalt  }
0x70: {  	_ =	shalt  }
0x71: {  	_ =	shalt  }
0x72: {  	_ =	shalt  }
0x73: {  	_ =	shalt  }
0x74: {  	_ =	shalt  }
0x75: {  	_ =	shalt  }
0x76: {  	_ =	shalt  }
0x77: {  	_ =	shalt  }
0x78: {  	_ =	shalt  }
0x79: {  	_ =	shalt  }
0x7a: {  	_ =	shalt  }
0x7b: {  	_ =	shalt  }
0x7c: {  	_ =	shalt  }
0x7d: {  	_ =	shalt  }
0x7e: {  	_ =	shalt  }
0x7f: {  	_ =	shalt  }
0x80: {  	_ =	shalt  }
0x81: {  	_ =	shalt  }
0x82: {  	_ =	shalt  }
0x83: {  	_ =	shalt  }
0x84: {  	_ =	shalt  }
0x85: {  	_ =	shalt  }
0x86: {  	_ =	shalt  }
0x87: {  	_ =	shalt  }
.Lfunc_end0:
.L_simem_size_0:
called_computation.3_lowered:
.L_overlay_start_0:
0x88: {  	s2 =	sld [smem:$0x3FD9]  }
0x89: {  	s3 =	sld [smem:$0x3FFE];
	_ =	sdelay $0x1  }
0x8a: {  	s1 =	srdreg.scid  }
0x8b: {  	s0 =	sand.u32 $0x1, s1  }
0x8c: {  	s14 =	sshll.u32 s0, $0xA;
	s2 =	sadd.s32 s3, s2  }
0x8d: {  	s2 =	sadd.s32 s2, s14  }
0x8e: {  	[smem:$0x3FB8] =	sst s2  }
0x8f: {  	_ = 	snop  }
0x90: {  	s2 =	sld [smem:$0x3FD0];
	_ =	sdelay $0x2  }
0x91: {  	s15 =	simm.s32 $0xB;
	s4 =	simm.s32 $0x10  }
0x92: {  	[smem:s4], [sflag:s15] =	dma.local [hbm:s2], $0x1  }
0x93: {  	_ =	swait.eq [sflag:s15], $0x1  }
0x94: {  	s16 =	sld [smem:$0x10];
	[sflag:s15] =	ssyncset.done $0x0  }
0x95: {  	s17 =	sld [smem:$0x15];
	[sflag:s15] =	ssyncadd.s32 $0xFFFFFFFF  }
0x96: {  	s18 =	sld [smem:$0x17];
	(tm) =	ssettm $0x1  }
0x97: {  	s5 =	sld [smem:$0x3FFB];
	_ =	sdelay $0x3  }
0x98: {  	_ =	strace s5  }
0x99: {  	s5 =	sld [smem:$0x3FFC];
	_ =	sdelay $0x3  }
0x9a: {  	_ =	strace s5  }
0x9b: {  	s5 =	sld [smem:$0x3FFD];
	_ =	sdelay $0x3  }
0x9c: {  	_ =	strace s5  }
0x9d: {  	_ =	strace $0x8FFFFFFF  }
0x9e: {  	s19 =	sld [smem:$0x3FDB];
	_ =	sdelay $0x1  }
0x9f: {  	s6 =	simm.s32 $_scs_section_size  }
0xa0: {  	s7 =	simm.s32 $_size__tile_overlayer_lowered;
	s8 =	simm.s32 $_tile_overlayer_lowered  }
0xa1: {  	s22 =	simm.s32 $0x1BFF;
	s21 =	sshll.u32 s8, $0x1;
	s5 =	sadd.s32 s6, s19  }
0xa2: {  	s9 =	simm.s32 $0x0;
	s20 =	sshll.u32 s7, $0x1;
	s7 =	sadd.s32 s21, s5  }
0xa3: {  	[timem:s9], [sflag:s22] =	dma.local [hbm:s7], s20  }
0xa4: {  	_ =	swait.ge [sflag:s22], s20  }
0xa5: {  	s6 =	ssub.s32 $0x0, s20;
	[sflag:s22] =	ssyncset.done $0x0  }
0xa6: {  	[sflag:s22] =	ssyncadd.s32 s6;
	_ =	sdelay $0x1  }
0xa7: {  	s23 =	simm.s32 $0x1B8B  }
0xa8: {  	_ =	swait.ge [sflag:s23], $0x1  }
0xa9: {  	[sflag:s23] =	ssyncset.done $0x0  }
0xaa: {  	s25 =	simm.s32 $0x1B8E;
	s24 =	sld [smem:$0x3FFE];
	[sflag:s23] =	ssyncadd.s32 $0xFFFFFFFF  }
0xab: {  	s26 =	simm.s32 $execute0_lowered;
	[smem:$0x3FD2] =	sst s25  }
0xac: {  	s7 =	sshll.u32 s26, $0x1;
	_ =	strace $0x8000004F;
	[dreg:$0x1] =	wrdreg $0xFFFFFFFF  }
0xad: {  	s28 =	simm.s32 $_size_execute0_lowered;
	s5 =	sadd.s32 s5, s7;
	[dreg:$0x0] =	wrdreg $0x0  }
0xae: {  	s7 =	sshll.u32 s28, $0x1;
	[dreg:$0x2] =	wrdreg s5  }
0xaf: {  	[dreg:$0x3] =	wrdreg s7  }
0xb0: {  	[dreg:$0x4] =	wrdreg $0xC0  }
0xb1: {  	_ =	task [dreg:s9], $0x5FFFF  }
0xb2: {  	[dreg:$0x1] =	wrdreg $0xFFFFFFFF  }
0xb3: {  	[dreg:$0x0] =	wrdreg $0x60  }
0xb4: {  	[dreg:$0x2] =	wrdreg s16  }
0xb5: {  	[dreg:$0x3] =	wrdreg s24  }
0xb6: {  	[dreg:$0x4] =	wrdreg s17  }
0xb7: {  	[dreg:$0x5] =	wrdreg s18  }
0xb8: {  	[dreg:$0x6] =	wrdreg $0x9  }
0xb9: {  	_ =	task.clear_ibuf [dreg:s9], $0x7FFFF;
	_ =	strace $0x9000004F  }
0xba: {  	s29 =	simm.s32 $0x9;
	_ =	strace $0x80000051  }
0xbb: {  	_ =	swait.ge [sflag:s29], $0x1  }
0xbc: {  	[sflag:s29] =	ssyncadd.s32 $0xFFFFFFFF  }
0xbd: {  	_ =	strace $0x90000051  }
0xbe: {  	_ =	sfence  }
0xbf: {  	s30 =	sld [smem:$0x0];
	_ =	sdelay $0x2  }
0xc0: {  	s31 =	sshll.u32 s1, $0xD;
	s1 =	sshrl.u32 s1, $0x2  }
0xc1: {  	s3 =	sand.u32 $0x4000, s31;
	s1 =	sadd.s32 s1, s30  }
0xc2: {  	s0 =	sor.u32 s3, s0;
	s1 =	sshll.u32 s1, $0x11  }
0xc3: {  	s0 =	sor.u32 s1, s0  }
0xc4: {  	s0 =	sadd.s32 $0x8F2B, s0  }
0xc5: {  	[sflag:s0] =	ssyncadd.remote.s32 $0x1  }
0xc6: {  	_ =	sfence.sel $0xFFFF  }
0xc7: {  	[dreg:$0x0] =	wrdreg $0xFFFFFFFF;
	(pc) =	sbr.abs _section_cstart, $3  }
0xc8: {  	[dreg:$0x1] =	wrdreg $0xFFFFFFFF  }
0xc9: {  	_ =	task.clear_ibuf [dreg:s9], $0x2FFFF;
	_ =	strace $0x9FFFFFFF  }
0xca: {  	(tm) =	ssettm $0x7FFFFFFF  }
0xcb: {  	_ =	shalt  }
tec
execute0_lowered:
.L_overlay_start_1:
0x0: {  	(tag) =	ssettag $0x1  }
0x1: {  	s1 =	rddreg [dreg:$0x0]  }
0x2: {  	s7 =	rddreg [dreg:$0x1]  }
0x3: {  	s2 =	rddreg [dreg:$0x2]  }
0x4: {  	s10 =	rddreg [dreg:$0x3]  }
0x5: {  	s0 =	rddreg [dreg:$0x4]  }
0x6: {  	s3 =	simm.s32 $0x0;
	s4 =	srdreg.scid;
	s14 =	simm.s32 $0x4020  }
0x7: {  	s15 =	simm.s32 $0x80;
	s16 =	simm.s32 $0x0;
	[smem:$0x7FF] =	sst s3  }
0x8: {  	s8 =	sand.u32 $0x1, s4;
	s5 =	sadd.s32 $0x3C6000, s7;
	s4 =	stileid.u32  }
0x9: {  	s6 =	sadd.s32 $0x286000, s7;
	_ =	strace $0x80000050;
	s9 =	sshll.u32 s8, $0x4  }
.Ltmp0:
0xa: {  	s8 =	ssub.s32 $0x2, s8;
	s9 =	sor.u32 s4, s9;
	(pc) =	sbr.rel .LBB2_1-.Ltmp0, $4  }
0xb: {  	s12 =	sshrl.u32 s8, $0x1;
	s11 =	sshll.u32 s9, $0x3;
	s13 =	smul.u32 $0x280, s9  }
0xc: {  	s12 =	ssub.s32 s8, s12;
	s11 =	sadd.s32 s11, s7;
	s7 =	smul.u32 $0x3FFFEC0, s9  }
0xd: {  	s9 =	smul.u32 $0x50000, s9;
	s8 =	sadd.s32 $0x506000, s11;
	s10 =	sadd.s32 s10, s13  }
0xe: {  	s11 =	smax.u32 s12, $0x1;
	s12 =	simm.s32 $0x4860;
	s13 =	simm.s32 $0x1  }
.LBB2_13:
0xf: {  	s16 =	sadd.s32 $0x1, s16  }
0x10: {  	p0 =	sne.s32 s16, s11  }
.Ltmp1:
0x11: {  	_ = 	snop;
	(pc) =	sbr.rel @!p0 .LBB2_14-.Ltmp1, $4  }
0x12: {  	[hbm4b:s10+s3] =	stream.linear.scatter [tilespmem:s12], [sflag:$0x1], $0x1400, $0x38;
	[tilespmem:$0x5C60] =	vst v63  }
0x13: {  	_ =	swait.ge [sflag:s13], $0x1400  }
0x14: {  	[sflag:s13] =	ssyncset.done $0x0  }
0x15: {  	[sflag:s13] =	ssyncadd.s32 $0xFFFFEC00  }
.LBB2_1:
0x16: {  	[tilespmem:s12], [sflag:$0x1] =	stream.linear.gather [hbm4b:s2+s3], $0x1400, $0x38;
	[tilespmem:$0x5C60] =	vst v63  }
0x17: {  	_ =	swait.ge [sflag:s13], $0x1400  }
0x18: {  	[sflag:s13] =	ssyncset.done $0x0  }
.Ltmp2:
0x19: {  	[sflag:s13] =	ssyncadd.s32 $0xFFFFEC00;
	(pc) =	sbr.rel .LBB2_2-.Ltmp2, $4  }
0x1a: {  	[tilespmem:s14], [sflag:$0x1] =	stream.linear.gather [hbm4b:s8+s3], $0x40, $0x38;
	[tilespmem:$0x5C60] =	vst v63  }
0x1b: {  	_ =	swait.ge [sflag:s13], $0x40  }
0x1c: {  	[sflag:s13] =	ssyncset.done $0x0  }
0x1d: {  	s17 =	simm.s32 $0x0;
	[sflag:s13] =	ssyncadd.s32 $0xFFFFFFC0  }
.LBB2_12:
0x1e: {  	s17 =	sadd.s32 $0x1, s17  }
0x1f: {  	p0 =	sne.s32 s17, $0x28  }
.Ltmp3:
0x20: {  	_ = 	snop;
	(pc) =	sbr.rel @!p0 .LBB2_13-.Ltmp3, $1  }
0x21: {  	_ =	sdelay $0x3  }
.LBB2_2:
0x22: {  	v0 =	vld [tilespmem:s17+$0x4020];
	_ =	sdelay $0x4  }
0x23: {  	(v2sf) =	vpush v0, $0x0;
	_ =	sdelay $0xe  }
0x24: {  	s18 =	spop (v2sf)  }
0x25: {  	p0 =	slt.s32 s18, $0x1  }
0x26: {  	s19 =	sshll.u32 @!p0 s17, $0xD  }
0x27: {  	p1 =	sgt.u32 @!p0 s18, $0x800;
	s19 =	sadd.s32 @!p0 s9, s19  }
0x28: {  	p2 =	por !p1, p0;
	s19 =	sshrl.u32 @!p0 s19, $0x3  }
0x29: {  	s21 =	simm.s32 @!p2 $0x0;
	s22 =	simm.s32 @!p2 $0x1;
	s20 =	sadd.s32 @!p0 s5, s19  }
0x2a: {  	[tilespmem:s21], [sflag:$0x1] =	stream.linear.gather @!p2 [hbm4b:s20+s21], $0x2000, $0x38;
	[tilespmem:$0x5C60] =	vst v63  }
0x2b: {  	_ =	swait.ge @!p2 [sflag:s22], $0x2000  }
0x2c: {  	[sflag:s22] =	ssyncset.done @!p2 $0x0  }
0x2d: {  	s23 =	simm.s32 @!p2 $0x2010;
	s19 =	sadd.s32 @!p0 s6, s19;
	[sflag:s22] =	ssyncadd.s32 @!p2 $0xFFFFE000  }
0x2e: {  	[tilespmem:s23], [sflag:$0x1] =	stream.linear.gather @!p2 [hbm4b:s19+s21], $0x2000, $0x38;
	[tilespmem:$0x5C60] =	vst v63  }
0x2f: {  	_ =	swait.ge @!p2 [sflag:s22], $0x2000  }
0x30: {  	p1 =	por p1, p0;
	[sflag:s22] =	ssyncset.done @!p2 $0x0  }
0x31: {  	s21 =	simm.s32 @!p1 $0x0;
	[sflag:s22] =	ssyncadd.s32 @!p2 $0xFFFFE000  }
0x32: {  	[tilespmem:s21], [sflag:$0x1] =	stream.linear.gather @!p1 [hbm4b:s20+s21], $0x800, $0x38;
	[tilespmem:$0x5C60] =	vst v63  }
0x33: {  	s20 =	simm.s32 @!p1 $0x1  }
0x34: {  	_ =	swait.ge @!p1 [sflag:s20], $0x800  }
0x35: {  	[sflag:s20] =	ssyncset.done @!p1 $0x0  }
0x36: {  	s22 =	simm.s32 @!p1 $0x2010;
	[sflag:s20] =	ssyncadd.s32 @!p1 $0xFFFFF800  }
0x37: {  	[tilespmem:s22], [sflag:$0x1] =	stream.linear.gather @!p1 [hbm4b:s19+s21], $0x800, $0x38;
	[tilespmem:$0x5C60] =	vst v63  }
0x38: {  	s19 =	sadd.s32 @!p0 $0x7F, s18  }
0x39: {  	s19 =	sshra.s32 @!p0 s19, $0x7  }
0x3a: {  	p2 =	slt.s32 @!p0 s19, $0x1  }
0x3b: {  	p2 =	por p0, p2  }
.Ltmp4:
0x3c: {  	_ = 	snop;
	(pc) =	sbr.rel @p2 .LBB2_12-.Ltmp4, $4  }
0x3d: {  	_ = 	snop  }
0x3e: {  	_ =	swait.ge @!p1 [sflag:s20], $0x800  }
0x3f: {  	[sflag:s20] =	ssyncset.done @!p1 $0x0  }
0x40: {  	[sflag:s20] =	ssyncadd.s32 @!p1 $0xFFFFF800  }
.Ltmp5:
0x41: {  	(pc) =	sbr.rel .LBB2_4-.Ltmp5, $2  }
0x42: {  	_ =	sdelay $0x2  }
0x43: {  	s20 =	simm.s32 @!p0 $0x0;
	s21 =	simm.s32 @!p0 $0x2010;
	s22 =	smov.u32 s18  }
.LBB2_6:
0x44: {  	s24 =	simm.s32 $0x4060  }
.LBB2_10:
0x45: {  	(v2sf) =	vpush v0, $0x0;
	_ =	sdelay $0xe  }
0x46: {  	s25 =	spop (v2sf)  }
0x47: {  	s24 =	sadd.s32 @p0 $0x10, s24;
	s25 =	sadd.s32 s7, s25  }
0x48: {  	s23 =	smov.u32 @p0 s24;
	s25 =	sshll.u32 s25, $0x6  }
0x49: {  	v63 =	vld [tilespmem:s23+$0x0];
	s31 =	sshra.s32 s25, $0x2  }
0x4a: {  	v1 =	vld [tilespmem:s31+$0x4860];
	_ =	sdelay $0x4  }
0x4b: {  	v0 =	vadd.f32 v63, v1;
	_ =	sdelay $0x1  }
0x4c: {  	[tilespmem:s31+$0x4860] =	vst v0  }
.LBB2_11:
0x4d: {  	s20 =	sadd.s32 $0x1, s20  }
0x4e: {  	p0 =	sne.s32 s20, s19  }
.Ltmp6:
0x4f: {  	_ = 	snop;
	(pc) =	sbr.rel @!p0 .LBB2_12-.Ltmp6, $2  }
0x50: {  	_ =	sdelay $0x2  }
0x51: {  	s22 =	sadd.s32 $0xFFFFFF80, s22;
	s21 =	sadd.s32 $0x80, s21  }
.LBB2_4:
0x52: {  	s24 =	sshll.u32 s20, $0x7;
	s23 =	simm.s32 $0x4060  }
0x53: {  	[tilespmem:s23], [sflag:$0x1] =	stream.indirect.gather [hbm4b:s1+s15], $0x10, s24, s15, $0xb8;
	[tilespmem:$0x5C60] =	vst v63  }
0x54: {  	s24 =	ssub.s32 s18, s24  }
0x55: {  	p0 =	slt.s32 s24, $0x1  }
.Ltmp7:
0x56: {  	_ = 	snop;
	(pc) =	sbr.rel @p0 .LBB2_11-.Ltmp7, $4  }
0x57: {  	_ = 	snop  }
0x58: {  	_ =	swait.ge [sflag:s13], $0x800  }
0x59: {  	[sflag:s13] =	ssyncset.done $0x0  }
0x5a: {  	[sflag:s13] =	ssyncadd.s32 $0xFFFFF800  }
0x5b: {  	p0 =	sgt.s32 s22, $0x1;
	s24 =	smov.u32 s22  }
0x5c: {  	s24 =	simm.s32 @!p0 $0x1  }
0x5d: {  	s24 =	smin.u32 s24, $0x80  }
0x5e: {  	p1 =	sne.s32 s24, $0x1  }
.Ltmp8:
0x5f: {  	v0 =	vld [tilespmem:s21+$0x0];
	(pc) =	sbr.rel @!p1 .LBB2_6-.Ltmp8, $2  }
0x60: {  	_ =	sdelay $0x2  }
0x61: {  	p0 =	por $0x0, $0x0;
	s24 =	sadd.s32 $0xFFFFFFFF, s24  }
0x62: {  	(v2sf) =	vpush v0, $0x0;
	_ =	sdelay $0xe  }
0x63: {  	s25 =	spop (v2sf)  }
0x64: {  	s25 =	sadd.s32 s7, s25  }
0x65: {  	s25 =	sshll.u32 s25, $0x6  }
0x66: {  	v0 =	vld [tilespmem:s23+$0x0];
	s25 =	sshra.s32 s25, $0x2  }
0x67: {  	v1 =	vld [tilespmem:s25+$0x4860];
	_ =	sdelay $0x4  }
0x68: {  	v0 =	vadd.f32 v0, v1;
	_ =	sdelay $0x1  }
0x69: {  	p1 =	sne.s32 s24, $0x1;
	[tilespmem:s25+$0x4860] =	vst v0;
	s25 =	sadd.s32 $0x1, s21  }
.Ltmp9:
0x6a: {  	v0 =	vld [tilespmem:s25+$0x0];
	(pc) =	sbr.rel @!p1 .LBB2_8-.Ltmp9, $2  }
0x6b: {  	_ =	sdelay $0x2  }
0x6c: {  	s26 =	sadd.s32 $0xFFFFFFFF, s24;
	p0 =	por $0x1, $0x1;
	s24 =	simm.s32 $0x4060  }
.LBB2_9:
0x6d: {  	p1 =	sne.s32 s26, $0x1;
	_ =	sdelay $0x3  }
0x6e: {  	(v2sf) =	vpush v0, $0x0;
	_ =	sdelay $0xe  }
0x6f: {  	s28 =	spop (v2sf)  }
0x70: {  	s28 =	sadd.s32 s7, s28  }
0x71: {  	s24 =	sadd.s32 $0x10, s24;
	s28 =	sshll.u32 s28, $0x6  }
0x72: {  	s28 =	sshra.s32 s28, $0x2;
	v0 =	vld [tilespmem:s24+$0x0]  }
0x73: {  	v1 =	vld [tilespmem:s28+$0x4860];
	_ =	sdelay $0x3  }
.Ltmp10:
0x74: {  	(pc) =	sbr.rel @p1 .LBB2_9-.Ltmp10, $3  }
0x75: {  	v0 =	vadd.f32 v0, v1;
	_ =	sdelay $0x1  }
0x76: {  	s25 =	sadd.s32 $0x1, s25;
	[tilespmem:s28+$0x4860] =	vst v0  }
0x77: {  	s26 =	sadd.s32 $0xFFFFFFFF, s26;
	v0 =	vld [tilespmem:s25+$0x0]  }
.Ltmp11:
0x78: {  	_ = 	snop;
	(pc) =	sbr.rel .LBB2_10-.Ltmp11, $1  }
0x79: {  	_ =	sdelay $0x3  }
.LBB2_8:
.Ltmp12:
0x7a: {  	(pc) =	sbr.rel .LBB2_10-.Ltmp12, $2  }
0x7b: {  	_ =	sdelay $0x2  }
0x7c: {  	s24 =	simm.s32 $0x4060  }
.LBB2_14:
0x7d: {  	_ =	sfence.sel $0x180000  }
0x7e: {  	[bflag:$0x0] =	sbarrier.arrive $0xFFFF  }
0x7f: {  	p0 =	sne.s32 s4, $0x0;
	_ =	strace $0x90000050  }
0x80: {  	s0 =	sadd.s32 @!p0 $0x100000, s0;
	[bflag:$0x2] =	sbarrier.arrive $0xFFFF  }
0x81: {  	[sflag:s0] =	ssyncadd.tile.s32 @!p0 $0x1;
	_ =	shalt  }
.Lfunc_end2:
_tile_overlayer_lowered:
.L_overlay_start_2:
0x82: {  	(tag) =	ssettag $0x2  }
0x83: {  	s0 =	rddreg [dreg:$0x0];
	s2 =	stileid.u32  }
0x84: {  	s1 =	rddreg [dreg:$0x1];
	p0 =	sne.s32 s2, $0x0  }
0x85: {  	s3 =	rddreg [dreg:$0x2];
	[bflag:$0x3] =	sbarrier.arrive $0xFFFF;
	s2 =	simm.s32 @!p0 $0x1C01  }
0x86: {  	[timem:s3], [sflag:s2] =	dma.local @!p0 [hbm:s0], s1  }
0x87: {  	s0 =	simm.s32 @!p0 $0x1  }
0x88: {  	_ =	swait.ge @!p0 [sflag:s0], s1  }
0x89: {  	s1 =	ssub.s32 @!p0 $0x0, s1;
	[sflag:s0] =	ssyncset.done @!p0 $0x0  }
0x8a: {  	[sflag:s0] =	ssyncadd.s32 @!p0 s1  }
0x8b: {  	[bflag:$0x3] =	sbarrier.arrive $0xFFFF  }
0x8c: {  	_ =	shalt  }

// kernel: kernel.20.cloned.1.call-start
scs
__scs_entry_jumppad:
0x0: {  	(pc) =	sbr.rel $0x88, $3  }
0x1: {  	(tag) =	ssettag $0x0;
	lr =	simm.s32 $0x1  }
0x2: {  	[smem:$0x3F91] =	sst lr;
	_ =	strace $0xD0000000  }
0x3: {  	_ = 	snop  }
0x4: {  	_ = 	snop  }
0x5: {  	_ = 	snop  }
0x6: {  	_ = 	snop  }
0x7: {  	_ = 	snop  }
__scs_overlays_trampoline_lowered:
0x8: {  	[smem:$0x3FA0] =	sst s0  }
0x9: {  	[smem:$0x3FA1] =	sst s1  }
0xa: {  	[smem:$0x3FA2] =	sst s2  }
0xb: {  	[smem:$0x3FA3] =	sst s3  }
0xc: {  	[smem:$0x3FA4] =	sst s4  }
0xd: {  	[smem:$0x3FA5] =	sst s5  }
0xe: {  	[smem:$0x3FA6] =	sst s6  }
0xf: {  	[smem:$0x3FA7] =	sst s7  }
0x10: {  	[smem:$0x3FA8] =	sst s8  }
0x11: {  	[smem:$0x3FA9] =	sst s9;
	s0 =	simm.s32 @!p0 $0x0  }
0x12: {  	s1 =	sld [smem:$0x3F8F];
	s0 =	simm.s32 @p0 $0x1  }
0x13: {  	[smem:$0x3FAA] =	sst s0;
	s0 =	simm.s32 @!p1 $0x0  }
0x14: {  	s2 =	sld [smem:$0x3F8E];
	s0 =	simm.s32 @p1 $0x1  }
0x15: {  	[smem:$0x3FAB] =	sst s0;
	s0 =	simm.s32 @!p2 $0x0  }
0x16: {  	s3 =	sld [smem:$0x3FDB];
	s0 =	simm.s32 @p2 $0x1  }
0x17: {  	s4 =	simm.s32 $0x1BF5;
	[smem:$0x3FAD] =	sst s0  }
0x18: {  	s0 =	sld [smem:$0x3F90];
	_ =	swait.ge [sflag:s4], $0x0  }
0x19: {  	s7 =	sld [smem:$0x3F91]  }
0x1a: {  	s8 =	sadd.s32 $0xFFFFE003, lr  }
0x1b: {  	s9 =	sadd.s32 $0xFFFFFEF7, lr;
	s5 =	simm.s32 $0xFFFFFFFF;
	p2 =	slt.u32 s8, $0xFFFFF086  }
0x1c: {  	p1 =	slt.u32 s9, $0xF7A;
	s5 =	simm.s32 @!p2 $0x0  }
0x1d: {  	s5 =	simm.s32 @p1 $0x1;
	p0 =	seq.s32 s7, s2  }
0x1e: {  	s7 =	smul.u32 @!p0 $0xF7A, s2;
	p2 =	seq.s32 @!p0 s5, $0x0  }
0x1f: {  	s9 =	smul.u32 $0xF7A, s1;
	s8 =	simm.s32 @!p0 $0x1BF5;
	p2 =	por !p2, p0  }
0x20: {  	[sflag:s8] =	ssyncset.s32 @!p0 $0xFFFFF086;
	s6 =	sadd.s32 @!p0 s3, s7;
	s7 =	simm.s32 @!p0 $0x108  }
0x21: {  	s3 =	sadd.s32 s3, s9;
	s6 =	sadd.s32 @!p0 $0x88, s6;
	s7 =	simm.s32 @p2 $0x1082  }
0x22: {  	[simem:s7], [sflag:s8] =	dma.local @!p0 [hbm:s6], $0xF7A  }
0x23: {  	s9 =	sor.u32 $0xD0000000, s2;
	s6 =	simm.s32 $0x108;
	_ =	swait.ge @!p0 [sflag:s8], $0x0  }
0x24: {  	s3 =	sadd.s32 $0x88, s3;
	s6 =	simm.s32 @!p1 $0x1082;
	[sflag:s4] =	ssyncset.s32 $0xFFFFF086  }
0x25: {  	[simem:s6], [sflag:s4] =	dma.local [hbm:s3], $0xF7A  }
0x26: {  	[smem:$0x3F91] =	sst s1;
	(tag) =	ssettag s2;
	_ =	strace s9  }
0x27: {  	s1 =	sld [smem:$0x3FA1]  }
0x28: {  	s2 =	sld [smem:$0x3FA2]  }
0x29: {  	s4 =	sld [smem:$0x3FA4]  }
0x2a: {  	p0 =	seq.s32 s5, $0x0;
	s5 =	sld [smem:$0x3FA5]  }
0x2b: {  	s6 =	sld [smem:$0x3FA6]  }
0x2c: {  	s7 =	sld [smem:$0x3FA7]  }
0x2d: {  	s3 =	simm.s32 $0x108;
	s8 =	sld [smem:$0x3FA8]  }
0x2e: {  	s3 =	simm.s32 @!p0 $0x1082;
	s9 =	sld [smem:$0x3FA9]  }
0x2f: {  	lr =	sadd.s32 s0, s3;
	s0 =	sld [smem:$0x3FA0]  }
0x30: {  	s3 =	sld [smem:$0x3FA3]  }
0x31: {  	[smem:$0x3FAC] =	sst s10  }
0x32: {  	s10 =	sld [smem:$0x3FAA];
	_ =	sdelay $0x3  }
0x33: {  	p0 =	seq.s32 s10, $0x1;
	s10 =	sld [smem:$0x3FAC];
	_ =	sdelay $0x3  }
0x34: {  	[smem:$0x3FAC] =	sst s10  }
0x35: {  	s10 =	sld [smem:$0x3FAB];
	_ =	sdelay $0x3  }
0x36: {  	p1 =	seq.s32 s10, $0x1;
	s10 =	sld [smem:$0x3FAC];
	_ =	sdelay $0x3  }
0x37: {  	[smem:$0x3FAC] =	sst s10  }
0x38: {  	s10 =	sld [smem:$0x3FAD]  }
0x39: {  	_ = 	snop;
	(pc) =	sbr.ind lr, $3  }
0x3a: {  	_ = 	snop  }
0x3b: {  	_ = 	snop  }
0x3c: {  	p2 =	seq.s32 s10, $0x1;
	s10 =	sld [smem:$0x3FAC]  }
0x3d: {  	_ =	shalt  }
0x3e: {  	_ =	shalt  }
0x3f: {  	_ =	shalt  }
0x40: {  	_ =	shalt  }
0x41: {  	_ =	shalt  }
0x42: {  	_ =	shalt  }
0x43: {  	_ =	shalt  }
0x44: {  	_ =	shalt  }
0x45: {  	_ =	shalt  }
0x46: {  	_ =	shalt  }
0x47: {  	_ =	shalt  }
0x48: {  	_ =	shalt  }
0x49: {  	_ =	shalt  }
0x4a: {  	_ =	shalt  }
0x4b: {  	_ =	shalt  }
0x4c: {  	_ =	shalt  }
0x4d: {  	_ =	shalt  }
0x4e: {  	_ =	shalt  }
0x4f: {  	_ =	shalt  }
0x50: {  	_ =	shalt  }
0x51: {  	_ =	shalt  }
0x52: {  	_ =	shalt  }
0x53: {  	_ =	shalt  }
0x54: {  	_ =	shalt  }
0x55: {  	_ =	shalt  }
0x56: {  	_ =	shalt  }
0x57: {  	_ =	shalt  }
0x58: {  	_ =	shalt  }
0x59: {  	_ =	shalt  }
0x5a: {  	_ =	shalt  }
0x5b: {  	_ =	shalt  }
0x5c: {  	_ =	shalt  }
0x5d: {  	_ =	shalt  }
0x5e: {  	_ =	shalt  }
0x5f: {  	_ =	shalt  }
0x60: {  	_ =	shalt  }
0x61: {  	_ =	shalt  }
0x62: {  	_ =	shalt  }
0x63: {  	_ =	shalt  }
0x64: {  	_ =	shalt  }
0x65: {  	_ =	shalt  }
0x66: {  	_ =	shalt  }
0x67: {  	_ =	shalt  }
0x68: {  	_ =	shalt  }
0x69: {  	_ =	shalt  }
0x6a: {  	_ =	shalt  }
0x6b: {  	_ =	shalt  }
0x6c: {  	_ =	shalt  }
0x6d: {  	_ =	shalt  }
0x6e: {  	_ =	shalt  }
0x6f: {  	_ =	shalt  }
0x70: {  	_ =	shalt  }
0x71: {  	_ =	shalt  }
0x72: {  	_ =	shalt  }
0x73: {  	_ =	shalt  }
0x74: {  	_ =	shalt  }
0x75: {  	_ =	shalt  }
0x76: {  	_ =	shalt  }
0x77: {  	_ =	shalt  }
0x78: {  	_ =	shalt  }
0x79: {  	_ =	shalt  }
0x7a: {  	_ =	shalt  }
0x7b: {  	_ =	shalt  }
0x7c: {  	_ =	shalt  }
0x7d: {  	_ =	shalt  }
0x7e: {  	_ =	shalt  }
0x7f: {  	_ =	shalt  }
0x80: {  	_ =	shalt  }
0x81: {  	_ =	shalt  }
0x82: {  	_ =	shalt  }
0x83: {  	_ =	shalt  }
0x84: {  	_ =	shalt  }
0x85: {  	_ =	shalt  }
0x86: {  	_ =	shalt  }
0x87: {  	_ =	shalt  }
.Lfunc_end0:
.L_simem_size_0:
called_computation.4_lowered:
.L_overlay_start_0:
0x88: {  	s2 =	sld [smem:$0x3FD9]  }
0x89: {  	s3 =	sld [smem:$0x3FFE];
	_ =	sdelay $0x1  }
0x8a: {  	s1 =	srdreg.scid  }
0x8b: {  	s0 =	sand.u32 $0x1, s1  }
0x8c: {  	s14 =	sshll.u32 s0, $0xA;
	s2 =	sadd.s32 s3, s2  }
0x8d: {  	s2 =	sadd.s32 s2, s14  }
0x8e: {  	[smem:$0x3FB8] =	sst s2  }
0x8f: {  	_ = 	snop  }
0x90: {  	s2 =	sld [smem:$0x3FD0];
	_ =	sdelay $0x2  }
0x91: {  	s15 =	simm.s32 $0xB;
	s4 =	simm.s32 $0x10  }
0x92: {  	[smem:s4], [sflag:s15] =	dma.local [hbm:s2], $0x1  }
0x93: {  	_ =	swait.eq [sflag:s15], $0x1  }
0x94: {  	[sflag:s15] =	ssyncset.done $0x0  }
0x95: {  	s16 =	sld [smem:$0x10];
	[sflag:s15] =	ssyncadd.s32 $0xFFFFFFFF  }
0x96: {  	s17 =	sld [smem:$0x17];
	(tm) =	ssettm $0x1  }
0x97: {  	s18 =	sld [smem:$0x3FFB];
	_ =	sdelay $0x3  }
0x98: {  	_ =	strace s18  }
0x99: {  	s4 =	sld [smem:$0x3FFC];
	_ =	sdelay $0x3  }
0x9a: {  	_ =	strace s4  }
0x9b: {  	s4 =	sld [smem:$0x3FFD];
	_ =	sdelay $0x3  }
0x9c: {  	_ =	strace s4  }
0x9d: {  	_ =	strace $0x8FFFFFFF  }
0x9e: {  	s19 =	sld [smem:$0x3FDB];
	_ =	sdelay $0x1  }
0x9f: {  	s5 =	simm.s32 $_scs_section_size  }
0xa0: {  	s6 =	simm.s32 $_size__tile_overlayer_lowered;
	s7 =	simm.s32 $_tile_overlayer_lowered  }
0xa1: {  	s22 =	simm.s32 $0x1BFF;
	s21 =	sshll.u32 s7, $0x1;
	s4 =	sadd.s32 s5, s19  }
0xa2: {  	s8 =	simm.s32 $0x0;
	s20 =	sshll.u32 s6, $0x1;
	s6 =	sadd.s32 s21, s4  }
0xa3: {  	[timem:s8], [sflag:s22] =	dma.local [hbm:s6], s20  }
0xa4: {  	_ =	swait.ge [sflag:s22], s20  }
0xa5: {  	s5 =	ssub.s32 $0x0, s20;
	[sflag:s22] =	ssyncset.done $0x0  }
0xa6: {  	[sflag:s22] =	ssyncadd.s32 s5;
	_ =	sdelay $0x1  }
0xa7: {  	s23 =	simm.s32 $0x1B8B  }
0xa8: {  	_ =	swait.ge [sflag:s23], $0x1  }
0xa9: {  	[sflag:s23] =	ssyncset.done $0x0  }
0xaa: {  	s25 =	simm.s32 $0x1B8E;
	s24 =	sld [smem:$0x3FFE];
	[sflag:s23] =	ssyncadd.s32 $0xFFFFFFFF  }
0xab: {  	s26 =	simm.s32 $execute0_lowered;
	[smem:$0x3FD2] =	sst s25  }
0xac: {  	s6 =	sshll.u32 s26, $0x1;
	_ =	strace $0x80000052;
	[dreg:$0x1] =	wrdreg $0xFFFFFFFF  }
0xad: {  	s28 =	simm.s32 $_size_execute0_lowered;
	s4 =	sadd.s32 s4, s6;
	[dreg:$0x0] =	wrdreg $0x0  }
0xae: {  	s6 =	sshll.u32 s28, $0x1;
	[dreg:$0x2] =	wrdreg s4  }
0xaf: {  	[dreg:$0x3] =	wrdreg s6  }
0xb0: {  	[dreg:$0x4] =	wrdreg $0xC0  }
0xb1: {  	_ =	task [dreg:s8], $0x5FFFF  }
0xb2: {  	[dreg:$0x1] =	wrdreg $0xFFFFFFFF  }
0xb3: {  	[dreg:$0x0] =	wrdreg $0x60  }
0xb4: {  	[dreg:$0x2] =	wrdreg s17  }
0xb5: {  	[dreg:$0x3] =	wrdreg s24  }
0xb6: {  	[dreg:$0x4] =	wrdreg s16  }
0xb7: {  	[dreg:$0x5] =	wrdreg $0x9  }
0xb8: {  	_ =	task.clear_ibuf [dreg:s8], $0x6FFFF;
	_ =	strace $0x90000052  }
0xb9: {  	s29 =	simm.s32 $0x9;
	_ =	strace $0x80000054  }
0xba: {  	_ =	swait.ge [sflag:s29], $0x1  }
0xbb: {  	[sflag:s29] =	ssyncadd.s32 $0xFFFFFFFF  }
0xbc: {  	_ =	strace $0x90000054  }
0xbd: {  	_ =	sfence  }
0xbe: {  	s30 =	sld [smem:$0x0];
	_ =	sdelay $0x2  }
0xbf: {  	s31 =	sshll.u32 s1, $0xD;
	s1 =	sshrl.u32 s1, $0x2  }
0xc0: {  	s3 =	sand.u32 $0x4000, s31;
	s1 =	sadd.s32 s1, s30  }
0xc1: {  	s0 =	sor.u32 s3, s0;
	s1 =	sshll.u32 s1, $0x11  }
0xc2: {  	s0 =	sor.u32 s1, s0  }
0xc3: {  	s0 =	sadd.s32 $0x8F2B, s0  }
0xc4: {  	[sflag:s0] =	ssyncadd.remote.s32 $0x1  }
0xc5: {  	_ =	sfence.sel $0xFFFF  }
0xc6: {  	[dreg:$0x0] =	wrdreg $0xFFFFFFFF;
	(pc) =	sbr.abs _section_cstart, $3  }
0xc7: {  	[dreg:$0x1] =	wrdreg $0xFFFFFFFF  }
0xc8: {  	_ =	task.clear_ibuf [dreg:s8], $0x2FFFF;
	_ =	strace $0x9FFFFFFF  }
0xc9: {  	(tm) =	ssettm $0x7FFFFFFF  }
tec
execute0_lowered:
.L_overlay_start_1:
0x0: {  	(tag) =	ssettag $0x1  }
0x1: {  	s1 =	rddreg [dreg:$0x0]  }
0x2: {  	s7 =	rddreg [dreg:$0x1]  }
0x3: {  	s2 =	rddreg [dreg:$0x2]  }
0x4: {  	s3 =	srdreg.scid;
	s0 =	rddreg [dreg:$0x3];
	s4 =	simm.s32 $0x0  }
0x5: {  	s13 =	simm.s32 $0x1;
	s14 =	simm.s32 $0x4020;
	s8 =	sand.u32 $0x1, s3  }
0x6: {  	s15 =	simm.s32 $0x80;
	s3 =	stileid.u32;
	s5 =	sshll.u32 s8, $0x4  }
0x7: {  	s16 =	simm.s32 $0x4060;
	s17 =	simm.s32 $0x0;
	s9 =	sor.u32 s3, s5  }
0x8: {  	[smem:$0x7FF] =	sst s4;
	s6 =	sadd.s32 $0x286000, s7;
	s10 =	smul.u32 $0x1400, s9  }
.Ltmp0:
0x9: {  	_ =	strace $0x80000053;
	s8 =	ssub.s32 $0x2, s8;
	(pc) =	sbr.rel .LBB2_1-.Ltmp0, $4  }
0xa: {  	s5 =	sadd.s32 $0x3C6000, s7;
	s31 =	sshrl.u32 s8, $0x1;
	s11 =	sshll.u32 s9, $0x3  }
0xb: {  	s11 =	sadd.s32 s11, s7;
	s10 =	sadd.s32 s10, s7;
	s7 =	smul.u32 $0x7FFEC0, s9  }
0xc: {  	s12 =	ssub.s32 s8, s31;
	s8 =	sadd.s32 $0x506000, s11;
	s9 =	smul.u32 $0x50000, s9  }
0xd: {  	s11 =	smax.u32 s12, $0x1;
	s12 =	simm.s32 $0x8060;
	s10 =	sadd.s32 $0x6000, s10  }
.LBB2_10:
0xe: {  	s17 =	sadd.s32 $0x1, s17  }
0xf: {  	p0 =	sne.s32 s17, s11  }
.Ltmp1:
0x10: {  	_ = 	snop;
	(pc) =	sbr.rel @!p0 .LBB2_11-.Ltmp1, $4  }
0x11: {  	[hbm4b:s10+s4] =	stream.linear.scatter [tilespmem:s12], [sflag:$0x1], $0xA000, $0x38;
	[tilespmem:$0x12060] =	vst v63  }
0x12: {  	_ =	swait.ge [sflag:s13], $0xA000  }
0x13: {  	[sflag:s13] =	ssyncset.done $0x0  }
0x14: {  	[sflag:s13] =	ssyncadd.s32 $0xFFFF6000  }
.LBB2_1:
0x15: {  	[tilespmem:s12], [sflag:$0x1] =	stream.linear.gather [hbm4b:s2+s4], $0xA000, $0x38;
	[tilespmem:$0x12060] =	vst v63  }
0x16: {  	_ =	swait.ge [sflag:s13], $0xA000  }
0x17: {  	[sflag:s13] =	ssyncset.done $0x0  }
.Ltmp2:
0x18: {  	[sflag:s13] =	ssyncadd.s32 $0xFFFF6000;
	(pc) =	sbr.rel .LBB2_2-.Ltmp2, $4  }
0x19: {  	[tilespmem:s14], [sflag:$0x1] =	stream.linear.gather [hbm4b:s8+s4], $0x40, $0x38;
	[tilespmem:$0x12060] =	vst v63  }
0x1a: {  	_ =	swait.ge [sflag:s13], $0x40  }
0x1b: {  	[sflag:s13] =	ssyncset.done $0x0  }
0x1c: {  	s18 =	simm.s32 $0x0;
	[sflag:s13] =	ssyncadd.s32 $0xFFFFFFC0  }
.LBB2_9:
0x1d: {  	s18 =	sadd.s32 $0x1, s18  }
0x1e: {  	p0 =	sne.s32 s18, $0x28  }
.Ltmp3:
0x1f: {  	_ = 	snop;
	(pc) =	sbr.rel @!p0 .LBB2_10-.Ltmp3, $1  }
0x20: {  	_ =	sdelay $0x3  }
.LBB2_2:
0x21: {  	v0 =	vld [tilespmem:s18+$0x4020];
	_ =	sdelay $0x4  }
0x22: {  	(v2sf) =	vpush v0, $0x0;
	_ =	sdelay $0xe  }
0x23: {  	s19 =	spop (v2sf)  }
0x24: {  	p0 =	slt.s32 s19, $0x1  }
0x25: {  	s20 =	sshll.u32 @!p0 s18, $0xD  }
0x26: {  	p1 =	sgt.u32 @!p0 s19, $0x800;
	s20 =	sadd.s32 @!p0 s9, s20  }
0x27: {  	p2 =	por !p1, p0;
	s20 =	sshrl.u32 @!p0 s20, $0x3  }
0x28: {  	s22 =	simm.s32 @!p2 $0x0;
	s23 =	simm.s32 @!p2 $0x1;
	s21 =	sadd.s32 @!p0 s5, s20  }
0x29: {  	[tilespmem:s22], [sflag:$0x1] =	stream.linear.gather @!p2 [hbm4b:s21+s22], $0x2000, $0x38;
	[tilespmem:$0x12060] =	vst v63  }
0x2a: {  	_ =	swait.ge @!p2 [sflag:s23], $0x2000  }
0x2b: {  	[sflag:s23] =	ssyncset.done @!p2 $0x0  }
0x2c: {  	s24 =	simm.s32 @!p2 $0x2010;
	s20 =	sadd.s32 @!p0 s6, s20;
	[sflag:s23] =	ssyncadd.s32 @!p2 $0xFFFFE000  }
0x2d: {  	[tilespmem:s24], [sflag:$0x1] =	stream.linear.gather @!p2 [hbm4b:s20+s22], $0x2000, $0x38;
	[tilespmem:$0x12060] =	vst v63  }
0x2e: {  	_ =	swait.ge @!p2 [sflag:s23], $0x2000  }
0x2f: {  	p1 =	por p1, p0;
	[sflag:s23] =	ssyncset.done @!p2 $0x0  }
0x30: {  	s22 =	simm.s32 @!p1 $0x0;
	[sflag:s23] =	ssyncadd.s32 @!p2 $0xFFFFE000  }
0x31: {  	[tilespmem:s22], [sflag:$0x1] =	stream.linear.gather @!p1 [hbm4b:s21+s22], $0x800, $0x38;
	[tilespmem:$0x12060] =	vst v63  }
0x32: {  	s21 =	simm.s32 @!p1 $0x1  }
0x33: {  	_ =	swait.ge @!p1 [sflag:s21], $0x800  }
0x34: {  	[sflag:s21] =	ssyncset.done @!p1 $0x0  }
0x35: {  	s23 =	simm.s32 @!p1 $0x2010;
	[sflag:s21] =	ssyncadd.s32 @!p1 $0xFFFFF800  }
0x36: {  	[tilespmem:s23], [sflag:$0x1] =	stream.linear.gather @!p1 [hbm4b:s20+s22], $0x800, $0x38;
	[tilespmem:$0x12060] =	vst v63  }
0x37: {  	s20 =	sadd.s32 @!p0 $0x7F, s19  }
0x38: {  	s20 =	sshra.s32 @!p0 s20, $0x7  }
0x39: {  	p2 =	slt.s32 @!p0 s20, $0x1  }
0x3a: {  	p2 =	por p0, p2  }
.Ltmp4:
0x3b: {  	_ = 	snop;
	(pc) =	sbr.rel @p2 .LBB2_9-.Ltmp4, $4  }
0x3c: {  	_ = 	snop  }
0x3d: {  	_ =	swait.ge @!p1 [sflag:s21], $0x800  }
0x3e: {  	[sflag:s21] =	ssyncset.done @!p1 $0x0  }
0x3f: {  	[sflag:s21] =	ssyncadd.s32 @!p1 $0xFFFFF800  }
.Ltmp5:
0x40: {  	(pc) =	sbr.rel .LBB2_4-.Ltmp5, $2  }
0x41: {  	_ =	sdelay $0x2  }
0x42: {  	s21 =	simm.s32 @!p0 $0x0;
	s22 =	simm.s32 @!p0 $0x2010;
	s23 =	smov.u32 s19  }
.LBB2_7:
0x43: {  	[tilespmem:s25+$0x80D0] =	vst v0  }
.LBB2_8:
0x44: {  	s21 =	sadd.s32 $0x1, s21  }
0x45: {  	p0 =	sne.s32 s21, s20  }
.Ltmp6:
0x46: {  	_ = 	snop;
	(pc) =	sbr.rel @!p0 .LBB2_9-.Ltmp6, $2  }
0x47: {  	_ =	sdelay $0x2  }
0x48: {  	s23 =	sadd.s32 $0xFFFFFF80, s23;
	s22 =	sadd.s32 $0x80, s22  }
.LBB2_4:
0x49: {  	s24 =	sshll.u32 s21, $0x7  }
0x4a: {  	[tilespmem:s16], [sflag:$0x1] =	stream.indirect.gather [hbm4b:s1+s15], $0x80, s24, s15, $0xb8;
	[tilespmem:$0x12060] =	vst v63  }
0x4b: {  	s24 =	ssub.s32 s19, s24  }
0x4c: {  	p0 =	slt.s32 s24, $0x1  }
.Ltmp7:
0x4d: {  	_ = 	snop;
	(pc) =	sbr.rel @p0 .LBB2_8-.Ltmp7, $4  }
0x4e: {  	_ = 	snop  }
0x4f: {  	_ =	swait.ge [sflag:s13], $0x4000  }
0x50: {  	[sflag:s13] =	ssyncset.done $0x0  }
0x51: {  	[sflag:s13] =	ssyncadd.s32 $0xFFFFC000  }
0x52: {  	v0 =	vld [tilespmem:s22+$0x0];
	_ =	sdelay $0x4  }
0x53: {  	(v2sf) =	vpush v0, $0x0;
	_ =	sdelay $0xe  }
0x54: {  	s24 =	spop (v2sf)  }
0x55: {  	s25 =	sadd.s32 s7, s24  }
0x56: {  	s24 =	simm.s32 $0x40A0;
	s25 =	sshll.u32 s25, $0x9  }
0x57: {  	v0 =	vld [tilespmem:s24+$0xFFFFFFC0];
	s25 =	sshra.s32 s25, $0x2  }
0x58: {  	v1 =	vld [tilespmem:s25+$0x8060];
	_ =	sdelay $0x4  }
0x59: {  	v0 =	vadd.f32 v0, v1;
	_ =	sdelay $0x1  }
0x5a: {  	[tilespmem:s25+$0x8060] =	vst v0;
	v0 =	vld [tilespmem:s25+$0x8070]  }
0x5b: {  	v1 =	vld [tilespmem:s24+$0xFFFFFFD0];
	_ =	sdelay $0x4  }
0x5c: {  	v0 =	vadd.f32 v1, v0;
	_ =	sdelay $0x1  }
0x5d: {  	[tilespmem:s25+$0x8070] =	vst v0;
	v0 =	vld [tilespmem:s25+$0x8080]  }
0x5e: {  	v1 =	vld [tilespmem:s24+$0xFFFFFFE0];
	_ =	sdelay $0x4  }
0x5f: {  	v0 =	vadd.f32 v1, v0;
	_ =	sdelay $0x1  }
0x60: {  	[tilespmem:s25+$0x8080] =	vst v0;
	v0 =	vld [tilespmem:s25+$0x8090]  }
0x61: {  	v1 =	vld [tilespmem:s24+$0xFFFFFFF0];
	_ =	sdelay $0x4  }
0x62: {  	v0 =	vadd.f32 v1, v0;
	_ =	sdelay $0x1  }
0x63: {  	[tilespmem:s25+$0x8090] =	vst v0;
	v0 =	vld [tilespmem:s25+$0x80A0]  }
0x64: {  	v1 =	vld [tilespmem:s24+$0x0];
	_ =	sdelay $0x4  }
0x65: {  	v0 =	vadd.f32 v1, v0;
	_ =	sdelay $0x1  }
0x66: {  	[tilespmem:s25+$0x80A0] =	vst v0;
	v0 =	vld [tilespmem:s25+$0x80B0]  }
0x67: {  	v1 =	vld [tilespmem:s24+$0x10];
	_ =	sdelay $0x4  }
0x68: {  	v0 =	vadd.f32 v1, v0;
	_ =	sdelay $0x1  }
0x69: {  	[tilespmem:s25+$0x80B0] =	vst v0;
	v0 =	vld [tilespmem:s25+$0x80C0]  }
0x6a: {  	v1 =	vld [tilespmem:s24+$0x20];
	_ =	sdelay $0x4  }
0x6b: {  	v0 =	vadd.f32 v1, v0  }
0x6c: {  	p0 =	sgt.s32 s23, $0x1;
	s26 =	smov.u32 s23  }
0x6d: {  	s26 =	simm.s32 @!p0 $0x1;
	[tilespmem:s25+$0x80C0] =	vst v0;
	v0 =	vld [tilespmem:s25+$0x80D0]  }
0x6e: {  	s26 =	smin.u32 s26, $0x80;
	v1 =	vld [tilespmem:s24+$0x30]  }
0x6f: {  	p0 =	sne.s32 s26, $0x1  }
.Ltmp8:
0x70: {  	_ = 	snop;
	(pc) =	sbr.rel @!p0 .LBB2_7-.Ltmp8, $3  }
0x71: {  	_ =	sdelay $0x1  }
0x72: {  	v0 =	vadd.f32 v1, v0  }
0x73: {  	s28 =	smov.u32 s22;
	s26 =	sadd.s32 $0xFFFFFFFF, s26  }
.LBB2_6:
0x74: {  	p0 =	sne.s32 s26, $0x1;
	[tilespmem:s25+$0x80D0] =	vst v0;
	s28 =	sadd.s32 $0x1, s28;
	s24 =	sadd.s32 $0x80, s24  }
0x75: {  	s26 =	sadd.s32 $0xFFFFFFFF, s26;
	v0 =	vld [tilespmem:s28+$0x0];
	_ =	sdelay $0x4  }
0x76: {  	(v2sf) =	vpush v0, $0x0;
	_ =	sdelay $0xe  }
0x77: {  	s25 =	spop (v2sf)  }
0x78: {  	s25 =	sadd.s32 s7, s25  }
0x79: {  	s25 =	sshll.u32 s25, $0x9  }
0x7a: {  	s25 =	sshra.s32 s25, $0x2;
	v0 =	vld [tilespmem:s24+$0xFFFFFFC0]  }
0x7b: {  	v1 =	vld [tilespmem:s25+$0x8060];
	_ =	sdelay $0x4  }
0x7c: {  	v0 =	vadd.f32 v0, v1;
	_ =	sdelay $0x1  }
0x7d: {  	[tilespmem:s25+$0x8060] =	vst v0;
	v0 =	vld [tilespmem:s25+$0x8070]  }
0x7e: {  	v1 =	vld [tilespmem:s24+$0xFFFFFFD0];
	_ =	sdelay $0x4  }
0x7f: {  	v0 =	vadd.f32 v1, v0;
	_ =	sdelay $0x1  }
0x80: {  	[tilespmem:s25+$0x8070] =	vst v0;
	v0 =	vld [tilespmem:s25+$0x8080]  }
0x81: {  	v1 =	vld [tilespmem:s24+$0xFFFFFFE0];
	_ =	sdelay $0x4  }
0x82: {  	v0 =	vadd.f32 v1, v0;
	_ =	sdelay $0x1  }
0x83: {  	[tilespmem:s25+$0x8080] =	vst v0;
	v0 =	vld [tilespmem:s25+$0x8090]  }
0x84: {  	v1 =	vld [tilespmem:s24+$0xFFFFFFF0];
	_ =	sdelay $0x4  }
0x85: {  	v0 =	vadd.f32 v1, v0;
	_ =	sdelay $0x1  }
0x86: {  	[tilespmem:s25+$0x8090] =	vst v0;
	v0 =	vld [tilespmem:s25+$0x80A0]  }
0x87: {  	v1 =	vld [tilespmem:s24+$0x0];
	_ =	sdelay $0x4  }
0x88: {  	v0 =	vadd.f32 v1, v0;
	_ =	sdelay $0x1  }
0x89: {  	[tilespmem:s25+$0x80A0] =	vst v0;
	v0 =	vld [tilespmem:s25+$0x80B0]  }
0x8a: {  	v1 =	vld [tilespmem:s24+$0x10];
	_ =	sdelay $0x4  }
0x8b: {  	v0 =	vadd.f32 v1, v0;
	_ =	sdelay $0x1  }
0x8c: {  	[tilespmem:s25+$0x80B0] =	vst v0;
	v0 =	vld [tilespmem:s25+$0x80C0]  }
0x8d: {  	v1 =	vld [tilespmem:s24+$0x20];
	_ =	sdelay $0x4  }
0x8e: {  	v0 =	vadd.f32 v1, v0;
	_ =	sdelay $0x1  }
0x8f: {  	[tilespmem:s25+$0x80C0] =	vst v0;
	v0 =	vld [tilespmem:s25+$0x80D0]  }
0x90: {  	v1 =	vld [tilespmem:s24+$0x30]  }
.Ltmp9:
0x91: {  	(pc) =	sbr.rel @p0 .LBB2_6-.Ltmp9, $2  }
0x92: {  	_ =	sdelay $0x2  }
0x93: {  	v0 =	vadd.f32 v1, v0  }
.Ltmp10:
0x94: {  	_ = 	snop;
	(pc) =	sbr.rel .LBB2_7-.Ltmp10, $1  }
0x95: {  	_ =	sdelay $0x3  }
.LBB2_11:
0x96: {  	_ =	sfence.sel $0x180000  }
0x97: {  	[bflag:$0x0] =	sbarrier.arrive $0xFFFF  }
0x98: {  	p0 =	sne.s32 s3, $0x0;
	_ =	strace $0x90000053  }
0x99: {  	s0 =	sadd.s32 @!p0 $0x100000, s0;
	[bflag:$0x2] =	sbarrier.arrive $0xFFFF  }
0x9a: {  	[sflag:s0] =	ssyncadd.tile.s32 @!p0 $0x1;
	_ =	shalt  }
.Lfunc_end2:
_tile_overlayer_lowered:
.L_overlay_start_2:
0x9b: {  	(tag) =	ssettag $0x2  }
0x9c: {  	s0 =	rddreg [dreg:$0x0];
	s2 =	stileid.u32  }
0x9d: {  	s1 =	rddreg [dreg:$0x1];
	p0 =	sne.s32 s2, $0x0  }
0x9e: {  	s3 =	rddreg [dreg:$0x2];
	[bflag:$0x3] =	sbarrier.arrive $0xFFFF;
	s2 =	simm.s32 @!p0 $0x1C01  }
0x9f: {  	[timem:s3], [sflag:s2] =	dma.local @!p0 [hbm:s0], s1  }
0xa0: {  	s0 =	simm.s32 @!p0 $0x1  }
0xa1: {  	_ =	swait.ge @!p0 [sflag:s0], s1  }
0xa2: {  	s1 =	ssub.s32 @!p0 $0x0, s1;
	[sflag:s0] =	ssyncset.done @!p0 $0x0  }
0xa3: {  	[sflag:s0] =	ssyncadd.s32 @!p0 s1  }
0xa4: {  	[bflag:$0x3] =	sbarrier.arrive $0xFFFF  }
0xa5: {  	_ =	shalt  }

// kernel: kernel.23.cloned.1.call-start
scs
__scs_entry_jumppad:
0x0: {  	(pc) =	sbr.rel $0x88, $3  }
0x1: {  	(tag) =	ssettag $0x0;
	lr =	simm.s32 $0x1  }
0x2: {  	[smem:$0x3F91] =	sst lr;
	_ =	strace $0xD0000000  }
0x3: {  	_ = 	snop  }
0x4: {  	_ = 	snop  }
0x5: {  	_ = 	snop  }
0x6: {  	_ = 	snop  }
0x7: {  	_ = 	snop  }
__scs_overlays_trampoline_lowered:
0x8: {  	[smem:$0x3FA0] =	sst s0  }
0x9: {  	[smem:$0x3FA1] =	sst s1  }
0xa: {  	[smem:$0x3FA2] =	sst s2  }
0xb: {  	[smem:$0x3FA3] =	sst s3  }
0xc: {  	[smem:$0x3FA4] =	sst s4  }
0xd: {  	[smem:$0x3FA5] =	sst s5  }
0xe: {  	[smem:$0x3FA6] =	sst s6  }
0xf: {  	[smem:$0x3FA7] =	sst s7  }
0x10: {  	[smem:$0x3FA8] =	sst s8  }
0x11: {  	[smem:$0x3FA9] =	sst s9;
	s0 =	simm.s32 @!p0 $0x0  }
0x12: {  	s1 =	sld [smem:$0x3F8F];
	s0 =	simm.s32 @p0 $0x1  }
0x13: {  	[smem:$0x3FAA] =	sst s0;
	s0 =	simm.s32 @!p1 $0x0  }
0x14: {  	s2 =	sld [smem:$0x3F8E];
	s0 =	simm.s32 @p1 $0x1  }
0x15: {  	[smem:$0x3FAB] =	sst s0;
	s0 =	simm.s32 @!p2 $0x0  }
0x16: {  	s3 =	sld [smem:$0x3FDB];
	s0 =	simm.s32 @p2 $0x1  }
0x17: {  	s4 =	simm.s32 $0x1BF5;
	[smem:$0x3FAD] =	sst s0  }
0x18: {  	s0 =	sld [smem:$0x3F90];
	_ =	swait.ge [sflag:s4], $0x0  }
0x19: {  	s7 =	sld [smem:$0x3F91]  }
0x1a: {  	s8 =	sadd.s32 $0xFFFFE003, lr  }
0x1b: {  	s9 =	sadd.s32 $0xFFFFFEF7, lr;
	s5 =	simm.s32 $0xFFFFFFFF;
	p2 =	slt.u32 s8, $0xFFFFF086  }
0x1c: {  	p1 =	slt.u32 s9, $0xF7A;
	s5 =	simm.s32 @!p2 $0x0  }
0x1d: {  	s5 =	simm.s32 @p1 $0x1;
	p0 =	seq.s32 s7, s2  }
0x1e: {  	s7 =	smul.u32 @!p0 $0xF7A, s2;
	p2 =	seq.s32 @!p0 s5, $0x0  }
0x1f: {  	s9 =	smul.u32 $0xF7A, s1;
	s8 =	simm.s32 @!p0 $0x1BF5;
	p2 =	por !p2, p0  }
0x20: {  	[sflag:s8] =	ssyncset.s32 @!p0 $0xFFFFF086;
	s6 =	sadd.s32 @!p0 s3, s7;
	s7 =	simm.s32 @!p0 $0x108  }
0x21: {  	s3 =	sadd.s32 s3, s9;
	s6 =	sadd.s32 @!p0 $0x88, s6;
	s7 =	simm.s32 @p2 $0x1082  }
0x22: {  	[simem:s7], [sflag:s8] =	dma.local @!p0 [hbm:s6], $0xF7A  }
0x23: {  	s9 =	sor.u32 $0xD0000000, s2;
	s6 =	simm.s32 $0x108;
	_ =	swait.ge @!p0 [sflag:s8], $0x0  }
0x24: {  	s3 =	sadd.s32 $0x88, s3;
	s6 =	simm.s32 @!p1 $0x1082;
	[sflag:s4] =	ssyncset.s32 $0xFFFFF086  }
0x25: {  	[simem:s6], [sflag:s4] =	dma.local [hbm:s3], $0xF7A  }
0x26: {  	[smem:$0x3F91] =	sst s1;
	(tag) =	ssettag s2;
	_ =	strace s9  }
0x27: {  	s1 =	sld [smem:$0x3FA1]  }
0x28: {  	s2 =	sld [smem:$0x3FA2]  }
0x29: {  	s4 =	sld [smem:$0x3FA4]  }
0x2a: {  	p0 =	seq.s32 s5, $0x0;
	s5 =	sld [smem:$0x3FA5]  }
0x2b: {  	s6 =	sld [smem:$0x3FA6]  }
0x2c: {  	s7 =	sld [smem:$0x3FA7]  }
0x2d: {  	s3 =	simm.s32 $0x108;
	s8 =	sld [smem:$0x3FA8]  }
0x2e: {  	s3 =	simm.s32 @!p0 $0x1082;
	s9 =	sld [smem:$0x3FA9]  }
0x2f: {  	lr =	sadd.s32 s0, s3;
	s0 =	sld [smem:$0x3FA0]  }
0x30: {  	s3 =	sld [smem:$0x3FA3]  }
0x31: {  	[smem:$0x3FAC] =	sst s10  }
0x32: {  	s10 =	sld [smem:$0x3FAA];
	_ =	sdelay $0x3  }
0x33: {  	p0 =	seq.s32 s10, $0x1;
	s10 =	sld [smem:$0x3FAC];
	_ =	sdelay $0x3  }
0x34: {  	[smem:$0x3FAC] =	sst s10  }
0x35: {  	s10 =	sld [smem:$0x3FAB];
	_ =	sdelay $0x3  }
0x36: {  	p1 =	seq.s32 s10, $0x1;
	s10 =	sld [smem:$0x3FAC];
	_ =	sdelay $0x3  }
0x37: {  	[smem:$0x3FAC] =	sst s10  }
0x38: {  	s10 =	sld [smem:$0x3FAD]  }
0x39: {  	_ = 	snop;
	(pc) =	sbr.ind lr, $3  }
0x3a: {  	_ = 	snop  }
0x3b: {  	_ = 	snop  }
0x3c: {  	p2 =	seq.s32 s10, $0x1;
	s10 =	sld [smem:$0x3FAC]  }
0x3d: {  	_ =	shalt  }
0x3e: {  	_ =	shalt  }
0x3f: {  	_ =	shalt  }
0x40: {  	_ =	shalt  }
0x41: {  	_ =	shalt  }
0x42: {  	_ =	shalt  }
0x43: {  	_ =	shalt  }
0x44: {  	_ =	shalt  }
0x45: {  	_ =	shalt  }
0x46: {  	_ =	shalt  }
0x47: {  	_ =	shalt  }
0x48: {  	_ =	shalt  }
0x49: {  	_ =	shalt  }
0x4a: {  	_ =	shalt  }
0x4b: {  	_ =	shalt  }
0x4c: {  	_ =	shalt  }
0x4d: {  	_ =	shalt  }
0x4e: {  	_ =	shalt  }
0x4f: {  	_ =	shalt  }
0x50: {  	_ =	shalt  }
0x51: {  	_ =	shalt  }
0x52: {  	_ =	shalt  }
0x53: {  	_ =	shalt  }
0x54: {  	_ =	shalt  }
0x55: {  	_ =	shalt  }
0x56: {  	_ =	shalt  }
0x57: {  	_ =	shalt  }
0x58: {  	_ =	shalt  }
0x59: {  	_ =	shalt  }
0x5a: {  	_ =	shalt  }
0x5b: {  	_ =	shalt  }
0x5c: {  	_ =	shalt  }
0x5d: {  	_ =	shalt  }
0x5e: {  	_ =	shalt  }
0x5f: {  	_ =	shalt  }
0x60: {  	_ =	shalt  }
0x61: {  	_ =	shalt  }
0x62: {  	_ =	shalt  }
0x63: {  	_ =	shalt  }
0x64: {  	_ =	shalt  }
0x65: {  	_ =	shalt  }
0x66: {  	_ =	shalt  }
0x67: {  	_ =	shalt  }
0x68: {  	_ =	shalt  }
0x69: {  	_ =	shalt  }
0x6a: {  	_ =	shalt  }
0x6b: {  	_ =	shalt  }
0x6c: {  	_ =	shalt  }
0x6d: {  	_ =	shalt  }
0x6e: {  	_ =	shalt  }
0x6f: {  	_ =	shalt  }
0x70: {  	_ =	shalt  }
0x71: {  	_ =	shalt  }
0x72: {  	_ =	shalt  }
0x73: {  	_ =	shalt  }
0x74: {  	_ =	shalt  }
0x75: {  	_ =	shalt  }
0x76: {  	_ =	shalt  }
0x77: {  	_ =	shalt  }
0x78: {  	_ =	shalt  }
0x79: {  	_ =	shalt  }
0x7a: {  	_ =	shalt  }
0x7b: {  	_ =	shalt  }
0x7c: {  	_ =	shalt  }
0x7d: {  	_ =	shalt  }
0x7e: {  	_ =	shalt  }
0x7f: {  	_ =	shalt  }
0x80: {  	_ =	shalt  }
0x81: {  	_ =	shalt  }
0x82: {  	_ =	shalt  }
0x83: {  	_ =	shalt  }
0x84: {  	_ =	shalt  }
0x85: {  	_ =	shalt  }
0x86: {  	_ =	shalt  }
0x87: {  	_ =	shalt  }
.Lfunc_end0:
.L_simem_size_0:
called_computation.5_lowered:
.L_overlay_start_0:
0x88: {  	s2 =	sld [smem:$0x3FD9]  }
0x89: {  	s3 =	sld [smem:$0x3FFE];
	_ =	sdelay $0x1  }
0x8a: {  	s1 =	srdreg.scid  }
0x8b: {  	s0 =	sand.u32 $0x1, s1  }
0x8c: {  	s14 =	sshll.u32 s0, $0xA;
	s2 =	sadd.s32 s3, s2  }
0x8d: {  	s2 =	sadd.s32 s2, s14  }
0x8e: {  	[smem:$0x3FB8] =	sst s2  }
0x8f: {  	_ = 	snop  }
0x90: {  	s2 =	sld [smem:$0x3FD0];
	_ =	sdelay $0x2  }
0x91: {  	s15 =	simm.s32 $0xB;
	s4 =	simm.s32 $0x10  }
0x92: {  	[smem:s4], [sflag:s15] =	dma.local [hbm:s2], $0x1  }
0x93: {  	_ =	swait.eq [sflag:s15], $0x1  }
0x94: {  	[sflag:s15] =	ssyncset.done $0x0  }
0x95: {  	s16 =	sld [smem:$0x10];
	[sflag:s15] =	ssyncadd.s32 $0xFFFFFFFF  }
0x96: {  	s17 =	sld [smem:$0x17];
	(tm) =	ssettm $0x1  }
0x97: {  	s18 =	sld [smem:$0x3FFB];
	_ =	sdelay $0x3  }
0x98: {  	_ =	strace s18  }
0x99: {  	s4 =	sld [smem:$0x3FFC];
	_ =	sdelay $0x3  }
0x9a: {  	_ =	strace s4  }
0x9b: {  	s4 =	sld [smem:$0x3FFD];
	_ =	sdelay $0x3  }
0x9c: {  	_ =	strace s4  }
0x9d: {  	_ =	strace $0x8FFFFFFF  }
0x9e: {  	s19 =	sld [smem:$0x3FDB];
	_ =	sdelay $0x1  }
0x9f: {  	s5 =	simm.s32 $_scs_section_size  }
0xa0: {  	s6 =	simm.s32 $_size__tile_overlayer_lowered;
	s7 =	simm.s32 $_tile_overlayer_lowered  }
0xa1: {  	s22 =	simm.s32 $0x1BFF;
	s21 =	sshll.u32 s7, $0x1;
	s4 =	sadd.s32 s5, s19  }
0xa2: {  	s8 =	simm.s32 $0x0;
	s20 =	sshll.u32 s6, $0x1;
	s6 =	sadd.s32 s21, s4  }
0xa3: {  	[timem:s8], [sflag:s22] =	dma.local [hbm:s6], s20  }
0xa4: {  	_ =	swait.ge [sflag:s22], s20  }
0xa5: {  	s5 =	ssub.s32 $0x0, s20;
	[sflag:s22] =	ssyncset.done $0x0  }
0xa6: {  	[sflag:s22] =	ssyncadd.s32 s5;
	_ =	sdelay $0x1  }
0xa7: {  	s23 =	simm.s32 $0x1B8B  }
0xa8: {  	_ =	swait.ge [sflag:s23], $0x1  }
0xa9: {  	[sflag:s23] =	ssyncset.done $0x0  }
0xaa: {  	s25 =	simm.s32 $0x1B8E;
	s24 =	sld [smem:$0x3FFE];
	[sflag:s23] =	ssyncadd.s32 $0xFFFFFFFF  }
0xab: {  	s26 =	simm.s32 $execute0_lowered;
	[smem:$0x3FD2] =	sst s25  }
0xac: {  	s6 =	sshll.u32 s26, $0x1;
	_ =	strace $0x80000055;
	[dreg:$0x1] =	wrdreg $0xFFFFFFFF  }
0xad: {  	s28 =	simm.s32 $_size_execute0_lowered;
	s4 =	sadd.s32 s4, s6;
	[dreg:$0x0] =	wrdreg $0x0  }
0xae: {  	s6 =	sshll.u32 s28, $0x1;
	[dreg:$0x2] =	wrdreg s4  }
0xaf: {  	[dreg:$0x3] =	wrdreg s6  }
0xb0: {  	[dreg:$0x4] =	wrdreg $0xC0  }
0xb1: {  	_ =	task [dreg:s8], $0x5FFFF  }
0xb2: {  	[dreg:$0x1] =	wrdreg $0xFFFFFFFF  }
0xb3: {  	[dreg:$0x0] =	wrdreg $0x60  }
0xb4: {  	[dreg:$0x2] =	wrdreg s17  }
0xb5: {  	[dreg:$0x3] =	wrdreg s24  }
0xb6: {  	[dreg:$0x4] =	wrdreg s16  }
0xb7: {  	[dreg:$0x5] =	wrdreg $0x9  }
0xb8: {  	_ =	task.clear_ibuf [dreg:s8], $0x6FFFF;
	_ =	strace $0x90000055  }
0xb9: {  	s29 =	simm.s32 $0x9;
	_ =	strace $0x80000057  }
0xba: {  	_ =	swait.ge [sflag:s29], $0x1  }
0xbb: {  	[sflag:s29] =	ssyncadd.s32 $0xFFFFFFFF  }
0xbc: {  	_ =	strace $0x90000057  }
0xbd: {  	_ =	sfence  }
0xbe: {  	s30 =	sld [smem:$0x0];
	_ =	sdelay $0x2  }
0xbf: {  	s31 =	sshll.u32 s1, $0xD;
	s1 =	sshrl.u32 s1, $0x2  }
0xc0: {  	s3 =	sand.u32 $0x4000, s31;
	s1 =	sadd.s32 s1, s30  }
0xc1: {  	s0 =	sor.u32 s3, s0;
	s1 =	sshll.u32 s1, $0x11  }
0xc2: {  	s0 =	sor.u32 s1, s0  }
0xc3: {  	s0 =	sadd.s32 $0x8F2B, s0  }
0xc4: {  	[sflag:s0] =	ssyncadd.remote.s32 $0x1  }
0xc5: {  	_ =	sfence.sel $0xFFFF  }
0xc6: {  	[dreg:$0x0] =	wrdreg $0xFFFFFFFF;
	(pc) =	sbr.abs _section_cstart, $3  }
0xc7: {  	[dreg:$0x1] =	wrdreg $0xFFFFFFFF  }
0xc8: {  	_ =	task.clear_ibuf [dreg:s8], $0x2FFFF;
	_ =	strace $0x9FFFFFFF  }
0xc9: {  	(tm) =	ssettm $0x7FFFFFFF  }
tec
execute0_lowered:
.L_overlay_start_1:
0x0: {  	(tag) =	ssettag $0x1  }
0x1: {  	s1 =	rddreg [dreg:$0x0]  }
0x2: {  	s7 =	rddreg [dreg:$0x1]  }
0x3: {  	s2 =	rddreg [dreg:$0x2]  }
0x4: {  	s3 =	srdreg.scid;
	s0 =	rddreg [dreg:$0x3];
	s4 =	simm.s32 $0x0  }
0x5: {  	s13 =	simm.s32 $0x1;
	s14 =	simm.s32 $0x4020;
	s8 =	sand.u32 $0x1, s3  }
0x6: {  	s15 =	simm.s32 $0x80;
	s3 =	stileid.u32;
	s5 =	sshll.u32 s8, $0x4  }
0x7: {  	s16 =	simm.s32 $0x4060;
	s17 =	simm.s32 $0x0;
	s9 =	sor.u32 s3, s5  }
0x8: {  	[smem:$0x7FF] =	sst s4;
	s6 =	sadd.s32 $0x286000, s7;
	s10 =	smul.u32 $0x1400, s9  }
.Ltmp0:
0x9: {  	_ =	strace $0x80000056;
	s8 =	ssub.s32 $0x2, s8;
	(pc) =	sbr.rel .LBB2_1-.Ltmp0, $4  }
0xa: {  	s5 =	sadd.s32 $0x3C6000, s7;
	s31 =	sshrl.u32 s8, $0x1;
	s11 =	sshll.u32 s9, $0x3  }
0xb: {  	s11 =	sadd.s32 s11, s7;
	s10 =	sadd.s32 s10, s7;
	s7 =	smul.u32 $0x7FFEC0, s9  }
0xc: {  	s12 =	ssub.s32 s8, s31;
	s8 =	sadd.s32 $0x506000, s11;
	s9 =	smul.u32 $0x50000, s9  }
0xd: {  	s11 =	smax.u32 s12, $0x1;
	s12 =	simm.s32 $0x8060;
	s10 =	sadd.s32 $0x2D200, s10  }
.LBB2_10:
0xe: {  	s17 =	sadd.s32 $0x1, s17  }
0xf: {  	p0 =	sne.s32 s17, s11  }
.Ltmp1:
0x10: {  	_ = 	snop;
	(pc) =	sbr.rel @!p0 .LBB2_11-.Ltmp1, $4  }
0x11: {  	[hbm4b:s10+s4] =	stream.linear.scatter [tilespmem:s12], [sflag:$0x1], $0xA000, $0x38;
	[tilespmem:$0x12060] =	vst v63  }
0x12: {  	_ =	swait.ge [sflag:s13], $0xA000  }
0x13: {  	[sflag:s13] =	ssyncset.done $0x0  }
0x14: {  	[sflag:s13] =	ssyncadd.s32 $0xFFFF6000  }
.LBB2_1:
0x15: {  	[tilespmem:s12], [sflag:$0x1] =	stream.linear.gather [hbm4b:s2+s4], $0xA000, $0x38;
	[tilespmem:$0x12060] =	vst v63  }
0x16: {  	_ =	swait.ge [sflag:s13], $0xA000  }
0x17: {  	[sflag:s13] =	ssyncset.done $0x0  }
.Ltmp2:
0x18: {  	[sflag:s13] =	ssyncadd.s32 $0xFFFF6000;
	(pc) =	sbr.rel .LBB2_2-.Ltmp2, $4  }
0x19: {  	[tilespmem:s14], [sflag:$0x1] =	stream.linear.gather [hbm4b:s8+s4], $0x40, $0x38;
	[tilespmem:$0x12060] =	vst v63  }
0x1a: {  	_ =	swait.ge [sflag:s13], $0x40  }
0x1b: {  	[sflag:s13] =	ssyncset.done $0x0  }
0x1c: {  	s18 =	simm.s32 $0x0;
	[sflag:s13] =	ssyncadd.s32 $0xFFFFFFC0  }
.LBB2_9:
0x1d: {  	s18 =	sadd.s32 $0x1, s18  }
0x1e: {  	p0 =	sne.s32 s18, $0x28  }
.Ltmp3:
0x1f: {  	_ = 	snop;
	(pc) =	sbr.rel @!p0 .LBB2_10-.Ltmp3, $1  }
0x20: {  	_ =	sdelay $0x3  }
.LBB2_2:
0x21: {  	v0 =	vld [tilespmem:s18+$0x4020];
	_ =	sdelay $0x4  }
0x22: {  	(v2sf) =	vpush v0, $0x0;
	_ =	sdelay $0xe  }
0x23: {  	s19 =	spop (v2sf)  }
0x24: {  	p0 =	slt.s32 s19, $0x1  }
0x25: {  	s20 =	sshll.u32 @!p0 s18, $0xD  }
0x26: {  	p1 =	sgt.u32 @!p0 s19, $0x800;
	s20 =	sadd.s32 @!p0 s9, s20  }
0x27: {  	p2 =	por !p1, p0;
	s20 =	sshrl.u32 @!p0 s20, $0x3  }
0x28: {  	s22 =	simm.s32 @!p2 $0x0;
	s23 =	simm.s32 @!p2 $0x1;
	s21 =	sadd.s32 @!p0 s5, s20  }
0x29: {  	[tilespmem:s22], [sflag:$0x1] =	stream.linear.gather @!p2 [hbm4b:s21+s22], $0x2000, $0x38;
	[tilespmem:$0x12060] =	vst v63  }
0x2a: {  	_ =	swait.ge @!p2 [sflag:s23], $0x2000  }
0x2b: {  	[sflag:s23] =	ssyncset.done @!p2 $0x0  }
0x2c: {  	s24 =	simm.s32 @!p2 $0x2010;
	s20 =	sadd.s32 @!p0 s6, s20;
	[sflag:s23] =	ssyncadd.s32 @!p2 $0xFFFFE000  }
0x2d: {  	[tilespmem:s24], [sflag:$0x1] =	stream.linear.gather @!p2 [hbm4b:s20+s22], $0x2000, $0x38;
	[tilespmem:$0x12060] =	vst v63  }
0x2e: {  	_ =	swait.ge @!p2 [sflag:s23], $0x2000  }
0x2f: {  	p1 =	por p1, p0;
	[sflag:s23] =	ssyncset.done @!p2 $0x0  }
0x30: {  	s22 =	simm.s32 @!p1 $0x0;
	[sflag:s23] =	ssyncadd.s32 @!p2 $0xFFFFE000  }
0x31: {  	[tilespmem:s22], [sflag:$0x1] =	stream.linear.gather @!p1 [hbm4b:s21+s22], $0x800, $0x38;
	[tilespmem:$0x12060] =	vst v63  }
0x32: {  	s21 =	simm.s32 @!p1 $0x1  }
0x33: {  	_ =	swait.ge @!p1 [sflag:s21], $0x800  }
0x34: {  	[sflag:s21] =	ssyncset.done @!p1 $0x0  }
0x35: {  	s23 =	simm.s32 @!p1 $0x2010;
	[sflag:s21] =	ssyncadd.s32 @!p1 $0xFFFFF800  }
0x36: {  	[tilespmem:s23], [sflag:$0x1] =	stream.linear.gather @!p1 [hbm4b:s20+s22], $0x800, $0x38;
	[tilespmem:$0x12060] =	vst v63  }
0x37: {  	s20 =	sadd.s32 @!p0 $0x7F, s19  }
0x38: {  	s20 =	sshra.s32 @!p0 s20, $0x7  }
0x39: {  	p2 =	slt.s32 @!p0 s20, $0x1  }
0x3a: {  	p2 =	por p0, p2  }
.Ltmp4:
0x3b: {  	_ = 	snop;
	(pc) =	sbr.rel @p2 .LBB2_9-.Ltmp4, $4  }
0x3c: {  	_ = 	snop  }
0x3d: {  	_ =	swait.ge @!p1 [sflag:s21], $0x800  }
0x3e: {  	[sflag:s21] =	ssyncset.done @!p1 $0x0  }
0x3f: {  	[sflag:s21] =	ssyncadd.s32 @!p1 $0xFFFFF800  }
.Ltmp5:
0x40: {  	(pc) =	sbr.rel .LBB2_4-.Ltmp5, $2  }
0x41: {  	_ =	sdelay $0x2  }
0x42: {  	s21 =	simm.s32 @!p0 $0x0;
	s22 =	simm.s32 @!p0 $0x2010;
	s23 =	smov.u32 s19  }
.LBB2_7:
0x43: {  	[tilespmem:s25+$0x80D0] =	vst v0  }
.LBB2_8:
0x44: {  	s21 =	sadd.s32 $0x1, s21  }
0x45: {  	p0 =	sne.s32 s21, s20  }
.Ltmp6:
0x46: {  	_ = 	snop;
	(pc) =	sbr.rel @!p0 .LBB2_9-.Ltmp6, $2  }
0x47: {  	_ =	sdelay $0x2  }
0x48: {  	s23 =	sadd.s32 $0xFFFFFF80, s23;
	s22 =	sadd.s32 $0x80, s22  }
.LBB2_4:
0x49: {  	s24 =	sshll.u32 s21, $0x7  }
0x4a: {  	[tilespmem:s16], [sflag:$0x1] =	stream.indirect.gather [hbm4b:s1+s15], $0x80, s24, s15, $0xb8;
	[tilespmem:$0x12060] =	vst v63  }
0x4b: {  	s24 =	ssub.s32 s19, s24  }
0x4c: {  	p0 =	slt.s32 s24, $0x1  }
.Ltmp7:
0x4d: {  	_ = 	snop;
	(pc) =	sbr.rel @p0 .LBB2_8-.Ltmp7, $4  }
0x4e: {  	_ = 	snop  }
0x4f: {  	_ =	swait.ge [sflag:s13], $0x4000  }
0x50: {  	[sflag:s13] =	ssyncset.done $0x0  }
0x51: {  	[sflag:s13] =	ssyncadd.s32 $0xFFFFC000  }
0x52: {  	v0 =	vld [tilespmem:s22+$0x0];
	_ =	sdelay $0x4  }
0x53: {  	(v2sf) =	vpush v0, $0x0;
	_ =	sdelay $0xe  }
0x54: {  	s24 =	spop (v2sf)  }
0x55: {  	s25 =	sadd.s32 s7, s24  }
0x56: {  	s24 =	simm.s32 $0x40A0;
	s25 =	sshll.u32 s25, $0x9  }
0x57: {  	v0 =	vld [tilespmem:s24+$0xFFFFFFC0];
	s25 =	sshra.s32 s25, $0x2  }
0x58: {  	v1 =	vld [tilespmem:s25+$0x8060];
	_ =	sdelay $0x4  }
0x59: {  	v0 =	vadd.f32 v0, v1;
	_ =	sdelay $0x1  }
0x5a: {  	[tilespmem:s25+$0x8060] =	vst v0;
	v0 =	vld [tilespmem:s25+$0x8070]  }
0x5b: {  	v1 =	vld [tilespmem:s24+$0xFFFFFFD0];
	_ =	sdelay $0x4  }
0x5c: {  	v0 =	vadd.f32 v1, v0;
	_ =	sdelay $0x1  }
0x5d: {  	[tilespmem:s25+$0x8070] =	vst v0;
	v0 =	vld [tilespmem:s25+$0x8080]  }
0x5e: {  	v1 =	vld [tilespmem:s24+$0xFFFFFFE0];
	_ =	sdelay $0x4  }
0x5f: {  	v0 =	vadd.f32 v1, v0;
	_ =	sdelay $0x1  }
0x60: {  	[tilespmem:s25+$0x8080] =	vst v0;
	v0 =	vld [tilespmem:s25+$0x8090]  }
0x61: {  	v1 =	vld [tilespmem:s24+$0xFFFFFFF0];
	_ =	sdelay $0x4  }
0x62: {  	v0 =	vadd.f32 v1, v0;
	_ =	sdelay $0x1  }
0x63: {  	[tilespmem:s25+$0x8090] =	vst v0;
	v0 =	vld [tilespmem:s25+$0x80A0]  }
0x64: {  	v1 =	vld [tilespmem:s24+$0x0];
	_ =	sdelay $0x4  }
0x65: {  	v0 =	vadd.f32 v1, v0;
	_ =	sdelay $0x1  }
0x66: {  	[tilespmem:s25+$0x80A0] =	vst v0;
	v0 =	vld [tilespmem:s25+$0x80B0]  }
0x67: {  	v1 =	vld [tilespmem:s24+$0x10];
	_ =	sdelay $0x4  }
0x68: {  	v0 =	vadd.f32 v1, v0;
	_ =	sdelay $0x1  }
0x69: {  	[tilespmem:s25+$0x80B0] =	vst v0;
	v0 =	vld [tilespmem:s25+$0x80C0]  }
0x6a: {  	v1 =	vld [tilespmem:s24+$0x20];
	_ =	sdelay $0x4  }
0x6b: {  	v0 =	vadd.f32 v1, v0  }
0x6c: {  	p0 =	sgt.s32 s23, $0x1;
	s26 =	smov.u32 s23  }
0x6d: {  	s26 =	simm.s32 @!p0 $0x1;
	[tilespmem:s25+$0x80C0] =	vst v0;
	v0 =	vld [tilespmem:s25+$0x80D0]  }
0x6e: {  	s26 =	smin.u32 s26, $0x80;
	v1 =	vld [tilespmem:s24+$0x30]  }
0x6f: {  	p0 =	sne.s32 s26, $0x1  }
.Ltmp8:
0x70: {  	_ = 	snop;
	(pc) =	sbr.rel @!p0 .LBB2_7-.Ltmp8, $3  }
0x71: {  	_ =	sdelay $0x1  }
0x72: {  	v0 =	vadd.f32 v1, v0  }
0x73: {  	s28 =	smov.u32 s22;
	s26 =	sadd.s32 $0xFFFFFFFF, s26  }
.LBB2_6:
0x74: {  	p0 =	sne.s32 s26, $0x1;
	[tilespmem:s25+$0x80D0] =	vst v0;
	s28 =	sadd.s32 $0x1, s28;
	s24 =	sadd.s32 $0x80, s24  }
0x75: {  	s26 =	sadd.s32 $0xFFFFFFFF, s26;
	v0 =	vld [tilespmem:s28+$0x0];
	_ =	sdelay $0x4  }
0x76: {  	(v2sf) =	vpush v0, $0x0;
	_ =	sdelay $0xe  }
0x77: {  	s25 =	spop (v2sf)  }
0x78: {  	s25 =	sadd.s32 s7, s25  }
0x79: {  	s25 =	sshll.u32 s25, $0x9  }
0x7a: {  	s25 =	sshra.s32 s25, $0x2;
	v0 =	vld [tilespmem:s24+$0xFFFFFFC0]  }
0x7b: {  	v1 =	vld [tilespmem:s25+$0x8060];
	_ =	sdelay $0x4  }
0x7c: {  	v0 =	vadd.f32 v0, v1;
	_ =	sdelay $0x1  }
0x7d: {  	[tilespmem:s25+$0x8060] =	vst v0;
	v0 =	vld [tilespmem:s25+$0x8070]  }
0x7e: {  	v1 =	vld [tilespmem:s24+$0xFFFFFFD0];
	_ =	sdelay $0x4  }
0x7f: {  	v0 =	vadd.f32 v1, v0;
	_ =	sdelay $0x1  }
0x80: {  	[tilespmem:s25+$0x8070] =	vst v0;
	v0 =	vld [tilespmem:s25+$0x8080]  }
0x81: {  	v1 =	vld [tilespmem:s24+$0xFFFFFFE0];
	_ =	sdelay $0x4  }
0x82: {  	v0 =	vadd.f32 v1, v0;
	_ =	sdelay $0x1  }
0x83: {  	[tilespmem:s25+$0x8080] =	vst v0;
	v0 =	vld [tilespmem:s25+$0x8090]  }
0x84: {  	v1 =	vld [tilespmem:s24+$0xFFFFFFF0];
	_ =	sdelay $0x4  }
0x85: {  	v0 =	vadd.f32 v1, v0;
	_ =	sdelay $0x1  }
0x86: {  	[tilespmem:s25+$0x8090] =	vst v0;
	v0 =	vld [tilespmem:s25+$0x80A0]  }
0x87: {  	v1 =	vld [tilespmem:s24+$0x0];
	_ =	sdelay $0x4  }
0x88: {  	v0 =	vadd.f32 v1, v0;
	_ =	sdelay $0x1  }
0x89: {  	[tilespmem:s25+$0x80A0] =	vst v0;
	v0 =	vld [tilespmem:s25+$0x80B0]  }
0x8a: {  	v1 =	vld [tilespmem:s24+$0x10];
	_ =	sdelay $0x4  }
0x8b: {  	v0 =	vadd.f32 v1, v0;
	_ =	sdelay $0x1  }
0x8c: {  	[tilespmem:s25+$0x80B0] =	vst v0;
	v0 =	vld [tilespmem:s25+$0x80C0]  }
0x8d: {  	v1 =	vld [tilespmem:s24+$0x20];
	_ =	sdelay $0x4  }
0x8e: {  	v0 =	vadd.f32 v1, v0;
	_ =	sdelay $0x1  }
0x8f: {  	[tilespmem:s25+$0x80C0] =	vst v0;
	v0 =	vld [tilespmem:s25+$0x80D0]  }
0x90: {  	v1 =	vld [tilespmem:s24+$0x30]  }
.Ltmp9:
0x91: {  	(pc) =	sbr.rel @p0 .LBB2_6-.Ltmp9, $2  }
0x92: {  	_ =	sdelay $0x2  }
0x93: {  	v0 =	vadd.f32 v1, v0  }
.Ltmp10:
0x94: {  	_ = 	snop;
	(pc) =	sbr.rel .LBB2_7-.Ltmp10, $1  }
0x95: {  	_ =	sdelay $0x3  }
.LBB2_11:
0x96: {  	_ =	sfence.sel $0x180000  }
0x97: {  	[bflag:$0x0] =	sbarrier.arrive $0xFFFF  }
0x98: {  	p0 =	sne.s32 s3, $0x0;
	_ =	strace $0x90000056  }
0x99: {  	s0 =	sadd.s32 @!p0 $0x100000, s0;
	[bflag:$0x2] =	sbarrier.arrive $0xFFFF  }
0x9a: {  	[sflag:s0] =	ssyncadd.tile.s32 @!p0 $0x1;
	_ =	shalt  }
.Lfunc_end2:
_tile_overlayer_lowered:
.L_overlay_start_2:
0x9b: {  	(tag) =	ssettag $0x2  }
0x9c: {  	s0 =	rddreg [dreg:$0x0];
	s2 =	stileid.u32  }
0x9d: {  	s1 =	rddreg [dreg:$0x1];
	p0 =	sne.s32 s2, $0x0  }
0x9e: {  	s3 =	rddreg [dreg:$0x2];
	[bflag:$0x3] =	sbarrier.arrive $0xFFFF;
	s2 =	simm.s32 @!p0 $0x1C01  }
0x9f: {  	[timem:s3], [sflag:s2] =	dma.local @!p0 [hbm:s0], s1  }
0xa0: {  	s0 =	simm.s32 @!p0 $0x1  }
0xa1: {  	_ =	swait.ge @!p0 [sflag:s0], s1  }
0xa2: {  	s1 =	ssub.s32 @!p0 $0x0, s1;
	[sflag:s0] =	ssyncset.done @!p0 $0x0  }
0xa3: {  	[sflag:s0] =	ssyncadd.s32 @!p0 s1  }
0xa4: {  	[bflag:$0x3] =	sbarrier.arrive $0xFFFF  }
0xa5: {  	_ =	shalt  }

// kernel: kernel.26.cloned.1.call-start
scs
__scs_entry_jumppad:
0x0: {  	(pc) =	sbr.rel $0x88, $3  }
0x1: {  	(tag) =	ssettag $0x0;
	lr =	simm.s32 $0x1  }
0x2: {  	[smem:$0x3F91] =	sst lr;
	_ =	strace $0xD0000000  }
0x3: {  	_ = 	snop  }
0x4: {  	_ = 	snop  }
0x5: {  	_ = 	snop  }
0x6: {  	_ = 	snop  }
0x7: {  	_ = 	snop  }
__scs_overlays_trampoline_lowered:
0x8: {  	[smem:$0x3FA0] =	sst s0  }
0x9: {  	[smem:$0x3FA1] =	sst s1  }
0xa: {  	[smem:$0x3FA2] =	sst s2  }
0xb: {  	[smem:$0x3FA3] =	sst s3  }
0xc: {  	[smem:$0x3FA4] =	sst s4  }
0xd: {  	[smem:$0x3FA5] =	sst s5  }
0xe: {  	[smem:$0x3FA6] =	sst s6  }
0xf: {  	[smem:$0x3FA7] =	sst s7  }
0x10: {  	[smem:$0x3FA8] =	sst s8  }
0x11: {  	[smem:$0x3FA9] =	sst s9;
	s0 =	simm.s32 @!p0 $0x0  }
0x12: {  	s1 =	sld [smem:$0x3F8F];
	s0 =	simm.s32 @p0 $0x1  }
0x13: {  	[smem:$0x3FAA] =	sst s0;
	s0 =	simm.s32 @!p1 $0x0  }
0x14: {  	s2 =	sld [smem:$0x3F8E];
	s0 =	simm.s32 @p1 $0x1  }
0x15: {  	[smem:$0x3FAB] =	sst s0;
	s0 =	simm.s32 @!p2 $0x0  }
0x16: {  	s3 =	sld [smem:$0x3FDB];
	s0 =	simm.s32 @p2 $0x1  }
0x17: {  	s4 =	simm.s32 $0x1BF5;
	[smem:$0x3FAD] =	sst s0  }
0x18: {  	s0 =	sld [smem:$0x3F90];
	_ =	swait.ge [sflag:s4], $0x0  }
0x19: {  	s7 =	sld [smem:$0x3F91]  }
0x1a: {  	s8 =	sadd.s32 $0xFFFFE003, lr  }
0x1b: {  	s9 =	sadd.s32 $0xFFFFFEF7, lr;
	s5 =	simm.s32 $0xFFFFFFFF;
	p2 =	slt.u32 s8, $0xFFFFF086  }
0x1c: {  	p1 =	slt.u32 s9, $0xF7A;
	s5 =	simm.s32 @!p2 $0x0  }
0x1d: {  	s5 =	simm.s32 @p1 $0x1;
	p0 =	seq.s32 s7, s2  }
0x1e: {  	s7 =	smul.u32 @!p0 $0xF7A, s2;
	p2 =	seq.s32 @!p0 s5, $0x0  }
0x1f: {  	s9 =	smul.u32 $0xF7A, s1;
	s8 =	simm.s32 @!p0 $0x1BF5;
	p2 =	por !p2, p0  }
0x20: {  	[sflag:s8] =	ssyncset.s32 @!p0 $0xFFFFF086;
	s6 =	sadd.s32 @!p0 s3, s7;
	s7 =	simm.s32 @!p0 $0x108  }
0x21: {  	s3 =	sadd.s32 s3, s9;
	s6 =	sadd.s32 @!p0 $0x88, s6;
	s7 =	simm.s32 @p2 $0x1082  }
0x22: {  	[simem:s7], [sflag:s8] =	dma.local @!p0 [hbm:s6], $0xF7A  }
0x23: {  	s9 =	sor.u32 $0xD0000000, s2;
	s6 =	simm.s32 $0x108;
	_ =	swait.ge @!p0 [sflag:s8], $0x0  }
0x24: {  	s3 =	sadd.s32 $0x88, s3;
	s6 =	simm.s32 @!p1 $0x1082;
	[sflag:s4] =	ssyncset.s32 $0xFFFFF086  }
0x25: {  	[simem:s6], [sflag:s4] =	dma.local [hbm:s3], $0xF7A  }
0x26: {  	[smem:$0x3F91] =	sst s1;
	(tag) =	ssettag s2;
	_ =	strace s9  }
0x27: {  	s1 =	sld [smem:$0x3FA1]  }
0x28: {  	s2 =	sld [smem:$0x3FA2]  }
0x29: {  	s4 =	sld [smem:$0x3FA4]  }
0x2a: {  	p0 =	seq.s32 s5, $0x0;
	s5 =	sld [smem:$0x3FA5]  }
0x2b: {  	s6 =	sld [smem:$0x3FA6]  }
0x2c: {  	s7 =	sld [smem:$0x3FA7]  }
0x2d: {  	s3 =	simm.s32 $0x108;
	s8 =	sld [smem:$0x3FA8]  }
0x2e: {  	s3 =	simm.s32 @!p0 $0x1082;
	s9 =	sld [smem:$0x3FA9]  }
0x2f: {  	lr =	sadd.s32 s0, s3;
	s0 =	sld [smem:$0x3FA0]  }
0x30: {  	s3 =	sld [smem:$0x3FA3]  }
0x31: {  	[smem:$0x3FAC] =	sst s10  }
0x32: {  	s10 =	sld [smem:$0x3FAA];
	_ =	sdelay $0x3  }
0x33: {  	p0 =	seq.s32 s10, $0x1;
	s10 =	sld [smem:$0x3FAC];
	_ =	sdelay $0x3  }
0x34: {  	[smem:$0x3FAC] =	sst s10  }
0x35: {  	s10 =	sld [smem:$0x3FAB];
	_ =	sdelay $0x3  }
0x36: {  	p1 =	seq.s32 s10, $0x1;
	s10 =	sld [smem:$0x3FAC];
	_ =	sdelay $0x3  }
0x37: {  	[smem:$0x3FAC] =	sst s10  }
0x38: {  	s10 =	sld [smem:$0x3FAD]  }
0x39: {  	_ = 	snop;
	(pc) =	sbr.ind lr, $3  }
0x3a: {  	_ = 	snop  }
0x3b: {  	_ = 	snop  }
0x3c: {  	p2 =	seq.s32 s10, $0x1;
	s10 =	sld [smem:$0x3FAC]  }
0x3d: {  	_ =	shalt  }
0x3e: {  	_ =	shalt  }
0x3f: {  	_ =	shalt  }
0x40: {  	_ =	shalt  }
0x41: {  	_ =	shalt  }
0x42: {  	_ =	shalt  }
0x43: {  	_ =	shalt  }
0x44: {  	_ =	shalt  }
0x45: {  	_ =	shalt  }
0x46: {  	_ =	shalt  }
0x47: {  	_ =	shalt  }
0x48: {  	_ =	shalt  }
0x49: {  	_ =	shalt  }
0x4a: {  	_ =	shalt  }
0x4b: {  	_ =	shalt  }
0x4c: {  	_ =	shalt  }
0x4d: {  	_ =	shalt  }
0x4e: {  	_ =	shalt  }
0x4f: {  	_ =	shalt  }
0x50: {  	_ =	shalt  }
0x51: {  	_ =	shalt  }
0x52: {  	_ =	shalt  }
0x53: {  	_ =	shalt  }
0x54: {  	_ =	shalt  }
0x55: {  	_ =	shalt  }
0x56: {  	_ =	shalt  }
0x57: {  	_ =	shalt  }
0x58: {  	_ =	shalt  }
0x59: {  	_ =	shalt  }
0x5a: {  	_ =	shalt  }
0x5b: {  	_ =	shalt  }
0x5c: {  	_ =	shalt  }
0x5d: {  	_ =	shalt  }
0x5e: {  	_ =	shalt  }
0x5f: {  	_ =	shalt  }
0x60: {  	_ =	shalt  }
0x61: {  	_ =	shalt  }
0x62: {  	_ =	shalt  }
0x63: {  	_ =	shalt  }
0x64: {  	_ =	shalt  }
0x65: {  	_ =	shalt  }
0x66: {  	_ =	shalt  }
0x67: {  	_ =	shalt  }
0x68: {  	_ =	shalt  }
0x69: {  	_ =	shalt  }
0x6a: {  	_ =	shalt  }
0x6b: {  	_ =	shalt  }
0x6c: {  	_ =	shalt  }
0x6d: {  	_ =	shalt  }
0x6e: {  	_ =	shalt  }
0x6f: {  	_ =	shalt  }
0x70: {  	_ =	shalt  }
0x71: {  	_ =	shalt  }
0x72: {  	_ =	shalt  }
0x73: {  	_ =	shalt  }
0x74: {  	_ =	shalt  }
0x75: {  	_ =	shalt  }
0x76: {  	_ =	shalt  }
0x77: {  	_ =	shalt  }
0x78: {  	_ =	shalt  }
0x79: {  	_ =	shalt  }
0x7a: {  	_ =	shalt  }
0x7b: {  	_ =	shalt  }
0x7c: {  	_ =	shalt  }
0x7d: {  	_ =	shalt  }
0x7e: {  	_ =	shalt  }
0x7f: {  	_ =	shalt  }
0x80: {  	_ =	shalt  }
0x81: {  	_ =	shalt  }
0x82: {  	_ =	shalt  }
0x83: {  	_ =	shalt  }
0x84: {  	_ =	shalt  }
0x85: {  	_ =	shalt  }
0x86: {  	_ =	shalt  }
0x87: {  	_ =	shalt  }
.Lfunc_end0:
.L_simem_size_0:
called_computation.6_lowered:
.L_overlay_start_0:
0x88: {  	s2 =	sld [smem:$0x3FD9]  }
0x89: {  	s3 =	sld [smem:$0x3FFE];
	_ =	sdelay $0x1  }
0x8a: {  	s1 =	srdreg.scid  }
0x8b: {  	s0 =	sand.u32 $0x1, s1  }
0x8c: {  	s14 =	sshll.u32 s0, $0xA;
	s2 =	sadd.s32 s3, s2  }
0x8d: {  	s2 =	sadd.s32 s2, s14  }
0x8e: {  	[smem:$0x3FB8] =	sst s2  }
0x8f: {  	_ = 	snop  }
0x90: {  	s2 =	sld [smem:$0x3FD0];
	_ =	sdelay $0x2  }
0x91: {  	s15 =	simm.s32 $0xB;
	s4 =	simm.s32 $0x10  }
0x92: {  	[smem:s4], [sflag:s15] =	dma.local [hbm:s2], $0x1  }
0x93: {  	_ =	swait.eq [sflag:s15], $0x1  }
0x94: {  	[sflag:s15] =	ssyncset.done $0x0  }
0x95: {  	s16 =	sld [smem:$0x10];
	[sflag:s15] =	ssyncadd.s32 $0xFFFFFFFF  }
0x96: {  	s17 =	sld [smem:$0x15];
	(tm) =	ssettm $0x1  }
0x97: {  	s18 =	sld [smem:$0x3FFB];
	_ =	sdelay $0x3  }
0x98: {  	_ =	strace s18  }
0x99: {  	s4 =	sld [smem:$0x3FFC];
	_ =	sdelay $0x3  }
0x9a: {  	_ =	strace s4  }
0x9b: {  	s4 =	sld [smem:$0x3FFD];
	_ =	sdelay $0x3  }
0x9c: {  	_ =	strace s4  }
0x9d: {  	_ =	strace $0x8FFFFFFF  }
0x9e: {  	s19 =	sld [smem:$0x3FDB];
	_ =	sdelay $0x1  }
0x9f: {  	s5 =	simm.s32 $_scs_section_size  }
0xa0: {  	s6 =	simm.s32 $_size__tile_overlayer_lowered;
	s7 =	simm.s32 $_tile_overlayer_lowered  }
0xa1: {  	s22 =	simm.s32 $0x1BFF;
	s21 =	sshll.u32 s7, $0x1;
	s4 =	sadd.s32 s5, s19  }
0xa2: {  	s8 =	simm.s32 $0x0;
	s20 =	sshll.u32 s6, $0x1;
	s6 =	sadd.s32 s21, s4  }
0xa3: {  	[timem:s8], [sflag:s22] =	dma.local [hbm:s6], s20  }
0xa4: {  	_ =	swait.ge [sflag:s22], s20  }
0xa5: {  	s5 =	ssub.s32 $0x0, s20;
	[sflag:s22] =	ssyncset.done $0x0  }
0xa6: {  	[sflag:s22] =	ssyncadd.s32 s5;
	_ =	sdelay $0x1  }
0xa7: {  	s23 =	simm.s32 $0x1B8B  }
0xa8: {  	_ =	swait.ge [sflag:s23], $0x1  }
0xa9: {  	[sflag:s23] =	ssyncset.done $0x0  }
0xaa: {  	s25 =	simm.s32 $0x1B8E;
	s24 =	sld [smem:$0x3FFE];
	[sflag:s23] =	ssyncadd.s32 $0xFFFFFFFF  }
0xab: {  	s26 =	simm.s32 $execute0_lowered;
	[smem:$0x3FD2] =	sst s25  }
0xac: {  	s6 =	sshll.u32 s26, $0x1;
	_ =	strace $0x80000058;
	[dreg:$0x1] =	wrdreg $0xFFFFFFFF  }
0xad: {  	s28 =	simm.s32 $_size_execute0_lowered;
	s4 =	sadd.s32 s4, s6;
	[dreg:$0x0] =	wrdreg $0x0  }
0xae: {  	s6 =	sshll.u32 s28, $0x1;
	[dreg:$0x2] =	wrdreg s4  }
0xaf: {  	[dreg:$0x3] =	wrdreg s6  }
0xb0: {  	[dreg:$0x4] =	wrdreg $0xC0  }
0xb1: {  	_ =	task [dreg:s8], $0x5FFFF  }
0xb2: {  	[dreg:$0x1] =	wrdreg $0xFFFFFFFF  }
0xb3: {  	[dreg:$0x0] =	wrdreg $0x60  }
0xb4: {  	[dreg:$0x2] =	wrdreg s16  }
0xb5: {  	[dreg:$0x3] =	wrdreg s24  }
0xb6: {  	[dreg:$0x4] =	wrdreg s17  }
0xb7: {  	[dreg:$0x5] =	wrdreg $0x9  }
0xb8: {  	_ =	task.clear_ibuf [dreg:s8], $0x6FFFF;
	_ =	strace $0x90000058  }
0xb9: {  	s29 =	simm.s32 $0x9;
	_ =	strace $0x8000005A  }
0xba: {  	_ =	swait.ge [sflag:s29], $0x1  }
0xbb: {  	[sflag:s29] =	ssyncadd.s32 $0xFFFFFFFF  }
0xbc: {  	_ =	strace $0x9000005A  }
0xbd: {  	_ =	sfence  }
0xbe: {  	s30 =	sld [smem:$0x0];
	_ =	sdelay $0x2  }
0xbf: {  	s31 =	sshll.u32 s1, $0xD;
	s1 =	sshrl.u32 s1, $0x2  }
0xc0: {  	s3 =	sand.u32 $0x4000, s31;
	s1 =	sadd.s32 s1, s30  }
0xc1: {  	s0 =	sor.u32 s3, s0;
	s1 =	sshll.u32 s1, $0x11  }
0xc2: {  	s0 =	sor.u32 s1, s0  }
0xc3: {  	s0 =	sadd.s32 $0x8F2B, s0  }
0xc4: {  	[sflag:s0] =	ssyncadd.remote.s32 $0x1  }
0xc5: {  	_ =	sfence.sel $0xFFFF  }
0xc6: {  	[dreg:$0x0] =	wrdreg $0xFFFFFFFF;
	(pc) =	sbr.abs _section_cstart, $3  }
0xc7: {  	[dreg:$0x1] =	wrdreg $0xFFFFFFFF  }
0xc8: {  	_ =	task.clear_ibuf [dreg:s8], $0x2FFFF;
	_ =	strace $0x9FFFFFFF  }
0xc9: {  	(tm) =	ssettm $0x7FFFFFFF  }
tec
execute0_lowered:
.L_overlay_start_1:
0x0: {  	(tag) =	ssettag $0x1  }
0x1: {  	s1 =	rddreg [dreg:$0x0]  }
0x2: {  	s7 =	rddreg [dreg:$0x1]  }
0x3: {  	s2 =	rddreg [dreg:$0x2]  }
0x4: {  	s3 =	srdreg.scid;
	s0 =	rddreg [dreg:$0x3]  }
0x5: {  	s4 =	simm.s32 $0x0;
	s13 =	simm.s32 $0x1;
	s14 =	simm.s32 $0x4020  }
0x6: {  	s15 =	simm.s32 $0x80;
	s16 =	simm.s32 $0x0;
	s6 =	sand.u32 $0x1, s3  }
0x7: {  	[smem:$0x7FF] =	sst s4;
	s3 =	stileid.u32;
	s5 =	sadd.s32 $0x3C6000, s7  }
0x8: {  	s8 =	sshll.u32 s6, $0x4;
	_ =	strace $0x80000059;
	s11 =	ssub.s32 $0x2, s6  }
.Ltmp0:
0x9: {  	s6 =	sadd.s32 $0x286000, s7;
	s9 =	sor.u32 s3, s8;
	(pc) =	sbr.rel .LBB2_1-.Ltmp0, $4  }
0xa: {  	s12 =	sshrl.u32 s11, $0x1;
	s8 =	sshll.u32 s9, $0x3;
	s10 =	smul.u32 $0x280, s9  }
0xb: {  	s11 =	ssub.s32 s11, s12;
	s12 =	simm.s32 $0x4860;
	s8 =	sadd.s32 s8, s7  }
0xc: {  	s11 =	smax.u32 s11, $0x1;
	s10 =	sadd.s32 s10, s7;
	s7 =	smul.u32 $0x3FFFEC0, s9  }
0xd: {  	s8 =	sadd.s32 $0x506000, s8;
	s9 =	smul.u32 $0x50000, s9;
	s10 =	sadd.s32 $0x2D200, s10  }
.LBB2_13:
0xe: {  	s16 =	sadd.s32 $0x1, s16  }
0xf: {  	p0 =	sne.s32 s16, s11  }
.Ltmp1:
0x10: {  	_ = 	snop;
	(pc) =	sbr.rel @!p0 .LBB2_14-.Ltmp1, $4  }
0x11: {  	[hbm4b:s10+s4] =	stream.linear.scatter [tilespmem:s12], [sflag:$0x1], $0x1400, $0x38;
	[tilespmem:$0x5C60] =	vst v63  }
0x12: {  	_ =	swait.ge [sflag:s13], $0x1400  }
0x13: {  	[sflag:s13] =	ssyncset.done $0x0  }
0x14: {  	[sflag:s13] =	ssyncadd.s32 $0xFFFFEC00  }
.LBB2_1:
0x15: {  	[tilespmem:s12], [sflag:$0x1] =	stream.linear.gather [hbm4b:s2+s4], $0x1400, $0x38;
	[tilespmem:$0x5C60] =	vst v63  }
0x16: {  	_ =	swait.ge [sflag:s13], $0x1400  }
0x17: {  	[sflag:s13] =	ssyncset.done $0x0  }
.Ltmp2:
0x18: {  	[sflag:s13] =	ssyncadd.s32 $0xFFFFEC00;
	(pc) =	sbr.rel .LBB2_2-.Ltmp2, $4  }
0x19: {  	[tilespmem:s14], [sflag:$0x1] =	stream.linear.gather [hbm4b:s8+s4], $0x40, $0x38;
	[tilespmem:$0x5C60] =	vst v63  }
0x1a: {  	_ =	swait.ge [sflag:s13], $0x40  }
0x1b: {  	[sflag:s13] =	ssyncset.done $0x0  }
0x1c: {  	s17 =	simm.s32 $0x0;
	[sflag:s13] =	ssyncadd.s32 $0xFFFFFFC0  }
.LBB2_12:
0x1d: {  	s17 =	sadd.s32 $0x1, s17  }
0x1e: {  	p0 =	sne.s32 s17, $0x28  }
.Ltmp3:
0x1f: {  	_ = 	snop;
	(pc) =	sbr.rel @!p0 .LBB2_13-.Ltmp3, $1  }
0x20: {  	_ =	sdelay $0x3  }
.LBB2_2:
0x21: {  	v0 =	vld [tilespmem:s17+$0x4020];
	_ =	sdelay $0x4  }
0x22: {  	(v2sf) =	vpush v0, $0x0;
	_ =	sdelay $0xe  }
0x23: {  	s18 =	spop (v2sf)  }
0x24: {  	p0 =	slt.s32 s18, $0x1  }
0x25: {  	s19 =	sshll.u32 @!p0 s17, $0xD  }
0x26: {  	p1 =	sgt.u32 @!p0 s18, $0x800;
	s19 =	sadd.s32 @!p0 s9, s19  }
0x27: {  	p2 =	por !p1, p0;
	s19 =	sshrl.u32 @!p0 s19, $0x3  }
0x28: {  	s21 =	simm.s32 @!p2 $0x0;
	s22 =	simm.s32 @!p2 $0x1;
	s20 =	sadd.s32 @!p0 s5, s19  }
0x29: {  	[tilespmem:s21], [sflag:$0x1] =	stream.linear.gather @!p2 [hbm4b:s20+s21], $0x2000, $0x38;
	[tilespmem:$0x5C60] =	vst v63  }
0x2a: {  	_ =	swait.ge @!p2 [sflag:s22], $0x2000  }
0x2b: {  	[sflag:s22] =	ssyncset.done @!p2 $0x0  }
0x2c: {  	s23 =	simm.s32 @!p2 $0x2010;
	s19 =	sadd.s32 @!p0 s6, s19;
	[sflag:s22] =	ssyncadd.s32 @!p2 $0xFFFFE000  }
0x2d: {  	[tilespmem:s23], [sflag:$0x1] =	stream.linear.gather @!p2 [hbm4b:s19+s21], $0x2000, $0x38;
	[tilespmem:$0x5C60] =	vst v63  }
0x2e: {  	_ =	swait.ge @!p2 [sflag:s22], $0x2000  }
0x2f: {  	p1 =	por p1, p0;
	[sflag:s22] =	ssyncset.done @!p2 $0x0  }
0x30: {  	s21 =	simm.s32 @!p1 $0x0;
	[sflag:s22] =	ssyncadd.s32 @!p2 $0xFFFFE000  }
0x31: {  	[tilespmem:s21], [sflag:$0x1] =	stream.linear.gather @!p1 [hbm4b:s20+s21], $0x800, $0x38;
	[tilespmem:$0x5C60] =	vst v63  }
0x32: {  	s20 =	simm.s32 @!p1 $0x1  }
0x33: {  	_ =	swait.ge @!p1 [sflag:s20], $0x800  }
0x34: {  	[sflag:s20] =	ssyncset.done @!p1 $0x0  }
0x35: {  	s22 =	simm.s32 @!p1 $0x2010;
	[sflag:s20] =	ssyncadd.s32 @!p1 $0xFFFFF800  }
0x36: {  	[tilespmem:s22], [sflag:$0x1] =	stream.linear.gather @!p1 [hbm4b:s19+s21], $0x800, $0x38;
	[tilespmem:$0x5C60] =	vst v63  }
0x37: {  	s19 =	sadd.s32 @!p0 $0x7F, s18  }
0x38: {  	s19 =	sshra.s32 @!p0 s19, $0x7  }
0x39: {  	p2 =	slt.s32 @!p0 s19, $0x1  }
0x3a: {  	p2 =	por p0, p2  }
.Ltmp4:
0x3b: {  	_ = 	snop;
	(pc) =	sbr.rel @p2 .LBB2_12-.Ltmp4, $4  }
0x3c: {  	_ = 	snop  }
0x3d: {  	_ =	swait.ge @!p1 [sflag:s20], $0x800  }
0x3e: {  	[sflag:s20] =	ssyncset.done @!p1 $0x0  }
0x3f: {  	[sflag:s20] =	ssyncadd.s32 @!p1 $0xFFFFF800  }
.Ltmp5:
0x40: {  	(pc) =	sbr.rel .LBB2_4-.Ltmp5, $2  }
0x41: {  	_ =	sdelay $0x2  }
0x42: {  	s20 =	simm.s32 @!p0 $0x0;
	s21 =	simm.s32 @!p0 $0x2010;
	s22 =	smov.u32 s18  }
.LBB2_6:
0x43: {  	s24 =	simm.s32 $0x4060  }
.LBB2_10:
0x44: {  	(v2sf) =	vpush v0, $0x0;
	_ =	sdelay $0xe  }
0x45: {  	s25 =	spop (v2sf)  }
0x46: {  	s24 =	sadd.s32 @p0 $0x10, s24;
	s25 =	sadd.s32 s7, s25  }
0x47: {  	s23 =	smov.u32 @p0 s24;
	s25 =	sshll.u32 s25, $0x6  }
0x48: {  	v63 =	vld [tilespmem:s23+$0x0];
	s31 =	sshra.s32 s25, $0x2  }
0x49: {  	v1 =	vld [tilespmem:s31+$0x4860];
	_ =	sdelay $0x4  }
0x4a: {  	v0 =	vadd.f32 v63, v1;
	_ =	sdelay $0x1  }
0x4b: {  	[tilespmem:s31+$0x4860] =	vst v0  }
.LBB2_11:
0x4c: {  	s20 =	sadd.s32 $0x1, s20  }
0x4d: {  	p0 =	sne.s32 s20, s19  }
.Ltmp6:
0x4e: {  	_ = 	snop;
	(pc) =	sbr.rel @!p0 .LBB2_12-.Ltmp6, $2  }
0x4f: {  	_ =	sdelay $0x2  }
0x50: {  	s22 =	sadd.s32 $0xFFFFFF80, s22;
	s21 =	sadd.s32 $0x80, s21  }
.LBB2_4:
0x51: {  	s24 =	sshll.u32 s20, $0x7;
	s23 =	simm.s32 $0x4060  }
0x52: {  	[tilespmem:s23], [sflag:$0x1] =	stream.indirect.gather [hbm4b:s1+s15], $0x10, s24, s15, $0xb8;
	[tilespmem:$0x5C60] =	vst v63  }
0x53: {  	s24 =	ssub.s32 s18, s24  }
0x54: {  	p0 =	slt.s32 s24, $0x1  }
.Ltmp7:
0x55: {  	_ = 	snop;
	(pc) =	sbr.rel @p0 .LBB2_11-.Ltmp7, $4  }
0x56: {  	_ = 	snop  }
0x57: {  	_ =	swait.ge [sflag:s13], $0x800  }
0x58: {  	[sflag:s13] =	ssyncset.done $0x0  }
0x59: {  	[sflag:s13] =	ssyncadd.s32 $0xFFFFF800  }
0x5a: {  	p0 =	sgt.s32 s22, $0x1;
	s24 =	smov.u32 s22  }
0x5b: {  	s24 =	simm.s32 @!p0 $0x1  }
0x5c: {  	s24 =	smin.u32 s24, $0x80  }
0x5d: {  	p1 =	sne.s32 s24, $0x1  }
.Ltmp8:
0x5e: {  	v0 =	vld [tilespmem:s21+$0x0];
	(pc) =	sbr.rel @!p1 .LBB2_6-.Ltmp8, $2  }
0x5f: {  	_ =	sdelay $0x2  }
0x60: {  	p0 =	por $0x0, $0x0;
	s24 =	sadd.s32 $0xFFFFFFFF, s24  }
0x61: {  	(v2sf) =	vpush v0, $0x0;
	_ =	sdelay $0xe  }
0x62: {  	s25 =	spop (v2sf)  }
0x63: {  	s25 =	sadd.s32 s7, s25  }
0x64: {  	s25 =	sshll.u32 s25, $0x6  }
0x65: {  	v0 =	vld [tilespmem:s23+$0x0];
	s25 =	sshra.s32 s25, $0x2  }
0x66: {  	v1 =	vld [tilespmem:s25+$0x4860];
	_ =	sdelay $0x4  }
0x67: {  	v0 =	vadd.f32 v0, v1;
	_ =	sdelay $0x1  }
0x68: {  	p1 =	sne.s32 s24, $0x1;
	[tilespmem:s25+$0x4860] =	vst v0;
	s25 =	sadd.s32 $0x1, s21  }
.Ltmp9:
0x69: {  	v0 =	vld [tilespmem:s25+$0x0];
	(pc) =	sbr.rel @!p1 .LBB2_8-.Ltmp9, $2  }
0x6a: {  	_ =	sdelay $0x2  }
0x6b: {  	s26 =	sadd.s32 $0xFFFFFFFF, s24;
	p0 =	por $0x1, $0x1;
	s24 =	simm.s32 $0x4060  }
.LBB2_9:
0x6c: {  	p1 =	sne.s32 s26, $0x1;
	_ =	sdelay $0x3  }
0x6d: {  	(v2sf) =	vpush v0, $0x0;
	_ =	sdelay $0xe  }
0x6e: {  	s28 =	spop (v2sf)  }
0x6f: {  	s28 =	sadd.s32 s7, s28  }
0x70: {  	s24 =	sadd.s32 $0x10, s24;
	s28 =	sshll.u32 s28, $0x6  }
0x71: {  	s28 =	sshra.s32 s28, $0x2;
	v0 =	vld [tilespmem:s24+$0x0]  }
0x72: {  	v1 =	vld [tilespmem:s28+$0x4860];
	_ =	sdelay $0x3  }
.Ltmp10:
0x73: {  	(pc) =	sbr.rel @p1 .LBB2_9-.Ltmp10, $3  }
0x74: {  	v0 =	vadd.f32 v0, v1;
	_ =	sdelay $0x1  }
0x75: {  	s25 =	sadd.s32 $0x1, s25;
	[tilespmem:s28+$0x4860] =	vst v0  }
0x76: {  	s26 =	sadd.s32 $0xFFFFFFFF, s26;
	v0 =	vld [tilespmem:s25+$0x0]  }
.Ltmp11:
0x77: {  	_ = 	snop;
	(pc) =	sbr.rel .LBB2_10-.Ltmp11, $1  }
0x78: {  	_ =	sdelay $0x3  }
.LBB2_8:
.Ltmp12:
0x79: {  	(pc) =	sbr.rel .LBB2_10-.Ltmp12, $2  }
0x7a: {  	_ =	sdelay $0x2  }
0x7b: {  	s24 =	simm.s32 $0x4060  }
.LBB2_14:
0x7c: {  	_ =	sfence.sel $0x180000  }
0x7d: {  	[bflag:$0x0] =	sbarrier.arrive $0xFFFF  }
0x7e: {  	p0 =	sne.s32 s3, $0x0;
	_ =	strace $0x90000059  }
0x7f: {  	s0 =	sadd.s32 @!p0 $0x100000, s0;
	[bflag:$0x2] =	sbarrier.arrive $0xFFFF  }
0x80: {  	[sflag:s0] =	ssyncadd.tile.s32 @!p0 $0x1;
	_ =	shalt  }
.Lfunc_end2:
_tile_overlayer_lowered:
.L_overlay_start_2:
0x81: {  	(tag) =	ssettag $0x2  }
0x82: {  	s0 =	rddreg [dreg:$0x0];
	s2 =	stileid.u32  }
0x83: {  	s1 =	rddreg [dreg:$0x1];
	p0 =	sne.s32 s2, $0x0  }
0x84: {  	s3 =	rddreg [dreg:$0x2];
	[bflag:$0x3] =	sbarrier.arrive $0xFFFF;
	s2 =	simm.s32 @!p0 $0x1C01  }
0x85: {  	[timem:s3], [sflag:s2] =	dma.local @!p0 [hbm:s0], s1  }
0x86: {  	s0 =	simm.s32 @!p0 $0x1  }
0x87: {  	_ =	swait.ge @!p0 [sflag:s0], s1  }
0x88: {  	s1 =	ssub.s32 @!p0 $0x0, s1;
	[sflag:s0] =	ssyncset.done @!p0 $0x0  }
0x89: {  	[sflag:s0] =	ssyncadd.s32 @!p0 s1  }
0x8a: {  	[bflag:$0x3] =	sbarrier.arrive $0xFFFF  }
0x8b: {  	_ =	shalt  }

// kernel: kernel.29.cloned.1.call-start
scs
__scs_entry_jumppad:
0x0: {  	(pc) =	sbr.rel $0x88, $3  }
0x1: {  	(tag) =	ssettag $0x0;
	lr =	simm.s32 $0x1  }
0x2: {  	[smem:$0x3F91] =	sst lr;
	_ =	strace $0xD0000000  }
0x3: {  	_ = 	snop  }
0x4: {  	_ = 	snop  }
0x5: {  	_ = 	snop  }
0x6: {  	_ = 	snop  }
0x7: {  	_ = 	snop  }
__scs_overlays_trampoline_lowered:
0x8: {  	[smem:$0x3FA0] =	sst s0  }
0x9: {  	[smem:$0x3FA1] =	sst s1  }
0xa: {  	[smem:$0x3FA2] =	sst s2  }
0xb: {  	[smem:$0x3FA3] =	sst s3  }
0xc: {  	[smem:$0x3FA4] =	sst s4  }
0xd: {  	[smem:$0x3FA5] =	sst s5  }
0xe: {  	[smem:$0x3FA6] =	sst s6  }
0xf: {  	[smem:$0x3FA7] =	sst s7  }
0x10: {  	[smem:$0x3FA8] =	sst s8  }
0x11: {  	[smem:$0x3FA9] =	sst s9;
	s0 =	simm.s32 @!p0 $0x0  }
0x12: {  	s1 =	sld [smem:$0x3F8F];
	s0 =	simm.s32 @p0 $0x1  }
0x13: {  	[smem:$0x3FAA] =	sst s0;
	s0 =	simm.s32 @!p1 $0x0  }
0x14: {  	s2 =	sld [smem:$0x3F8E];
	s0 =	simm.s32 @p1 $0x1  }
0x15: {  	[smem:$0x3FAB] =	sst s0;
	s0 =	simm.s32 @!p2 $0x0  }
0x16: {  	s3 =	sld [smem:$0x3FDB];
	s0 =	simm.s32 @p2 $0x1  }
0x17: {  	s4 =	simm.s32 $0x1BF5;
	[smem:$0x3FAD] =	sst s0  }
0x18: {  	s0 =	sld [smem:$0x3F90];
	_ =	swait.ge [sflag:s4], $0x0  }
0x19: {  	s7 =	sld [smem:$0x3F91]  }
0x1a: {  	s8 =	sadd.s32 $0xFFFFE003, lr  }
0x1b: {  	s9 =	sadd.s32 $0xFFFFFEF7, lr;
	s5 =	simm.s32 $0xFFFFFFFF;
	p2 =	slt.u32 s8, $0xFFFFF086  }
0x1c: {  	p1 =	slt.u32 s9, $0xF7A;
	s5 =	simm.s32 @!p2 $0x0  }
0x1d: {  	s5 =	simm.s32 @p1 $0x1;
	p0 =	seq.s32 s7, s2  }
0x1e: {  	s7 =	smul.u32 @!p0 $0xF7A, s2;
	p2 =	seq.s32 @!p0 s5, $0x0  }
0x1f: {  	s9 =	smul.u32 $0xF7A, s1;
	s8 =	simm.s32 @!p0 $0x1BF5;
	p2 =	por !p2, p0  }
0x20: {  	[sflag:s8] =	ssyncset.s32 @!p0 $0xFFFFF086;
	s6 =	sadd.s32 @!p0 s3, s7;
	s7 =	simm.s32 @!p0 $0x108  }
0x21: {  	s3 =	sadd.s32 s3, s9;
	s6 =	sadd.s32 @!p0 $0x88, s6;
	s7 =	simm.s32 @p2 $0x1082  }
0x22: {  	[simem:s7], [sflag:s8] =	dma.local @!p0 [hbm:s6], $0xF7A  }
0x23: {  	s9 =	sor.u32 $0xD0000000, s2;
	s6 =	simm.s32 $0x108;
	_ =	swait.ge @!p0 [sflag:s8], $0x0  }
0x24: {  	s3 =	sadd.s32 $0x88, s3;
	s6 =	simm.s32 @!p1 $0x1082;
	[sflag:s4] =	ssyncset.s32 $0xFFFFF086  }
0x25: {  	[simem:s6], [sflag:s4] =	dma.local [hbm:s3], $0xF7A  }
0x26: {  	[smem:$0x3F91] =	sst s1;
	(tag) =	ssettag s2;
	_ =	strace s9  }
0x27: {  	s1 =	sld [smem:$0x3FA1]  }
0x28: {  	s2 =	sld [smem:$0x3FA2]  }
0x29: {  	s4 =	sld [smem:$0x3FA4]  }
0x2a: {  	p0 =	seq.s32 s5, $0x0;
	s5 =	sld [smem:$0x3FA5]  }
0x2b: {  	s6 =	sld [smem:$0x3FA6]  }
0x2c: {  	s7 =	sld [smem:$0x3FA7]  }
0x2d: {  	s3 =	simm.s32 $0x108;
	s8 =	sld [smem:$0x3FA8]  }
0x2e: {  	s3 =	simm.s32 @!p0 $0x1082;
	s9 =	sld [smem:$0x3FA9]  }
0x2f: {  	lr =	sadd.s32 s0, s3;
	s0 =	sld [smem:$0x3FA0]  }
0x30: {  	s3 =	sld [smem:$0x3FA3]  }
0x31: {  	[smem:$0x3FAC] =	sst s10  }
0x32: {  	s10 =	sld [smem:$0x3FAA];
	_ =	sdelay $0x3  }
0x33: {  	p0 =	seq.s32 s10, $0x1;
	s10 =	sld [smem:$0x3FAC];
	_ =	sdelay $0x3  }
0x34: {  	[smem:$0x3FAC] =	sst s10  }
0x35: {  	s10 =	sld [smem:$0x3FAB];
	_ =	sdelay $0x3  }
0x36: {  	p1 =	seq.s32 s10, $0x1;
	s10 =	sld [smem:$0x3FAC];
	_ =	sdelay $0x3  }
0x37: {  	[smem:$0x3FAC] =	sst s10  }
0x38: {  	s10 =	sld [smem:$0x3FAD]  }
0x39: {  	_ = 	snop;
	(pc) =	sbr.ind lr, $3  }
0x3a: {  	_ = 	snop  }
0x3b: {  	_ = 	snop  }
0x3c: {  	p2 =	seq.s32 s10, $0x1;
	s10 =	sld [smem:$0x3FAC]  }
0x3d: {  	_ =	shalt  }
0x3e: {  	_ =	shalt  }
0x3f: {  	_ =	shalt  }
0x40: {  	_ =	shalt  }
0x41: {  	_ =	shalt  }
0x42: {  	_ =	shalt  }
0x43: {  	_ =	shalt  }
0x44: {  	_ =	shalt  }
0x45: {  	_ =	shalt  }
0x46: {  	_ =	shalt  }
0x47: {  	_ =	shalt  }
0x48: {  	_ =	shalt  }
0x49: {  	_ =	shalt  }
0x4a: {  	_ =	shalt  }
0x4b: {  	_ =	shalt  }
0x4c: {  	_ =	shalt  }
0x4d: {  	_ =	shalt  }
0x4e: {  	_ =	shalt  }
0x4f: {  	_ =	shalt  }
0x50: {  	_ =	shalt  }
0x51: {  	_ =	shalt  }
0x52: {  	_ =	shalt  }
0x53: {  	_ =	shalt  }
0x54: {  	_ =	shalt  }
0x55: {  	_ =	shalt  }
0x56: {  	_ =	shalt  }
0x57: {  	_ =	shalt  }
0x58: {  	_ =	shalt  }
0x59: {  	_ =	shalt  }
0x5a: {  	_ =	shalt  }
0x5b: {  	_ =	shalt  }
0x5c: {  	_ =	shalt  }
0x5d: {  	_ =	shalt  }
0x5e: {  	_ =	shalt  }
0x5f: {  	_ =	shalt  }
0x60: {  	_ =	shalt  }
0x61: {  	_ =	shalt  }
0x62: {  	_ =	shalt  }
0x63: {  	_ =	shalt  }
0x64: {  	_ =	shalt  }
0x65: {  	_ =	shalt  }
0x66: {  	_ =	shalt  }
0x67: {  	_ =	shalt  }
0x68: {  	_ =	shalt  }
0x69: {  	_ =	shalt  }
0x6a: {  	_ =	shalt  }
0x6b: {  	_ =	shalt  }
0x6c: {  	_ =	shalt  }
0x6d: {  	_ =	shalt  }
0x6e: {  	_ =	shalt  }
0x6f: {  	_ =	shalt  }
0x70: {  	_ =	shalt  }
0x71: {  	_ =	shalt  }
0x72: {  	_ =	shalt  }
0x73: {  	_ =	shalt  }
0x74: {  	_ =	shalt  }
0x75: {  	_ =	shalt  }
0x76: {  	_ =	shalt  }
0x77: {  	_ =	shalt  }
0x78: {  	_ =	shalt  }
0x79: {  	_ =	shalt  }
0x7a: {  	_ =	shalt  }
0x7b: {  	_ =	shalt  }
0x7c: {  	_ =	shalt  }
0x7d: {  	_ =	shalt  }
0x7e: {  	_ =	shalt  }
0x7f: {  	_ =	shalt  }
0x80: {  	_ =	shalt  }
0x81: {  	_ =	shalt  }
0x82: {  	_ =	shalt  }
0x83: {  	_ =	shalt  }
0x84: {  	_ =	shalt  }
0x85: {  	_ =	shalt  }
0x86: {  	_ =	shalt  }
0x87: {  	_ =	shalt  }
.Lfunc_end0:
.L_simem_size_0:
called_computation.7_lowered:
.L_overlay_start_0:
0x88: {  	s2 =	sld [smem:$0x3FD9]  }
0x89: {  	s3 =	sld [smem:$0x3FFE];
	_ =	sdelay $0x1  }
0x8a: {  	s1 =	srdreg.scid  }
0x8b: {  	s0 =	sand.u32 $0x1, s1  }
0x8c: {  	s16 =	sshll.u32 s0, $0xA;
	s2 =	sadd.s32 s3, s2  }
0x8d: {  	s2 =	sadd.s32 s2, s16  }
0x8e: {  	[smem:$0x3FB8] =	sst s2  }
0x8f: {  	_ = 	snop  }
0x90: {  	(tm) =	ssettm $0x1  }
0x91: {  	s17 =	sld [smem:$0x3FFB];
	_ =	sdelay $0x3  }
0x92: {  	_ =	strace s17  }
0x93: {  	s2 =	sld [smem:$0x3FFC];
	_ =	sdelay $0x3  }
0x94: {  	_ =	strace s2  }
0x95: {  	s2 =	sld [smem:$0x3FFD];
	_ =	sdelay $0x3  }
0x96: {  	_ =	strace s2  }
0x97: {  	_ =	strace $0x8FFFFFFF  }
0x98: {  	s18 =	sld [smem:$0x3FDB];
	_ =	sdelay $0x1  }
0x99: {  	s19 =	simm.s32 $_scs_section_size  }
0x9a: {  	s4 =	simm.s32 $_size__tile_overlayer_lowered;
	s5 =	simm.s32 $_tile_overlayer_lowered  }
0x9b: {  	s22 =	simm.s32 $0x1BFF;
	s21 =	sshll.u32 s5, $0x1;
	s2 =	sadd.s32 s19, s18  }
0x9c: {  	s6 =	simm.s32 $0x0;
	s20 =	sshll.u32 s4, $0x1;
	s4 =	sadd.s32 s21, s2  }
0x9d: {  	[timem:s6], [sflag:s22] =	dma.local [hbm:s4], s20  }
0x9e: {  	_ =	swait.ge [sflag:s22], s20  }
0x9f: {  	s3 =	ssub.s32 $0x0, s20;
	[sflag:s22] =	ssyncset.done $0x0  }
0xa0: {  	[sflag:s22] =	ssyncadd.s32 s3;
	_ =	sdelay $0x1  }
0xa1: {  	s23 =	simm.s32 $0x1B8B  }
0xa2: {  	_ =	swait.ge [sflag:s23], $0x1  }
0xa3: {  	[sflag:s23] =	ssyncset.done $0x0  }
0xa4: {  	s25 =	simm.s32 $0x1B8E;
	s24 =	sld [smem:$0x3FFE];
	[sflag:s23] =	ssyncadd.s32 $0xFFFFFFFF  }
0xa5: {  	s26 =	simm.s32 $execute0_lowered;
	[smem:$0x3FD2] =	sst s25  }
0xa6: {  	s4 =	sshll.u32 s26, $0x1;
	_ =	strace $0x8000005B;
	[dreg:$0x1] =	wrdreg $0xFFFFFFFF  }
0xa7: {  	s28 =	simm.s32 $_size_execute0_lowered;
	s2 =	sadd.s32 s2, s4;
	[dreg:$0x0] =	wrdreg $0x0  }
0xa8: {  	s4 =	sshll.u32 s28, $0x1;
	[dreg:$0x2] =	wrdreg s2  }
0xa9: {  	[dreg:$0x3] =	wrdreg s4  }
0xaa: {  	[dreg:$0x4] =	wrdreg $0xC0  }
0xab: {  	_ =	task [dreg:s6], $0x5FFFF  }
0xac: {  	[dreg:$0x1] =	wrdreg $0xFFFFFFFF  }
0xad: {  	[dreg:$0x0] =	wrdreg $0x60  }
0xae: {  	[dreg:$0x2] =	wrdreg s24  }
0xaf: {  	[dreg:$0x3] =	wrdreg $0x9  }
0xb0: {  	_ =	task.clear_ibuf [dreg:s6], $0x4FFFF;
	_ =	strace $0x9000005B  }
0xb1: {  	s29 =	simm.s32 $0x9;
	_ =	strace $0x8000005D  }
0xb2: {  	_ =	swait.ge [sflag:s29], $0x1  }
0xb3: {  	[sflag:s29] =	ssyncadd.s32 $0xFFFFFFFF  }
0xb4: {  	_ =	strace $0x9000005D  }
0xb5: {  	_ =	sfence  }
0xb6: {  	s30 =	sld [smem:$0x0];
	_ =	sdelay $0x2  }
0xb7: {  	s31 =	sshll.u32 s1, $0xD;
	s1 =	sshrl.u32 s1, $0x2  }
0xb8: {  	s3 =	sand.u32 $0x4000, s31;
	s1 =	sadd.s32 s1, s30  }
0xb9: {  	s0 =	sor.u32 s3, s0;
	s1 =	sshll.u32 s1, $0x11  }
0xba: {  	s0 =	sor.u32 s1, s0  }
0xbb: {  	s0 =	sadd.s32 $0x8F2B, s0  }
0xbc: {  	[sflag:s0] =	ssyncadd.remote.s32 $0x1  }
0xbd: {  	_ =	sfence.sel $0xFFFF  }
0xbe: {  	[dreg:$0x0] =	wrdreg $0xFFFFFFFF;
	(pc) =	sbr.abs _section_cstart, $3  }
0xbf: {  	[dreg:$0x1] =	wrdreg $0xFFFFFFFF  }
0xc0: {  	_ =	task.clear_ibuf [dreg:s6], $0x2FFFF;
	_ =	strace $0x9FFFFFFF  }
0xc1: {  	(tm) =	ssettm $0x7FFFFFFF  }
tec
execute0_lowered:
.L_overlay_start_1:
0x0: {  	(tag) =	ssettag $0x1  }
0x1: {  	s4 =	rddreg [dreg:$0x0]  }
0x2: {  	s1 =	srdreg.scid;
	s0 =	rddreg [dreg:$0x1];
	s2 =	simm.s32 $0x0  }
0x3: {  	s10 =	simm.s32 $0x16400;
	s11 =	simm.s32 $0x16800;
	s12 =	simm.s32 $0x0  }
0x4: {  	s5 =	sand.u32 $0x1, s1;
	[smem:$0x7FF] =	sst s2;
	s1 =	stileid.u32  }
0x5: {  	s3 =	sshll.u32 s5, $0x4;
	_ =	strace $0x8000005C;
	s8 =	sshll.u32 s1, $0x4  }
0x6: {  	s5 =	ssub.s32 $0x2, s5;
	s6 =	sor.u32 s1, s3;
	s3 =	sadd.s32 $0x2D200, s4  }
0x7: {  	s8 =	sand.u32 $0x70, s8;
	s7 =	smul.u32 $0x78, s6;
	s6 =	sshll.u32 s6, $0x4  }
0x8: {  	s9 =	sshrl.u32 s5, $0x1;
	s8 =	sadd.s32 s8, s4;
	s6 =	sand.u32 $0x180, s6  }
0x9: {  	s9 =	ssub.s32 s5, s9;
	s7 =	sadd.s32 s7, s4;
	s6 =	sadd.s32 s6, s8  }
0xa: {  	s8 =	simm.s32 $0x1;
	s4 =	sadd.s32 $0x81600, s7;
	s5 =	sadd.s32 $0x80600, s7  }
0xb: {  	s6 =	sadd.s32 $0x2FE00, s6;
	s7 =	smax.u32 s9, $0x1;
	s9 =	simm.s32 $0x16000  }
.LBB2_1:
0xc: {  	[tilespmem:s2], [sflag:$0x1] =	stream.linear.gather [hbm4b:s3+s2], $0x16000, $0x38;
	[tilespmem:$0x16880] =	vst v63  }
0xd: {  	_ =	swait.ge [sflag:s8], $0x16000  }
0xe: {  	[sflag:s8] =	ssyncset.done $0x0  }
0xf: {  	[sflag:s8] =	ssyncadd.s32 $0xFFFEA000  }
0x10: {  	[tilespmem:s9], [sflag:$0x1] =	stream.linear.gather [hbm4b:s4+s2], $0x3C0, $0x38;
	[tilespmem:$0x16880] =	vst v63  }
0x11: {  	_ =	swait.ge [sflag:s8], $0x3C0  }
0x12: {  	[sflag:s8] =	ssyncset.done $0x0  }
0x13: {  	[sflag:s8] =	ssyncadd.s32 $0xFFFFFC40  }
0x14: {  	[tilespmem:s10], [sflag:$0x1] =	stream.linear.gather [hbm4b:s5+s2], $0x3C0, $0x38;
	[tilespmem:$0x16880] =	vst v63  }
0x15: {  	_ =	swait.ge [sflag:s8], $0x3C0  }
0x16: {  	[sflag:s8] =	ssyncset.done $0x0  }
0x17: {  	s13 =	simm.s32 $0x0;
	[sflag:s8] =	ssyncadd.s32 $0xFFFFFC40  }
0x18: {  	v0 =	vld [tilespmem:s13+$0x16000]  }
0x19: {  	v1 =	vld [tilespmem:s13+$0x16400];
	_ =	sdelay $0x3  }
0x1a: {  	s30 =	simm.s32 $0x10;
	v2 =	vadd.s32 $0x1, v0  }
0x1b: {  	v3 =	vld [tilespmem:s30+$0x16000];
	v4 =	vadd.s32 $0x1, v1  }
0x1c: {  	v5 =	vld [tilespmem:s30+$0x16400];
	v6 =	vadd.s32 $0x2, v0  }
0x1d: {  	v7 =	vadd.s32 $0x2, v1;
	v8 =	vld.idx.msk [tilespmem:v0+s2+$0x0], $0xffff  }
0x1e: {  	v9 =	vld.idx.msk [tilespmem:v1+s2+$0x0], $0xffff  }
0x1f: {  	v12 =	vld.idx.msk [tilespmem:v2+s2+$0x0], $0xffff  }
0x20: {  	v13 =	vld.idx.msk [tilespmem:v4+s2+$0x0], $0xffff  }
0x21: {  	v0 =	vld.idx.msk [tilespmem:v6+s2+$0x0], $0xffff  }
0x22: {  	s31 =	simm.s32 $0x20;
	v10 =	vadd.s32 $0x1, v3;
	v4 =	vld.idx.msk [tilespmem:v7+s2+$0x0], $0xffff  }
0x23: {  	v1 =	vld [tilespmem:s31+$0x16000];
	v11 =	vsub.f32 v8, v9;
	v9 =	vadd.s32 $0x1, v5  }
0x24: {  	v2 =	vld [tilespmem:s31+$0x16400];
	v8 =	vadd.s32 $0x2, v3  }
0x25: {  	v6 =	vadd.s32 $0x2, v5;
	v3 =	vld.idx.msk [tilespmem:v3+s2+$0x0], $0xffff;
	v11 =	vmul.f32 v11, v11;
	v12 =	vsub.f32 v12, v13  }
0x26: {  	s13 =	simm.s32 $0xC0;
	v7 =	vimm.f32 $0.0e+00;
	v5 =	vld.idx.msk [tilespmem:v5+s2+$0x0], $0xffff  }
.LBB2_2:
0x27: {  	p0 =	sne.s32 s13, $0xEC0;
	v13 =	vld.idx.msk [tilespmem:v10+s2+$0x0], $0xffff;
	v7 =	vadd.f32 v11, v7;
	v10 =	vmul.f32 v12, v12;
	v4 =	vsub.f32 v0, v4  }
0x28: {  	v12 =	vld.idx.msk [tilespmem:v9+s2+$0x0], $0xffff;
	v11 =	vmov v1  }
0x29: {  	v0 =	vld.idx.msk [tilespmem:v8+s2+$0x0], $0xffff;
	v1 =	vadd.f32 v10, v7;
	v7 =	vmul.f32 v4, v4;
	v14 =	vmov v2  }
0x2a: {  	v4 =	vld.idx.msk [tilespmem:v6+s2+$0x0], $0xffff  }
.Ltmp0:
0x2b: {  	s14 =	sshra.s32 s13, $0x2;
	v10 =	vadd.s32 $0x1, v11;
	v7 =	vadd.f32 v7, v1;
	(pc) =	sbr.rel @p0 .LBB2_2-.Ltmp0, $4  }
0x2c: {  	v9 =	vadd.s32 $0x1, v14;
	v5 =	vsub.f32 v3, v5;
	v1 =	vld [tilespmem:s14+$0x16000]  }
0x2d: {  	v8 =	vadd.s32 $0x2, v11;
	v2 =	vld [tilespmem:s14+$0x16400]  }
0x2e: {  	v6 =	vadd.s32 $0x2, v14;
	v12 =	vsub.f32 v13, v12;
	v3 =	vld.idx.msk [tilespmem:v11+s2+$0x0], $0xffff;
	v11 =	vmul.f32 v5, v5  }
0x2f: {  	s13 =	sadd.s32 $0x40, s13;
	v5 =	vld.idx.msk [tilespmem:v14+s2+$0x0], $0xffff  }
0x30: {  	_ =	sdelay $0x3  }
0x31: {  	v10 =	vld.idx.msk [tilespmem:v10+s2+$0x0], $0xffff  }
0x32: {  	v7 =	vadd.f32 v11, v7;
	v47 =	vmul.f32 v12, v12;
	v9 =	vld.idx.msk [tilespmem:v9+s2+$0x0], $0xffff;
	v48 =	vadd.s32 $0x1, v1  }
0x33: {  	v0 =	vsub.f32 v0, v4;
	v49 =	vld.idx.msk [tilespmem:v8+s2+$0x0], $0xffff;
	v50 =	vadd.s32 $0x1, v2  }
0x34: {  	v6 =	vld.idx.msk [tilespmem:v6+s2+$0x0], $0xffff;
	v51 =	vadd.s32 $0x2, v1;
	v7 =	vadd.f32 v47, v7  }
0x35: {  	v52 =	vld.idx.msk [tilespmem:v1+s2+$0x0], $0xffff;
	v0 =	vmul.f32 v0, v0;
	v53 =	vadd.s32 $0x2, v2;
	v3 =	vsub.f32 v3, v5  }
0x36: {  	v54 =	vld.idx.msk [tilespmem:v2+s2+$0x0], $0xffff  }
0x37: {  	v0 =	vadd.f32 v0, v7;
	v55 =	vsub.f32 v10, v9;
	v3 =	vmul.f32 v3, v3;
	v56 =	vld.idx.msk [tilespmem:v48+s2+$0x0], $0xffff  }
0x38: {  	v8 =	vld.idx.msk [tilespmem:v50+s2+$0x0], $0xffff  }
0x39: {  	v4 =	vsub.f32 v49, v6;
	v58 =	vld.idx.msk [tilespmem:v51+s2+$0x0], $0xffff;
	v57 =	vmul.f32 v55, v55;
	v0 =	vadd.f32 v3, v0  }
0x3a: {  	v5 =	vld.idx.msk [tilespmem:v53+s2+$0x0], $0xffff  }
0x3b: {  	v59 =	vmul.f32 v4, v4;
	v1 =	vsub.f32 v52, v54;
	v0 =	vadd.f32 v57, v0;
	_ =	sdelay $0x1  }
0x3c: {  	v1 =	vmul.f32 v1, v1;
	v0 =	vadd.f32 v59, v0;
	v60 =	vsub.f32 v56, v8;
	_ =	sdelay $0x1  }
0x3d: {  	v62 =	vsub.f32 v58, v5;
	v0 =	vadd.f32 v1, v0;
	v61 =	vmul.f32 v60, v60;
	_ =	sdelay $0x1  }
0x3e: {  	v63 =	vmul.f32 v62, v62;
	v0 =	vadd.f32 v61, v0;
	_ =	sdelay $0x1  }
0x3f: {  	s12 =	sadd.s32 $0x1, s12;
	v0 =	vadd.f32 v63, v0  }
0x40: {  	p0 =	sne.s32 s12, s7  }
.Ltmp1:
0x41: {  	[tilespmem:$0x16800] =	vst v0;
	(pc) =	sbr.rel @p0 .LBB2_1-.Ltmp1, $4  }
0x42: {  	[hbm4b:s6+s2] =	stream.linear.scatter [tilespmem:s11], [sflag:$0x1], $0x80, $0x38;
	[tilespmem:$0x16880] =	vst v63  }
0x43: {  	_ =	swait.ge [sflag:s8], $0x80  }
0x44: {  	[sflag:s8] =	ssyncset.done $0x0  }
0x45: {  	[sflag:s8] =	ssyncadd.s32 $0xFFFFFF80  }
0x46: {  	_ =	sfence.sel $0x180000  }
0x47: {  	[bflag:$0x0] =	sbarrier.arrive $0xFFFF  }
0x48: {  	p0 =	sne.s32 s1, $0x0;
	_ =	strace $0x9000005C  }
0x49: {  	s0 =	sadd.s32 @!p0 $0x100000, s0;
	[bflag:$0x2] =	sbarrier.arrive $0xFFFF  }
0x4a: {  	[sflag:s0] =	ssyncadd.tile.s32 @!p0 $0x1;
	_ =	shalt  }
.Lfunc_end2:
_tile_overlayer_lowered:
.L_overlay_start_2:
0x4b: {  	(tag) =	ssettag $0x2  }
0x4c: {  	s0 =	rddreg [dreg:$0x0];
	s2 =	stileid.u32  }
0x4d: {  	s1 =	rddreg [dreg:$0x1];
	p0 =	sne.s32 s2, $0x0  }
0x4e: {  	s3 =	rddreg [dreg:$0x2];
	[bflag:$0x3] =	sbarrier.arrive $0xFFFF;
	s2 =	simm.s32 @!p0 $0x1C01  }
0x4f: {  	[timem:s3], [sflag:s2] =	dma.local @!p0 [hbm:s0], s1  }
0x50: {  	s0 =	simm.s32 @!p0 $0x1  }
0x51: {  	_ =	swait.ge @!p0 [sflag:s0], s1  }
0x52: {  	s1 =	ssub.s32 @!p0 $0x0, s1;
	[sflag:s0] =	ssyncset.done @!p0 $0x0  }
0x53: {  	[sflag:s0] =	ssyncadd.s32 @!p0 s1  }
0x54: {  	[bflag:$0x3] =	sbarrier.arrive $0xFFFF  }
0x55: {  	_ =	shalt  }

// kernel: sparse-core-data-format-call.1.cloned.1.call-start
scs
called_computation.1_lowered:
.L_overlay_start_0:
0x0: {  	s2 =	sld [smem:$0x3FD9]  }
0x1: {  	s3 =	sld [smem:$0x3FFE];
	_ =	sdelay $0x1  }
0x2: {  	s1 =	srdreg.scid  }
0x3: {  	s0 =	sand.u32 $0x1, s1  }
0x4: {  	s18 =	sshll.u32 s0, $0xA;
	s2 =	sadd.s32 s3, s2  }
0x5: {  	s2 =	sadd.s32 s2, s18  }
0x6: {  	[smem:$0x3FB8] =	sst s2  }
0x7: {  	_ = 	snop  }
0x8: {  	(tm) =	ssettm $0x1  }
0x9: {  	s19 =	sld [smem:$0x3FFB];
	_ =	sdelay $0x3  }
0xa: {  	_ =	strace s19  }
0xb: {  	s2 =	sld [smem:$0x3FFC];
	_ =	sdelay $0x3  }
0xc: {  	_ =	strace s2  }
0xd: {  	s2 =	sld [smem:$0x3FFD];
	_ =	sdelay $0x3  }
0xe: {  	_ =	strace s2  }
0xf: {  	_ =	strace $0x8FFFFFFF  }
0x10: {  	s20 =	sld [smem:$0x3FDB];
	_ =	sdelay $0x1  }
0x11: {  	s21 =	simm.s32 $_scs_section_size  }
0x12: {  	s4 =	simm.s32 $_size__tile_overlayer_lowered;
	s5 =	simm.s32 $_tile_overlayer_lowered  }
0x13: {  	s6 =	simm.s32 $0x1BFF;
	s22 =	sshll.u32 s5, $0x1;
	s3 =	sadd.s32 s21, s20  }
0x14: {  	s23 =	simm.s32 $0x0;
	s4 =	sshll.u32 s4, $0x1;
	s5 =	sadd.s32 s22, s3  }
0x15: {  	[timem:s23], [sflag:s6] =	dma.local [hbm:s5], s4  }
0x16: {  	_ =	swait.ge [sflag:s6], s4  }
0x17: {  	s4 =	ssub.s32 $0x0, s4;
	[sflag:s6] =	ssyncset.done $0x0  }
0x18: {  	[sflag:s6] =	ssyncadd.s32 s4;
	_ =	sdelay $0x1  }
0x19: {  	s24 =	simm.s32 $0x1B8B  }
0x1a: {  	_ =	swait.ge [sflag:s24], $0x1  }
0x1b: {  	[sflag:s24] =	ssyncset.done $0x0  }
0x1c: {  	[sflag:s24] =	ssyncadd.s32 $0xFFFFFFFF  }
0x1d: {  	s4 =	sld [smem:$0x0]  }
0x1e: {  	s5 =	sand.u32 $0xFFFFFFFE, s1  }
0x1f: {  	p0 =	sne.s32 s1, s5  }
0x20: {  	s5 =	sshll.u32 @p0 s5, $0xE  }
0x21: {  	s5 =	sadd.s32 @p0 $0x11B8D, s5;
	s6 =	sshll.u32 @p0 s4, $0x11  }
0x22: {  	s5 =	sor.u32 @p0 s6, s5  }
0x23: {  	[sflag:s5] =	ssyncadd.remote.s32 @p0 $0x1;
	_ =	sdelay $0x1  }
0x24: {  	s5 =	simm.s32 @p0 $0x1B8D  }
0x25: {  	_ =	swait.eq @p0 [sflag:s5], $0x1  }
0x26: {  	[sflag:s5] =	ssyncadd.s32 @p0 $0xFFFFFFFF  }
0x27: {  	s6 =	sshll.u32 @!p0 s1, $0xE  }
0x28: {  	s6 =	sor.u32 @!p0 $0x4000, s6;
	s5 =	simm.s32 @!p0 $0x1B8D  }
0x29: {  	s4 =	sshll.u32 @!p0 s4, $0x11;
	s6 =	sadd.s32 @!p0 $0x11B8D, s6;
	_ =	swait.eq @!p0 [sflag:s5], $0x1  }
0x2a: {  	s4 =	sor.u32 @!p0 s4, s6;
	[sflag:s5] =	ssyncadd.s32 @!p0 $0xFFFFFFFF  }
0x2b: {  	s26 =	simm.s32 $0x1B8E;
	s25 =	sld [smem:$0x3FFE];
	[sflag:s4] =	ssyncadd.remote.s32 @!p0 $0x1  }
0x2c: {  	s27 =	simm.s32 $execute0_lowered;
	[smem:$0x3FD2] =	sst s26  }
0x2d: {  	s5 =	sshll.u32 s27, $0x1;
	_ =	strace $0x8000004C;
	[dreg:$0x1] =	wrdreg $0xFFFFFFFF  }
0x2e: {  	s28 =	simm.s32 $_size_execute0_lowered;
	s3 =	sadd.s32 s3, s5;
	[dreg:$0x0] =	wrdreg $0x0  }
0x2f: {  	s5 =	sshll.u32 s28, $0x1;
	[dreg:$0x2] =	wrdreg s3  }
0x30: {  	[dreg:$0x3] =	wrdreg s5  }
0x31: {  	[dreg:$0x4] =	wrdreg $0xC0  }
0x32: {  	_ =	task [dreg:s23], $0x5FFFF  }
0x33: {  	[dreg:$0x1] =	wrdreg $0xFFFFFFFF  }
0x34: {  	[dreg:$0x0] =	wrdreg $0x60  }
0x35: {  	[dreg:$0x2] =	wrdreg s25  }
0x36: {  	[dreg:$0x3] =	wrdreg $0xA  }
0x37: {  	_ =	task.clear_ibuf [dreg:s23], $0x4FFFF;
	_ =	strace $0x9000004C  }
0x38: {  	s29 =	simm.s32 $0xA;
	_ =	strace $0x8000004E  }
0x39: {  	_ =	swait.ge [sflag:s29], $0x1  }
0x3a: {  	[sflag:s29] =	ssyncadd.s32 $0xFFFFFFFF  }
0x3b: {  	_ =	strace $0x9000004E  }
0x3c: {  	_ =	sfence  }
0x3d: {  	s30 =	sld [smem:$0x0];
	_ =	sdelay $0x2  }
0x3e: {  	s31 =	sshll.u32 s1, $0xD;
	s1 =	sshrl.u32 s1, $0x2  }
0x3f: {  	s4 =	sand.u32 $0x4000, s31;
	s1 =	sadd.s32 s1, s30  }
0x40: {  	s0 =	sor.u32 s4, s0;
	s1 =	sshll.u32 s1, $0x11  }
0x41: {  	s0 =	sor.u32 s1, s0  }
0x42: {  	s0 =	sadd.s32 $0x8F2B, s0  }
0x43: {  	[sflag:s0] =	ssyncadd.remote.s32 $0x1  }
0x44: {  	_ =	sfence.sel $0xFFFF  }
0x45: {  	[dreg:$0x0] =	wrdreg $0xFFFFFFFF;
	(pc) =	sbr.abs _section_cstart, $3  }
0x46: {  	[dreg:$0x1] =	wrdreg $0xFFFFFFFF  }
0x47: {  	_ =	task.clear_ibuf [dreg:s23], $0x2FFFF;
	_ =	strace $0x9FFFFFFF  }
0x48: {  	(tm) =	ssettm $0x7FFFFFFF  }
0x49: {  	_ =	shalt  }
tec
execute0_lowered:
.L_overlay_start_1:
0x0: {  	(tag) =	ssettag $0x1  }
0x1: {  	s1 =	rddreg [dreg:$0x0]  }
0x2: {  	s0 =	rddreg [dreg:$0x1]  }
0x3: {  	_ =	strace $0x8000004D;
	s4 =	srdreg.scid;
	s6 =	simm.s32 $0x2  }
0x4: {  	s11 =	simm.s32 $0x0;
	p0 =	por $0x0, $0x0;
	s7 =	simm.s32 $0x2000  }
.Ltmp0:
0x5: {  	s12 =	simm.s32 $0x0;
	s9 =	simm.s32 $0x0;
	(pc) =	sbr.rel .LBB1_1-.Ltmp0, $4  }
0x6: {  	s2 =	sadd.s32 $0x146000, s1;
	s3 =	sadd.s32 $0x3C6000, s1;
	s5 =	sshll.u32 s4, $0x4  }
0x7: {  	s1 =	stileid.u32;
	s4 =	simm.s32 $0x1;
	s5 =	sand.u32 $0x10, s5  }
0x8: {  	s8 =	simm.s32 $0x0;
	[sflag:s4] =	ssyncpa.u1 $0x0;
	s5 =	sor.u32 s1, s5  }
0x9: {  	[sflag:s6] =	ssyncpa.u1 $0x0;
	s6 =	simm.s32 $0x800;
	s10 =	smov.u32 s5  }
.LBB1_7:
0xa: {  	s13 =	sadd.s32 $0x10, s9  }
0xb: {  	s11 =	sadd.s32 $0x20, s10;
	s15 =	smov.u32 s10;
	p2 =	sgt.s32 s13, $0x3F  }
0xc: {  	p1 =	slt.u32 s8, $0x2;
	s15 =	smov.u32 @p2 s11  }
0xd: {  	s8 =	sadd.s32 $0x1, s8;
	s13 =	simm.s32 @p2 $0x0;
	p2 =	sgt.s32 s15, $0x9F  }
0xe: {  	s15 =	smov.u32 @p2 s5;
	p2 =	sne.s32 s8, $0x16  }
.Ltmp1:
0xf: {  	_ = 	snop;
	(pc) =	sbr.rel @!p2 .LBB1_8-.Ltmp1, $4  }
0x10: {  	s14 =	simm.s32 @!p1 $0x2  }
0x11: {  	s12 =	smov.u32 s10;
	_ =	swait.ge @!p1 [sflag:s14], $0x4000  }
0x12: {  	p0 =	por !p0, !p0;
	s11 =	smov.u32 s9;
	[sflag:s14] =	ssyncset.done @!p1 $0x0  }
0x13: {  	s9 =	smov.u32 s13;
	[sflag:s14] =	ssyncadd.s32 @!p1 $0xFFFFC000;
	s10 =	smov.u32 s15  }
.LBB1_1:
0x14: {  	p1 =	sgt.u32 s8, $0x13  }
0x15: {  	s13 =	sxor.u32 @!p1 $0xFFFFFFFF, s8;
	s14 =	sshll.u32 @!p1 s10, $0xD  }
0x16: {  	s15 =	sshll.u32 @!p1 s9, $0x7;
	s13 =	sshll.u32 @!p1 s13, $0xE;
	s14 =	sadd.s32 @!p1 s2, s14  }
0x17: {  	s13 =	sand.u32 @!p1 $0x4000, s13;
	s14 =	sadd.s32 @!p1 s15, s14;
	s15 =	simm.s32 @!p1 $0x0  }
0x18: {  	[tilespmem:s13], [sflag:$0x1] =	stream.linear.gather @!p1 [hbm4b:s14+s15], $0x4000, $0x38;
	[tilespmem:$0x10000] =	vst v63  }
0x19: {  	p1 =	seq.s32 s8, $0x0  }
0x1a: {  	p2 =	seq.s32 @!p1 s8, $0x15  }
0x1b: {  	p1 =	por p1, p2  }
.Ltmp2:
0x1c: {  	_ = 	snop;
	(pc) =	sbr.rel @p1 .LBB1_7-.Ltmp2, $1  }
0x1d: {  	_ =	sdelay $0x3  }
0x1e: {  	s13 =	simm.s32 $0x1;
	_ =	swait.ge [sflag:s4], $0x4000;
	s16 =	sshll.u32 s8, $0xE  }
0x1f: {  	s13 =	simm.s32 @!p0 $0x0;
	[sflag:s4] =	ssyncset.done $0x0;
	s31 =	sand.u32 $0x4000, s16  }
0x20: {  	s16 =	simm.s32 $0x0;
	s14 =	sshll.u32 s13, $0xE;
	[sflag:s4] =	ssyncadd.s32 $0xFFFFC000  }
0x21: {  	s13 =	sor.u32 $0x8040, s14;
	s15 =	sor.u32 $0x40, s14;
	s14 =	sor.u32 $0x8000, s31  }
.LBB1_3:
0x22: {  	v0 =	vmov s15;
	_ =	sdelay $0x3  }
0x23: {  	s18 =	simm.s32 $0x0  }
0x24: {  	v6 =	vld.idx.msk [tilespmem:v0+s18+$0x30 ss:$0x1], $0xffff  }
0x25: {  	v7 =	vld.idx.msk [tilespmem:v0+s18+$0xFFFFFFC0 ss:$0x1], $0xffff  }
0x26: {  	v5 =	vld.idx.msk [tilespmem:v0+s18+$0xFFFFFFD0 ss:$0x1], $0xffff  }
0x27: {  	v4 =	vld.idx.msk [tilespmem:v0+s18+$0xFFFFFFE0 ss:$0x1], $0xffff  }
0x28: {  	v3 =	vld.idx.msk [tilespmem:v0+s18+$0xFFFFFFF0 ss:$0x1], $0xffff  }
0x29: {  	v1 =	vld.idx.msk [tilespmem:v0+s18+$0x0 ss:$0x1], $0xffff  }
0x2a: {  	v2 =	vld.idx.msk [tilespmem:v0+s18+$0x10 ss:$0x1], $0xffff;
	[tilespmem:s13+$0x30] =	vst v6  }
0x2b: {  	s17 =	simm.s32 $0x80;
	s19 =	simm.s32 $0x400;
	[tilespmem:s13+$0xFFFFFFC0] =	vst v7;
	v6 =	vld.idx.msk [tilespmem:v0+s18+$0x20 ss:$0x1], $0xffff;
	s18 =	smov.u32 s13  }
.LBB1_4:
0x2c: {  	p1 =	sne.s32 s19, $0xE00;
	v7 =	vld.idx.msk [tilespmem:v0+s17+$0x30 ss:$0x1], $0xffff;
	[tilespmem:s18+$0xFFFFFFD0] =	vst v5  }
0x2d: {  	v8 =	vld.idx.msk [tilespmem:v0+s17+$0xFFFFFFC0 ss:$0x1], $0xffff;
	[tilespmem:s18+$0xFFFFFFE0] =	vst v4  }
0x2e: {  	v5 =	vld.idx.msk [tilespmem:v0+s17+$0xFFFFFFD0 ss:$0x1], $0xffff;
	[tilespmem:s18+$0xFFFFFFF0] =	vst v3  }
.Ltmp3:
0x2f: {  	v4 =	vld.idx.msk [tilespmem:v0+s17+$0xFFFFFFE0 ss:$0x1], $0xffff;
	[tilespmem:s18+$0x0] =	vst v1;
	(pc) =	sbr.rel @p1 .LBB1_4-.Ltmp3, $4  }
0x30: {  	v3 =	vld.idx.msk [tilespmem:v0+s17+$0xFFFFFFF0 ss:$0x1], $0xffff;
	[tilespmem:s18+$0x10] =	vst v2  }
0x31: {  	v1 =	vld.idx.msk [tilespmem:v0+s17+$0x0 ss:$0x1], $0xffff;
	[tilespmem:s18+$0x20] =	vst v6;
	s18 =	sadd.s32 $0x800, s18  }
0x32: {  	v2 =	vld.idx.msk [tilespmem:v0+s17+$0x10 ss:$0x1], $0xffff;
	[tilespmem:s18+$0x30] =	vst v7  }
0x33: {  	[tilespmem:s18+$0xFFFFFFC0] =	vst v8;
	v6 =	vld.idx.msk [tilespmem:v0+s17+$0x20 ss:$0x1], $0xffff;
	s17 =	sshra.s32 s19, $0x2;
	s19 =	sadd.s32 $0x200, s19  }
0x34: {  	_ =	sdelay $0x2  }
0x35: {  	[tilespmem:s18+$0xFFFFFFD0] =	vst v5  }
0x36: {  	v56 =	vld.idx.msk [tilespmem:v0+s17+$0x30 ss:$0x1], $0xffff;
	[tilespmem:s18+$0xFFFFFFE0] =	vst v4  }
0x37: {  	v57 =	vld.idx.msk [tilespmem:v0+s17+$0xFFFFFFC0 ss:$0x1], $0xffff;
	[tilespmem:s18+$0xFFFFFFF0] =	vst v3  }
0x38: {  	v58 =	vld.idx.msk [tilespmem:v0+s17+$0xFFFFFFD0 ss:$0x1], $0xffff;
	[tilespmem:s18+$0x0] =	vst v1  }
0x39: {  	v59 =	vld.idx.msk [tilespmem:v0+s17+$0xFFFFFFE0 ss:$0x1], $0xffff;
	[tilespmem:s18+$0x10] =	vst v2  }
0x3a: {  	v60 =	vld.idx.msk [tilespmem:v0+s17+$0xFFFFFFF0 ss:$0x1], $0xffff;
	s31 =	sadd.s32 $0x800, s18;
	[tilespmem:s18+$0x20] =	vst v6  }
0x3b: {  	v61 =	vld.idx.msk [tilespmem:v0+s17+$0x0 ss:$0x1], $0xffff;
	[tilespmem:s31+$0x30] =	vst v56  }
0x3c: {  	v62 =	vld.idx.msk [tilespmem:v0+s17+$0x10 ss:$0x1], $0xffff;
	s16 =	sadd.s32 $0x1, s16;
	[tilespmem:s31+$0xFFFFFFC0] =	vst v57  }
0x3d: {  	v63 =	vld.idx.msk [tilespmem:v0+s17+$0x20 ss:$0x1], $0xffff;
	p1 =	sne.s32 s16, $0x10;
	[tilespmem:s31+$0xFFFFFFD0] =	vst v58  }
.Ltmp4:
0x3e: {  	[tilespmem:s31+$0xFFFFFFE0] =	vst v59;
	(pc) =	sbr.rel @p1 .LBB1_3-.Ltmp4, $4  }
0x3f: {  	[tilespmem:s31+$0xFFFFFFF0] =	vst v60  }
0x40: {  	[tilespmem:s31+$0x0] =	vst v61  }
0x41: {  	[tilespmem:s31+$0x10] =	vst v62  }
0x42: {  	s13 =	sadd.s32 $0x80, s13;
	s15 =	sadd.s32 $0x400, s15;
	[tilespmem:s31+$0x20] =	vst v63  }
.Ltmp5:
0x43: {  	(pc) =	sbr.rel .LBB1_7-.Ltmp5, $4  }
0x44: {  	s12 =	sshll.u32 s12, $0xD;
	s11 =	sshll.u32 s11, $0x4  }
0x45: {  	s11 =	sand.u32 $0x3F0, s11;
	s12 =	sadd.s32 s3, s12  }
0x46: {  	s11 =	sadd.s32 s11, s12  }
0x47: {  	[hbm4b:s11+s6] =	stream.strided.scatter [tilespmem:s14], [sflag:$0x2], $0x4000, s7, s6, $0x38;
	[tilespmem:$0x10000] =	vst v63  }
.LBB1_8:
0x48: {  	_ =	sfence.sel $0x180000  }
0x49: {  	s2 =	simm.s32 $0x1;
	[bflag:$0x0] =	sbarrier.arrive $0xFFFF  }
0x4a: {  	s31 =	simm.s32 $0x2;
	[sflag:s2] =	ssyncpa.u1 $0x1  }
0x4b: {  	[sflag:s31] =	ssyncpa.u1 $0x1  }
0x4c: {  	p0 =	sne.s32 s1, $0x0;
	_ =	strace $0x9000004D  }
0x4d: {  	s0 =	sadd.s32 @!p0 $0x100000, s0;
	[bflag:$0x2] =	sbarrier.arrive $0xFFFF  }
0x4e: {  	[sflag:s0] =	ssyncadd.tile.s32 @!p0 $0x1;
	_ =	shalt  }
.Lfunc_end1:
_tile_overlayer_lowered:
.L_overlay_start_2:
0x4f: {  	(tag) =	ssettag $0x2  }
0x50: {  	s0 =	rddreg [dreg:$0x0];
	s2 =	stileid.u32  }
0x51: {  	s1 =	rddreg [dreg:$0x1];
	p0 =	sne.s32 s2, $0x0  }
0x52: {  	s3 =	rddreg [dreg:$0x2];
	[bflag:$0x3] =	sbarrier.arrive $0xFFFF;
	s2 =	simm.s32 @!p0 $0x1C01  }
0x53: {  	[timem:s3], [sflag:s2] =	dma.local @!p0 [hbm:s0], s1  }
0x54: {  	s0 =	simm.s32 @!p0 $0x1  }
0x55: {  	_ =	swait.ge @!p0 [sflag:s0], s1  }
0x56: {  	s1 =	ssub.s32 @!p0 $0x0, s1;
	[sflag:s0] =	ssyncset.done @!p0 $0x0  }
0x57: {  	[sflag:s0] =	ssyncadd.s32 @!p0 s1  }
0x58: {  	[bflag:$0x3] =	sbarrier.arrive $0xFFFF  }
0x59: {  	_ =	shalt  }

// kernel: sparse-core-data-format-call.cloned.1.call-start
scs
called_computation_lowered:
.L_overlay_start_0:
0x0: {  	s1 =	sld [smem:$0x3FD9]  }
0x1: {  	s2 =	sld [smem:$0x3FFE];
	_ =	sdelay $0x1  }
0x2: {  	s3 =	srdreg.scid  }
0x3: {  	s0 =	sand.u32 $0x1, s3  }
0x4: {  	s17 =	sshll.u32 s0, $0xA;
	s1 =	sadd.s32 s2, s1  }
0x5: {  	s1 =	sadd.s32 s1, s17  }
0x6: {  	[smem:$0x3FB8] =	sst s1  }
0x7: {  	_ = 	snop  }
0x8: {  	(tm) =	ssettm $0x1  }
0x9: {  	s18 =	sld [smem:$0x3FFB];
	_ =	sdelay $0x3  }
0xa: {  	_ =	strace s18  }
0xb: {  	s1 =	sld [smem:$0x3FFC];
	_ =	sdelay $0x3  }
0xc: {  	_ =	strace s1  }
0xd: {  	s1 =	sld [smem:$0x3FFD];
	_ =	sdelay $0x3  }
0xe: {  	_ =	strace s1  }
0xf: {  	_ =	strace $0x8FFFFFFF  }
0x10: {  	s19 =	sld [smem:$0x3FDB];
	_ =	sdelay $0x1  }
0x11: {  	s20 =	simm.s32 $_scs_section_size  }
0x12: {  	s4 =	simm.s32 $_size__tile_overlayer_lowered;
	s5 =	simm.s32 $_tile_overlayer_lowered  }
0x13: {  	s23 =	simm.s32 $0x1BFF;
	s22 =	sshll.u32 s5, $0x1;
	s1 =	sadd.s32 s20, s19  }
0x14: {  	s6 =	simm.s32 $0x0;
	s21 =	sshll.u32 s4, $0x1;
	s4 =	sadd.s32 s22, s1  }
0x15: {  	[timem:s6], [sflag:s23] =	dma.local [hbm:s4], s21  }
0x16: {  	_ =	swait.ge [sflag:s23], s21  }
0x17: {  	s2 =	ssub.s32 $0x0, s21;
	[sflag:s23] =	ssyncset.done $0x0  }
0x18: {  	[sflag:s23] =	ssyncadd.s32 s2;
	_ =	sdelay $0x1  }
0x19: {  	s24 =	simm.s32 $0x1B8B  }
0x1a: {  	_ =	swait.ge [sflag:s24], $0x1  }
0x1b: {  	[sflag:s24] =	ssyncset.done $0x0  }
0x1c: {  	s26 =	simm.s32 $0x1B8E;
	s25 =	sld [smem:$0x3FFE];
	[sflag:s24] =	ssyncadd.s32 $0xFFFFFFFF  }
0x1d: {  	s27 =	simm.s32 $execute0_lowered;
	[smem:$0x3FD2] =	sst s26  }
0x1e: {  	s4 =	sshll.u32 s27, $0x1;
	_ =	strace $0x80000049;
	[dreg:$0x1] =	wrdreg $0xFFFFFFFF  }
0x1f: {  	s28 =	simm.s32 $_size_execute0_lowered;
	s1 =	sadd.s32 s1, s4;
	[dreg:$0x0] =	wrdreg $0x0  }
0x20: {  	s4 =	sshll.u32 s28, $0x1;
	[dreg:$0x2] =	wrdreg s1  }
0x21: {  	[dreg:$0x3] =	wrdreg s4  }
0x22: {  	[dreg:$0x4] =	wrdreg $0xC0  }
0x23: {  	_ =	task [dreg:s6], $0x5FFFF  }
0x24: {  	[dreg:$0x1] =	wrdreg $0xFFFFFFFF  }
0x25: {  	[dreg:$0x0] =	wrdreg $0x60  }
0x26: {  	[dreg:$0x2] =	wrdreg s25  }
0x27: {  	[dreg:$0x3] =	wrdreg $0x9  }
0x28: {  	_ =	task.clear_ibuf [dreg:s6], $0x4FFFF;
	_ =	strace $0x90000049  }
0x29: {  	s29 =	simm.s32 $0x9;
	_ =	strace $0x8000004B  }
0x2a: {  	_ =	swait.ge [sflag:s29], $0x1  }
0x2b: {  	[sflag:s29] =	ssyncadd.s32 $0xFFFFFFFF  }
0x2c: {  	_ =	strace $0x9000004B  }
0x2d: {  	_ =	sfence  }
0x2e: {  	s30 =	sld [smem:$0x0];
	_ =	sdelay $0x2  }
0x2f: {  	s31 =	sshll.u32 s3, $0xD;
	s3 =	sshrl.u32 s3, $0x2  }
0x30: {  	s2 =	sand.u32 $0x4000, s31;
	s1 =	sadd.s32 s3, s30  }
0x31: {  	s0 =	sor.u32 s2, s0;
	s1 =	sshll.u32 s1, $0x11  }
0x32: {  	s0 =	sor.u32 s1, s0  }
0x33: {  	s0 =	sadd.s32 $0x8F2B, s0  }
0x34: {  	[sflag:s0] =	ssyncadd.remote.s32 $0x1  }
0x35: {  	_ =	sfence.sel $0xFFFF  }
0x36: {  	[dreg:$0x0] =	wrdreg $0xFFFFFFFF;
	(pc) =	sbr.abs _section_cstart, $3  }
0x37: {  	[dreg:$0x1] =	wrdreg $0xFFFFFFFF  }
0x38: {  	_ =	task.clear_ibuf [dreg:s6], $0x2FFFF;
	_ =	strace $0x9FFFFFFF  }
0x39: {  	(tm) =	ssettm $0x7FFFFFFF  }
tec
execute0_lowered:
.L_overlay_start_1:
0x0: {  	(tag) =	ssettag $0x1  }
0x1: {  	s1 =	rddreg [dreg:$0x0]  }
0x2: {  	s0 =	rddreg [dreg:$0x1]  }
0x3: {  	_ =	strace $0x8000004A;
	s4 =	srdreg.scid;
	s6 =	simm.s32 $0x2  }
0x4: {  	s11 =	simm.s32 $0x0;
	p0 =	por $0x0, $0x0;
	s7 =	simm.s32 $0x2000  }
.Ltmp0:
0x5: {  	s12 =	simm.s32 $0x0;
	s9 =	simm.s32 $0x0;
	(pc) =	sbr.rel .LBB1_1-.Ltmp0, $4  }
0x6: {  	s2 =	sadd.s32 $0x6000, s1;
	s3 =	sadd.s32 $0x286000, s1;
	s5 =	sshll.u32 s4, $0x4  }
0x7: {  	s1 =	stileid.u32;
	s4 =	simm.s32 $0x1;
	s5 =	sand.u32 $0x10, s5  }
0x8: {  	s8 =	simm.s32 $0x0;
	[sflag:s4] =	ssyncpa.u1 $0x0;
	s5 =	sor.u32 s1, s5  }
0x9: {  	[sflag:s6] =	ssyncpa.u1 $0x0;
	s6 =	simm.s32 $0x800;
	s10 =	smov.u32 s5  }
.LBB1_7:
0xa: {  	s13 =	sadd.s32 $0x10, s9  }
0xb: {  	s11 =	sadd.s32 $0x20, s10;
	s15 =	smov.u32 s10;
	p2 =	sgt.s32 s13, $0x3F  }
0xc: {  	p1 =	slt.u32 s8, $0x2;
	s15 =	smov.u32 @p2 s11  }
0xd: {  	s8 =	sadd.s32 $0x1, s8;
	s13 =	simm.s32 @p2 $0x0;
	p2 =	sgt.s32 s15, $0x9F  }
0xe: {  	s15 =	smov.u32 @p2 s5;
	p2 =	sne.s32 s8, $0x16  }
.Ltmp1:
0xf: {  	_ = 	snop;
	(pc) =	sbr.rel @!p2 .LBB1_8-.Ltmp1, $4  }
0x10: {  	s14 =	simm.s32 @!p1 $0x2  }
0x11: {  	s12 =	smov.u32 s10;
	_ =	swait.ge @!p1 [sflag:s14], $0x4000  }
0x12: {  	p0 =	por !p0, !p0;
	s11 =	smov.u32 s9;
	[sflag:s14] =	ssyncset.done @!p1 $0x0  }
0x13: {  	s9 =	smov.u32 s13;
	[sflag:s14] =	ssyncadd.s32 @!p1 $0xFFFFC000;
	s10 =	smov.u32 s15  }
.LBB1_1:
0x14: {  	p1 =	sgt.u32 s8, $0x13  }
0x15: {  	s13 =	sxor.u32 @!p1 $0xFFFFFFFF, s8;
	s14 =	sshll.u32 @!p1 s10, $0xD  }
0x16: {  	s15 =	sshll.u32 @!p1 s9, $0x7;
	s13 =	sshll.u32 @!p1 s13, $0xE;
	s14 =	sadd.s32 @!p1 s2, s14  }
0x17: {  	s13 =	sand.u32 @!p1 $0x4000, s13;
	s14 =	sadd.s32 @!p1 s15, s14;
	s15 =	simm.s32 @!p1 $0x0  }
0x18: {  	[tilespmem:s13], [sflag:$0x1] =	stream.linear.gather @!p1 [hbm4b:s14+s15], $0x4000, $0x38;
	[tilespmem:$0x10000] =	vst v63  }
0x19: {  	p1 =	seq.s32 s8, $0x0  }
0x1a: {  	p2 =	seq.s32 @!p1 s8, $0x15  }
0x1b: {  	p1 =	por p1, p2  }
.Ltmp2:
0x1c: {  	_ = 	snop;
	(pc) =	sbr.rel @p1 .LBB1_7-.Ltmp2, $1  }
0x1d: {  	_ =	sdelay $0x3  }
0x1e: {  	s13 =	simm.s32 $0x1;
	_ =	swait.ge [sflag:s4], $0x4000;
	s16 =	sshll.u32 s8, $0xE  }
0x1f: {  	s13 =	simm.s32 @!p0 $0x0;
	[sflag:s4] =	ssyncset.done $0x0;
	s31 =	sand.u32 $0x4000, s16  }
0x20: {  	s16 =	simm.s32 $0x0;
	s14 =	sshll.u32 s13, $0xE;
	[sflag:s4] =	ssyncadd.s32 $0xFFFFC000  }
0x21: {  	s13 =	sor.u32 $0x8040, s14;
	s15 =	sor.u32 $0x40, s14;
	s14 =	sor.u32 $0x8000, s31  }
.LBB1_3:
0x22: {  	v0 =	vmov s15;
	_ =	sdelay $0x3  }
0x23: {  	s18 =	simm.s32 $0x0  }
0x24: {  	v6 =	vld.idx.msk [tilespmem:v0+s18+$0x30 ss:$0x1], $0xffff  }
0x25: {  	v7 =	vld.idx.msk [tilespmem:v0+s18+$0xFFFFFFC0 ss:$0x1], $0xffff  }
0x26: {  	v5 =	vld.idx.msk [tilespmem:v0+s18+$0xFFFFFFD0 ss:$0x1], $0xffff  }
0x27: {  	v4 =	vld.idx.msk [tilespmem:v0+s18+$0xFFFFFFE0 ss:$0x1], $0xffff  }
0x28: {  	v3 =	vld.idx.msk [tilespmem:v0+s18+$0xFFFFFFF0 ss:$0x1], $0xffff  }
0x29: {  	v1 =	vld.idx.msk [tilespmem:v0+s18+$0x0 ss:$0x1], $0xffff  }
0x2a: {  	v2 =	vld.idx.msk [tilespmem:v0+s18+$0x10 ss:$0x1], $0xffff;
	[tilespmem:s13+$0x30] =	vst v6  }
0x2b: {  	s17 =	simm.s32 $0x80;
	s19 =	simm.s32 $0x400;
	[tilespmem:s13+$0xFFFFFFC0] =	vst v7;
	v6 =	vld.idx.msk [tilespmem:v0+s18+$0x20 ss:$0x1], $0xffff;
	s18 =	smov.u32 s13  }
.LBB1_4:
0x2c: {  	p1 =	sne.s32 s19, $0xE00;
	v7 =	vld.idx.msk [tilespmem:v0+s17+$0x30 ss:$0x1], $0xffff;
	[tilespmem:s18+$0xFFFFFFD0] =	vst v5  }
0x2d: {  	v8 =	vld.idx.msk [tilespmem:v0+s17+$0xFFFFFFC0 ss:$0x1], $0xffff;
	[tilespmem:s18+$0xFFFFFFE0] =	vst v4  }
0x2e: {  	v5 =	vld.idx.msk [tilespmem:v0+s17+$0xFFFFFFD0 ss:$0x1], $0xffff;
	[tilespmem:s18+$0xFFFFFFF0] =	vst v3  }
.Ltmp3:
0x2f: {  	v4 =	vld.idx.msk [tilespmem:v0+s17+$0xFFFFFFE0 ss:$0x1], $0xffff;
	[tilespmem:s18+$0x0] =	vst v1;
	(pc) =	sbr.rel @p1 .LBB1_4-.Ltmp3, $4  }
0x30: {  	v3 =	vld.idx.msk [tilespmem:v0+s17+$0xFFFFFFF0 ss:$0x1], $0xffff;
	[tilespmem:s18+$0x10] =	vst v2  }
0x31: {  	v1 =	vld.idx.msk [tilespmem:v0+s17+$0x0 ss:$0x1], $0xffff;
	[tilespmem:s18+$0x20] =	vst v6;
	s18 =	sadd.s32 $0x800, s18  }
0x32: {  	v2 =	vld.idx.msk [tilespmem:v0+s17+$0x10 ss:$0x1], $0xffff;
	[tilespmem:s18+$0x30] =	vst v7  }
0x33: {  	[tilespmem:s18+$0xFFFFFFC0] =	vst v8;
	v6 =	vld.idx.msk [tilespmem:v0+s17+$0x20 ss:$0x1], $0xffff;
	s17 =	sshra.s32 s19, $0x2;
	s19 =	sadd.s32 $0x200, s19  }
0x34: {  	_ =	sdelay $0x2  }
0x35: {  	[tilespmem:s18+$0xFFFFFFD0] =	vst v5  }
0x36: {  	v56 =	vld.idx.msk [tilespmem:v0+s17+$0x30 ss:$0x1], $0xffff;
	[tilespmem:s18+$0xFFFFFFE0] =	vst v4  }
0x37: {  	v57 =	vld.idx.msk [tilespmem:v0+s17+$0xFFFFFFC0 ss:$0x1], $0xffff;
	[tilespmem:s18+$0xFFFFFFF0] =	vst v3  }
0x38: {  	v58 =	vld.idx.msk [tilespmem:v0+s17+$0xFFFFFFD0 ss:$0x1], $0xffff;
	[tilespmem:s18+$0x0] =	vst v1  }
0x39: {  	v59 =	vld.idx.msk [tilespmem:v0+s17+$0xFFFFFFE0 ss:$0x1], $0xffff;
	[tilespmem:s18+$0x10] =	vst v2  }
0x3a: {  	v60 =	vld.idx.msk [tilespmem:v0+s17+$0xFFFFFFF0 ss:$0x1], $0xffff;
	s31 =	sadd.s32 $0x800, s18;
	[tilespmem:s18+$0x20] =	vst v6  }
0x3b: {  	v61 =	vld.idx.msk [tilespmem:v0+s17+$0x0 ss:$0x1], $0xffff;
	[tilespmem:s31+$0x30] =	vst v56  }
0x3c: {  	v62 =	vld.idx.msk [tilespmem:v0+s17+$0x10 ss:$0x1], $0xffff;
	s16 =	sadd.s32 $0x1, s16;
	[tilespmem:s31+$0xFFFFFFC0] =	vst v57  }
0x3d: {  	v63 =	vld.idx.msk [tilespmem:v0+s17+$0x20 ss:$0x1], $0xffff;
	p1 =	sne.s32 s16, $0x10;
	[tilespmem:s31+$0xFFFFFFD0] =	vst v58  }
.Ltmp4:
0x3e: {  	[tilespmem:s31+$0xFFFFFFE0] =	vst v59;
	(pc) =	sbr.rel @p1 .LBB1_3-.Ltmp4, $4  }
0x3f: {  	[tilespmem:s31+$0xFFFFFFF0] =	vst v60  }
0x40: {  	[tilespmem:s31+$0x0] =	vst v61  }
0x41: {  	[tilespmem:s31+$0x10] =	vst v62  }
0x42: {  	s13 =	sadd.s32 $0x80, s13;
	s15 =	sadd.s32 $0x400, s15;
	[tilespmem:s31+$0x20] =	vst v63  }
.Ltmp5:
0x43: {  	(pc) =	sbr.rel .LBB1_7-.Ltmp5, $4  }
0x44: {  	s12 =	sshll.u32 s12, $0xD;
	s11 =	sshll.u32 s11, $0x4  }
0x45: {  	s11 =	sand.u32 $0x3F0, s11;
	s12 =	sadd.s32 s3, s12  }
0x46: {  	s11 =	sadd.s32 s11, s12  }
0x47: {  	[hbm4b:s11+s6] =	stream.strided.scatter [tilespmem:s14], [sflag:$0x2], $0x4000, s7, s6, $0x38;
	[tilespmem:$0x10000] =	vst v63  }
.LBB1_8:
0x48: {  	_ =	sfence.sel $0x180000  }
0x49: {  	s2 =	simm.s32 $0x1;
	[bflag:$0x0] =	sbarrier.arrive $0xFFFF  }
0x4a: {  	s31 =	simm.s32 $0x2;
	[sflag:s2] =	ssyncpa.u1 $0x1  }
0x4b: {  	[sflag:s31] =	ssyncpa.u1 $0x1  }
0x4c: {  	p0 =	sne.s32 s1, $0x0;
	_ =	strace $0x9000004A  }
0x4d: {  	s0 =	sadd.s32 @!p0 $0x100000, s0;
	[bflag:$0x2] =	sbarrier.arrive $0xFFFF  }
0x4e: {  	[sflag:s0] =	ssyncadd.tile.s32 @!p0 $0x1;
	_ =	shalt  }
.Lfunc_end1:
_tile_overlayer_lowered:
.L_overlay_start_2:
0x4f: {  	(tag) =	ssettag $0x2  }
0x50: {  	s0 =	rddreg [dreg:$0x0];
	s2 =	stileid.u32  }
0x51: {  	s1 =	rddreg [dreg:$0x1];
	p0 =	sne.s32 s2, $0x0  }
0x52: {  	s3 =	rddreg [dreg:$0x2];
	[bflag:$0x3] =	sbarrier.arrive $0xFFFF;
	s2 =	simm.s32 @!p0 $0x1C01  }
0x53: {  	[timem:s3], [sflag:s2] =	dma.local @!p0 [hbm:s0], s1  }
0x54: {  	s0 =	simm.s32 @!p0 $0x1  }
0x55: {  	_ =	swait.ge @!p0 [sflag:s0], s1  }
0x56: {  	s1 =	ssub.s32 @!p0 $0x0, s1;
	[sflag:s0] =	ssyncset.done @!p0 $0x0  }
0x57: {  	[sflag:s0] =	ssyncadd.s32 @!p0 s1  }
0x58: {  	[bflag:$0x3] =	sbarrier.arrive $0xFFFF  }
0x59: {  	_ =	shalt  }

</sc_bundles>
